<compile_context>
chip_gen: v7x
topology: tpu7x:2x2x1
jax: 0.10.2.dev20260603
libtpu: 0.0.44.dev20260713+nightly
codegen_flags: <defaults>
</compile_context>

<pallas_src>
import functools

import jax
import jax.numpy as jnp
from jax import lax
from jax.experimental import pallas as pl
from jax.experimental.pallas import tpu as pltpu
from jax.experimental.pallas import tpu_sc as plsc

FACTOR = 32
BATCH = 16384
LANES = 16
BLOCK = 128
HALF = 4
GENS = 4

NC, NS = 2, 16
NW = NC * NS
B_PER_W = BATCH // NW
NGROUP = B_PER_W // LANES
NCHUNK = B_PER_W // HALF
IDX_PAD = B_PER_W + LANES


def _gmf_body(user_hbm, item_hbm, tab_u, tab_i, w_hbm, b_hbm, out_hbm,
              idx_u, idx_i, slabs, vals_u, vals_i, w_v, b_v, out_v, sems):
    wid = lax.axis_index("s") * NC + lax.axis_index("c")
    base = wid * B_PER_W

    pltpu.sync_copy(user_hbm.at[wid], idx_u.at[pl.ds(0, B_PER_W)])
    pltpu.sync_copy(item_hbm.at[wid], idx_i.at[pl.ds(0, B_PER_W)])
    pltpu.sync_copy(w_hbm, w_v)
    pltpu.sync_copy(b_hbm, b_v)

    lidx = lax.iota(jnp.int32, LANES)
    bias = b_v[...]
    wv0 = w_v[pl.ds(0, LANES)]
    wv1 = w_v[pl.ds(LANES, LANES)]

    def gather_pass(tab, idx, vals):

        def fire(c, gen):
            vec = idx[pl.ds(c * HALF, LANES)]
            off = lax.shift_right_logical(vec, 7) * BLOCK
            for k in range(HALF):
                s = gen * HALF + k
                pltpu.async_copy(
                    tab.at[:, pl.ds(pl.multiple_of(off[k], BLOCK), BLOCK)],
                    slabs.at[s], sems.at[s])

        def drain(gen):
            for k in range(HALF):
                s = gen * HALF + k
                pltpu.make_async_copy(
                    tab.at[:, pl.ds(0, BLOCK)], slabs.at[s],
                    sems.at[s]).wait()

        def extract(c, gen):
            vec = idx[pl.ds(c * HALF, LANES)]
            lane = vec & (BLOCK - 1)
            for k in range(HALF):
                s = gen * HALF + k
                e = c * HALF + k
                cl = jnp.full((LANES,), lane[k], jnp.int32)
                ks = jnp.full((LANES,), s, jnp.int32)
                ce = jnp.full((LANES,), e, jnp.int32)
                lo = plsc.load_gather(slabs, [ks, lidx, cl])
                hi = plsc.load_gather(slabs, [ks, lidx + LANES, cl])
                plsc.store_scatter(vals, [lidx, ce], lo)
                plsc.store_scatter(vals, [lidx + LANES, ce], hi)

        def step(c, gen):
            drain(gen)
            extract(c, gen)

            @pl.when(c + GENS < NCHUNK)
            def _():
                fire(c + GENS, gen)

        for g in range(GENS):
            fire(g, g)

        def quad(t, carry):
            c = t * GENS
            for g in range(GENS):
                step(c + g, g)
            return carry

        lax.fori_loop(0, NCHUNK // GENS, quad, 0)

    gather_pass(tab_u, idx_u, vals_u)
    gather_pass(tab_i, idx_i, vals_i)

    def compute(g, carry):
        db = pl.ds(g * LANES, LANES)
        acc = bias
        for f in range(FACTOR):
            wf = jnp.full((LANES,), wv0[f] if f < LANES else wv1[f - LANES],
                          jnp.float32)
            acc = acc + vals_u[f, db] * vals_i[f, db] * wf
        out_v[db] = acc
        return carry

    lax.fori_loop(0, NGROUP, compute, 0)
    pltpu.sync_copy(out_v, out_hbm.at[pl.ds(base, B_PER_W)])


_gmf = functools.partial(
    pl.kernel,
    mesh=plsc.VectorSubcoreMesh(
        core_axis_name="c", subcore_axis_name="s",
        num_cores=NC, num_subcores=NS),
    out_type=jax.ShapeDtypeStruct((BATCH,), jnp.float32),
    compiler_params=pltpu.CompilerParams(
        needs_layout_passes=False, use_tc_tiling_on_sc=True,
        disable_bounds_checks=True),
    scratch_types=[
        pltpu.VMEM((IDX_PAD,), jnp.int32),
        pltpu.VMEM((IDX_PAD,), jnp.int32),
        pltpu.VMEM((GENS * HALF, FACTOR, BLOCK), jnp.float32),
        pltpu.VMEM((FACTOR, B_PER_W), jnp.float32),
        pltpu.VMEM((FACTOR, B_PER_W), jnp.float32),
        pltpu.VMEM((FACTOR,), jnp.float32),
        pltpu.VMEM((LANES,), jnp.float32),
        pltpu.VMEM((B_PER_W,), jnp.float32),
        pltpu.SemaphoreType.DMA((GENS * HALF,)),
    ],
)(_gmf_body)


def kernel(user, item, embed_user_GMF, embed_item_GMF, predict_W, predict_b):
    user_r = user.astype(jnp.int32).reshape(NW, B_PER_W)
    item_r = item.astype(jnp.int32).reshape(NW, B_PER_W)
    w_b = predict_W.reshape(FACTOR)
    b_b = jnp.broadcast_to(predict_b.reshape(1), (LANES,))
    return _gmf(user_r, item_r, embed_user_GMF.T, embed_item_GMF.T, w_b, b_b)

# --- scband reference (transcript-rebuilt; emitter-appended) ---
"""Pipeline reference for scband-gmf-18700287607555 (READ-ONLY COPY).

The authoritative reference and input builder live on the scoring server;
editing this copy changes nothing except your own understanding.
"""

import jax, jax.numpy as jnp
import numpy as np

USER_NUM = 1000000
ITEM_NUM = 1000000
FACTOR_NUM = 32
BATCH = 16384


def setup_inputs(seed: int = 0) -> dict:
    key = jax.random.key(seed)
    k_user, k_item, k_eu, k_ei, k_w = jax.random.split(key, 5)
    user = jax.random.randint(k_user, (BATCH,), 0, USER_NUM, dtype=jnp.int64 if jax.config.jax_enable_x64 else jnp.int32)
    item = jax.random.randint(k_item, (BATCH,), 0, ITEM_NUM, dtype=jnp.int64 if jax.config.jax_enable_x64 else jnp.int32)
    embed_user_GMF = jax.random.normal(k_eu, (USER_NUM, FACTOR_NUM), dtype=jnp.float32) * 0.01
    embed_item_GMF = jax.random.normal(k_ei, (ITEM_NUM, FACTOR_NUM), dtype=jnp.float32) * 0.01
    # kaiming_uniform_(a=1) over Linear(FACTOR_NUM, 1): bound = sqrt(6 / ((1+a^2) * fan_in)) = sqrt(3/fan_in)
    bound = float(np.sqrt(3.0 / FACTOR_NUM))
    predict_W = jax.random.uniform(k_w, (1, FACTOR_NUM), dtype=jnp.float32, minval=-bound, maxval=bound)
    predict_b = jnp.zeros((1,), dtype=jnp.float32)
    return {
        "user": user,
        "item": item,
        "embed_user_GMF": embed_user_GMF,
        "embed_item_GMF": embed_item_GMF,
        "predict_W": predict_W,
        "predict_b": predict_b,
    }


def reference(user, item, embed_user_GMF, embed_item_GMF, predict_W, predict_b):
    # embedding lookups (gather)
    eu = jnp.take(embed_user_GMF, user, axis=0)  # [B, F]
    ei = jnp.take(embed_item_GMF, item, axis=0)  # [B, F]
    output_GMF = eu * ei                          # [B, F]
    concat = output_GMF
    prediction = concat @ predict_W.T + predict_b  # [B, 1]
    return prediction.reshape(-1)

if __name__ == "__main__":
    import jax
    _d = setup_inputs()
    print(jax.jit(kernel)(*tuple(_d.values())))

</pallas_src>

<mosaic_0001>
#map = affine_map<(d0, d1) -> (0, 0)>
#map1 = affine_map<(d0, d1) -> (0)>
module attributes {stable_mosaic.version = 14 : i64} {
  func.func @_gmf_body(%arg0: i32, %arg1: i32, %arg2: memref<32x512xi32, #tpu.memory_space<hbm>>, %arg3: memref<32x512xi32, #tpu.memory_space<hbm>>, %arg4: memref<32x1000000xf32, #tpu.memory_space<hbm>>, %arg5: memref<32x1000000xf32, #tpu.memory_space<hbm>>, %arg6: memref<32xf32, #tpu.memory_space<hbm>>, %arg7: memref<16xf32, #tpu.memory_space<hbm>>, %arg8: memref<16384xf32, #tpu.memory_space<hbm>>, %arg9: memref<528xi32, #tpu.memory_space<vmem>>, %arg10: memref<528xi32, #tpu.memory_space<vmem>>, %arg11: memref<16x32x128xf32, #tpu.memory_space<vmem>>, %arg12: memref<32x512xf32, #tpu.memory_space<vmem>>, %arg13: memref<32x512xf32, #tpu.memory_space<vmem>>, %arg14: memref<32xf32, #tpu.memory_space<vmem>>, %arg15: memref<16xf32, #tpu.memory_space<vmem>>, %arg16: memref<512xf32, #tpu.memory_space<vmem>>, %arg17: memref<16x!tpu.dma_semaphore, #tpu.memory_space<semaphore_mem>>) attributes {dimension_semantics = [#tpu.dimension_semantics<core_parallel>, #tpu.dimension_semantics<subcore_parallel>], iteration_bounds = array<i64: 2, 16>, scalar_prefetch = 0 : i64, scratch_operands = 9 : i64, tpu.core_type = #tpu.core_type<sc_vector_subcore>, window_params = [{transform_indices = #map}, {transform_indices = #map}, {transform_indices = #map}, {transform_indices = #map}, {transform_indices = #map1}, {transform_indices = #map1}, {transform_indices = #map1}]} {
    %mul3A = arith.constant 2 : i32
    %mul3A_0 = arith.muli %arg1, %mul3A : i32
    %add3A = arith.addi %mul3A_0, %arg0 : i32
    %mul3A_1 = arith.constant 512 : i32
    %mul3A_2 = arith.muli %add3A, %mul3A_1 : i32
    "tpu.region"() ({
      %run_scoped3A = tpu.sem_alloc : memref<!tpu.dma_semaphore, #tpu.memory_space<semaphore_mem>>
      %dma_start3A_692 = arith.constant 0 : i32
      %dma_start3A_693 = tpu.memref_slice %arg9[%dma_start3A_692] : memref<528xi32, #tpu.memory_space<vmem>> -> memref<512xi32, #tpu.memory_space<vmem>>
      %dma_start3A_694 = arith.constant 0 : i32
      %dma_start3A_695 = tpu.memref_slice %arg2[%add3A, %dma_start3A_694] : memref<32x512xi32, #tpu.memory_space<hbm>> -> memref<1x512xi32, #tpu.memory_space<hbm>>
      %dma_start3A_696 = tpu.memref_squeeze %dma_start3A_695 : memref<1x512xi32, #tpu.memory_space<hbm>> -> memref<512xi32, #tpu.memory_space<hbm>>
      %dma_start3A_697 = arith.constant 0 : i32
      %dma_start3A_698 = tpu.memref_slice %arg9[%dma_start3A_697] : memref<528xi32, #tpu.memory_space<vmem>> -> memref<512xi32, #tpu.memory_space<vmem>>
      %dma_start3A_699 = arith.constant 0 : i32
      %dma_start3A_700 = tpu.memref_slice %arg2[%add3A, %dma_start3A_699] : memref<32x512xi32, #tpu.memory_space<hbm>> -> memref<1x512xi32, #tpu.memory_space<hbm>>
      %dma_start3A_701 = tpu.memref_squeeze %dma_start3A_700 : memref<1x512xi32, #tpu.memory_space<hbm>> -> memref<512xi32, #tpu.memory_space<hbm>>
      tpu.enqueue_dma source(%dma_start3A_701 : memref<512xi32, #tpu.memory_space<hbm>>) target(%dma_start3A_698 : memref<512xi32, #tpu.memory_space<vmem>>) target_semaphore(%run_scoped3A : memref<!tpu.dma_semaphore, #tpu.memory_space<semaphore_mem>>)
      %dma_wait3A = arith.constant 0 : i32
      %dma_wait3A_702 = tpu.memref_slice %arg9[%dma_wait3A] : memref<528xi32, #tpu.memory_space<vmem>> -> memref<512xi32, #tpu.memory_space<vmem>>
      %dma_wait3A_703 = arith.constant 0 : i32
      %dma_wait3A_704 = tpu.memref_slice %arg2[%add3A, %dma_wait3A_703] : memref<32x512xi32, #tpu.memory_space<hbm>> -> memref<1x512xi32, #tpu.memory_space<hbm>>
      %dma_wait3A_705 = tpu.memref_squeeze %dma_wait3A_704 : memref<1x512xi32, #tpu.memory_space<hbm>> -> memref<512xi32, #tpu.memory_space<hbm>>
      %dma_wait3A_706 = arith.constant 0 : i32
      %dma_wait3A_707 = tpu.memref_slice %arg9[%dma_wait3A_706] : memref<528xi32, #tpu.memory_space<vmem>> -> memref<512xi32, #tpu.memory_space<vmem>>
      %dma_wait3A_708 = arith.constant 0 : i32
      %dma_wait3A_709 = tpu.memref_slice %arg2[%add3A, %dma_wait3A_708] : memref<32x512xi32, #tpu.memory_space<hbm>> -> memref<1x512xi32, #tpu.memory_space<hbm>>
      %dma_wait3A_710 = tpu.memref_squeeze %dma_wait3A_709 : memref<1x512xi32, #tpu.memory_space<hbm>> -> memref<512xi32, #tpu.memory_space<hbm>>
      tpu.wait_dma2 semaphore(%run_scoped3A : memref<!tpu.dma_semaphore, #tpu.memory_space<semaphore_mem>>) src(%dma_wait3A_710 : memref<512xi32, #tpu.memory_space<hbm>>) dst(%dma_wait3A_707 : memref<512xi32, #tpu.memory_space<vmem>>)
      tpu.yield
    }) : () -> ()
    "tpu.region"() ({
      %run_scoped3A = tpu.sem_alloc : memref<!tpu.dma_semaphore, #tpu.memory_space<semaphore_mem>>
      %dma_start3A_692 = arith.constant 0 : i32
      %dma_start3A_693 = tpu.memref_slice %arg10[%dma_start3A_692] : memref<528xi32, #tpu.memory_space<vmem>> -> memref<512xi32, #tpu.memory_space<vmem>>
      %dma_start3A_694 = arith.constant 0 : i32
      %dma_start3A_695 = tpu.memref_slice %arg3[%add3A, %dma_start3A_694] : memref<32x512xi32, #tpu.memory_space<hbm>> -> memref<1x512xi32, #tpu.memory_space<hbm>>
      %dma_start3A_696 = tpu.memref_squeeze %dma_start3A_695 : memref<1x512xi32, #tpu.memory_space<hbm>> -> memref<512xi32, #tpu.memory_space<hbm>>
      %dma_start3A_697 = arith.constant 0 : i32
      %dma_start3A_698 = tpu.memref_slice %arg10[%dma_start3A_697] : memref<528xi32, #tpu.memory_space<vmem>> -> memref<512xi32, #tpu.memory_space<vmem>>
      %dma_start3A_699 = arith.constant 0 : i32
      %dma_start3A_700 = tpu.memref_slice %arg3[%add3A, %dma_start3A_699] : memref<32x512xi32, #tpu.memory_space<hbm>> -> memref<1x512xi32, #tpu.memory_space<hbm>>
      %dma_start3A_701 = tpu.memref_squeeze %dma_start3A_700 : memref<1x512xi32, #tpu.memory_space<hbm>> -> memref<512xi32, #tpu.memory_space<hbm>>
      tpu.enqueue_dma source(%dma_start3A_701 : memref<512xi32, #tpu.memory_space<hbm>>) target(%dma_start3A_698 : memref<512xi32, #tpu.memory_space<vmem>>) target_semaphore(%run_scoped3A : memref<!tpu.dma_semaphore, #tpu.memory_space<semaphore_mem>>)
      %dma_wait3A = arith.constant 0 : i32
      %dma_wait3A_702 = tpu.memref_slice %arg10[%dma_wait3A] : memref<528xi32, #tpu.memory_space<vmem>> -> memref<512xi32, #tpu.memory_space<vmem>>
      %dma_wait3A_703 = arith.constant 0 : i32
      %dma_wait3A_704 = tpu.memref_slice %arg3[%add3A, %dma_wait3A_703] : memref<32x512xi32, #tpu.memory_space<hbm>> -> memref<1x512xi32, #tpu.memory_space<hbm>>
      %dma_wait3A_705 = tpu.memref_squeeze %dma_wait3A_704 : memref<1x512xi32, #tpu.memory_space<hbm>> -> memref<512xi32, #tpu.memory_space<hbm>>
      %dma_wait3A_706 = arith.constant 0 : i32
      %dma_wait3A_707 = tpu.memref_slice %arg10[%dma_wait3A_706] : memref<528xi32, #tpu.memory_space<vmem>> -> memref<512xi32, #tpu.memory_space<vmem>>
      %dma_wait3A_708 = arith.constant 0 : i32
      %dma_wait3A_709 = tpu.memref_slice %arg3[%add3A, %dma_wait3A_708] : memref<32x512xi32, #tpu.memory_space<hbm>> -> memref<1x512xi32, #tpu.memory_space<hbm>>
      %dma_wait3A_710 = tpu.memref_squeeze %dma_wait3A_709 : memref<1x512xi32, #tpu.memory_space<hbm>> -> memref<512xi32, #tpu.memory_space<hbm>>
      tpu.wait_dma2 semaphore(%run_scoped3A : memref<!tpu.dma_semaphore, #tpu.memory_space<semaphore_mem>>) src(%dma_wait3A_710 : memref<512xi32, #tpu.memory_space<hbm>>) dst(%dma_wait3A_707 : memref<512xi32, #tpu.memory_space<vmem>>)
      tpu.yield
    }) : () -> ()
    "tpu.region"() ({
      %run_scoped3A = tpu.sem_alloc : memref<!tpu.dma_semaphore, #tpu.memory_space<semaphore_mem>>
      tpu.enqueue_dma source(%arg6 : memref<32xf32, #tpu.memory_space<hbm>>) target(%arg14 : memref<32xf32, #tpu.memory_space<vmem>>) target_semaphore(%run_scoped3A : memref<!tpu.dma_semaphore, #tpu.memory_space<semaphore_mem>>)
      tpu.wait_dma2 semaphore(%run_scoped3A : memref<!tpu.dma_semaphore, #tpu.memory_space<semaphore_mem>>) src(%arg6 : memref<32xf32, #tpu.memory_space<hbm>>) dst(%arg14 : memref<32xf32, #tpu.memory_space<vmem>>)
      tpu.yield
    }) : () -> ()
    "tpu.region"() ({
      %run_scoped3A = tpu.sem_alloc : memref<!tpu.dma_semaphore, #tpu.memory_space<semaphore_mem>>
      tpu.enqueue_dma source(%arg7 : memref<16xf32, #tpu.memory_space<hbm>>) target(%arg15 : memref<16xf32, #tpu.memory_space<vmem>>) target_semaphore(%run_scoped3A : memref<!tpu.dma_semaphore, #tpu.memory_space<semaphore_mem>>)
      tpu.wait_dma2 semaphore(%run_scoped3A : memref<!tpu.dma_semaphore, #tpu.memory_space<semaphore_mem>>) src(%arg7 : memref<16xf32, #tpu.memory_space<hbm>>) dst(%arg15 : memref<16xf32, #tpu.memory_space<vmem>>)
      tpu.yield
    }) : () -> ()
    %iota3A = tpu.iota {dimensions = array<i32: 0>} : vector<16xi32>
    %get3A = arith.constant 0 : index
    %get3A_3 = tpu.vector_load %arg15[%get3A] {strides = array<i32>} : memref<16xf32, #tpu.memory_space<vmem>>, vector<16xf32>,
    %get3A_4 = arith.constant 0 : index
    %get3A_5 = tpu.vector_load %arg14[%get3A_4] {strides = array<i32>} : memref<32xf32, #tpu.memory_space<vmem>>, vector<16xf32>,
    %get3A_6 = arith.constant 16 : index
    %get3A_7 = tpu.vector_load %arg14[%get3A_6] {strides = array<i32>} : memref<32xf32, #tpu.memory_space<vmem>>, vector<16xf32>,
    %get3A_8 = arith.constant 0 : index
    %get3A_9 = tpu.vector_load %arg9[%get3A_8] {strides = array<i32>} : memref<528xi32, #tpu.memory_space<vmem>>, vector<16xi32>,
    %shift_right_logical3A = arith.constant 7 : i32
    %shift_right_logical3A_10 = vector.broadcast %shift_right_logical3A : i32 to vector<16xi32>
    %shift_right_logical3A_11 = arith.shrui %get3A_9, %shift_right_logical3A_10 : vector<16xi32>
    %mul3A_12 = arith.constant 128 : i32
    %mul3A_13 = vector.broadcast %mul3A_12 : i32 to vector<16xi32>
    %mul3A_14 = arith.muli %shift_right_logical3A_11, %mul3A_13 : vector<16xi32>
    %slice3A = vector.extract_strided_slice %mul3A_14 {offsets = [0], sizes = [1], strides = [1]} : vector<16xi32> to vector<1xi32>
    %squeeze3A = vector.extract %slice3A[0] : i32 from vector<1xi32>
    %multiple_of3A = tpu.assume_multiple %squeeze3A, 128 : i32
    %dma_start3A = arith.constant 0 : i32
    %dma_start3A_15 = arith.constant 0 : i32
    %dma_start3A_16 = arith.constant 0 : i32
    %dma_start3A_17 = arith.constant 0 : i32
    %dma_start3A_18 = tpu.memref_slice %arg11[%dma_start3A, %dma_start3A_16, %dma_start3A_17] : memref<16x32x128xf32, #tpu.memory_space<vmem>> -> memref<1x32x128xf32, #tpu.memory_space<vmem>>
    %dma_start3A_19 = tpu.memref_squeeze %dma_start3A_18 : memref<1x32x128xf32, #tpu.memory_space<vmem>> -> memref<32x128xf32, #tpu.memory_space<vmem>>
    %dma_start3A_20 = arith.constant 0 : i32
    %dma_start3A_21 = tpu.memref_slice %arg4[%dma_start3A_20, %multiple_of3A] : memref<32x1000000xf32, #tpu.memory_space<hbm>> -> memref<32x128xf32, #tpu.memory_space<hbm>>
    %dma_start3A_22 = tpu.memref_slice %arg17[%dma_start3A_15] : memref<16x!tpu.dma_semaphore, #tpu.memory_space<semaphore_mem>> -> memref<1x!tpu.dma_semaphore, #tpu.memory_space<semaphore_mem>>
    %dma_start3A_23 = tpu.memref_squeeze %dma_start3A_22 : memref<1x!tpu.dma_semaphore, #tpu.memory_space<semaphore_mem>> -> memref<!tpu.dma_semaphore, #tpu.memory_space<semaphore_mem>>
    %dma_start3A_24 = arith.constant 0 : i32
    %dma_start3A_25 = arith.constant 0 : i32
    %dma_start3A_26 = tpu.memref_slice %arg11[%dma_start3A, %dma_start3A_24, %dma_start3A_25] : memref<16x32x128xf32, #tpu.memory_space<vmem>> -> memref<1x32x128xf32, #tpu.memory_space<vmem>>
    %dma_start3A_27 = tpu.memref_squeeze %dma_start3A_26 : memref<1x32x128xf32, #tpu.memory_space<vmem>> -> memref<32x128xf32, #tpu.memory_space<vmem>>
    %dma_start3A_28 = arith.constant 0 : i32
    %dma_start3A_29 = tpu.memref_slice %arg4[%dma_start3A_28, %multiple_of3A] : memref<32x1000000xf32, #tpu.memory_space<hbm>> -> memref<32x128xf32, #tpu.memory_space<hbm>>
    tpu.enqueue_dma source(%dma_start3A_29 : memref<32x128xf32, #tpu.memory_space<hbm>>) target(%dma_start3A_27 : memref<32x128xf32, #tpu.memory_space<vmem>>) target_semaphore(%dma_start3A_23 : memref<!tpu.dma_semaphore, #tpu.memory_space<semaphore_mem>>)
    %slice3A_30 = vector.extract_strided_slice %mul3A_14 {offsets = [1], sizes = [1], strides = [1]} : vector<16xi32> to vector<1xi32>
    %squeeze3A_31 = vector.extract %slice3A_30[0] : i32 from vector<1xi32>
    %multiple_of3A_32 = tpu.assume_multiple %squeeze3A_31, 128 : i32
    %dma_start3A_33 = arith.constant 1 : i32
    %dma_start3A_34 = arith.constant 1 : i32
    %dma_start3A_35 = arith.constant 0 : i32
    %dma_start3A_36 = arith.constant 0 : i32
    %dma_start3A_37 = tpu.memref_slice %arg11[%dma_start3A_33, %dma_start3A_35, %dma_start3A_36] : memref<16x32x128xf32, #tpu.memory_space<vmem>> -> memref<1x32x128xf32, #tpu.memory_space<vmem>>
    %dma_start3A_38 = tpu.memref_squeeze %dma_start3A_37 : memref<1x32x128xf32, #tpu.memory_space<vmem>> -> memref<32x128xf32, #tpu.memory_space<vmem>>
    %dma_start3A_39 = arith.constant 0 : i32
    %dma_start3A_40 = tpu.memref_slice %arg4[%dma_start3A_39, %multiple_of3A_32] : memref<32x1000000xf32, #tpu.memory_space<hbm>> -> memref<32x128xf32, #tpu.memory_space<hbm>>
    %dma_start3A_41 = tpu.memref_slice %arg17[%dma_start3A_34] : memref<16x!tpu.dma_semaphore, #tpu.memory_space<semaphore_mem>> -> memref<1x!tpu.dma_semaphore, #tpu.memory_space<semaphore_mem>>
    %dma_start3A_42 = tpu.memref_squeeze %dma_start3A_41 : memref<1x!tpu.dma_semaphore, #tpu.memory_space<semaphore_mem>> -> memref<!tpu.dma_semaphore, #tpu.memory_space<semaphore_mem>>
    %dma_start3A_43 = arith.constant 0 : i32
    %dma_start3A_44 = arith.constant 0 : i32
    %dma_start3A_45 = tpu.memref_slice %arg11[%dma_start3A_33, %dma_start3A_43, %dma_start3A_44] : memref<16x32x128xf32, #tpu.memory_space<vmem>> -> memref<1x32x128xf32, #tpu.memory_space<vmem>>
    %dma_start3A_46 = tpu.memref_squeeze %dma_start3A_45 : memref<1x32x128xf32, #tpu.memory_space<vmem>> -> memref<32x128xf32, #tpu.memory_space<vmem>>
    %dma_start3A_47 = arith.constant 0 : i32
    %dma_start3A_48 = tpu.memref_slice %arg4[%dma_start3A_47, %multiple_of3A_32] : memref<32x1000000xf32, #tpu.memory_space<hbm>> -> memref<32x128xf32, #tpu.memory_space<hbm>>
    tpu.enqueue_dma source(%dma_start3A_48 : memref<32x128xf32, #tpu.memory_space<hbm>>) target(%dma_start3A_46 : memref<32x128xf32, #tpu.memory_space<vmem>>) target_semaphore(%dma_start3A_42 : memref<!tpu.dma_semaphore, #tpu.memory_space<semaphore_mem>>)
    %slice3A_49 = vector.extract_strided_slice %mul3A_14 {offsets = [2], sizes = [1], strides = [1]} : vector<16xi32> to vector<1xi32>
    %squeeze3A_50 = vector.extract %slice3A_49[0] : i32 from vector<1xi32>
    %multiple_of3A_51 = tpu.assume_multiple %squeeze3A_50, 128 : i32
    %dma_start3A_52 = arith.constant 2 : i32
    %dma_start3A_53 = arith.constant 2 : i32
    %dma_start3A_54 = arith.constant 0 : i32
    %dma_start3A_55 = arith.constant 0 : i32
    %dma_start3A_56 = tpu.memref_slice %arg11[%dma_start3A_52, %dma_start3A_54, %dma_start3A_55] : memref<16x32x128xf32, #tpu.memory_space<vmem>> -> memref<1x32x128xf32, #tpu.memory_space<vmem>>
    %dma_start3A_57 = tpu.memref_squeeze %dma_start3A_56 : memref<1x32x128xf32, #tpu.memory_space<vmem>> -> memref<32x128xf32, #tpu.memory_space<vmem>>
    %dma_start3A_58 = arith.constant 0 : i32
    %dma_start3A_59 = tpu.memref_slice %arg4[%dma_start3A_58, %multiple_of3A_51] : memref<32x1000000xf32, #tpu.memory_space<hbm>> -> memref<32x128xf32, #tpu.memory_space<hbm>>
    %dma_start3A_60 = tpu.memref_slice %arg17[%dma_start3A_53] : memref<16x!tpu.dma_semaphore, #tpu.memory_space<semaphore_mem>> -> memref<1x!tpu.dma_semaphore, #tpu.memory_space<semaphore_mem>>
    %dma_start3A_61 = tpu.memref_squeeze %dma_start3A_60 : memref<1x!tpu.dma_semaphore, #tpu.memory_space<semaphore_mem>> -> memref<!tpu.dma_semaphore, #tpu.memory_space<semaphore_mem>>
    %dma_start3A_62 = arith.constant 0 : i32
    %dma_start3A_63 = arith.constant 0 : i32
    %dma_start3A_64 = tpu.memref_slice %arg11[%dma_start3A_52, %dma_start3A_62, %dma_start3A_63] : memref<16x32x128xf32, #tpu.memory_space<vmem>> -> memref<1x32x128xf32, #tpu.memory_space<vmem>>
    %dma_start3A_65 = tpu.memref_squeeze %dma_start3A_64 : memref<1x32x128xf32, #tpu.memory_space<vmem>> -> memref<32x128xf32, #tpu.memory_space<vmem>>
    %dma_start3A_66 = arith.constant 0 : i32
    %dma_start3A_67 = tpu.memref_slice %arg4[%dma_start3A_66, %multiple_of3A_51] : memref<32x1000000xf32, #tpu.memory_space<hbm>> -> memref<32x128xf32, #tpu.memory_space<hbm>>
    tpu.enqueue_dma source(%dma_start3A_67 : memref<32x128xf32, #tpu.memory_space<hbm>>) target(%dma_start3A_65 : memref<32x128xf32, #tpu.memory_space<vmem>>) target_semaphore(%dma_start3A_61 : memref<!tpu.dma_semaphore, #tpu.memory_space<semaphore_mem>>)
    %slice3A_68 = vector.extract_strided_slice %mul3A_14 {offsets = [3], sizes = [1], strides = [1]} : vector<16xi32> to vector<1xi32>
    %squeeze3A_69 = vector.extract %slice3A_68[0] : i32 from vector<1xi32>
    %multiple_of3A_70 = tpu.assume_multiple %squeeze3A_69, 128 : i32
    %dma_start3A_71 = arith.constant 3 : i32
    %dma_start3A_72 = arith.constant 3 : i32
    %dma_start3A_73 = arith.constant 0 : i32
    %dma_start3A_74 = arith.constant 0 : i32
    %dma_start3A_75 = tpu.memref_slice %arg11[%dma_start3A_71, %dma_start3A_73, %dma_start3A_74] : memref<16x32x128xf32, #tpu.memory_space<vmem>> -> memref<1x32x128xf32, #tpu.memory_space<vmem>>
    %dma_start3A_76 = tpu.memref_squeeze %dma_start3A_75 : memref<1x32x128xf32, #tpu.memory_space<vmem>> -> memref<32x128xf32, #tpu.memory_space<vmem>>
    %dma_start3A_77 = arith.constant 0 : i32
    %dma_start3A_78 = tpu.memref_slice %arg4[%dma_start3A_77, %multiple_of3A_70] : memref<32x1000000xf32, #tpu.memory_space<hbm>> -> memref<32x128xf32, #tpu.memory_space<hbm>>
    %dma_start3A_79 = tpu.memref_slice %arg17[%dma_start3A_72] : memref<16x!tpu.dma_semaphore, #tpu.memory_space<semaphore_mem>> -> memref<1x!tpu.dma_semaphore, #tpu.memory_space<semaphore_mem>>
    %dma_start3A_80 = tpu.memref_squeeze %dma_start3A_79 : memref<1x!tpu.dma_semaphore, #tpu.memory_space<semaphore_mem>> -> memref<!tpu.dma_semaphore, #tpu.memory_space<semaphore_mem>>
    %dma_start3A_81 = arith.constant 0 : i32
    %dma_start3A_82 = arith.constant 0 : i32
    %dma_start3A_83 = tpu.memref_slice %arg11[%dma_start3A_71, %dma_start3A_81, %dma_start3A_82] : memref<16x32x128xf32, #tpu.memory_space<vmem>> -> memref<1x32x128xf32, #tpu.memory_space<vmem>>
    %dma_start3A_84 = tpu.memref_squeeze %dma_start3A_83 : memref<1x32x128xf32, #tpu.memory_space<vmem>> -> memref<32x128xf32, #tpu.memory_space<vmem>>
    %dma_start3A_85 = arith.constant 0 : i32
    %dma_start3A_86 = tpu.memref_slice %arg4[%dma_start3A_85, %multiple_of3A_70] : memref<32x1000000xf32, #tpu.memory_space<hbm>> -> memref<32x128xf32, #tpu.memory_space<hbm>>
    tpu.enqueue_dma source(%dma_start3A_86 : memref<32x128xf32, #tpu.memory_space<hbm>>) target(%dma_start3A_84 : memref<32x128xf32, #tpu.memory_space<vmem>>) target_semaphore(%dma_start3A_80 : memref<!tpu.dma_semaphore, #tpu.memory_space<semaphore_mem>>)
    %get3A_87 = arith.constant 4 : index
    %get3A_88 = tpu.vector_load %arg9[%get3A_87] {strides = array<i32>} : memref<528xi32, #tpu.memory_space<vmem>>, vector<16xi32>,
    %shift_right_logical3A_89 = arith.constant 7 : i32
    %shift_right_logical3A_90 = vector.broadcast %shift_right_logical3A_89 : i32 to vector<16xi32>
    %shift_right_logical3A_91 = arith.shrui %get3A_88, %shift_right_logical3A_90 : vector<16xi32>
    %mul3A_92 = arith.constant 128 : i32
    %mul3A_93 = vector.broadcast %mul3A_92 : i32 to vector<16xi32>
    %mul3A_94 = arith.muli %shift_right_logical3A_91, %mul3A_93 : vector<16xi32>
    %slice3A_95 = vector.extract_strided_slice %mul3A_94 {offsets = [0], sizes = [1], strides = [1]} : vector<16xi32> to vector<1xi32>
    %squeeze3A_96 = vector.extract %slice3A_95[0] : i32 from vector<1xi32>
    %multiple_of3A_97 = tpu.assume_multiple %squeeze3A_96, 128 : i32
    %dma_start3A_98 = arith.constant 4 : i32
    %dma_start3A_99 = arith.constant 4 : i32
    %dma_start3A_100 = arith.constant 0 : i32
    %dma_start3A_101 = arith.constant 0 : i32
    %dma_start3A_102 = tpu.memref_slice %arg11[%dma_start3A_98, %dma_start3A_100, %dma_start3A_101] : memref<16x32x128xf32, #tpu.memory_space<vmem>> -> memref<1x32x128xf32, #tpu.memory_space<vmem>>
    %dma_start3A_103 = tpu.memref_squeeze %dma_start3A_102 : memref<1x32x128xf32, #tpu.memory_space<vmem>> -> memref<32x128xf32, #tpu.memory_space<vmem>>
    %dma_start3A_104 = arith.constant 0 : i32
    %dma_start3A_105 = tpu.memref_slice %arg4[%dma_start3A_104, %multiple_of3A_97] : memref<32x1000000xf32, #tpu.memory_space<hbm>> -> memref<32x128xf32, #tpu.memory_space<hbm>>
    %dma_start3A_106 = tpu.memref_slice %arg17[%dma_start3A_99] : memref<16x!tpu.dma_semaphore, #tpu.memory_space<semaphore_mem>> -> memref<1x!tpu.dma_semaphore, #tpu.memory_space<semaphore_mem>>
    %dma_start3A_107 = tpu.memref_squeeze %dma_start3A_106 : memref<1x!tpu.dma_semaphore, #tpu.memory_space<semaphore_mem>> -> memref<!tpu.dma_semaphore, #tpu.memory_space<semaphore_mem>>
    %dma_start3A_108 = arith.constant 0 : i32
    %dma_start3A_109 = arith.constant 0 : i32
    %dma_start3A_110 = tpu.memref_slice %arg11[%dma_start3A_98, %dma_start3A_108, %dma_start3A_109] : memref<16x32x128xf32, #tpu.memory_space<vmem>> -> memref<1x32x128xf32, #tpu.memory_space<vmem>>
    %dma_start3A_111 = tpu.memref_squeeze %dma_start3A_110 : memref<1x32x128xf32, #tpu.memory_space<vmem>> -> memref<32x128xf32, #tpu.memory_space<vmem>>
    %dma_start3A_112 = arith.constant 0 : i32
    %dma_start3A_113 = tpu.memref_slice %arg4[%dma_start3A_112, %multiple_of3A_97] : memref<32x1000000xf32, #tpu.memory_space<hbm>> -> memref<32x128xf32, #tpu.memory_space<hbm>>
    tpu.enqueue_dma source(%dma_start3A_113 : memref<32x128xf32, #tpu.memory_space<hbm>>) target(%dma_start3A_111 : memref<32x128xf32, #tpu.memory_space<vmem>>) target_semaphore(%dma_start3A_107 : memref<!tpu.dma_semaphore, #tpu.memory_space<semaphore_mem>>)
    %slice3A_114 = vector.extract_strided_slice %mul3A_94 {offsets = [1], sizes = [1], strides = [1]} : vector<16xi32> to vector<1xi32>
    %squeeze3A_115 = vector.extract %slice3A_114[0] : i32 from vector<1xi32>
    %multiple_of3A_116 = tpu.assume_multiple %squeeze3A_115, 128 : i32
    %dma_start3A_117 = arith.constant 5 : i32
    %dma_start3A_118 = arith.constant 5 : i32
    %dma_start3A_119 = arith.constant 0 : i32
    %dma_start3A_120 = arith.constant 0 : i32
    %dma_start3A_121 = tpu.memref_slice %arg11[%dma_start3A_117, %dma_start3A_119, %dma_start3A_120] : memref<16x32x128xf32, #tpu.memory_space<vmem>> -> memref<1x32x128xf32, #tpu.memory_space<vmem>>
    %dma_start3A_122 = tpu.memref_squeeze %dma_start3A_121 : memref<1x32x128xf32, #tpu.memory_space<vmem>> -> memref<32x128xf32, #tpu.memory_space<vmem>>
    %dma_start3A_123 = arith.constant 0 : i32
    %dma_start3A_124 = tpu.memref_slice %arg4[%dma_start3A_123, %multiple_of3A_116] : memref<32x1000000xf32, #tpu.memory_space<hbm>> -> memref<32x128xf32, #tpu.memory_space<hbm>>
    %dma_start3A_125 = tpu.memref_slice %arg17[%dma_start3A_118] : memref<16x!tpu.dma_semaphore, #tpu.memory_space<semaphore_mem>> -> memref<1x!tpu.dma_semaphore, #tpu.memory_space<semaphore_mem>>
    %dma_start3A_126 = tpu.memref_squeeze %dma_start3A_125 : memref<1x!tpu.dma_semaphore, #tpu.memory_space<semaphore_mem>> -> memref<!tpu.dma_semaphore, #tpu.memory_space<semaphore_mem>>
    %dma_start3A_127 = arith.constant 0 : i32
    %dma_start3A_128 = arith.constant 0 : i32
    %dma_start3A_129 = tpu.memref_slice %arg11[%dma_start3A_117, %dma_start3A_127, %dma_start3A_128] : memref<16x32x128xf32, #tpu.memory_space<vmem>> -> memref<1x32x128xf32, #tpu.memory_space<vmem>>
    %dma_start3A_130 = tpu.memref_squeeze %dma_start3A_129 : memref<1x32x128xf32, #tpu.memory_space<vmem>> -> memref<32x128xf32, #tpu.memory_space<vmem>>
    %dma_start3A_131 = arith.constant 0 : i32
    %dma_start3A_132 = tpu.memref_slice %arg4[%dma_start3A_131, %multiple_of3A_116] : memref<32x1000000xf32, #tpu.memory_space<hbm>> -> memref<32x128xf32, #tpu.memory_space<hbm>>
    tpu.enqueue_dma source(%dma_start3A_132 : memref<32x128xf32, #tpu.memory_space<hbm>>) target(%dma_start3A_130 : memref<32x128xf32, #tpu.memory_space<vmem>>) target_semaphore(%dma_start3A_126 : memref<!tpu.dma_semaphore, #tpu.memory_space<semaphore_mem>>)
    %slice3A_133 = vector.extract_strided_slice %mul3A_94 {offsets = [2], sizes = [1], strides = [1]} : vector<16xi32> to vector<1xi32>
    %squeeze3A_134 = vector.extract %slice3A_133[0] : i32 from vector<1xi32>
    %multiple_of3A_135 = tpu.assume_multiple %squeeze3A_134, 128 : i32
    %dma_start3A_136 = arith.constant 6 : i32
    %dma_start3A_137 = arith.constant 6 : i32
    %dma_start3A_138 = arith.constant 0 : i32
    %dma_start3A_139 = arith.constant 0 : i32
    %dma_start3A_140 = tpu.memref_slice %arg11[%dma_start3A_136, %dma_start3A_138, %dma_start3A_139] : memref<16x32x128xf32, #tpu.memory_space<vmem>> -> memref<1x32x128xf32, #tpu.memory_space<vmem>>
    %dma_start3A_141 = tpu.memref_squeeze %dma_start3A_140 : memref<1x32x128xf32, #tpu.memory_space<vmem>> -> memref<32x128xf32, #tpu.memory_space<vmem>>
    %dma_start3A_142 = arith.constant 0 : i32
    %dma_start3A_143 = tpu.memref_slice %arg4[%dma_start3A_142, %multiple_of3A_135] : memref<32x1000000xf32, #tpu.memory_space<hbm>> -> memref<32x128xf32, #tpu.memory_space<hbm>>
    %dma_start3A_144 = tpu.memref_slice %arg17[%dma_start3A_137] : memref<16x!tpu.dma_semaphore, #tpu.memory_space<semaphore_mem>> -> memref<1x!tpu.dma_semaphore, #tpu.memory_space<semaphore_mem>>
    %dma_start3A_145 = tpu.memref_squeeze %dma_start3A_144 : memref<1x!tpu.dma_semaphore, #tpu.memory_space<semaphore_mem>> -> memref<!tpu.dma_semaphore, #tpu.memory_space<semaphore_mem>>
    %dma_start3A_146 = arith.constant 0 : i32
    %dma_start3A_147 = arith.constant 0 : i32
    %dma_start3A_148 = tpu.memref_slice %arg11[%dma_start3A_136, %dma_start3A_146, %dma_start3A_147] : memref<16x32x128xf32, #tpu.memory_space<vmem>> -> memref<1x32x128xf32, #tpu.memory_space<vmem>>
    %dma_start3A_149 = tpu.memref_squeeze %dma_start3A_148 : memref<1x32x128xf32, #tpu.memory_space<vmem>> -> memref<32x128xf32, #tpu.memory_space<vmem>>
    %dma_start3A_150 = arith.constant 0 : i32
    %dma_start3A_151 = tpu.memref_slice %arg4[%dma_start3A_150, %multiple_of3A_135] : memref<32x1000000xf32, #tpu.memory_space<hbm>> -> memref<32x128xf32, #tpu.memory_space<hbm>>
    tpu.enqueue_dma source(%dma_start3A_151 : memref<32x128xf32, #tpu.memory_space<hbm>>) target(%dma_start3A_149 : memref<32x128xf32, #tpu.memory_space<vmem>>) target_semaphore(%dma_start3A_145 : memref<!tpu.dma_semaphore, #tpu.memory_space<semaphore_mem>>)
    %slice3A_152 = vector.extract_strided_slice %mul3A_94 {offsets = [3], sizes = [1], strides = [1]} : vector<16xi32> to vector<1xi32>
    %squeeze3A_153 = vector.extract %slice3A_152[0] : i32 from vector<1xi32>
    %multiple_of3A_154 = tpu.assume_multiple %squeeze3A_153, 128 : i32
    %dma_start3A_155 = arith.constant 7 : i32
    %dma_start3A_156 = arith.constant 7 : i32
    %dma_start3A_157 = arith.constant 0 : i32
    %dma_start3A_158 = arith.constant 0 : i32
    %dma_start3A_159 = tpu.memref_slice %arg11[%dma_start3A_155, %dma_start3A_157, %dma_start3A_158] : memref<16x32x128xf32, #tpu.memory_space<vmem>> -> memref<1x32x128xf32, #tpu.memory_space<vmem>>
    %dma_start3A_160 = tpu.memref_squeeze %dma_start3A_159 : memref<1x32x128xf32, #tpu.memory_space<vmem>> -> memref<32x128xf32, #tpu.memory_space<vmem>>
    %dma_start3A_161 = arith.constant 0 : i32
    %dma_start3A_162 = tpu.memref_slice %arg4[%dma_start3A_161, %multiple_of3A_154] : memref<32x1000000xf32, #tpu.memory_space<hbm>> -> memref<32x128xf32, #tpu.memory_space<hbm>>
    %dma_start3A_163 = tpu.memref_slice %arg17[%dma_start3A_156] : memref<16x!tpu.dma_semaphore, #tpu.memory_space<semaphore_mem>> -> memref<1x!tpu.dma_semaphore, #tpu.memory_space<semaphore_mem>>
    %dma_start3A_164 = tpu.memref_squeeze %dma_start3A_163 : memref<1x!tpu.dma_semaphore, #tpu.memory_space<semaphore_mem>> -> memref<!tpu.dma_semaphore, #tpu.memory_space<semaphore_mem>>
    %dma_start3A_165 = arith.constant 0 : i32
    %dma_start3A_166 = arith.constant 0 : i32
    %dma_start3A_167 = tpu.memref_slice %arg11[%dma_start3A_155, %dma_start3A_165, %dma_start3A_166] : memref<16x32x128xf32, #tpu.memory_space<vmem>> -> memref<1x32x128xf32, #tpu.memory_space<vmem>>
    %dma_start3A_168 = tpu.memref_squeeze %dma_start3A_167 : memref<1x32x128xf32, #tpu.memory_space<vmem>> -> memref<32x128xf32, #tpu.memory_space<vmem>>
    %dma_start3A_169 = arith.constant 0 : i32
    %dma_start3A_170 = tpu.memref_slice %arg4[%dma_start3A_169, %multiple_of3A_154] : memref<32x1000000xf32, #tpu.memory_space<hbm>> -> memref<32x128xf32, #tpu.memory_space<hbm>>
    tpu.enqueue_dma source(%dma_start3A_170 : memref<32x128xf32, #tpu.memory_space<hbm>>) target(%dma_start3A_168 : memref<32x128xf32, #tpu.memory_space<vmem>>) target_semaphore(%dma_start3A_164 : memref<!tpu.dma_semaphore, #tpu.memory_space<semaphore_mem>>)
    %get3A_171 = arith.constant 8 : index
    %get3A_172 = tpu.vector_load %arg9[%get3A_171] {strides = array<i32>} : memref<528xi32, #tpu.memory_space<vmem>>, vector<16xi32>,
    %shift_right_logical3A_173 = arith.constant 7 : i32
    %shift_right_logical3A_174 = vector.broadcast %shift_right_logical3A_173 : i32 to vector<16xi32>
    %shift_right_logical3A_175 = arith.shrui %get3A_172, %shift_right_logical3A_174 : vector<16xi32>
    %mul3A_176 = arith.constant 128 : i32
    %mul3A_177 = vector.broadcast %mul3A_176 : i32 to vector<16xi32>
    %mul3A_178 = arith.muli %shift_right_logical3A_175, %mul3A_177 : vector<16xi32>
    %slice3A_179 = vector.extract_strided_slice %mul3A_178 {offsets = [0], sizes = [1], strides = [1]} : vector<16xi32> to vector<1xi32>
    %squeeze3A_180 = vector.extract %slice3A_179[0] : i32 from vector<1xi32>
    %multiple_of3A_181 = tpu.assume_multiple %squeeze3A_180, 128 : i32
    %dma_start3A_182 = arith.constant 8 : i32
    %dma_start3A_183 = arith.constant 8 : i32
    %dma_start3A_184 = arith.constant 0 : i32
    %dma_start3A_185 = arith.constant 0 : i32
    %dma_start3A_186 = tpu.memref_slice %arg11[%dma_start3A_182, %dma_start3A_184, %dma_start3A_185] : memref<16x32x128xf32, #tpu.memory_space<vmem>> -> memref<1x32x128xf32, #tpu.memory_space<vmem>>
    %dma_start3A_187 = tpu.memref_squeeze %dma_start3A_186 : memref<1x32x128xf32, #tpu.memory_space<vmem>> -> memref<32x128xf32, #tpu.memory_space<vmem>>
    %dma_start3A_188 = arith.constant 0 : i32
    %dma_start3A_189 = tpu.memref_slice %arg4[%dma_start3A_188, %multiple_of3A_181] : memref<32x1000000xf32, #tpu.memory_space<hbm>> -> memref<32x128xf32, #tpu.memory_space<hbm>>
    %dma_start3A_190 = tpu.memref_slice %arg17[%dma_start3A_183] : memref<16x!tpu.dma_semaphore, #tpu.memory_space<semaphore_mem>> -> memref<1x!tpu.dma_semaphore, #tpu.memory_space<semaphore_mem>>
    %dma_start3A_191 = tpu.memref_squeeze %dma_start3A_190 : memref<1x!tpu.dma_semaphore, #tpu.memory_space<semaphore_mem>> -> memref<!tpu.dma_semaphore, #tpu.memory_space<semaphore_mem>>
    %dma_start3A_192 = arith.constant 0 : i32
    %dma_start3A_193 = arith.constant 0 : i32
    %dma_start3A_194 = tpu.memref_slice %arg11[%dma_start3A_182, %dma_start3A_192, %dma_start3A_193] : memref<16x32x128xf32, #tpu.memory_space<vmem>> -> memref<1x32x128xf32, #tpu.memory_space<vmem>>
    %dma_start3A_195 = tpu.memref_squeeze %dma_start3A_194 : memref<1x32x128xf32, #tpu.memory_space<vmem>> -> memref<32x128xf32, #tpu.memory_space<vmem>>
    %dma_start3A_196 = arith.constant 0 : i32
    %dma_start3A_197 = tpu.memref_slice %arg4[%dma_start3A_196, %multiple_of3A_181] : memref<32x1000000xf32, #tpu.memory_space<hbm>> -> memref<32x128xf32, #tpu.memory_space<hbm>>
    tpu.enqueue_dma source(%dma_start3A_197 : memref<32x128xf32, #tpu.memory_space<hbm>>) target(%dma_start3A_195 : memref<32x128xf32, #tpu.memory_space<vmem>>) target_semaphore(%dma_start3A_191 : memref<!tpu.dma_semaphore, #tpu.memory_space<semaphore_mem>>)
    %slice3A_198 = vector.extract_strided_slice %mul3A_178 {offsets = [1], sizes = [1], strides = [1]} : vector<16xi32> to vector<1xi32>
    %squeeze3A_199 = vector.extract %slice3A_198[0] : i32 from vector<1xi32>
    %multiple_of3A_200 = tpu.assume_multiple %squeeze3A_199, 128 : i32
    %dma_start3A_201 = arith.constant 9 : i32
    %dma_start3A_202 = arith.constant 9 : i32
    %dma_start3A_203 = arith.constant 0 : i32
    %dma_start3A_204 = arith.constant 0 : i32
    %dma_start3A_205 = tpu.memref_slice %arg11[%dma_start3A_201, %dma_start3A_203, %dma_start3A_204] : memref<16x32x128xf32, #tpu.memory_space<vmem>> -> memref<1x32x128xf32, #tpu.memory_space<vmem>>
    %dma_start3A_206 = tpu.memref_squeeze %dma_start3A_205 : memref<1x32x128xf32, #tpu.memory_space<vmem>> -> memref<32x128xf32, #tpu.memory_space<vmem>>
    %dma_start3A_207 = arith.constant 0 : i32
    %dma_start3A_208 = tpu.memref_slice %arg4[%dma_start3A_207, %multiple_of3A_200] : memref<32x1000000xf32, #tpu.memory_space<hbm>> -> memref<32x128xf32, #tpu.memory_space<hbm>>
    %dma_start3A_209 = tpu.memref_slice %arg17[%dma_start3A_202] : memref<16x!tpu.dma_semaphore, #tpu.memory_space<semaphore_mem>> -> memref<1x!tpu.dma_semaphore, #tpu.memory_space<semaphore_mem>>
    %dma_start3A_210 = tpu.memref_squeeze %dma_start3A_209 : memref<1x!tpu.dma_semaphore, #tpu.memory_space<semaphore_mem>> -> memref<!tpu.dma_semaphore, #tpu.memory_space<semaphore_mem>>
    %dma_start3A_211 = arith.constant 0 : i32
    %dma_start3A_212 = arith.constant 0 : i32
    %dma_start3A_213 = tpu.memref_slice %arg11[%dma_start3A_201, %dma_start3A_211, %dma_start3A_212] : memref<16x32x128xf32, #tpu.memory_space<vmem>> -> memref<1x32x128xf32, #tpu.memory_space<vmem>>
    %dma_start3A_214 = tpu.memref_squeeze %dma_start3A_213 : memref<1x32x128xf32, #tpu.memory_space<vmem>> -> memref<32x128xf32, #tpu.memory_space<vmem>>
    %dma_start3A_215 = arith.constant 0 : i32
    %dma_start3A_216 = tpu.memref_slice %arg4[%dma_start3A_215, %multiple_of3A_200] : memref<32x1000000xf32, #tpu.memory_space<hbm>> -> memref<32x128xf32, #tpu.memory_space<hbm>>
    tpu.enqueue_dma source(%dma_start3A_216 : memref<32x128xf32, #tpu.memory_space<hbm>>) target(%dma_start3A_214 : memref<32x128xf32, #tpu.memory_space<vmem>>) target_semaphore(%dma_start3A_210 : memref<!tpu.dma_semaphore, #tpu.memory_space<semaphore_mem>>)
    %slice3A_217 = vector.extract_strided_slice %mul3A_178 {offsets = [2], sizes = [1], strides = [1]} : vector<16xi32> to vector<1xi32>
    %squeeze3A_218 = vector.extract %slice3A_217[0] : i32 from vector<1xi32>
    %multiple_of3A_219 = tpu.assume_multiple %squeeze3A_218, 128 : i32
    %dma_start3A_220 = arith.constant 10 : i32
    %dma_start3A_221 = arith.constant 10 : i32
    %dma_start3A_222 = arith.constant 0 : i32
    %dma_start3A_223 = arith.constant 0 : i32
    %dma_start3A_224 = tpu.memref_slice %arg11[%dma_start3A_220, %dma_start3A_222, %dma_start3A_223] : memref<16x32x128xf32, #tpu.memory_space<vmem>> -> memref<1x32x128xf32, #tpu.memory_space<vmem>>
    %dma_start3A_225 = tpu.memref_squeeze %dma_start3A_224 : memref<1x32x128xf32, #tpu.memory_space<vmem>> -> memref<32x128xf32, #tpu.memory_space<vmem>>
    %dma_start3A_226 = arith.constant 0 : i32
    %dma_start3A_227 = tpu.memref_slice %arg4[%dma_start3A_226, %multiple_of3A_219] : memref<32x1000000xf32, #tpu.memory_space<hbm>> -> memref<32x128xf32, #tpu.memory_space<hbm>>
    %dma_start3A_228 = tpu.memref_slice %arg17[%dma_start3A_221] : memref<16x!tpu.dma_semaphore, #tpu.memory_space<semaphore_mem>> -> memref<1x!tpu.dma_semaphore, #tpu.memory_space<semaphore_mem>>
    %dma_start3A_229 = tpu.memref_squeeze %dma_start3A_228 : memref<1x!tpu.dma_semaphore, #tpu.memory_space<semaphore_mem>> -> memref<!tpu.dma_semaphore, #tpu.memory_space<semaphore_mem>>
    %dma_start3A_230 = arith.constant 0 : i32
    %dma_start3A_231 = arith.constant 0 : i32
    %dma_start3A_232 = tpu.memref_slice %arg11[%dma_start3A_220, %dma_start3A_230, %dma_start3A_231] : memref<16x32x128xf32, #tpu.memory_space<vmem>> -> memref<1x32x128xf32, #tpu.memory_space<vmem>>
    %dma_start3A_233 = tpu.memref_squeeze %dma_start3A_232 : memref<1x32x128xf32, #tpu.memory_space<vmem>> -> memref<32x128xf32, #tpu.memory_space<vmem>>
    %dma_start3A_234 = arith.constant 0 : i32
    %dma_start3A_235 = tpu.memref_slice %arg4[%dma_start3A_234, %multiple_of3A_219] : memref<32x1000000xf32, #tpu.memory_space<hbm>> -> memref<32x128xf32, #tpu.memory_space<hbm>>
    tpu.enqueue_dma source(%dma_start3A_235 : memref<32x128xf32, #tpu.memory_space<hbm>>) target(%dma_start3A_233 : memref<32x128xf32, #tpu.memory_space<vmem>>) target_semaphore(%dma_start3A_229 : memref<!tpu.dma_semaphore, #tpu.memory_space<semaphore_mem>>)
    %slice3A_236 = vector.extract_strided_slice %mul3A_178 {offsets = [3], sizes = [1], strides = [1]} : vector<16xi32> to vector<1xi32>
    %squeeze3A_237 = vector.extract %slice3A_236[0] : i32 from vector<1xi32>
    %multiple_of3A_238 = tpu.assume_multiple %squeeze3A_237, 128 : i32
    %dma_start3A_239 = arith.constant 11 : i32
    %dma_start3A_240 = arith.constant 11 : i32
    %dma_start3A_241 = arith.constant 0 : i32
    %dma_start3A_242 = arith.constant 0 : i32
    %dma_start3A_243 = tpu.memref_slice %arg11[%dma_start3A_239, %dma_start3A_241, %dma_start3A_242] : memref<16x32x128xf32, #tpu.memory_space<vmem>> -> memref<1x32x128xf32, #tpu.memory_space<vmem>>
    %dma_start3A_244 = tpu.memref_squeeze %dma_start3A_243 : memref<1x32x128xf32, #tpu.memory_space<vmem>> -> memref<32x128xf32, #tpu.memory_space<vmem>>
    %dma_start3A_245 = arith.constant 0 : i32
    %dma_start3A_246 = tpu.memref_slice %arg4[%dma_start3A_245, %multiple_of3A_238] : memref<32x1000000xf32, #tpu.memory_space<hbm>> -> memref<32x128xf32, #tpu.memory_space<hbm>>
    %dma_start3A_247 = tpu.memref_slice %arg17[%dma_start3A_240] : memref<16x!tpu.dma_semaphore, #tpu.memory_space<semaphore_mem>> -> memref<1x!tpu.dma_semaphore, #tpu.memory_space<semaphore_mem>>
    %dma_start3A_248 = tpu.memref_squeeze %dma_start3A_247 : memref<1x!tpu.dma_semaphore, #tpu.memory_space<semaphore_mem>> -> memref<!tpu.dma_semaphore, #tpu.memory_space<semaphore_mem>>
    %dma_start3A_249 = arith.constant 0 : i32
    %dma_start3A_250 = arith.constant 0 : i32
    %dma_start3A_251 = tpu.memref_slice %arg11[%dma_start3A_239, %dma_start3A_249, %dma_start3A_250] : memref<16x32x128xf32, #tpu.memory_space<vmem>> -> memref<1x32x128xf32, #tpu.memory_space<vmem>>
    %dma_start3A_252 = tpu.memref_squeeze %dma_start3A_251 : memref<1x32x128xf32, #tpu.memory_space<vmem>> -> memref<32x128xf32, #tpu.memory_space<vmem>>
    %dma_start3A_253 = arith.constant 0 : i32
    %dma_start3A_254 = tpu.memref_slice %arg4[%dma_start3A_253, %multiple_of3A_238] : memref<32x1000000xf32, #tpu.memory_space<hbm>> -> memref<32x128xf32, #tpu.memory_space<hbm>>
    tpu.enqueue_dma source(%dma_start3A_254 : memref<32x128xf32, #tpu.memory_space<hbm>>) target(%dma_start3A_252 : memref<32x128xf32, #tpu.memory_space<vmem>>) target_semaphore(%dma_start3A_248 : memref<!tpu.dma_semaphore, #tpu.memory_space<semaphore_mem>>)
    %get3A_255 = arith.constant 12 : index
    %get3A_256 = tpu.vector_load %arg9[%get3A_255] {strides = array<i32>} : memref<528xi32, #tpu.memory_space<vmem>>, vector<16xi32>,
    %shift_right_logical3A_257 = arith.constant 7 : i32
    %shift_right_logical3A_258 = vector.broadcast %shift_right_logical3A_257 : i32 to vector<16xi32>
    %shift_right_logical3A_259 = arith.shrui %get3A_256, %shift_right_logical3A_258 : vector<16xi32>
    %mul3A_260 = arith.constant 128 : i32
    %mul3A_261 = vector.broadcast %mul3A_260 : i32 to vector<16xi32>
    %mul3A_262 = arith.muli %shift_right_logical3A_259, %mul3A_261 : vector<16xi32>
    %slice3A_263 = vector.extract_strided_slice %mul3A_262 {offsets = [0], sizes = [1], strides = [1]} : vector<16xi32> to vector<1xi32>
    %squeeze3A_264 = vector.extract %slice3A_263[0] : i32 from vector<1xi32>
    %multiple_of3A_265 = tpu.assume_multiple %squeeze3A_264, 128 : i32
    %dma_start3A_266 = arith.constant 12 : i32
    %dma_start3A_267 = arith.constant 12 : i32
    %dma_start3A_268 = arith.constant 0 : i32
    %dma_start3A_269 = arith.constant 0 : i32
    %dma_start3A_270 = tpu.memref_slice %arg11[%dma_start3A_266, %dma_start3A_268, %dma_start3A_269] : memref<16x32x128xf32, #tpu.memory_space<vmem>> -> memref<1x32x128xf32, #tpu.memory_space<vmem>>
    %dma_start3A_271 = tpu.memref_squeeze %dma_start3A_270 : memref<1x32x128xf32, #tpu.memory_space<vmem>> -> memref<32x128xf32, #tpu.memory_space<vmem>>
    %dma_start3A_272 = arith.constant 0 : i32
    %dma_start3A_273 = tpu.memref_slice %arg4[%dma_start3A_272, %multiple_of3A_265] : memref<32x1000000xf32, #tpu.memory_space<hbm>> -> memref<32x128xf32, #tpu.memory_space<hbm>>
    %dma_start3A_274 = tpu.memref_slice %arg17[%dma_start3A_267] : memref<16x!tpu.dma_semaphore, #tpu.memory_space<semaphore_mem>> -> memref<1x!tpu.dma_semaphore, #tpu.memory_space<semaphore_mem>>
    %dma_start3A_275 = tpu.memref_squeeze %dma_start3A_274 : memref<1x!tpu.dma_semaphore, #tpu.memory_space<semaphore_mem>> -> memref<!tpu.dma_semaphore, #tpu.memory_space<semaphore_mem>>
    %dma_start3A_276 = arith.constant 0 : i32
    %dma_start3A_277 = arith.constant 0 : i32
    %dma_start3A_278 = tpu.memref_slice %arg11[%dma_start3A_266, %dma_start3A_276, %dma_start3A_277] : memref<16x32x128xf32, #tpu.memory_space<vmem>> -> memref<1x32x128xf32, #tpu.memory_space<vmem>>
    %dma_start3A_279 = tpu.memref_squeeze %dma_start3A_278 : memref<1x32x128xf32, #tpu.memory_space<vmem>> -> memref<32x128xf32, #tpu.memory_space<vmem>>
    %dma_start3A_280 = arith.constant 0 : i32
    %dma_start3A_281 = tpu.memref_slice %arg4[%dma_start3A_280, %multiple_of3A_265] : memref<32x1000000xf32, #tpu.memory_space<hbm>> -> memref<32x128xf32, #tpu.memory_space<hbm>>
    tpu.enqueue_dma source(%dma_start3A_281 : memref<32x128xf32, #tpu.memory_space<hbm>>) target(%dma_start3A_279 : memref<32x128xf32, #tpu.memory_space<vmem>>) target_semaphore(%dma_start3A_275 : memref<!tpu.dma_semaphore, #tpu.memory_space<semaphore_mem>>)
    %slice3A_282 = vector.extract_strided_slice %mul3A_262 {offsets = [1], sizes = [1], strides = [1]} : vector<16xi32> to vector<1xi32>
    %squeeze3A_283 = vector.extract %slice3A_282[0] : i32 from vector<1xi32>
    %multiple_of3A_284 = tpu.assume_multiple %squeeze3A_283, 128 : i32
    %dma_start3A_285 = arith.constant 13 : i32
    %dma_start3A_286 = arith.constant 13 : i32
    %dma_start3A_287 = arith.constant 0 : i32
    %dma_start3A_288 = arith.constant 0 : i32
    %dma_start3A_289 = tpu.memref_slice %arg11[%dma_start3A_285, %dma_start3A_287, %dma_start3A_288] : memref<16x32x128xf32, #tpu.memory_space<vmem>> -> memref<1x32x128xf32, #tpu.memory_space<vmem>>
    %dma_start3A_290 = tpu.memref_squeeze %dma_start3A_289 : memref<1x32x128xf32, #tpu.memory_space<vmem>> -> memref<32x128xf32, #tpu.memory_space<vmem>>
    %dma_start3A_291 = arith.constant 0 : i32
    %dma_start3A_292 = tpu.memref_slice %arg4[%dma_start3A_291, %multiple_of3A_284] : memref<32x1000000xf32, #tpu.memory_space<hbm>> -> memref<32x128xf32, #tpu.memory_space<hbm>>
    %dma_start3A_293 = tpu.memref_slice %arg17[%dma_start3A_286] : memref<16x!tpu.dma_semaphore, #tpu.memory_space<semaphore_mem>> -> memref<1x!tpu.dma_semaphore, #tpu.memory_space<semaphore_mem>>
    %dma_start3A_294 = tpu.memref_squeeze %dma_start3A_293 : memref<1x!tpu.dma_semaphore, #tpu.memory_space<semaphore_mem>> -> memref<!tpu.dma_semaphore, #tpu.memory_space<semaphore_mem>>
    %dma_start3A_295 = arith.constant 0 : i32
    %dma_start3A_296 = arith.constant 0 : i32
    %dma_start3A_297 = tpu.memref_slice %arg11[%dma_start3A_285, %dma_start3A_295, %dma_start3A_296] : memref<16x32x128xf32, #tpu.memory_space<vmem>> -> memref<1x32x128xf32, #tpu.memory_space<vmem>>
    %dma_start3A_298 = tpu.memref_squeeze %dma_start3A_297 : memref<1x32x128xf32, #tpu.memory_space<vmem>> -> memref<32x128xf32, #tpu.memory_space<vmem>>
    %dma_start3A_299 = arith.constant 0 : i32
    %dma_start3A_300 = tpu.memref_slice %arg4[%dma_start3A_299, %multiple_of3A_284] : memref<32x1000000xf32, #tpu.memory_space<hbm>> -> memref<32x128xf32, #tpu.memory_space<hbm>>
    tpu.enqueue_dma source(%dma_start3A_300 : memref<32x128xf32, #tpu.memory_space<hbm>>) target(%dma_start3A_298 : memref<32x128xf32, #tpu.memory_space<vmem>>) target_semaphore(%dma_start3A_294 : memref<!tpu.dma_semaphore, #tpu.memory_space<semaphore_mem>>)
    %slice3A_301 = vector.extract_strided_slice %mul3A_262 {offsets = [2], sizes = [1], strides = [1]} : vector<16xi32> to vector<1xi32>
    %squeeze3A_302 = vector.extract %slice3A_301[0] : i32 from vector<1xi32>
    %multiple_of3A_303 = tpu.assume_multiple %squeeze3A_302, 128 : i32
    %dma_start3A_304 = arith.constant 14 : i32
    %dma_start3A_305 = arith.constant 14 : i32
    %dma_start3A_306 = arith.constant 0 : i32
    %dma_start3A_307 = arith.constant 0 : i32
    %dma_start3A_308 = tpu.memref_slice %arg11[%dma_start3A_304, %dma_start3A_306, %dma_start3A_307] : memref<16x32x128xf32, #tpu.memory_space<vmem>> -> memref<1x32x128xf32, #tpu.memory_space<vmem>>
    %dma_start3A_309 = tpu.memref_squeeze %dma_start3A_308 : memref<1x32x128xf32, #tpu.memory_space<vmem>> -> memref<32x128xf32, #tpu.memory_space<vmem>>
    %dma_start3A_310 = arith.constant 0 : i32
    %dma_start3A_311 = tpu.memref_slice %arg4[%dma_start3A_310, %multiple_of3A_303] : memref<32x1000000xf32, #tpu.memory_space<hbm>> -> memref<32x128xf32, #tpu.memory_space<hbm>>
    %dma_start3A_312 = tpu.memref_slice %arg17[%dma_start3A_305] : memref<16x!tpu.dma_semaphore, #tpu.memory_space<semaphore_mem>> -> memref<1x!tpu.dma_semaphore, #tpu.memory_space<semaphore_mem>>
    %dma_start3A_313 = tpu.memref_squeeze %dma_start3A_312 : memref<1x!tpu.dma_semaphore, #tpu.memory_space<semaphore_mem>> -> memref<!tpu.dma_semaphore, #tpu.memory_space<semaphore_mem>>
    %dma_start3A_314 = arith.constant 0 : i32
    %dma_start3A_315 = arith.constant 0 : i32
    %dma_start3A_316 = tpu.memref_slice %arg11[%dma_start3A_304, %dma_start3A_314, %dma_start3A_315] : memref<16x32x128xf32, #tpu.memory_space<vmem>> -> memref<1x32x128xf32, #tpu.memory_space<vmem>>
    %dma_start3A_317 = tpu.memref_squeeze %dma_start3A_316 : memref<1x32x128xf32, #tpu.memory_space<vmem>> -> memref<32x128xf32, #tpu.memory_space<vmem>>
    %dma_start3A_318 = arith.constant 0 : i32
    %dma_start3A_319 = tpu.memref_slice %arg4[%dma_start3A_318, %multiple_of3A_303] : memref<32x1000000xf32, #tpu.memory_space<hbm>> -> memref<32x128xf32, #tpu.memory_space<hbm>>
    tpu.enqueue_dma source(%dma_start3A_319 : memref<32x128xf32, #tpu.memory_space<hbm>>) target(%dma_start3A_317 : memref<32x128xf32, #tpu.memory_space<vmem>>) target_semaphore(%dma_start3A_313 : memref<!tpu.dma_semaphore, #tpu.memory_space<semaphore_mem>>)
    %slice3A_320 = vector.extract_strided_slice %mul3A_262 {offsets = [3], sizes = [1], strides = [1]} : vector<16xi32> to vector<1xi32>
    %squeeze3A_321 = vector.extract %slice3A_320[0] : i32 from vector<1xi32>
    %multiple_of3A_322 = tpu.assume_multiple %squeeze3A_321, 128 : i32
    %dma_start3A_323 = arith.constant 15 : i32
    %dma_start3A_324 = arith.constant 15 : i32
    %dma_start3A_325 = arith.constant 0 : i32
    %dma_start3A_326 = arith.constant 0 : i32
    %dma_start3A_327 = tpu.memref_slice %arg11[%dma_start3A_323, %dma_start3A_325, %dma_start3A_326] : memref<16x32x128xf32, #tpu.memory_space<vmem>> -> memref<1x32x128xf32, #tpu.memory_space<vmem>>
    %dma_start3A_328 = tpu.memref_squeeze %dma_start3A_327 : memref<1x32x128xf32, #tpu.memory_space<vmem>> -> memref<32x128xf32, #tpu.memory_space<vmem>>
    %dma_start3A_329 = arith.constant 0 : i32
    %dma_start3A_330 = tpu.memref_slice %arg4[%dma_start3A_329, %multiple_of3A_322] : memref<32x1000000xf32, #tpu.memory_space<hbm>> -> memref<32x128xf32, #tpu.memory_space<hbm>>
    %dma_start3A_331 = tpu.memref_slice %arg17[%dma_start3A_324] : memref<16x!tpu.dma_semaphore, #tpu.memory_space<semaphore_mem>> -> memref<1x!tpu.dma_semaphore, #tpu.memory_space<semaphore_mem>>
    %dma_start3A_332 = tpu.memref_squeeze %dma_start3A_331 : memref<1x!tpu.dma_semaphore, #tpu.memory_space<semaphore_mem>> -> memref<!tpu.dma_semaphore, #tpu.memory_space<semaphore_mem>>
    %dma_start3A_333 = arith.constant 0 : i32
    %dma_start3A_334 = arith.constant 0 : i32
    %dma_start3A_335 = tpu.memref_slice %arg11[%dma_start3A_323, %dma_start3A_333, %dma_start3A_334] : memref<16x32x128xf32, #tpu.memory_space<vmem>> -> memref<1x32x128xf32, #tpu.memory_space<vmem>>
    %dma_start3A_336 = tpu.memref_squeeze %dma_start3A_335 : memref<1x32x128xf32, #tpu.memory_space<vmem>> -> memref<32x128xf32, #tpu.memory_space<vmem>>
    %dma_start3A_337 = arith.constant 0 : i32
    %dma_start3A_338 = tpu.memref_slice %arg4[%dma_start3A_337, %multiple_of3A_322] : memref<32x1000000xf32, #tpu.memory_space<hbm>> -> memref<32x128xf32, #tpu.memory_space<hbm>>
    tpu.enqueue_dma source(%dma_start3A_338 : memref<32x128xf32, #tpu.memory_space<hbm>>) target(%dma_start3A_336 : memref<32x128xf32, #tpu.memory_space<vmem>>) target_semaphore(%dma_start3A_332 : memref<!tpu.dma_semaphore, #tpu.memory_space<semaphore_mem>>)
    %scan3A = arith.constant 0 : i32
    %scan3A_339 = arith.constant 0 : i32
    %scan3A_340 = arith.constant 32 : i32
    %scan3A_341 = arith.addi %scan3A_339, %scan3A_340 : i32
    %scan3A_342 = arith.constant 1 : i32
    scf.for %scan3A_692 = %scan3A_339 to %scan3A_341 step %scan3A_342  : i32 {
      %mul3A_693 = arith.constant 4 : i32
      %mul3A_694 = arith.muli %scan3A_692, %mul3A_693 : i32
      %add3A_695 = arith.constant 0 : i32
      %add3A_696 = arith.addi %mul3A_694, %add3A_695 : i32
      %dma_wait3A = arith.constant 0 : i32
      %dma_wait3A_697 = arith.constant 0 : i32
      %dma_wait3A_698 = arith.constant 0 : i32
      %dma_wait3A_699 = arith.constant 0 : i32
      %dma_wait3A_700 = tpu.memref_slice %arg11[%dma_wait3A, %dma_wait3A_698, %dma_wait3A_699] : memref<16x32x128xf32, #tpu.memory_space<vmem>> -> memref<1x32x128xf32, #tpu.memory_space<vmem>>
      %dma_wait3A_701 = tpu.memref_squeeze %dma_wait3A_700 : memref<1x32x128xf32, #tpu.memory_space<vmem>> -> memref<32x128xf32, #tpu.memory_space<vmem>>
      %dma_wait3A_702 = arith.constant 0 : i32
      %dma_wait3A_703 = arith.constant 0 : i32
      %dma_wait3A_704 = tpu.memref_slice %arg4[%dma_wait3A_702, %dma_wait3A_703] : memref<32x1000000xf32, #tpu.memory_space<hbm>> -> memref<32x128xf32, #tpu.memory_space<hbm>>
      %dma_wait3A_705 = tpu.memref_slice %arg17[%dma_wait3A_697] : memref<16x!tpu.dma_semaphore, #tpu.memory_space<semaphore_mem>> -> memref<1x!tpu.dma_semaphore, #tpu.memory_space<semaphore_mem>>
      %dma_wait3A_706 = tpu.memref_squeeze %dma_wait3A_705 : memref<1x!tpu.dma_semaphore, #tpu.memory_space<semaphore_mem>> -> memref<!tpu.dma_semaphore, #tpu.memory_space<semaphore_mem>>
      %dma_wait3A_707 = arith.constant 0 : i32
      %dma_wait3A_708 = arith.constant 0 : i32
      %dma_wait3A_709 = tpu.memref_slice %arg11[%dma_wait3A, %dma_wait3A_707, %dma_wait3A_708] : memref<16x32x128xf32, #tpu.memory_space<vmem>> -> memref<1x32x128xf32, #tpu.memory_space<vmem>>
      %dma_wait3A_710 = tpu.memref_squeeze %dma_wait3A_709 : memref<1x32x128xf32, #tpu.memory_space<vmem>> -> memref<32x128xf32, #tpu.memory_space<vmem>>
      %dma_wait3A_711 = arith.constant 0 : i32
      %dma_wait3A_712 = arith.constant 0 : i32
      %dma_wait3A_713 = tpu.memref_slice %arg4[%dma_wait3A_711, %dma_wait3A_712] : memref<32x1000000xf32, #tpu.memory_space<hbm>> -> memref<32x128xf32, #tpu.memory_space<hbm>>
      tpu.wait_dma2 semaphore(%dma_wait3A_706 : memref<!tpu.dma_semaphore, #tpu.memory_space<semaphore_mem>>) src(%dma_wait3A_713 : memref<32x128xf32, #tpu.memory_space<hbm>>) dst(%dma_wait3A_710 : memref<32x128xf32, #tpu.memory_space<vmem>>)
      %dma_wait3A_714 = arith.constant 1 : i32
      %dma_wait3A_715 = arith.constant 1 : i32
      %dma_wait3A_716 = arith.constant 0 : i32
      %dma_wait3A_717 = arith.constant 0 : i32
      %dma_wait3A_718 = tpu.memref_slice %arg11[%dma_wait3A_714, %dma_wait3A_716, %dma_wait3A_717] : memref<16x32x128xf32, #tpu.memory_space<vmem>> -> memref<1x32x128xf32, #tpu.memory_space<vmem>>
      %dma_wait3A_719 = tpu.memref_squeeze %dma_wait3A_718 : memref<1x32x128xf32, #tpu.memory_space<vmem>> -> memref<32x128xf32, #tpu.memory_space<vmem>>
      %dma_wait3A_720 = arith.constant 0 : i32
      %dma_wait3A_721 = arith.constant 0 : i32
      %dma_wait3A_722 = tpu.memref_slice %arg4[%dma_wait3A_720, %dma_wait3A_721] : memref<32x1000000xf32, #tpu.memory_space<hbm>> -> memref<32x128xf32, #tpu.memory_space<hbm>>
      %dma_wait3A_723 = tpu.memref_slice %arg17[%dma_wait3A_715] : memref<16x!tpu.dma_semaphore, #tpu.memory_space<semaphore_mem>> -> memref<1x!tpu.dma_semaphore, #tpu.memory_space<semaphore_mem>>
      %dma_wait3A_724 = tpu.memref_squeeze %dma_wait3A_723 : memref<1x!tpu.dma_semaphore, #tpu.memory_space<semaphore_mem>> -> memref<!tpu.dma_semaphore, #tpu.memory_space<semaphore_mem>>
      %dma_wait3A_725 = arith.constant 0 : i32
      %dma_wait3A_726 = arith.constant 0 : i32
      %dma_wait3A_727 = tpu.memref_slice %arg11[%dma_wait3A_714, %dma_wait3A_725, %dma_wait3A_726] : memref<16x32x128xf32, #tpu.memory_space<vmem>> -> memref<1x32x128xf32, #tpu.memory_space<vmem>>
      %dma_wait3A_728 = tpu.memref_squeeze %dma_wait3A_727 : memref<1x32x128xf32, #tpu.memory_space<vmem>> -> memref<32x128xf32, #tpu.memory_space<vmem>>
      %dma_wait3A_729 = arith.constant 0 : i32
      %dma_wait3A_730 = arith.constant 0 : i32
      %dma_wait3A_731 = tpu.memref_slice %arg4[%dma_wait3A_729, %dma_wait3A_730] : memref<32x1000000xf32, #tpu.memory_space<hbm>> -> memref<32x128xf32, #tpu.memory_space<hbm>>
      tpu.wait_dma2 semaphore(%dma_wait3A_724 : memref<!tpu.dma_semaphore, #tpu.memory_space<semaphore_mem>>) src(%dma_wait3A_731 : memref<32x128xf32, #tpu.memory_space<hbm>>) dst(%dma_wait3A_728 : memref<32x128xf32, #tpu.memory_space<vmem>>)
      %dma_wait3A_732 = arith.constant 2 : i32
      %dma_wait3A_733 = arith.constant 2 : i32
      %dma_wait3A_734 = arith.constant 0 : i32
      %dma_wait3A_735 = arith.constant 0 : i32
      %dma_wait3A_736 = tpu.memref_slice %arg11[%dma_wait3A_732, %dma_wait3A_734, %dma_wait3A_735] : memref<16x32x128xf32, #tpu.memory_space<vmem>> -> memref<1x32x128xf32, #tpu.memory_space<vmem>>
      %dma_wait3A_737 = tpu.memref_squeeze %dma_wait3A_736 : memref<1x32x128xf32, #tpu.memory_space<vmem>> -> memref<32x128xf32, #tpu.memory_space<vmem>>
      %dma_wait3A_738 = arith.constant 0 : i32
      %dma_wait3A_739 = arith.constant 0 : i32
      %dma_wait3A_740 = tpu.memref_slice %arg4[%dma_wait3A_738, %dma_wait3A_739] : memref<32x1000000xf32, #tpu.memory_space<hbm>> -> memref<32x128xf32, #tpu.memory_space<hbm>>
      %dma_wait3A_741 = tpu.memref_slice %arg17[%dma_wait3A_733] : memref<16x!tpu.dma_semaphore, #tpu.memory_space<semaphore_mem>> -> memref<1x!tpu.dma_semaphore, #tpu.memory_space<semaphore_mem>>
      %dma_wait3A_742 = tpu.memref_squeeze %dma_wait3A_741 : memref<1x!tpu.dma_semaphore, #tpu.memory_space<semaphore_mem>> -> memref<!tpu.dma_semaphore, #tpu.memory_space<semaphore_mem>>
      %dma_wait3A_743 = arith.constant 0 : i32
      %dma_wait3A_744 = arith.constant 0 : i32
      %dma_wait3A_745 = tpu.memref_slice %arg11[%dma_wait3A_732, %dma_wait3A_743, %dma_wait3A_744] : memref<16x32x128xf32, #tpu.memory_space<vmem>> -> memref<1x32x128xf32, #tpu.memory_space<vmem>>
      %dma_wait3A_746 = tpu.memref_squeeze %dma_wait3A_745 : memref<1x32x128xf32, #tpu.memory_space<vmem>> -> memref<32x128xf32, #tpu.memory_space<vmem>>
      %dma_wait3A_747 = arith.constant 0 : i32
      %dma_wait3A_748 = arith.constant 0 : i32
      %dma_wait3A_749 = tpu.memref_slice %arg4[%dma_wait3A_747, %dma_wait3A_748] : memref<32x1000000xf32, #tpu.memory_space<hbm>> -> memref<32x128xf32, #tpu.memory_space<hbm>>
      tpu.wait_dma2 semaphore(%dma_wait3A_742 : memref<!tpu.dma_semaphore, #tpu.memory_space<semaphore_mem>>) src(%dma_wait3A_749 : memref<32x128xf32, #tpu.memory_space<hbm>>) dst(%dma_wait3A_746 : memref<32x128xf32, #tpu.memory_space<vmem>>)
      %dma_wait3A_750 = arith.constant 3 : i32
      %dma_wait3A_751 = arith.constant 3 : i32
      %dma_wait3A_752 = arith.constant 0 : i32
      %dma_wait3A_753 = arith.constant 0 : i32
      %dma_wait3A_754 = tpu.memref_slice %arg11[%dma_wait3A_750, %dma_wait3A_752, %dma_wait3A_753] : memref<16x32x128xf32, #tpu.memory_space<vmem>> -> memref<1x32x128xf32, #tpu.memory_space<vmem>>
      %dma_wait3A_755 = tpu.memref_squeeze %dma_wait3A_754 : memref<1x32x128xf32, #tpu.memory_space<vmem>> -> memref<32x128xf32, #tpu.memory_space<vmem>>
      %dma_wait3A_756 = arith.constant 0 : i32
      %dma_wait3A_757 = arith.constant 0 : i32
      %dma_wait3A_758 = tpu.memref_slice %arg4[%dma_wait3A_756, %dma_wait3A_757] : memref<32x1000000xf32, #tpu.memory_space<hbm>> -> memref<32x128xf32, #tpu.memory_space<hbm>>
      %dma_wait3A_759 = tpu.memref_slice %arg17[%dma_wait3A_751] : memref<16x!tpu.dma_semaphore, #tpu.memory_space<semaphore_mem>> -> memref<1x!tpu.dma_semaphore, #tpu.memory_space<semaphore_mem>>
      %dma_wait3A_760 = tpu.memref_squeeze %dma_wait3A_759 : memref<1x!tpu.dma_semaphore, #tpu.memory_space<semaphore_mem>> -> memref<!tpu.dma_semaphore, #tpu.memory_space<semaphore_mem>>
      %dma_wait3A_761 = arith.constant 0 : i32
      %dma_wait3A_762 = arith.constant 0 : i32
      %dma_wait3A_763 = tpu.memref_slice %arg11[%dma_wait3A_750, %dma_wait3A_761, %dma_wait3A_762] : memref<16x32x128xf32, #tpu.memory_space<vmem>> -> memref<1x32x128xf32, #tpu.memory_space<vmem>>
      %dma_wait3A_764 = tpu.memref_squeeze %dma_wait3A_763 : memref<1x32x128xf32, #tpu.memory_space<vmem>> -> memref<32x128xf32, #tpu.memory_space<vmem>>
      %dma_wait3A_765 = arith.constant 0 : i32
      %dma_wait3A_766 = arith.constant 0 : i32
      %dma_wait3A_767 = tpu.memref_slice %arg4[%dma_wait3A_765, %dma_wait3A_766] : memref<32x1000000xf32, #tpu.memory_space<hbm>> -> memref<32x128xf32, #tpu.memory_space<hbm>>
      tpu.wait_dma2 semaphore(%dma_wait3A_760 : memref<!tpu.dma_semaphore, #tpu.memory_space<semaphore_mem>>) src(%dma_wait3A_767 : memref<32x128xf32, #tpu.memory_space<hbm>>) dst(%dma_wait3A_764 : memref<32x128xf32, #tpu.memory_space<vmem>>)
      %mul3A_768 = arith.constant 4 : i32
      %mul3A_769 = arith.muli %add3A_696, %mul3A_768 : i32
      %get3A_770 = arith.index_cast %mul3A_769 : i32 to index
      %get3A_771 = tpu.vector_load %arg9[%get3A_770] {strides = array<i32>} : memref<528xi32, #tpu.memory_space<vmem>>, vector<16xi32>,
      %and3A = arith.constant 127 : i32
      %and3A_772 = vector.broadcast %and3A : i32 to vector<16xi32>
      %and3A_773 = arith.andi %get3A_771, %and3A_772 : vector<16xi32>
      %mul3A_774 = arith.constant 4 : i32
      %mul3A_775 = arith.muli %add3A_696, %mul3A_774 : i32
      %add3A_776 = arith.constant 0 : i32
      %add3A_777 = arith.addi %mul3A_775, %add3A_776 : i32
      %slice3A_778 = vector.extract_strided_slice %and3A_773 {offsets = [0], sizes = [1], strides = [1]} : vector<16xi32> to vector<1xi32>
      %squeeze3A_779 = vector.extract %slice3A_778[0] : i32 from vector<1xi32>
      %broadcast_in_dim3A = vector.broadcast %squeeze3A_779 : i32 to vector<16xi32>
      %broadcast_in_dim3A_780 = arith.constant 0 : i32
      %broadcast_in_dim3A_781 = vector.broadcast %broadcast_in_dim3A_780 : i32 to vector<16xi32>
      %broadcast_in_dim3A_782 = vector.broadcast %add3A_777 : i32 to vector<16xi32>
      %gather3A = tpu.vector_load_idx %arg11[%broadcast_in_dim3A_781, %iota3A, %broadcast_in_dim3A] : memref<16x32x128xf32, #tpu.memory_space<vmem>>[vector<16xi32>, vector<16xi32>, vector<16xi32>], vector<16xf32>,
      %add3A_783 = arith.constant 16 : i32
      %add3A_784 = vector.broadcast %add3A_783 : i32 to vector<16xi32>
      %add3A_785 = arith.addi %iota3A, %add3A_784 : vector<16xi32>
      %gather3A_786 = tpu.vector_load_idx %arg11[%broadcast_in_dim3A_781, %add3A_785, %broadcast_in_dim3A] : memref<16x32x128xf32, #tpu.memory_space<vmem>>[vector<16xi32>, vector<16xi32>, vector<16xi32>], vector<16xf32>,
      tpu.vector_store_idx %arg12[%iota3A, %broadcast_in_dim3A_782], %gather3A : memref<32x512xf32, #tpu.memory_space<vmem>>[vector<16xi32>, vector<16xi32>], vector<16xf32>,
      %add3A_787 = arith.constant 16 : i32
      %add3A_788 = vector.broadcast %add3A_787 : i32 to vector<16xi32>
      %add3A_789 = arith.addi %iota3A, %add3A_788 : vector<16xi32>
      tpu.vector_store_idx %arg12[%add3A_789, %broadcast_in_dim3A_782], %gather3A_786 : memref<32x512xf32, #tpu.memory_space<vmem>>[vector<16xi32>, vector<16xi32>], vector<16xf32>,
      %mul3A_790 = arith.constant 4 : i32
      %mul3A_791 = arith.muli %add3A_696, %mul3A_790 : i32
      %add3A_792 = arith.constant 1 : i32
      %add3A_793 = arith.addi %mul3A_791, %add3A_792 : i32
      %slice3A_794 = vector.extract_strided_slice %and3A_773 {offsets = [1], sizes = [1], strides = [1]} : vector<16xi32> to vector<1xi32>
      %squeeze3A_795 = vector.extract %slice3A_794[0] : i32 from vector<1xi32>
      %broadcast_in_dim3A_796 = vector.broadcast %squeeze3A_795 : i32 to vector<16xi32>
      %broadcast_in_dim3A_797 = arith.constant 1 : i32
      %broadcast_in_dim3A_798 = vector.broadcast %broadcast_in_dim3A_797 : i32 to vector<16xi32>
      %broadcast_in_dim3A_799 = vector.broadcast %add3A_793 : i32 to vector<16xi32>
      %gather3A_800 = tpu.vector_load_idx %arg11[%broadcast_in_dim3A_798, %iota3A, %broadcast_in_dim3A_796] : memref<16x32x128xf32, #tpu.memory_space<vmem>>[vector<16xi32>, vector<16xi32>, vector<16xi32>], vector<16xf32>,
      %add3A_801 = arith.constant 16 : i32
      %add3A_802 = vector.broadcast %add3A_801 : i32 to vector<16xi32>
      %add3A_803 = arith.addi %iota3A, %add3A_802 : vector<16xi32>
      %gather3A_804 = tpu.vector_load_idx %arg11[%broadcast_in_dim3A_798, %add3A_803, %broadcast_in_dim3A_796] : memref<16x32x128xf32, #tpu.memory_space<vmem>>[vector<16xi32>, vector<16xi32>, vector<16xi32>], vector<16xf32>,
      tpu.vector_store_idx %arg12[%iota3A, %broadcast_in_dim3A_799], %gather3A_800 : memref<32x512xf32, #tpu.memory_space<vmem>>[vector<16xi32>, vector<16xi32>], vector<16xf32>,
      %add3A_805 = arith.constant 16 : i32
      %add3A_806 = vector.broadcast %add3A_805 : i32 to vector<16xi32>
      %add3A_807 = arith.addi %iota3A, %add3A_806 : vector<16xi32>
      tpu.vector_store_idx %arg12[%add3A_807, %broadcast_in_dim3A_799], %gather3A_804 : memref<32x512xf32, #tpu.memory_space<vmem>>[vector<16xi32>, vector<16xi32>], vector<16xf32>,
      %mul3A_808 = arith.constant 4 : i32
      %mul3A_809 = arith.muli %add3A_696, %mul3A_808 : i32
      %add3A_810 = arith.constant 2 : i32
      %add3A_811 = arith.addi %mul3A_809, %add3A_810 : i32
      %slice3A_812 = vector.extract_strided_slice %and3A_773 {offsets = [2], sizes = [1], strides = [1]} : vector<16xi32> to vector<1xi32>
      %squeeze3A_813 = vector.extract %slice3A_812[0] : i32 from vector<1xi32>
      %broadcast_in_dim3A_814 = vector.broadcast %squeeze3A_813 : i32 to vector<16xi32>
      %broadcast_in_dim3A_815 = arith.constant 2 : i32
      %broadcast_in_dim3A_816 = vector.broadcast %broadcast_in_dim3A_815 : i32 to vector<16xi32>
      %broadcast_in_dim3A_817 = vector.broadcast %add3A_811 : i32 to vector<16xi32>
      %gather3A_818 = tpu.vector_load_idx %arg11[%broadcast_in_dim3A_816, %iota3A, %broadcast_in_dim3A_814] : memref<16x32x128xf32, #tpu.memory_space<vmem>>[vector<16xi32>, vector<16xi32>, vector<16xi32>], vector<16xf32>,
      %add3A_819 = arith.constant 16 : i32
      %add3A_820 = vector.broadcast %add3A_819 : i32 to vector<16xi32>
      %add3A_821 = arith.addi %iota3A, %add3A_820 : vector<16xi32>
      %gather3A_822 = tpu.vector_load_idx %arg11[%broadcast_in_dim3A_816, %add3A_821, %broadcast_in_dim3A_814] : memref<16x32x128xf32, #tpu.memory_space<vmem>>[vector<16xi32>, vector<16xi32>, vector<16xi32>], vector<16xf32>,
      tpu.vector_store_idx %arg12[%iota3A, %broadcast_in_dim3A_817], %gather3A_818 : memref<32x512xf32, #tpu.memory_space<vmem>>[vector<16xi32>, vector<16xi32>], vector<16xf32>,
      %add3A_823 = arith.constant 16 : i32
      %add3A_824 = vector.broadcast %add3A_823 : i32 to vector<16xi32>
      %add3A_825 = arith.addi %iota3A, %add3A_824 : vector<16xi32>
      tpu.vector_store_idx %arg12[%add3A_825, %broadcast_in_dim3A_817], %gather3A_822 : memref<32x512xf32, #tpu.memory_space<vmem>>[vector<16xi32>, vector<16xi32>], vector<16xf32>,
      %mul3A_826 = arith.constant 4 : i32
      %mul3A_827 = arith.muli %add3A_696, %mul3A_826 : i32
      %add3A_828 = arith.constant 3 : i32
      %add3A_829 = arith.addi %mul3A_827, %add3A_828 : i32
      %slice3A_830 = vector.extract_strided_slice %and3A_773 {offsets = [3], sizes = [1], strides = [1]} : vector<16xi32> to vector<1xi32>
      %squeeze3A_831 = vector.extract %slice3A_830[0] : i32 from vector<1xi32>
      %broadcast_in_dim3A_832 = vector.broadcast %squeeze3A_831 : i32 to vector<16xi32>
      %broadcast_in_dim3A_833 = arith.constant 3 : i32
      %broadcast_in_dim3A_834 = vector.broadcast %broadcast_in_dim3A_833 : i32 to vector<16xi32>
      %broadcast_in_dim3A_835 = vector.broadcast %add3A_829 : i32 to vector<16xi32>
      %gather3A_836 = tpu.vector_load_idx %arg11[%broadcast_in_dim3A_834, %iota3A, %broadcast_in_dim3A_832] : memref<16x32x128xf32, #tpu.memory_space<vmem>>[vector<16xi32>, vector<16xi32>, vector<16xi32>], vector<16xf32>,
      %add3A_837 = arith.constant 16 : i32
      %add3A_838 = vector.broadcast %add3A_837 : i32 to vector<16xi32>
      %add3A_839 = arith.addi %iota3A, %add3A_838 : vector<16xi32>
      %gather3A_840 = tpu.vector_load_idx %arg11[%broadcast_in_dim3A_834, %add3A_839, %broadcast_in_dim3A_832] : memref<16x32x128xf32, #tpu.memory_space<vmem>>[vector<16xi32>, vector<16xi32>, vector<16xi32>], vector<16xf32>,
      tpu.vector_store_idx %arg12[%iota3A, %broadcast_in_dim3A_835], %gather3A_836 : memref<32x512xf32, #tpu.memory_space<vmem>>[vector<16xi32>, vector<16xi32>], vector<16xf32>,
      %add3A_841 = arith.constant 16 : i32
      %add3A_842 = vector.broadcast %add3A_841 : i32 to vector<16xi32>
      %add3A_843 = arith.addi %iota3A, %add3A_842 : vector<16xi32>
      tpu.vector_store_idx %arg12[%add3A_843, %broadcast_in_dim3A_835], %gather3A_840 : memref<32x512xf32, #tpu.memory_space<vmem>>[vector<16xi32>, vector<16xi32>], vector<16xf32>,
      %add3A_844 = arith.constant 4 : i32
      %add3A_845 = arith.addi %add3A_696, %add3A_844 : i32
      %lt3A = arith.constant 128 : i32
      %lt3A_846 = arith.cmpi slt, %add3A_845, %lt3A : i32
      %convert_element_type3A = arith.extui %lt3A_846 : i1 to i32
      %cond3A = arith.constant 0 : i32
      %cond3A_847 = arith.cmpi ne, %convert_element_type3A, %cond3A : i32
      scf.if %cond3A_847 {
        %add3A_1328 = arith.constant 4 : i32
        %add3A_1329 = arith.addi %add3A_696, %add3A_1328 : i32
        %mul3A_1330 = arith.constant 4 : i32
        %mul3A_1331 = arith.muli %add3A_1329, %mul3A_1330 : i32
        %get3A_1332 = arith.index_cast %mul3A_1331 : i32 to index
        %get3A_1333 = tpu.vector_load %arg9[%get3A_1332] {strides = array<i32>} : memref<528xi32, #tpu.memory_space<vmem>>, vector<16xi32>,
        %shift_right_logical3A_1334 = arith.constant 7 : i32
        %shift_right_logical3A_1335 = vector.broadcast %shift_right_logical3A_1334 : i32 to vector<16xi32>
        %shift_right_logical3A_1336 = arith.shrui %get3A_1333, %shift_right_logical3A_1335 : vector<16xi32>
        %mul3A_1337 = arith.constant 128 : i32
        %mul3A_1338 = vector.broadcast %mul3A_1337 : i32 to vector<16xi32>
        %mul3A_1339 = arith.muli %shift_right_logical3A_1336, %mul3A_1338 : vector<16xi32>
        %slice3A_1340 = vector.extract_strided_slice %mul3A_1339 {offsets = [0], sizes = [1], strides = [1]} : vector<16xi32> to vector<1xi32>
        %squeeze3A_1341 = vector.extract %slice3A_1340[0] : i32 from vector<1xi32>
        %multiple_of3A_1342 = tpu.assume_multiple %squeeze3A_1341, 128 : i32
        %dma_start3A_1343 = arith.constant 0 : i32
        %dma_start3A_1344 = arith.constant 0 : i32
        %dma_start3A_1345 = arith.constant 0 : i32
        %dma_start3A_1346 = arith.constant 0 : i32
        %dma_start3A_1347 = tpu.memref_slice %arg11[%dma_start3A_1343, %dma_start3A_1345, %dma_start3A_1346] : memref<16x32x128xf32, #tpu.memory_space<vmem>> -> memref<1x32x128xf32, #tpu.memory_space<vmem>>
        %dma_start3A_1348 = tpu.memref_squeeze %dma_start3A_1347 : memref<1x32x128xf32, #tpu.memory_space<vmem>> -> memref<32x128xf32, #tpu.memory_space<vmem>>
        %dma_start3A_1349 = arith.constant 0 : i32
        %dma_start3A_1350 = tpu.memref_slice %arg4[%dma_start3A_1349, %multiple_of3A_1342] : memref<32x1000000xf32, #tpu.memory_space<hbm>> -> memref<32x128xf32, #tpu.memory_space<hbm>>
        %dma_start3A_1351 = tpu.memref_slice %arg17[%dma_start3A_1344] : memref<16x!tpu.dma_semaphore, #tpu.memory_space<semaphore_mem>> -> memref<1x!tpu.dma_semaphore, #tpu.memory_space<semaphore_mem>>
        %dma_start3A_1352 = tpu.memref_squeeze %dma_start3A_1351 : memref<1x!tpu.dma_semaphore, #tpu.memory_space<semaphore_mem>> -> memref<!tpu.dma_semaphore, #tpu.memory_space<semaphore_mem>>
        %dma_start3A_1353 = arith.constant 0 : i32
        %dma_start3A_1354 = arith.constant 0 : i32
        %dma_start3A_1355 = tpu.memref_slice %arg11[%dma_start3A_1343, %dma_start3A_1353, %dma_start3A_1354] : memref<16x32x128xf32, #tpu.memory_space<vmem>> -> memref<1x32x128xf32, #tpu.memory_space<vmem>>
        %dma_start3A_1356 = tpu.memref_squeeze %dma_start3A_1355 : memref<1x32x128xf32, #tpu.memory_space<vmem>> -> memref<32x128xf32, #tpu.memory_space<vmem>>
        %dma_start3A_1357 = arith.constant 0 : i32
        %dma_start3A_1358 = tpu.memref_slice %arg4[%dma_start3A_1357, %multiple_of3A_1342] : memref<32x1000000xf32, #tpu.memory_space<hbm>> -> memref<32x128xf32, #tpu.memory_space<hbm>>
        tpu.enqueue_dma source(%dma_start3A_1358 : memref<32x128xf32, #tpu.memory_space<hbm>>) target(%dma_start3A_1356 : memref<32x128xf32, #tpu.memory_space<vmem>>) target_semaphore(%dma_start3A_1352 : memref<!tpu.dma_semaphore, #tpu.memory_space<semaphore_mem>>)
        %slice3A_1359 = vector.extract_strided_slice %mul3A_1339 {offsets = [1], sizes = [1], strides = [1]} : vector<16xi32> to vector<1xi32>
        %squeeze3A_1360 = vector.extract %slice3A_1359[0] : i32 from vector<1xi32>
        %multiple_of3A_1361 = tpu.assume_multiple %squeeze3A_1360, 128 : i32
        %dma_start3A_1362 = arith.constant 1 : i32
        %dma_start3A_1363 = arith.constant 1 : i32
        %dma_start3A_1364 = arith.constant 0 : i32
        %dma_start3A_1365 = arith.constant 0 : i32
        %dma_start3A_1366 = tpu.memref_slice %arg11[%dma_start3A_1362, %dma_start3A_1364, %dma_start3A_1365] : memref<16x32x128xf32, #tpu.memory_space<vmem>> -> memref<1x32x128xf32, #tpu.memory_space<vmem>>
        %dma_start3A_1367 = tpu.memref_squeeze %dma_start3A_1366 : memref<1x32x128xf32, #tpu.memory_space<vmem>> -> memref<32x128xf32, #tpu.memory_space<vmem>>
        %dma_start3A_1368 = arith.constant 0 : i32
        %dma_start3A_1369 = tpu.memref_slice %arg4[%dma_start3A_1368, %multiple_of3A_1361] : memref<32x1000000xf32, #tpu.memory_space<hbm>> -> memref<32x128xf32, #tpu.memory_space<hbm>>
        %dma_start3A_1370 = tpu.memref_slice %arg17[%dma_start3A_1363] : memref<16x!tpu.dma_semaphore, #tpu.memory_space<semaphore_mem>> -> memref<1x!tpu.dma_semaphore, #tpu.memory_space<semaphore_mem>>
        %dma_start3A_1371 = tpu.memref_squeeze %dma_start3A_1370 : memref<1x!tpu.dma_semaphore, #tpu.memory_space<semaphore_mem>> -> memref<!tpu.dma_semaphore, #tpu.memory_space<semaphore_mem>>
        %dma_start3A_1372 = arith.constant 0 : i32
        %dma_start3A_1373 = arith.constant 0 : i32
        %dma_start3A_1374 = tpu.memref_slice %arg11[%dma_start3A_1362, %dma_start3A_1372, %dma_start3A_1373] : memref<16x32x128xf32, #tpu.memory_space<vmem>> -> memref<1x32x128xf32, #tpu.memory_space<vmem>>
        %dma_start3A_1375 = tpu.memref_squeeze %dma_start3A_1374 : memref<1x32x128xf32, #tpu.memory_space<vmem>> -> memref<32x128xf32, #tpu.memory_space<vmem>>
        %dma_start3A_1376 = arith.constant 0 : i32
        %dma_start3A_1377 = tpu.memref_slice %arg4[%dma_start3A_1376, %multiple_of3A_1361] : memref<32x1000000xf32, #tpu.memory_space<hbm>> -> memref<32x128xf32, #tpu.memory_space<hbm>>
        tpu.enqueue_dma source(%dma_start3A_1377 : memref<32x128xf32, #tpu.memory_space<hbm>>) target(%dma_start3A_1375 : memref<32x128xf32, #tpu.memory_space<vmem>>) target_semaphore(%dma_start3A_1371 : memref<!tpu.dma_semaphore, #tpu.memory_space<semaphore_mem>>)
        %slice3A_1378 = vector.extract_strided_slice %mul3A_1339 {offsets = [2], sizes = [1], strides = [1]} : vector<16xi32> to vector<1xi32>
        %squeeze3A_1379 = vector.extract %slice3A_1378[0] : i32 from vector<1xi32>
        %multiple_of3A_1380 = tpu.assume_multiple %squeeze3A_1379, 128 : i32
        %dma_start3A_1381 = arith.constant 2 : i32
        %dma_start3A_1382 = arith.constant 2 : i32
        %dma_start3A_1383 = arith.constant 0 : i32
        %dma_start3A_1384 = arith.constant 0 : i32
        %dma_start3A_1385 = tpu.memref_slice %arg11[%dma_start3A_1381, %dma_start3A_1383, %dma_start3A_1384] : memref<16x32x128xf32, #tpu.memory_space<vmem>> -> memref<1x32x128xf32, #tpu.memory_space<vmem>>
        %dma_start3A_1386 = tpu.memref_squeeze %dma_start3A_1385 : memref<1x32x128xf32, #tpu.memory_space<vmem>> -> memref<32x128xf32, #tpu.memory_space<vmem>>
        %dma_start3A_1387 = arith.constant 0 : i32
        %dma_start3A_1388 = tpu.memref_slice %arg4[%dma_start3A_1387, %multiple_of3A_1380] : memref<32x1000000xf32, #tpu.memory_space<hbm>> -> memref<32x128xf32, #tpu.memory_space<hbm>>
        %dma_start3A_1389 = tpu.memref_slice %arg17[%dma_start3A_1382] : memref<16x!tpu.dma_semaphore, #tpu.memory_space<semaphore_mem>> -> memref<1x!tpu.dma_semaphore, #tpu.memory_space<semaphore_mem>>
        %dma_start3A_1390 = tpu.memref_squeeze %dma_start3A_1389 : memref<1x!tpu.dma_semaphore, #tpu.memory_space<semaphore_mem>> -> memref<!tpu.dma_semaphore, #tpu.memory_space<semaphore_mem>>
        %dma_start3A_1391 = arith.constant 0 : i32
        %dma_start3A_1392 = arith.constant 0 : i32
        %dma_start3A_1393 = tpu.memref_slice %arg11[%dma_start3A_1381, %dma_start3A_1391, %dma_start3A_1392] : memref<16x32x128xf32, #tpu.memory_space<vmem>> -> memref<1x32x128xf32, #tpu.memory_space<vmem>>
        %dma_start3A_1394 = tpu.memref_squeeze %dma_start3A_1393 : memref<1x32x128xf32, #tpu.memory_space<vmem>> -> memref<32x128xf32, #tpu.memory_space<vmem>>
        %dma_start3A_1395 = arith.constant 0 : i32
        %dma_start3A_1396 = tpu.memref_slice %arg4[%dma_start3A_1395, %multiple_of3A_1380] : memref<32x1000000xf32, #tpu.memory_space<hbm>> -> memref<32x128xf32, #tpu.memory_space<hbm>>
        tpu.enqueue_dma source(%dma_start3A_1396 : memref<32x128xf32, #tpu.memory_space<hbm>>) target(%dma_start3A_1394 : memref<32x128xf32, #tpu.memory_space<vmem>>) target_semaphore(%dma_start3A_1390 : memref<!tpu.dma_semaphore, #tpu.memory_space<semaphore_mem>>)
        %slice3A_1397 = vector.extract_strided_slice %mul3A_1339 {offsets = [3], sizes = [1], strides = [1]} : vector<16xi32> to vector<1xi32>
        %squeeze3A_1398 = vector.extract %slice3A_1397[0] : i32 from vector<1xi32>
        %multiple_of3A_1399 = tpu.assume_multiple %squeeze3A_1398, 128 : i32
        %dma_start3A_1400 = arith.constant 3 : i32
        %dma_start3A_1401 = arith.constant 3 : i32
        %dma_start3A_1402 = arith.constant 0 : i32
        %dma_start3A_1403 = arith.constant 0 : i32
        %dma_start3A_1404 = tpu.memref_slice %arg11[%dma_start3A_1400, %dma_start3A_1402, %dma_start3A_1403] : memref<16x32x128xf32, #tpu.memory_space<vmem>> -> memref<1x32x128xf32, #tpu.memory_space<vmem>>
        %dma_start3A_1405 = tpu.memref_squeeze %dma_start3A_1404 : memref<1x32x128xf32, #tpu.memory_space<vmem>> -> memref<32x128xf32, #tpu.memory_space<vmem>>
        %dma_start3A_1406 = arith.constant 0 : i32
        %dma_start3A_1407 = tpu.memref_slice %arg4[%dma_start3A_1406, %multiple_of3A_1399] : memref<32x1000000xf32, #tpu.memory_space<hbm>> -> memref<32x128xf32, #tpu.memory_space<hbm>>
        %dma_start3A_1408 = tpu.memref_slice %arg17[%dma_start3A_1401] : memref<16x!tpu.dma_semaphore, #tpu.memory_space<semaphore_mem>> -> memref<1x!tpu.dma_semaphore, #tpu.memory_space<semaphore_mem>>
        %dma_start3A_1409 = tpu.memref_squeeze %dma_start3A_1408 : memref<1x!tpu.dma_semaphore, #tpu.memory_space<semaphore_mem>> -> memref<!tpu.dma_semaphore, #tpu.memory_space<semaphore_mem>>
        %dma_start3A_1410 = arith.constant 0 : i32
        %dma_start3A_1411 = arith.constant 0 : i32
        %dma_start3A_1412 = tpu.memref_slice %arg11[%dma_start3A_1400, %dma_start3A_1410, %dma_start3A_1411] : memref<16x32x128xf32, #tpu.memory_space<vmem>> -> memref<1x32x128xf32, #tpu.memory_space<vmem>>
        %dma_start3A_1413 = tpu.memref_squeeze %dma_start3A_1412 : memref<1x32x128xf32, #tpu.memory_space<vmem>> -> memref<32x128xf32, #tpu.memory_space<vmem>>
        %dma_start3A_1414 = arith.constant 0 : i32
        %dma_start3A_1415 = tpu.memref_slice %arg4[%dma_start3A_1414, %multiple_of3A_1399] : memref<32x1000000xf32, #tpu.memory_space<hbm>> -> memref<32x128xf32, #tpu.memory_space<hbm>>
        tpu.enqueue_dma source(%dma_start3A_1415 : memref<32x128xf32, #tpu.memory_space<hbm>>) target(%dma_start3A_1413 : memref<32x128xf32, #tpu.memory_space<vmem>>) target_semaphore(%dma_start3A_1409 : memref<!tpu.dma_semaphore, #tpu.memory_space<semaphore_mem>>)
      } else {
      }
      %add3A_848 = arith.constant 1 : i32
      %add3A_849 = arith.addi %mul3A_694, %add3A_848 : i32
      %dma_wait3A_850 = arith.constant 4 : i32
      %dma_wait3A_851 = arith.constant 4 : i32
      %dma_wait3A_852 = arith.constant 0 : i32
      %dma_wait3A_853 = arith.constant 0 : i32
      %dma_wait3A_854 = tpu.memref_slice %arg11[%dma_wait3A_850, %dma_wait3A_852, %dma_wait3A_853] : memref<16x32x128xf32, #tpu.memory_space<vmem>> -> memref<1x32x128xf32, #tpu.memory_space<vmem>>
      %dma_wait3A_855 = tpu.memref_squeeze %dma_wait3A_854 : memref<1x32x128xf32, #tpu.memory_space<vmem>> -> memref<32x128xf32, #tpu.memory_space<vmem>>
      %dma_wait3A_856 = arith.constant 0 : i32
      %dma_wait3A_857 = arith.constant 0 : i32
      %dma_wait3A_858 = tpu.memref_slice %arg4[%dma_wait3A_856, %dma_wait3A_857] : memref<32x1000000xf32, #tpu.memory_space<hbm>> -> memref<32x128xf32, #tpu.memory_space<hbm>>
      %dma_wait3A_859 = tpu.memref_slice %arg17[%dma_wait3A_851] : memref<16x!tpu.dma_semaphore, #tpu.memory_space<semaphore_mem>> -> memref<1x!tpu.dma_semaphore, #tpu.memory_space<semaphore_mem>>
      %dma_wait3A_860 = tpu.memref_squeeze %dma_wait3A_859 : memref<1x!tpu.dma_semaphore, #tpu.memory_space<semaphore_mem>> -> memref<!tpu.dma_semaphore, #tpu.memory_space<semaphore_mem>>
      %dma_wait3A_861 = arith.constant 0 : i32
      %dma_wait3A_862 = arith.constant 0 : i32
      %dma_wait3A_863 = tpu.memref_slice %arg11[%dma_wait3A_850, %dma_wait3A_861, %dma_wait3A_862] : memref<16x32x128xf32, #tpu.memory_space<vmem>> -> memref<1x32x128xf32, #tpu.memory_space<vmem>>
      %dma_wait3A_864 = tpu.memref_squeeze %dma_wait3A_863 : memref<1x32x128xf32, #tpu.memory_space<vmem>> -> memref<32x128xf32, #tpu.memory_space<vmem>>
      %dma_wait3A_865 = arith.constant 0 : i32
      %dma_wait3A_866 = arith.constant 0 : i32
      %dma_wait3A_867 = tpu.memref_slice %arg4[%dma_wait3A_865, %dma_wait3A_866] : memref<32x1000000xf32, #tpu.memory_space<hbm>> -> memref<32x128xf32, #tpu.memory_space<hbm>>
      tpu.wait_dma2 semaphore(%dma_wait3A_860 : memref<!tpu.dma_semaphore, #tpu.memory_space<semaphore_mem>>) src(%dma_wait3A_867 : memref<32x128xf32, #tpu.memory_space<hbm>>) dst(%dma_wait3A_864 : memref<32x128xf32, #tpu.memory_space<vmem>>)
      %dma_wait3A_868 = arith.constant 5 : i32
      %dma_wait3A_869 = arith.constant 5 : i32
      %dma_wait3A_870 = arith.constant 0 : i32
      %dma_wait3A_871 = arith.constant 0 : i32
      %dma_wait3A_872 = tpu.memref_slice %arg11[%dma_wait3A_868, %dma_wait3A_870, %dma_wait3A_871] : memref<16x32x128xf32, #tpu.memory_space<vmem>> -> memref<1x32x128xf32, #tpu.memory_space<vmem>>
      %dma_wait3A_873 = tpu.memref_squeeze %dma_wait3A_872 : memref<1x32x128xf32, #tpu.memory_space<vmem>> -> memref<32x128xf32, #tpu.memory_space<vmem>>
      %dma_wait3A_874 = arith.constant 0 : i32
      %dma_wait3A_875 = arith.constant 0 : i32
      %dma_wait3A_876 = tpu.memref_slice %arg4[%dma_wait3A_874, %dma_wait3A_875] : memref<32x1000000xf32, #tpu.memory_space<hbm>> -> memref<32x128xf32, #tpu.memory_space<hbm>>
      %dma_wait3A_877 = tpu.memref_slice %arg17[%dma_wait3A_869] : memref<16x!tpu.dma_semaphore, #tpu.memory_space<semaphore_mem>> -> memref<1x!tpu.dma_semaphore, #tpu.memory_space<semaphore_mem>>
      %dma_wait3A_878 = tpu.memref_squeeze %dma_wait3A_877 : memref<1x!tpu.dma_semaphore, #tpu.memory_space<semaphore_mem>> -> memref<!tpu.dma_semaphore, #tpu.memory_space<semaphore_mem>>
      %dma_wait3A_879 = arith.constant 0 : i32
      %dma_wait3A_880 = arith.constant 0 : i32
      %dma_wait3A_881 = tpu.memref_slice %arg11[%dma_wait3A_868, %dma_wait3A_879, %dma_wait3A_880] : memref<16x32x128xf32, #tpu.memory_space<vmem>> -> memref<1x32x128xf32, #tpu.memory_space<vmem>>
      %dma_wait3A_882 = tpu.memref_squeeze %dma_wait3A_881 : memref<1x32x128xf32, #tpu.memory_space<vmem>> -> memref<32x128xf32, #tpu.memory_space<vmem>>
      %dma_wait3A_883 = arith.constant 0 : i32
      %dma_wait3A_884 = arith.constant 0 : i32
      %dma_wait3A_885 = tpu.memref_slice %arg4[%dma_wait3A_883, %dma_wait3A_884] : memref<32x1000000xf32, #tpu.memory_space<hbm>> -> memref<32x128xf32, #tpu.memory_space<hbm>>
      tpu.wait_dma2 semaphore(%dma_wait3A_878 : memref<!tpu.dma_semaphore, #tpu.memory_space<semaphore_mem>>) src(%dma_wait3A_885 : memref<32x128xf32, #tpu.memory_space<hbm>>) dst(%dma_wait3A_882 : memref<32x128xf32, #tpu.memory_space<vmem>>)
      %dma_wait3A_886 = arith.constant 6 : i32
      %dma_wait3A_887 = arith.constant 6 : i32
      %dma_wait3A_888 = arith.constant 0 : i32
      %dma_wait3A_889 = arith.constant 0 : i32
      %dma_wait3A_890 = tpu.memref_slice %arg11[%dma_wait3A_886, %dma_wait3A_888, %dma_wait3A_889] : memref<16x32x128xf32, #tpu.memory_space<vmem>> -> memref<1x32x128xf32, #tpu.memory_space<vmem>>
      %dma_wait3A_891 = tpu.memref_squeeze %dma_wait3A_890 : memref<1x32x128xf32, #tpu.memory_space<vmem>> -> memref<32x128xf32, #tpu.memory_space<vmem>>
      %dma_wait3A_892 = arith.constant 0 : i32
      %dma_wait3A_893 = arith.constant 0 : i32
      %dma_wait3A_894 = tpu.memref_slice %arg4[%dma_wait3A_892, %dma_wait3A_893] : memref<32x1000000xf32, #tpu.memory_space<hbm>> -> memref<32x128xf32, #tpu.memory_space<hbm>>
      %dma_wait3A_895 = tpu.memref_slice %arg17[%dma_wait3A_887] : memref<16x!tpu.dma_semaphore, #tpu.memory_space<semaphore_mem>> -> memref<1x!tpu.dma_semaphore, #tpu.memory_space<semaphore_mem>>
      %dma_wait3A_896 = tpu.memref_squeeze %dma_wait3A_895 : memref<1x!tpu.dma_semaphore, #tpu.memory_space<semaphore_mem>> -> memref<!tpu.dma_semaphore, #tpu.memory_space<semaphore_mem>>
      %dma_wait3A_897 = arith.constant 0 : i32
      %dma_wait3A_898 = arith.constant 0 : i32
      %dma_wait3A_899 = tpu.memref_slice %arg11[%dma_wait3A_886, %dma_wait3A_897, %dma_wait3A_898] : memref<16x32x128xf32, #tpu.memory_space<vmem>> -> memref<1x32x128xf32, #tpu.memory_space<vmem>>
      %dma_wait3A_900 = tpu.memref_squeeze %dma_wait3A_899 : memref<1x32x128xf32, #tpu.memory_space<vmem>> -> memref<32x128xf32, #tpu.memory_space<vmem>>
      %dma_wait3A_901 = arith.constant 0 : i32
      %dma_wait3A_902 = arith.constant 0 : i32
      %dma_wait3A_903 = tpu.memref_slice %arg4[%dma_wait3A_901, %dma_wait3A_902] : memref<32x1000000xf32, #tpu.memory_space<hbm>> -> memref<32x128xf32, #tpu.memory_space<hbm>>
      tpu.wait_dma2 semaphore(%dma_wait3A_896 : memref<!tpu.dma_semaphore, #tpu.memory_space<semaphore_mem>>) src(%dma_wait3A_903 : memref<32x128xf32, #tpu.memory_space<hbm>>) dst(%dma_wait3A_900 : memref<32x128xf32, #tpu.memory_space<vmem>>)
      %dma_wait3A_904 = arith.constant 7 : i32
      %dma_wait3A_905 = arith.constant 7 : i32
      %dma_wait3A_906 = arith.constant 0 : i32
      %dma_wait3A_907 = arith.constant 0 : i32
      %dma_wait3A_908 = tpu.memref_slice %arg11[%dma_wait3A_904, %dma_wait3A_906, %dma_wait3A_907] : memref<16x32x128xf32, #tpu.memory_space<vmem>> -> memref<1x32x128xf32, #tpu.memory_space<vmem>>
      %dma_wait3A_909 = tpu.memref_squeeze %dma_wait3A_908 : memref<1x32x128xf32, #tpu.memory_space<vmem>> -> memref<32x128xf32, #tpu.memory_space<vmem>>
      %dma_wait3A_910 = arith.constant 0 : i32
      %dma_wait3A_911 = arith.constant 0 : i32
      %dma_wait3A_912 = tpu.memref_slice %arg4[%dma_wait3A_910, %dma_wait3A_911] : memref<32x1000000xf32, #tpu.memory_space<hbm>> -> memref<32x128xf32, #tpu.memory_space<hbm>>
      %dma_wait3A_913 = tpu.memref_slice %arg17[%dma_wait3A_905] : memref<16x!tpu.dma_semaphore, #tpu.memory_space<semaphore_mem>> -> memref<1x!tpu.dma_semaphore, #tpu.memory_space<semaphore_mem>>
      %dma_wait3A_914 = tpu.memref_squeeze %dma_wait3A_913 : memref<1x!tpu.dma_semaphore, #tpu.memory_space<semaphore_mem>> -> memref<!tpu.dma_semaphore, #tpu.memory_space<semaphore_mem>>
      %dma_wait3A_915 = arith.constant 0 : i32
      %dma_wait3A_916 = arith.constant 0 : i32
      %dma_wait3A_917 = tpu.memref_slice %arg11[%dma_wait3A_904, %dma_wait3A_915, %dma_wait3A_916] : memref<16x32x128xf32, #tpu.memory_space<vmem>> -> memref<1x32x128xf32, #tpu.memory_space<vmem>>
      %dma_wait3A_918 = tpu.memref_squeeze %dma_wait3A_917 : memref<1x32x128xf32, #tpu.memory_space<vmem>> -> memref<32x128xf32, #tpu.memory_space<vmem>>
      %dma_wait3A_919 = arith.constant 0 : i32
      %dma_wait3A_920 = arith.constant 0 : i32
      %dma_wait3A_921 = tpu.memref_slice %arg4[%dma_wait3A_919, %dma_wait3A_920] : memref<32x1000000xf32, #tpu.memory_space<hbm>> -> memref<32x128xf32, #tpu.memory_space<hbm>>
      tpu.wait_dma2 semaphore(%dma_wait3A_914 : memref<!tpu.dma_semaphore, #tpu.memory_space<semaphore_mem>>) src(%dma_wait3A_921 : memref<32x128xf32, #tpu.memory_space<hbm>>) dst(%dma_wait3A_918 : memref<32x128xf32, #tpu.memory_space<vmem>>)
      %mul3A_922 = arith.constant 4 : i32
      %mul3A_923 = arith.muli %add3A_849, %mul3A_922 : i32
      %get3A_924 = arith.index_cast %mul3A_923 : i32 to index
      %get3A_925 = tpu.vector_load %arg9[%get3A_924] {strides = array<i32>} : memref<528xi32, #tpu.memory_space<vmem>>, vector<16xi32>,
      %and3A_926 = arith.constant 127 : i32
      %and3A_927 = vector.broadcast %and3A_926 : i32 to vector<16xi32>
      %and3A_928 = arith.andi %get3A_925, %and3A_927 : vector<16xi32>
      %mul3A_929 = arith.constant 4 : i32
      %mul3A_930 = arith.muli %add3A_849, %mul3A_929 : i32
      %add3A_931 = arith.constant 0 : i32
      %add3A_932 = arith.addi %mul3A_930, %add3A_931 : i32
      %slice3A_933 = vector.extract_strided_slice %and3A_928 {offsets = [0], sizes = [1], strides = [1]} : vector<16xi32> to vector<1xi32>
      %squeeze3A_934 = vector.extract %slice3A_933[0] : i32 from vector<1xi32>
      %broadcast_in_dim3A_935 = vector.broadcast %squeeze3A_934 : i32 to vector<16xi32>
      %broadcast_in_dim3A_936 = arith.constant 4 : i32
      %broadcast_in_dim3A_937 = vector.broadcast %broadcast_in_dim3A_936 : i32 to vector<16xi32>
      %broadcast_in_dim3A_938 = vector.broadcast %add3A_932 : i32 to vector<16xi32>
      %gather3A_939 = tpu.vector_load_idx %arg11[%broadcast_in_dim3A_937, %iota3A, %broadcast_in_dim3A_935] : memref<16x32x128xf32, #tpu.memory_space<vmem>>[vector<16xi32>, vector<16xi32>, vector<16xi32>], vector<16xf32>,
      %add3A_940 = arith.constant 16 : i32
      %add3A_941 = vector.broadcast %add3A_940 : i32 to vector<16xi32>
      %add3A_942 = arith.addi %iota3A, %add3A_941 : vector<16xi32>
      %gather3A_943 = tpu.vector_load_idx %arg11[%broadcast_in_dim3A_937, %add3A_942, %broadcast_in_dim3A_935] : memref<16x32x128xf32, #tpu.memory_space<vmem>>[vector<16xi32>, vector<16xi32>, vector<16xi32>], vector<16xf32>,
      tpu.vector_store_idx %arg12[%iota3A, %broadcast_in_dim3A_938], %gather3A_939 : memref<32x512xf32, #tpu.memory_space<vmem>>[vector<16xi32>, vector<16xi32>], vector<16xf32>,
      %add3A_944 = arith.constant 16 : i32
      %add3A_945 = vector.broadcast %add3A_944 : i32 to vector<16xi32>
      %add3A_946 = arith.addi %iota3A, %add3A_945 : vector<16xi32>
      tpu.vector_store_idx %arg12[%add3A_946, %broadcast_in_dim3A_938], %gather3A_943 : memref<32x512xf32, #tpu.memory_space<vmem>>[vector<16xi32>, vector<16xi32>], vector<16xf32>,
      %mul3A_947 = arith.constant 4 : i32
      %mul3A_948 = arith.muli %add3A_849, %mul3A_947 : i32
      %add3A_949 = arith.constant 1 : i32
      %add3A_950 = arith.addi %mul3A_948, %add3A_949 : i32
      %slice3A_951 = vector.extract_strided_slice %and3A_928 {offsets = [1], sizes = [1], strides = [1]} : vector<16xi32> to vector<1xi32>
      %squeeze3A_952 = vector.extract %slice3A_951[0] : i32 from vector<1xi32>
      %broadcast_in_dim3A_953 = vector.broadcast %squeeze3A_952 : i32 to vector<16xi32>
      %broadcast_in_dim3A_954 = arith.constant 5 : i32
      %broadcast_in_dim3A_955 = vector.broadcast %broadcast_in_dim3A_954 : i32 to vector<16xi32>
      %broadcast_in_dim3A_956 = vector.broadcast %add3A_950 : i32 to vector<16xi32>
      %gather3A_957 = tpu.vector_load_idx %arg11[%broadcast_in_dim3A_955, %iota3A, %broadcast_in_dim3A_953] : memref<16x32x128xf32, #tpu.memory_space<vmem>>[vector<16xi32>, vector<16xi32>, vector<16xi32>], vector<16xf32>,
      %add3A_958 = arith.constant 16 : i32
      %add3A_959 = vector.broadcast %add3A_958 : i32 to vector<16xi32>
      %add3A_960 = arith.addi %iota3A, %add3A_959 : vector<16xi32>
      %gather3A_961 = tpu.vector_load_idx %arg11[%broadcast_in_dim3A_955, %add3A_960, %broadcast_in_dim3A_953] : memref<16x32x128xf32, #tpu.memory_space<vmem>>[vector<16xi32>, vector<16xi32>, vector<16xi32>], vector<16xf32>,
      tpu.vector_store_idx %arg12[%iota3A, %broadcast_in_dim3A_956], %gather3A_957 : memref<32x512xf32, #tpu.memory_space<vmem>>[vector<16xi32>, vector<16xi32>], vector<16xf32>,
      %add3A_962 = arith.constant 16 : i32
      %add3A_963 = vector.broadcast %add3A_962 : i32 to vector<16xi32>
      %add3A_964 = arith.addi %iota3A, %add3A_963 : vector<16xi32>
      tpu.vector_store_idx %arg12[%add3A_964, %broadcast_in_dim3A_956], %gather3A_961 : memref<32x512xf32, #tpu.memory_space<vmem>>[vector<16xi32>, vector<16xi32>], vector<16xf32>,
      %mul3A_965 = arith.constant 4 : i32
      %mul3A_966 = arith.muli %add3A_849, %mul3A_965 : i32
      %add3A_967 = arith.constant 2 : i32
      %add3A_968 = arith.addi %mul3A_966, %add3A_967 : i32
      %slice3A_969 = vector.extract_strided_slice %and3A_928 {offsets = [2], sizes = [1], strides = [1]} : vector<16xi32> to vector<1xi32>
      %squeeze3A_970 = vector.extract %slice3A_969[0] : i32 from vector<1xi32>
      %broadcast_in_dim3A_971 = vector.broadcast %squeeze3A_970 : i32 to vector<16xi32>
      %broadcast_in_dim3A_972 = arith.constant 6 : i32
      %broadcast_in_dim3A_973 = vector.broadcast %broadcast_in_dim3A_972 : i32 to vector<16xi32>
      %broadcast_in_dim3A_974 = vector.broadcast %add3A_968 : i32 to vector<16xi32>
      %gather3A_975 = tpu.vector_load_idx %arg11[%broadcast_in_dim3A_973, %iota3A, %broadcast_in_dim3A_971] : memref<16x32x128xf32, #tpu.memory_space<vmem>>[vector<16xi32>, vector<16xi32>, vector<16xi32>], vector<16xf32>,
      %add3A_976 = arith.constant 16 : i32
      %add3A_977 = vector.broadcast %add3A_976 : i32 to vector<16xi32>
      %add3A_978 = arith.addi %iota3A, %add3A_977 : vector<16xi32>
      %gather3A_979 = tpu.vector_load_idx %arg11[%broadcast_in_dim3A_973, %add3A_978, %broadcast_in_dim3A_971] : memref<16x32x128xf32, #tpu.memory_space<vmem>>[vector<16xi32>, vector<16xi32>, vector<16xi32>], vector<16xf32>,
      tpu.vector_store_idx %arg12[%iota3A, %broadcast_in_dim3A_974], %gather3A_975 : memref<32x512xf32, #tpu.memory_space<vmem>>[vector<16xi32>, vector<16xi32>], vector<16xf32>,
      %add3A_980 = arith.constant 16 : i32
      %add3A_981 = vector.broadcast %add3A_980 : i32 to vector<16xi32>
      %add3A_982 = arith.addi %iota3A, %add3A_981 : vector<16xi32>
      tpu.vector_store_idx %arg12[%add3A_982, %broadcast_in_dim3A_974], %gather3A_979 : memref<32x512xf32, #tpu.memory_space<vmem>>[vector<16xi32>, vector<16xi32>], vector<16xf32>,
      %mul3A_983 = arith.constant 4 : i32
      %mul3A_984 = arith.muli %add3A_849, %mul3A_983 : i32
      %add3A_985 = arith.constant 3 : i32
      %add3A_986 = arith.addi %mul3A_984, %add3A_985 : i32
      %slice3A_987 = vector.extract_strided_slice %and3A_928 {offsets = [3], sizes = [1], strides = [1]} : vector<16xi32> to vector<1xi32>
      %squeeze3A_988 = vector.extract %slice3A_987[0] : i32 from vector<1xi32>
      %broadcast_in_dim3A_989 = vector.broadcast %squeeze3A_988 : i32 to vector<16xi32>
      %broadcast_in_dim3A_990 = arith.constant 7 : i32
      %broadcast_in_dim3A_991 = vector.broadcast %broadcast_in_dim3A_990 : i32 to vector<16xi32>
      %broadcast_in_dim3A_992 = vector.broadcast %add3A_986 : i32 to vector<16xi32>
      %gather3A_993 = tpu.vector_load_idx %arg11[%broadcast_in_dim3A_991, %iota3A, %broadcast_in_dim3A_989] : memref<16x32x128xf32, #tpu.memory_space<vmem>>[vector<16xi32>, vector<16xi32>, vector<16xi32>], vector<16xf32>,
      %add3A_994 = arith.constant 16 : i32
      %add3A_995 = vector.broadcast %add3A_994 : i32 to vector<16xi32>
      %add3A_996 = arith.addi %iota3A, %add3A_995 : vector<16xi32>
      %gather3A_997 = tpu.vector_load_idx %arg11[%broadcast_in_dim3A_991, %add3A_996, %broadcast_in_dim3A_989] : memref<16x32x128xf32, #tpu.memory_space<vmem>>[vector<16xi32>, vector<16xi32>, vector<16xi32>], vector<16xf32>,
      tpu.vector_store_idx %arg12[%iota3A, %broadcast_in_dim3A_992], %gather3A_993 : memref<32x512xf32, #tpu.memory_space<vmem>>[vector<16xi32>, vector<16xi32>], vector<16xf32>,
      %add3A_998 = arith.constant 16 : i32
      %add3A_999 = vector.broadcast %add3A_998 : i32 to vector<16xi32>
      %add3A_1000 = arith.addi %iota3A, %add3A_999 : vector<16xi32>
      tpu.vector_store_idx %arg12[%add3A_1000, %broadcast_in_dim3A_992], %gather3A_997 : memref<32x512xf32, #tpu.memory_space<vmem>>[vector<16xi32>, vector<16xi32>], vector<16xf32>,
      %add3A_1001 = arith.constant 4 : i32
      %add3A_1002 = arith.addi %add3A_849, %add3A_1001 : i32
      %lt3A_1003 = arith.constant 128 : i32
      %lt3A_1004 = arith.cmpi slt, %add3A_1002, %lt3A_1003 : i32
      %convert_element_type3A_1005 = arith.extui %lt3A_1004 : i1 to i32
      %cond3A_1006 = arith.constant 0 : i32
      %cond3A_1007 = arith.cmpi ne, %convert_element_type3A_1005, %cond3A_1006 : i32
      scf.if %cond3A_1007 {
        %add3A_1328 = arith.constant 4 : i32
        %add3A_1329 = arith.addi %add3A_849, %add3A_1328 : i32
        %mul3A_1330 = arith.constant 4 : i32
        %mul3A_1331 = arith.muli %add3A_1329, %mul3A_1330 : i32
        %get3A_1332 = arith.index_cast %mul3A_1331 : i32 to index
        %get3A_1333 = tpu.vector_load %arg9[%get3A_1332] {strides = array<i32>} : memref<528xi32, #tpu.memory_space<vmem>>, vector<16xi32>,
        %shift_right_logical3A_1334 = arith.constant 7 : i32
        %shift_right_logical3A_1335 = vector.broadcast %shift_right_logical3A_1334 : i32 to vector<16xi32>
        %shift_right_logical3A_1336 = arith.shrui %get3A_1333, %shift_right_logical3A_1335 : vector<16xi32>
        %mul3A_1337 = arith.constant 128 : i32
        %mul3A_1338 = vector.broadcast %mul3A_1337 : i32 to vector<16xi32>
        %mul3A_1339 = arith.muli %shift_right_logical3A_1336, %mul3A_1338 : vector<16xi32>
        %slice3A_1340 = vector.extract_strided_slice %mul3A_1339 {offsets = [0], sizes = [1], strides = [1]} : vector<16xi32> to vector<1xi32>
        %squeeze3A_1341 = vector.extract %slice3A_1340[0] : i32 from vector<1xi32>
        %multiple_of3A_1342 = tpu.assume_multiple %squeeze3A_1341, 128 : i32
        %dma_start3A_1343 = arith.constant 4 : i32
        %dma_start3A_1344 = arith.constant 4 : i32
        %dma_start3A_1345 = arith.constant 0 : i32
        %dma_start3A_1346 = arith.constant 0 : i32
        %dma_start3A_1347 = tpu.memref_slice %arg11[%dma_start3A_1343, %dma_start3A_1345, %dma_start3A_1346] : memref<16x32x128xf32, #tpu.memory_space<vmem>> -> memref<1x32x128xf32, #tpu.memory_space<vmem>>
        %dma_start3A_1348 = tpu.memref_squeeze %dma_start3A_1347 : memref<1x32x128xf32, #tpu.memory_space<vmem>> -> memref<32x128xf32, #tpu.memory_space<vmem>>
        %dma_start3A_1349 = arith.constant 0 : i32
        %dma_start3A_1350 = tpu.memref_slice %arg4[%dma_start3A_1349, %multiple_of3A_1342] : memref<32x1000000xf32, #tpu.memory_space<hbm>> -> memref<32x128xf32, #tpu.memory_space<hbm>>
        %dma_start3A_1351 = tpu.memref_slice %arg17[%dma_start3A_1344] : memref<16x!tpu.dma_semaphore, #tpu.memory_space<semaphore_mem>> -> memref<1x!tpu.dma_semaphore, #tpu.memory_space<semaphore_mem>>
        %dma_start3A_1352 = tpu.memref_squeeze %dma_start3A_1351 : memref<1x!tpu.dma_semaphore, #tpu.memory_space<semaphore_mem>> -> memref<!tpu.dma_semaphore, #tpu.memory_space<semaphore_mem>>
        %dma_start3A_1353 = arith.constant 0 : i32
        %dma_start3A_1354 = arith.constant 0 : i32
        %dma_start3A_1355 = tpu.memref_slice %arg11[%dma_start3A_1343, %dma_start3A_1353, %dma_start3A_1354] : memref<16x32x128xf32, #tpu.memory_space<vmem>> -> memref<1x32x128xf32, #tpu.memory_space<vmem>>
        %dma_start3A_1356 = tpu.memref_squeeze %dma_start3A_1355 : memref<1x32x128xf32, #tpu.memory_space<vmem>> -> memref<32x128xf32, #tpu.memory_space<vmem>>
        %dma_start3A_1357 = arith.constant 0 : i32
        %dma_start3A_1358 = tpu.memref_slice %arg4[%dma_start3A_1357, %multiple_of3A_1342] : memref<32x1000000xf32, #tpu.memory_space<hbm>> -> memref<32x128xf32, #tpu.memory_space<hbm>>
        tpu.enqueue_dma source(%dma_start3A_1358 : memref<32x128xf32, #tpu.memory_space<hbm>>) target(%dma_start3A_1356 : memref<32x128xf32, #tpu.memory_space<vmem>>) target_semaphore(%dma_start3A_1352 : memref<!tpu.dma_semaphore, #tpu.memory_space<semaphore_mem>>)
        %slice3A_1359 = vector.extract_strided_slice %mul3A_1339 {offsets = [1], sizes = [1], strides = [1]} : vector<16xi32> to vector<1xi32>
        %squeeze3A_1360 = vector.extract %slice3A_1359[0] : i32 from vector<1xi32>
        %multiple_of3A_1361 = tpu.assume_multiple %squeeze3A_1360, 128 : i32
        %dma_start3A_1362 = arith.constant 5 : i32
        %dma_start3A_1363 = arith.constant 5 : i32
        %dma_start3A_1364 = arith.constant 0 : i32
        %dma_start3A_1365 = arith.constant 0 : i32
        %dma_start3A_1366 = tpu.memref_slice %arg11[%dma_start3A_1362, %dma_start3A_1364, %dma_start3A_1365] : memref<16x32x128xf32, #tpu.memory_space<vmem>> -> memref<1x32x128xf32, #tpu.memory_space<vmem>>
        %dma_start3A_1367 = tpu.memref_squeeze %dma_start3A_1366 : memref<1x32x128xf32, #tpu.memory_space<vmem>> -> memref<32x128xf32, #tpu.memory_space<vmem>>
        %dma_start3A_1368 = arith.constant 0 : i32
        %dma_start3A_1369 = tpu.memref_slice %arg4[%dma_start3A_1368, %multiple_of3A_1361] : memref<32x1000000xf32, #tpu.memory_space<hbm>> -> memref<32x128xf32, #tpu.memory_space<hbm>>
        %dma_start3A_1370 = tpu.memref_slice %arg17[%dma_start3A_1363] : memref<16x!tpu.dma_semaphore, #tpu.memory_space<semaphore_mem>> -> memref<1x!tpu.dma_semaphore, #tpu.memory_space<semaphore_mem>>
        %dma_start3A_1371 = tpu.memref_squeeze %dma_start3A_1370 : memref<1x!tpu.dma_semaphore, #tpu.memory_space<semaphore_mem>> -> memref<!tpu.dma_semaphore, #tpu.memory_space<semaphore_mem>>
        %dma_start3A_1372 = arith.constant 0 : i32
        %dma_start3A_1373 = arith.constant 0 : i32
        %dma_start3A_1374 = tpu.memref_slice %arg11[%dma_start3A_1362, %dma_start3A_1372, %dma_start3A_1373] : memref<16x32x128xf32, #tpu.memory_space<vmem>> -> memref<1x32x128xf32, #tpu.memory_space<vmem>>
        %dma_start3A_1375 = tpu.memref_squeeze %dma_start3A_1374 : memref<1x32x128xf32, #tpu.memory_space<vmem>> -> memref<32x128xf32, #tpu.memory_space<vmem>>
        %dma_start3A_1376 = arith.constant 0 : i32
        %dma_start3A_1377 = tpu.memref_slice %arg4[%dma_start3A_1376, %multiple_of3A_1361] : memref<32x1000000xf32, #tpu.memory_space<hbm>> -> memref<32x128xf32, #tpu.memory_space<hbm>>
        tpu.enqueue_dma source(%dma_start3A_1377 : memref<32x128xf32, #tpu.memory_space<hbm>>) target(%dma_start3A_1375 : memref<32x128xf32, #tpu.memory_space<vmem>>) target_semaphore(%dma_start3A_1371 : memref<!tpu.dma_semaphore, #tpu.memory_space<semaphore_mem>>)
        %slice3A_1378 = vector.extract_strided_slice %mul3A_1339 {offsets = [2], sizes = [1], strides = [1]} : vector<16xi32> to vector<1xi32>
        %squeeze3A_1379 = vector.extract %slice3A_1378[0] : i32 from vector<1xi32>
        %multiple_of3A_1380 = tpu.assume_multiple %squeeze3A_1379, 128 : i32
        %dma_start3A_1381 = arith.constant 6 : i32
        %dma_start3A_1382 = arith.constant 6 : i32
        %dma_start3A_1383 = arith.constant 0 : i32
        %dma_start3A_1384 = arith.constant 0 : i32
        %dma_start3A_1385 = tpu.memref_slice %arg11[%dma_start3A_1381, %dma_start3A_1383, %dma_start3A_1384] : memref<16x32x128xf32, #tpu.memory_space<vmem>> -> memref<1x32x128xf32, #tpu.memory_space<vmem>>
        %dma_start3A_1386 = tpu.memref_squeeze %dma_start3A_1385 : memref<1x32x128xf32, #tpu.memory_space<vmem>> -> memref<32x128xf32, #tpu.memory_space<vmem>>
        %dma_start3A_1387 = arith.constant 0 : i32
        %dma_start3A_1388 = tpu.memref_slice %arg4[%dma_start3A_1387, %multiple_of3A_1380] : memref<32x1000000xf32, #tpu.memory_space<hbm>> -> memref<32x128xf32, #tpu.memory_space<hbm>>
        %dma_start3A_1389 = tpu.memref_slice %arg17[%dma_start3A_1382] : memref<16x!tpu.dma_semaphore, #tpu.memory_space<semaphore_mem>> -> memref<1x!tpu.dma_semaphore, #tpu.memory_space<semaphore_mem>>
        %dma_start3A_1390 = tpu.memref_squeeze %dma_start3A_1389 : memref<1x!tpu.dma_semaphore, #tpu.memory_space<semaphore_mem>> -> memref<!tpu.dma_semaphore, #tpu.memory_space<semaphore_mem>>
        %dma_start3A_1391 = arith.constant 0 : i32
        %dma_start3A_1392 = arith.constant 0 : i32
        %dma_start3A_1393 = tpu.memref_slice %arg11[%dma_start3A_1381, %dma_start3A_1391, %dma_start3A_1392] : memref<16x32x128xf32, #tpu.memory_space<vmem>> -> memref<1x32x128xf32, #tpu.memory_space<vmem>>
        %dma_start3A_1394 = tpu.memref_squeeze %dma_start3A_1393 : memref<1x32x128xf32, #tpu.memory_space<vmem>> -> memref<32x128xf32, #tpu.memory_space<vmem>>
        %dma_start3A_1395 = arith.constant 0 : i32
        %dma_start3A_1396 = tpu.memref_slice %arg4[%dma_start3A_1395, %multiple_of3A_1380] : memref<32x1000000xf32, #tpu.memory_space<hbm>> -> memref<32x128xf32, #tpu.memory_space<hbm>>
        tpu.enqueue_dma source(%dma_start3A_1396 : memref<32x128xf32, #tpu.memory_space<hbm>>) target(%dma_start3A_1394 : memref<32x128xf32, #tpu.memory_space<vmem>>) target_semaphore(%dma_start3A_1390 : memref<!tpu.dma_semaphore, #tpu.memory_space<semaphore_mem>>)
        %slice3A_1397 = vector.extract_strided_slice %mul3A_1339 {offsets = [3], sizes = [1], strides = [1]} : vector<16xi32> to vector<1xi32>
        %squeeze3A_1398 = vector.extract %slice3A_1397[0] : i32 from vector<1xi32>
        %multiple_of3A_1399 = tpu.assume_multiple %squeeze3A_1398, 128 : i32
        %dma_start3A_1400 = arith.constant 7 : i32
        %dma_start3A_1401 = arith.constant 7 : i32
        %dma_start3A_1402 = arith.constant 0 : i32
        %dma_start3A_1403 = arith.constant 0 : i32
        %dma_start3A_1404 = tpu.memref_slice %arg11[%dma_start3A_1400, %dma_start3A_1402, %dma_start3A_1403] : memref<16x32x128xf32, #tpu.memory_space<vmem>> -> memref<1x32x128xf32, #tpu.memory_space<vmem>>
        %dma_start3A_1405 = tpu.memref_squeeze %dma_start3A_1404 : memref<1x32x128xf32, #tpu.memory_space<vmem>> -> memref<32x128xf32, #tpu.memory_space<vmem>>
        %dma_start3A_1406 = arith.constant 0 : i32
        %dma_start3A_1407 = tpu.memref_slice %arg4[%dma_start3A_1406, %multiple_of3A_1399] : memref<32x1000000xf32, #tpu.memory_space<hbm>> -> memref<32x128xf32, #tpu.memory_space<hbm>>
        %dma_start3A_1408 = tpu.memref_slice %arg17[%dma_start3A_1401] : memref<16x!tpu.dma_semaphore, #tpu.memory_space<semaphore_mem>> -> memref<1x!tpu.dma_semaphore, #tpu.memory_space<semaphore_mem>>
        %dma_start3A_1409 = tpu.memref_squeeze %dma_start3A_1408 : memref<1x!tpu.dma_semaphore, #tpu.memory_space<semaphore_mem>> -> memref<!tpu.dma_semaphore, #tpu.memory_space<semaphore_mem>>
        %dma_start3A_1410 = arith.constant 0 : i32
        %dma_start3A_1411 = arith.constant 0 : i32
        %dma_start3A_1412 = tpu.memref_slice %arg11[%dma_start3A_1400, %dma_start3A_1410, %dma_start3A_1411] : memref<16x32x128xf32, #tpu.memory_space<vmem>> -> memref<1x32x128xf32, #tpu.memory_space<vmem>>
        %dma_start3A_1413 = tpu.memref_squeeze %dma_start3A_1412 : memref<1x32x128xf32, #tpu.memory_space<vmem>> -> memref<32x128xf32, #tpu.memory_space<vmem>>
        %dma_start3A_1414 = arith.constant 0 : i32
        %dma_start3A_1415 = tpu.memref_slice %arg4[%dma_start3A_1414, %multiple_of3A_1399] : memref<32x1000000xf32, #tpu.memory_space<hbm>> -> memref<32x128xf32, #tpu.memory_space<hbm>>
        tpu.enqueue_dma source(%dma_start3A_1415 : memref<32x128xf32, #tpu.memory_space<hbm>>) target(%dma_start3A_1413 : memref<32x128xf32, #tpu.memory_space<vmem>>) target_semaphore(%dma_start3A_1409 : memref<!tpu.dma_semaphore, #tpu.memory_space<semaphore_mem>>)
      } else {
      }
      %add3A_1008 = arith.constant 2 : i32
      %add3A_1009 = arith.addi %mul3A_694, %add3A_1008 : i32
      %dma_wait3A_1010 = arith.constant 8 : i32
      %dma_wait3A_1011 = arith.constant 8 : i32
      %dma_wait3A_1012 = arith.constant 0 : i32
      %dma_wait3A_1013 = arith.constant 0 : i32
      %dma_wait3A_1014 = tpu.memref_slice %arg11[%dma_wait3A_1010, %dma_wait3A_1012, %dma_wait3A_1013] : memref<16x32x128xf32, #tpu.memory_space<vmem>> -> memref<1x32x128xf32, #tpu.memory_space<vmem>>
      %dma_wait3A_1015 = tpu.memref_squeeze %dma_wait3A_1014 : memref<1x32x128xf32, #tpu.memory_space<vmem>> -> memref<32x128xf32, #tpu.memory_space<vmem>>
      %dma_wait3A_1016 = arith.constant 0 : i32
      %dma_wait3A_1017 = arith.constant 0 : i32
      %dma_wait3A_1018 = tpu.memref_slice %arg4[%dma_wait3A_1016, %dma_wait3A_1017] : memref<32x1000000xf32, #tpu.memory_space<hbm>> -> memref<32x128xf32, #tpu.memory_space<hbm>>
      %dma_wait3A_1019 = tpu.memref_slice %arg17[%dma_wait3A_1011] : memref<16x!tpu.dma_semaphore, #tpu.memory_space<semaphore_mem>> -> memref<1x!tpu.dma_semaphore, #tpu.memory_space<semaphore_mem>>
      %dma_wait3A_1020 = tpu.memref_squeeze %dma_wait3A_1019 : memref<1x!tpu.dma_semaphore, #tpu.memory_space<semaphore_mem>> -> memref<!tpu.dma_semaphore, #tpu.memory_space<semaphore_mem>>
      %dma_wait3A_1021 = arith.constant 0 : i32
      %dma_wait3A_1022 = arith.constant 0 : i32
      %dma_wait3A_1023 = tpu.memref_slice %arg11[%dma_wait3A_1010, %dma_wait3A_1021, %dma_wait3A_1022] : memref<16x32x128xf32, #tpu.memory_space<vmem>> -> memref<1x32x128xf32, #tpu.memory_space<vmem>>
      %dma_wait3A_1024 = tpu.memref_squeeze %dma_wait3A_1023 : memref<1x32x128xf32, #tpu.memory_space<vmem>> -> memref<32x128xf32, #tpu.memory_space<vmem>>
      %dma_wait3A_1025 = arith.constant 0 : i32
      %dma_wait3A_1026 = arith.constant 0 : i32
      %dma_wait3A_1027 = tpu.memref_slice %arg4[%dma_wait3A_1025, %dma_wait3A_1026] : memref<32x1000000xf32, #tpu.memory_space<hbm>> -> memref<32x128xf32, #tpu.memory_space<hbm>>
      tpu.wait_dma2 semaphore(%dma_wait3A_1020 : memref<!tpu.dma_semaphore, #tpu.memory_space<semaphore_mem>>) src(%dma_wait3A_1027 : memref<32x128xf32, #tpu.memory_space<hbm>>) dst(%dma_wait3A_1024 : memref<32x128xf32, #tpu.memory_space<vmem>>)
      %dma_wait3A_1028 = arith.constant 9 : i32
      %dma_wait3A_1029 = arith.constant 9 : i32
      %dma_wait3A_1030 = arith.constant 0 : i32
      %dma_wait3A_1031 = arith.constant 0 : i32
      %dma_wait3A_1032 = tpu.memref_slice %arg11[%dma_wait3A_1028, %dma_wait3A_1030, %dma_wait3A_1031] : memref<16x32x128xf32, #tpu.memory_space<vmem>> -> memref<1x32x128xf32, #tpu.memory_space<vmem>>
      %dma_wait3A_1033 = tpu.memref_squeeze %dma_wait3A_1032 : memref<1x32x128xf32, #tpu.memory_space<vmem>> -> memref<32x128xf32, #tpu.memory_space<vmem>>
      %dma_wait3A_1034 = arith.constant 0 : i32
      %dma_wait3A_1035 = arith.constant 0 : i32
      %dma_wait3A_1036 = tpu.memref_slice %arg4[%dma_wait3A_1034, %dma_wait3A_1035] : memref<32x1000000xf32, #tpu.memory_space<hbm>> -> memref<32x128xf32, #tpu.memory_space<hbm>>
      %dma_wait3A_1037 = tpu.memref_slice %arg17[%dma_wait3A_1029] : memref<16x!tpu.dma_semaphore, #tpu.memory_space<semaphore_mem>> -> memref<1x!tpu.dma_semaphore, #tpu.memory_space<semaphore_mem>>
      %dma_wait3A_1038 = tpu.memref_squeeze %dma_wait3A_1037 : memref<1x!tpu.dma_semaphore, #tpu.memory_space<semaphore_mem>> -> memref<!tpu.dma_semaphore, #tpu.memory_space<semaphore_mem>>
      %dma_wait3A_1039 = arith.constant 0 : i32
      %dma_wait3A_1040 = arith.constant 0 : i32
      %dma_wait3A_1041 = tpu.memref_slice %arg11[%dma_wait3A_1028, %dma_wait3A_1039, %dma_wait3A_1040] : memref<16x32x128xf32, #tpu.memory_space<vmem>> -> memref<1x32x128xf32, #tpu.memory_space<vmem>>
      %dma_wait3A_1042 = tpu.memref_squeeze %dma_wait3A_1041 : memref<1x32x128xf32, #tpu.memory_space<vmem>> -> memref<32x128xf32, #tpu.memory_space<vmem>>
      %dma_wait3A_1043 = arith.constant 0 : i32
      %dma_wait3A_1044 = arith.constant 0 : i32
      %dma_wait3A_1045 = tpu.memref_slice %arg4[%dma_wait3A_1043, %dma_wait3A_1044] : memref<32x1000000xf32, #tpu.memory_space<hbm>> -> memref<32x128xf32, #tpu.memory_space<hbm>>
      tpu.wait_dma2 semaphore(%dma_wait3A_1038 : memref<!tpu.dma_semaphore, #tpu.memory_space<semaphore_mem>>) src(%dma_wait3A_1045 : memref<32x128xf32, #tpu.memory_space<hbm>>) dst(%dma_wait3A_1042 : memref<32x128xf32, #tpu.memory_space<vmem>>)
      %dma_wait3A_1046 = arith.constant 10 : i32
      %dma_wait3A_1047 = arith.constant 10 : i32
      %dma_wait3A_1048 = arith.constant 0 : i32
      %dma_wait3A_1049 = arith.constant 0 : i32
      %dma_wait3A_1050 = tpu.memref_slice %arg11[%dma_wait3A_1046, %dma_wait3A_1048, %dma_wait3A_1049] : memref<16x32x128xf32, #tpu.memory_space<vmem>> -> memref<1x32x128xf32, #tpu.memory_space<vmem>>
      %dma_wait3A_1051 = tpu.memref_squeeze %dma_wait3A_1050 : memref<1x32x128xf32, #tpu.memory_space<vmem>> -> memref<32x128xf32, #tpu.memory_space<vmem>>
      %dma_wait3A_1052 = arith.constant 0 : i32
      %dma_wait3A_1053 = arith.constant 0 : i32
      %dma_wait3A_1054 = tpu.memref_slice %arg4[%dma_wait3A_1052, %dma_wait3A_1053] : memref<32x1000000xf32, #tpu.memory_space<hbm>> -> memref<32x128xf32, #tpu.memory_space<hbm>>
      %dma_wait3A_1055 = tpu.memref_slice %arg17[%dma_wait3A_1047] : memref<16x!tpu.dma_semaphore, #tpu.memory_space<semaphore_mem>> -> memref<1x!tpu.dma_semaphore, #tpu.memory_space<semaphore_mem>>
      %dma_wait3A_1056 = tpu.memref_squeeze %dma_wait3A_1055 : memref<1x!tpu.dma_semaphore, #tpu.memory_space<semaphore_mem>> -> memref<!tpu.dma_semaphore, #tpu.memory_space<semaphore_mem>>
      %dma_wait3A_1057 = arith.constant 0 : i32
      %dma_wait3A_1058 = arith.constant 0 : i32
      %dma_wait3A_1059 = tpu.memref_slice %arg11[%dma_wait3A_1046, %dma_wait3A_1057, %dma_wait3A_1058] : memref<16x32x128xf32, #tpu.memory_space<vmem>> -> memref<1x32x128xf32, #tpu.memory_space<vmem>>
      %dma_wait3A_1060 = tpu.memref_squeeze %dma_wait3A_1059 : memref<1x32x128xf32, #tpu.memory_space<vmem>> -> memref<32x128xf32, #tpu.memory_space<vmem>>
      %dma_wait3A_1061 = arith.constant 0 : i32
      %dma_wait3A_1062 = arith.constant 0 : i32
      %dma_wait3A_1063 = tpu.memref_slice %arg4[%dma_wait3A_1061, %dma_wait3A_1062] : memref<32x1000000xf32, #tpu.memory_space<hbm>> -> memref<32x128xf32, #tpu.memory_space<hbm>>
      tpu.wait_dma2 semaphore(%dma_wait3A_1056 : memref<!tpu.dma_semaphore, #tpu.memory_space<semaphore_mem>>) src(%dma_wait3A_1063 : memref<32x128xf32, #tpu.memory_space<hbm>>) dst(%dma_wait3A_1060 : memref<32x128xf32, #tpu.memory_space<vmem>>)
      %dma_wait3A_1064 = arith.constant 11 : i32
      %dma_wait3A_1065 = arith.constant 11 : i32
      %dma_wait3A_1066 = arith.constant 0 : i32
      %dma_wait3A_1067 = arith.constant 0 : i32
      %dma_wait3A_1068 = tpu.memref_slice %arg11[%dma_wait3A_1064, %dma_wait3A_1066, %dma_wait3A_1067] : memref<16x32x128xf32, #tpu.memory_space<vmem>> -> memref<1x32x128xf32, #tpu.memory_space<vmem>>
      %dma_wait3A_1069 = tpu.memref_squeeze %dma_wait3A_1068 : memref<1x32x128xf32, #tpu.memory_space<vmem>> -> memref<32x128xf32, #tpu.memory_space<vmem>>
      %dma_wait3A_1070 = arith.constant 0 : i32
      %dma_wait3A_1071 = arith.constant 0 : i32
      %dma_wait3A_1072 = tpu.memref_slice %arg4[%dma_wait3A_1070, %dma_wait3A_1071] : memref<32x1000000xf32, #tpu.memory_space<hbm>> -> memref<32x128xf32, #tpu.memory_space<hbm>>
      %dma_wait3A_1073 = tpu.memref_slice %arg17[%dma_wait3A_1065] : memref<16x!tpu.dma_semaphore, #tpu.memory_space<semaphore_mem>> -> memref<1x!tpu.dma_semaphore, #tpu.memory_space<semaphore_mem>>
      %dma_wait3A_1074 = tpu.memref_squeeze %dma_wait3A_1073 : memref<1x!tpu.dma_semaphore, #tpu.memory_space<semaphore_mem>> -> memref<!tpu.dma_semaphore, #tpu.memory_space<semaphore_mem>>
      %dma_wait3A_1075 = arith.constant 0 : i32
      %dma_wait3A_1076 = arith.constant 0 : i32
      %dma_wait3A_1077 = tpu.memref_slice %arg11[%dma_wait3A_1064, %dma_wait3A_1075, %dma_wait3A_1076] : memref<16x32x128xf32, #tpu.memory_space<vmem>> -> memref<1x32x128xf32, #tpu.memory_space<vmem>>
      %dma_wait3A_1078 = tpu.memref_squeeze %dma_wait3A_1077 : memref<1x32x128xf32, #tpu.memory_space<vmem>> -> memref<32x128xf32, #tpu.memory_space<vmem>>
      %dma_wait3A_1079 = arith.constant 0 : i32
      %dma_wait3A_1080 = arith.constant 0 : i32
      %dma_wait3A_1081 = tpu.memref_slice %arg4[%dma_wait3A_1079, %dma_wait3A_1080] : memref<32x1000000xf32, #tpu.memory_space<hbm>> -> memref<32x128xf32, #tpu.memory_space<hbm>>
      tpu.wait_dma2 semaphore(%dma_wait3A_1074 : memref<!tpu.dma_semaphore, #tpu.memory_space<semaphore_mem>>) src(%dma_wait3A_1081 : memref<32x128xf32, #tpu.memory_space<hbm>>) dst(%dma_wait3A_1078 : memref<32x128xf32, #tpu.memory_space<vmem>>)
      %mul3A_1082 = arith.constant 4 : i32
      %mul3A_1083 = arith.muli %add3A_1009, %mul3A_1082 : i32
      %get3A_1084 = arith.index_cast %mul3A_1083 : i32 to index
      %get3A_1085 = tpu.vector_load %arg9[%get3A_1084] {strides = array<i32>} : memref<528xi32, #tpu.memory_space<vmem>>, vector<16xi32>,
      %and3A_1086 = arith.constant 127 : i32
      %and3A_1087 = vector.broadcast %and3A_1086 : i32 to vector<16xi32>
      %and3A_1088 = arith.andi %get3A_1085, %and3A_1087 : vector<16xi32>
      %mul3A_1089 = arith.constant 4 : i32
      %mul3A_1090 = arith.muli %add3A_1009, %mul3A_1089 : i32
      %add3A_1091 = arith.constant 0 : i32
      %add3A_1092 = arith.addi %mul3A_1090, %add3A_1091 : i32
      %slice3A_1093 = vector.extract_strided_slice %and3A_1088 {offsets = [0], sizes = [1], strides = [1]} : vector<16xi32> to vector<1xi32>
      %squeeze3A_1094 = vector.extract %slice3A_1093[0] : i32 from vector<1xi32>
      %broadcast_in_dim3A_1095 = vector.broadcast %squeeze3A_1094 : i32 to vector<16xi32>
      %broadcast_in_dim3A_1096 = arith.constant 8 : i32
      %broadcast_in_dim3A_1097 = vector.broadcast %broadcast_in_dim3A_1096 : i32 to vector<16xi32>
      %broadcast_in_dim3A_1098 = vector.broadcast %add3A_1092 : i32 to vector<16xi32>
      %gather3A_1099 = tpu.vector_load_idx %arg11[%broadcast_in_dim3A_1097, %iota3A, %broadcast_in_dim3A_1095] : memref<16x32x128xf32, #tpu.memory_space<vmem>>[vector<16xi32>, vector<16xi32>, vector<16xi32>], vector<16xf32>,
      %add3A_1100 = arith.constant 16 : i32
      %add3A_1101 = vector.broadcast %add3A_1100 : i32 to vector<16xi32>
      %add3A_1102 = arith.addi %iota3A, %add3A_1101 : vector<16xi32>
      %gather3A_1103 = tpu.vector_load_idx %arg11[%broadcast_in_dim3A_1097, %add3A_1102, %broadcast_in_dim3A_1095] : memref<16x32x128xf32, #tpu.memory_space<vmem>>[vector<16xi32>, vector<16xi32>, vector<16xi32>], vector<16xf32>,
      tpu.vector_store_idx %arg12[%iota3A, %broadcast_in_dim3A_1098], %gather3A_1099 : memref<32x512xf32, #tpu.memory_space<vmem>>[vector<16xi32>, vector<16xi32>], vector<16xf32>,
      %add3A_1104 = arith.constant 16 : i32
      %add3A_1105 = vector.broadcast %add3A_1104 : i32 to vector<16xi32>
      %add3A_1106 = arith.addi %iota3A, %add3A_1105 : vector<16xi32>
      tpu.vector_store_idx %arg12[%add3A_1106, %broadcast_in_dim3A_1098], %gather3A_1103 : memref<32x512xf32, #tpu.memory_space<vmem>>[vector<16xi32>, vector<16xi32>], vector<16xf32>,
      %mul3A_1107 = arith.constant 4 : i32
      %mul3A_1108 = arith.muli %add3A_1009, %mul3A_1107 : i32
      %add3A_1109 = arith.constant 1 : i32
      %add3A_1110 = arith.addi %mul3A_1108, %add3A_1109 : i32
      %slice3A_1111 = vector.extract_strided_slice %and3A_1088 {offsets = [1], sizes = [1], strides = [1]} : vector<16xi32> to vector<1xi32>
      %squeeze3A_1112 = vector.extract %slice3A_1111[0] : i32 from vector<1xi32>
      %broadcast_in_dim3A_1113 = vector.broadcast %squeeze3A_1112 : i32 to vector<16xi32>
      %broadcast_in_dim3A_1114 = arith.constant 9 : i32
      %broadcast_in_dim3A_1115 = vector.broadcast %broadcast_in_dim3A_1114 : i32 to vector<16xi32>
      %broadcast_in_dim3A_1116 = vector.broadcast %add3A_1110 : i32 to vector<16xi32>
      %gather3A_1117 = tpu.vector_load_idx %arg11[%broadcast_in_dim3A_1115, %iota3A, %broadcast_in_dim3A_1113] : memref<16x32x128xf32, #tpu.memory_space<vmem>>[vector<16xi32>, vector<16xi32>, vector<16xi32>], vector<16xf32>,
      %add3A_1118 = arith.constant 16 : i32
      %add3A_1119 = vector.broadcast %add3A_1118 : i32 to vector<16xi32>
      %add3A_1120 = arith.addi %iota3A, %add3A_1119 : vector<16xi32>
      %gather3A_1121 = tpu.vector_load_idx %arg11[%broadcast_in_dim3A_1115, %add3A_1120, %broadcast_in_dim3A_1113] : memref<16x32x128xf32, #tpu.memory_space<vmem>>[vector<16xi32>, vector<16xi32>, vector<16xi32>], vector<16xf32>,
      tpu.vector_store_idx %arg12[%iota3A, %broadcast_in_dim3A_1116], %gather3A_1117 : memref<32x512xf32, #tpu.memory_space<vmem>>[vector<16xi32>, vector<16xi32>], vector<16xf32>,
      %add3A_1122 = arith.constant 16 : i32
      %add3A_1123 = vector.broadcast %add3A_1122 : i32 to vector<16xi32>
      %add3A_1124 = arith.addi %iota3A, %add3A_1123 : vector<16xi32>
      tpu.vector_store_idx %arg12[%add3A_1124, %broadcast_in_dim3A_1116], %gather3A_1121 : memref<32x512xf32, #tpu.memory_space<vmem>>[vector<16xi32>, vector<16xi32>], vector<16xf32>,
      %mul3A_1125 = arith.constant 4 : i32
      %mul3A_1126 = arith.muli %add3A_1009, %mul3A_1125 : i32
      %add3A_1127 = arith.constant 2 : i32
      %add3A_1128 = arith.addi %mul3A_1126, %add3A_1127 : i32
      %slice3A_1129 = vector.extract_strided_slice %and3A_1088 {offsets = [2], sizes = [1], strides = [1]} : vector<16xi32> to vector<1xi32>
      %squeeze3A_1130 = vector.extract %slice3A_1129[0] : i32 from vector<1xi32>
      %broadcast_in_dim3A_1131 = vector.broadcast %squeeze3A_1130 : i32 to vector<16xi32>
      %broadcast_in_dim3A_1132 = arith.constant 10 : i32
      %broadcast_in_dim3A_1133 = vector.broadcast %broadcast_in_dim3A_1132 : i32 to vector<16xi32>
      %broadcast_in_dim3A_1134 = vector.broadcast %add3A_1128 : i32 to vector<16xi32>
      %gather3A_1135 = tpu.vector_load_idx %arg11[%broadcast_in_dim3A_1133, %iota3A, %broadcast_in_dim3A_1131] : memref<16x32x128xf32, #tpu.memory_space<vmem>>[vector<16xi32>, vector<16xi32>, vector<16xi32>], vector<16xf32>,
      %add3A_1136 = arith.constant 16 : i32
      %add3A_1137 = vector.broadcast %add3A_1136 : i32 to vector<16xi32>
      %add3A_1138 = arith.addi %iota3A, %add3A_1137 : vector<16xi32>
      %gather3A_1139 = tpu.vector_load_idx %arg11[%broadcast_in_dim3A_1133, %add3A_1138, %broadcast_in_dim3A_1131] : memref<16x32x128xf32, #tpu.memory_space<vmem>>[vector<16xi32>, vector<16xi32>, vector<16xi32>], vector<16xf32>,
      tpu.vector_store_idx %arg12[%iota3A, %broadcast_in_dim3A_1134], %gather3A_1135 : memref<32x512xf32, #tpu.memory_space<vmem>>[vector<16xi32>, vector<16xi32>], vector<16xf32>,
      %add3A_1140 = arith.constant 16 : i32
      %add3A_1141 = vector.broadcast %add3A_1140 : i32 to vector<16xi32>
      %add3A_1142 = arith.addi %iota3A, %add3A_1141 : vector<16xi32>
      tpu.vector_store_idx %arg12[%add3A_1142, %broadcast_in_dim3A_1134], %gather3A_1139 : memref<32x512xf32, #tpu.memory_space<vmem>>[vector<16xi32>, vector<16xi32>], vector<16xf32>,
      %mul3A_1143 = arith.constant 4 : i32
      %mul3A_1144 = arith.muli %add3A_1009, %mul3A_1143 : i32
      %add3A_1145 = arith.constant 3 : i32
      %add3A_1146 = arith.addi %mul3A_1144, %add3A_1145 : i32
      %slice3A_1147 = vector.extract_strided_slice %and3A_1088 {offsets = [3], sizes = [1], strides = [1]} : vector<16xi32> to vector<1xi32>
      %squeeze3A_1148 = vector.extract %slice3A_1147[0] : i32 from vector<1xi32>
      %broadcast_in_dim3A_1149 = vector.broadcast %squeeze3A_1148 : i32 to vector<16xi32>
      %broadcast_in_dim3A_1150 = arith.constant 11 : i32
      %broadcast_in_dim3A_1151 = vector.broadcast %broadcast_in_dim3A_1150 : i32 to vector<16xi32>
      %broadcast_in_dim3A_1152 = vector.broadcast %add3A_1146 : i32 to vector<16xi32>
      %gather3A_1153 = tpu.vector_load_idx %arg11[%broadcast_in_dim3A_1151, %iota3A, %broadcast_in_dim3A_1149] : memref<16x32x128xf32, #tpu.memory_space<vmem>>[vector<16xi32>, vector<16xi32>, vector<16xi32>], vector<16xf32>,
      %add3A_1154 = arith.constant 16 : i32
      %add3A_1155 = vector.broadcast %add3A_1154 : i32 to vector<16xi32>
      %add3A_1156 = arith.addi %iota3A, %add3A_1155 : vector<16xi32>
      %gather3A_1157 = tpu.vector_load_idx %arg11[%broadcast_in_dim3A_1151, %add3A_1156, %broadcast_in_dim3A_1149] : memref<16x32x128xf32, #tpu.memory_space<vmem>>[vector<16xi32>, vector<16xi32>, vector<16xi32>], vector<16xf32>,
      tpu.vector_store_idx %arg12[%iota3A, %broadcast_in_dim3A_1152], %gather3A_1153 : memref<32x512xf32, #tpu.memory_space<vmem>>[vector<16xi32>, vector<16xi32>], vector<16xf32>,
      %add3A_1158 = arith.constant 16 : i32
      %add3A_1159 = vector.broadcast %add3A_1158 : i32 to vector<16xi32>
      %add3A_1160 = arith.addi %iota3A, %add3A_1159 : vector<16xi32>
      tpu.vector_store_idx %arg12[%add3A_1160, %broadcast_in_dim3A_1152], %gather3A_1157 : memref<32x512xf32, #tpu.memory_space<vmem>>[vector<16xi32>, vector<16xi32>], vector<16xf32>,
      %add3A_1161 = arith.constant 4 : i32
      %add3A_1162 = arith.addi %add3A_1009, %add3A_1161 : i32
      %lt3A_1163 = arith.constant 128 : i32
      %lt3A_1164 = arith.cmpi slt, %add3A_1162, %lt3A_1163 : i32
      %convert_element_type3A_1165 = arith.extui %lt3A_1164 : i1 to i32
      %cond3A_1166 = arith.constant 0 : i32
      %cond3A_1167 = arith.cmpi ne, %convert_element_type3A_1165, %cond3A_1166 : i32
      scf.if %cond3A_1167 {
        %add3A_1328 = arith.constant 4 : i32
        %add3A_1329 = arith.addi %add3A_1009, %add3A_1328 : i32
        %mul3A_1330 = arith.constant 4 : i32
        %mul3A_1331 = arith.muli %add3A_1329, %mul3A_1330 : i32
        %get3A_1332 = arith.index_cast %mul3A_1331 : i32 to index
        %get3A_1333 = tpu.vector_load %arg9[%get3A_1332] {strides = array<i32>} : memref<528xi32, #tpu.memory_space<vmem>>, vector<16xi32>,
        %shift_right_logical3A_1334 = arith.constant 7 : i32
        %shift_right_logical3A_1335 = vector.broadcast %shift_right_logical3A_1334 : i32 to vector<16xi32>
        %shift_right_logical3A_1336 = arith.shrui %get3A_1333, %shift_right_logical3A_1335 : vector<16xi32>
        %mul3A_1337 = arith.constant 128 : i32
        %mul3A_1338 = vector.broadcast %mul3A_1337 : i32 to vector<16xi32>
        %mul3A_1339 = arith.muli %shift_right_logical3A_1336, %mul3A_1338 : vector<16xi32>
        %slice3A_1340 = vector.extract_strided_slice %mul3A_1339 {offsets = [0], sizes = [1], strides = [1]} : vector<16xi32> to vector<1xi32>
        %squeeze3A_1341 = vector.extract %slice3A_1340[0] : i32 from vector<1xi32>
        %multiple_of3A_1342 = tpu.assume_multiple %squeeze3A_1341, 128 : i32
        %dma_start3A_1343 = arith.constant 8 : i32
        %dma_start3A_1344 = arith.constant 8 : i32
        %dma_start3A_1345 = arith.constant 0 : i32
        %dma_start3A_1346 = arith.constant 0 : i32
        %dma_start3A_1347 = tpu.memref_slice %arg11[%dma_start3A_1343, %dma_start3A_1345, %dma_start3A_1346] : memref<16x32x128xf32, #tpu.memory_space<vmem>> -> memref<1x32x128xf32, #tpu.memory_space<vmem>>
        %dma_start3A_1348 = tpu.memref_squeeze %dma_start3A_1347 : memref<1x32x128xf32, #tpu.memory_space<vmem>> -> memref<32x128xf32, #tpu.memory_space<vmem>>
        %dma_start3A_1349 = arith.constant 0 : i32
        %dma_start3A_1350 = tpu.memref_slice %arg4[%dma_start3A_1349, %multiple_of3A_1342] : memref<32x1000000xf32, #tpu.memory_space<hbm>> -> memref<32x128xf32, #tpu.memory_space<hbm>>
        %dma_start3A_1351 = tpu.memref_slice %arg17[%dma_start3A_1344] : memref<16x!tpu.dma_semaphore, #tpu.memory_space<semaphore_mem>> -> memref<1x!tpu.dma_semaphore, #tpu.memory_space<semaphore_mem>>
        %dma_start3A_1352 = tpu.memref_squeeze %dma_start3A_1351 : memref<1x!tpu.dma_semaphore, #tpu.memory_space<semaphore_mem>> -> memref<!tpu.dma_semaphore, #tpu.memory_space<semaphore_mem>>
        %dma_start3A_1353 = arith.constant 0 : i32
        %dma_start3A_1354 = arith.constant 0 : i32
        %dma_start3A_1355 = tpu.memref_slice %arg11[%dma_start3A_1343, %dma_start3A_1353, %dma_start3A_1354] : memref<16x32x128xf32, #tpu.memory_space<vmem>> -> memref<1x32x128xf32, #tpu.memory_space<vmem>>
        %dma_start3A_1356 = tpu.memref_squeeze %dma_start3A_1355 : memref<1x32x128xf32, #tpu.memory_space<vmem>> -> memref<32x128xf32, #tpu.memory_space<vmem>>
        %dma_start3A_1357 = arith.constant 0 : i32
        %dma_start3A_1358 = tpu.memref_slice %arg4[%dma_start3A_1357, %multiple_of3A_1342] : memref<32x1000000xf32, #tpu.memory_space<hbm>> -> memref<32x128xf32, #tpu.memory_space<hbm>>
        tpu.enqueue_dma source(%dma_start3A_1358 : memref<32x128xf32, #tpu.memory_space<hbm>>) target(%dma_start3A_1356 : memref<32x128xf32, #tpu.memory_space<vmem>>) target_semaphore(%dma_start3A_1352 : memref<!tpu.dma_semaphore, #tpu.memory_space<semaphore_mem>>)
        %slice3A_1359 = vector.extract_strided_slice %mul3A_1339 {offsets = [1], sizes = [1], strides = [1]} : vector<16xi32> to vector<1xi32>
        %squeeze3A_1360 = vector.extract %slice3A_1359[0] : i32 from vector<1xi32>
        %multiple_of3A_1361 = tpu.assume_multiple %squeeze3A_1360, 128 : i32
        %dma_start3A_1362 = arith.constant 9 : i32
        %dma_start3A_1363 = arith.constant 9 : i32
        %dma_start3A_1364 = arith.constant 0 : i32
        %dma_start3A_1365 = arith.constant 0 : i32
        %dma_start3A_1366 = tpu.memref_slice %arg11[%dma_start3A_1362, %dma_start3A_1364, %dma_start3A_1365] : memref<16x32x128xf32, #tpu.memory_space<vmem>> -> memref<1x32x128xf32, #tpu.memory_space<vmem>>
        %dma_start3A_1367 = tpu.memref_squeeze %dma_start3A_1366 : memref<1x32x128xf32, #tpu.memory_space<vmem>> -> memref<32x128xf32, #tpu.memory_space<vmem>>
        %dma_start3A_1368 = arith.constant 0 : i32
        %dma_start3A_1369 = tpu.memref_slice %arg4[%dma_start3A_1368, %multiple_of3A_1361] : memref<32x1000000xf32, #tpu.memory_space<hbm>> -> memref<32x128xf32, #tpu.memory_space<hbm>>
        %dma_start3A_1370 = tpu.memref_slice %arg17[%dma_start3A_1363] : memref<16x!tpu.dma_semaphore, #tpu.memory_space<semaphore_mem>> -> memref<1x!tpu.dma_semaphore, #tpu.memory_space<semaphore_mem>>
        %dma_start3A_1371 = tpu.memref_squeeze %dma_start3A_1370 : memref<1x!tpu.dma_semaphore, #tpu.memory_space<semaphore_mem>> -> memref<!tpu.dma_semaphore, #tpu.memory_space<semaphore_mem>>
        %dma_start3A_1372 = arith.constant 0 : i32
        %dma_start3A_1373 = arith.constant 0 : i32
        %dma_start3A_1374 = tpu.memref_slice %arg11[%dma_start3A_1362, %dma_start3A_1372, %dma_start3A_1373] : memref<16x32x128xf32, #tpu.memory_space<vmem>> -> memref<1x32x128xf32, #tpu.memory_space<vmem>>
        %dma_start3A_1375 = tpu.memref_squeeze %dma_start3A_1374 : memref<1x32x128xf32, #tpu.memory_space<vmem>> -> memref<32x128xf32, #tpu.memory_space<vmem>>
        %dma_start3A_1376 = arith.constant 0 : i32
        %dma_start3A_1377 = tpu.memref_slice %arg4[%dma_start3A_1376, %multiple_of3A_1361] : memref<32x1000000xf32, #tpu.memory_space<hbm>> -> memref<32x128xf32, #tpu.memory_space<hbm>>
        tpu.enqueue_dma source(%dma_start3A_1377 : memref<32x128xf32, #tpu.memory_space<hbm>>) target(%dma_start3A_1375 : memref<32x128xf32, #tpu.memory_space<vmem>>) target_semaphore(%dma_start3A_1371 : memref<!tpu.dma_semaphore, #tpu.memory_space<semaphore_mem>>)
        %slice3A_1378 = vector.extract_strided_slice %mul3A_1339 {offsets = [2], sizes = [1], strides = [1]} : vector<16xi32> to vector<1xi32>
        %squeeze3A_1379 = vector.extract %slice3A_1378[0] : i32 from vector<1xi32>
        %multiple_of3A_1380 = tpu.assume_multiple %squeeze3A_1379, 128 : i32
        %dma_start3A_1381 = arith.constant 10 : i32
        %dma_start3A_1382 = arith.constant 10 : i32
        %dma_start3A_1383 = arith.constant 0 : i32
        %dma_start3A_1384 = arith.constant 0 : i32
        %dma_start3A_1385 = tpu.memref_slice %arg11[%dma_start3A_1381, %dma_start3A_1383, %dma_start3A_1384] : memref<16x32x128xf32, #tpu.memory_space<vmem>> -> memref<1x32x128xf32, #tpu.memory_space<vmem>>
        %dma_start3A_1386 = tpu.memref_squeeze %dma_start3A_1385 : memref<1x32x128xf32, #tpu.memory_space<vmem>> -> memref<32x128xf32, #tpu.memory_space<vmem>>
        %dma_start3A_1387 = arith.constant 0 : i32
        %dma_start3A_1388 = tpu.memref_slice %arg4[%dma_start3A_1387, %multiple_of3A_1380] : memref<32x1000000xf32, #tpu.memory_space<hbm>> -> memref<32x128xf32, #tpu.memory_space<hbm>>
        %dma_start3A_1389 = tpu.memref_slice %arg17[%dma_start3A_1382] : memref<16x!tpu.dma_semaphore, #tpu.memory_space<semaphore_mem>> -> memref<1x!tpu.dma_semaphore, #tpu.memory_space<semaphore_mem>>
        %dma_start3A_1390 = tpu.memref_squeeze %dma_start3A_1389 : memref<1x!tpu.dma_semaphore, #tpu.memory_space<semaphore_mem>> -> memref<!tpu.dma_semaphore, #tpu.memory_space<semaphore_mem>>
        %dma_start3A_1391 = arith.constant 0 : i32
        %dma_start3A_1392 = arith.constant 0 : i32
        %dma_start3A_1393 = tpu.memref_slice %arg11[%dma_start3A_1381, %dma_start3A_1391, %dma_start3A_1392] : memref<16x32x128xf32, #tpu.memory_space<vmem>> -> memref<1x32x128xf32, #tpu.memory_space<vmem>>
        %dma_start3A_1394 = tpu.memref_squeeze %dma_start3A_1393 : memref<1x32x128xf32, #tpu.memory_space<vmem>> -> memref<32x128xf32, #tpu.memory_space<vmem>>
        %dma_start3A_1395 = arith.constant 0 : i32
        %dma_start3A_1396 = tpu.memref_slice %arg4[%dma_start3A_1395, %multiple_of3A_1380] : memref<32x1000000xf32, #tpu.memory_space<hbm>> -> memref<32x128xf32, #tpu.memory_space<hbm>>
        tpu.enqueue_dma source(%dma_start3A_1396 : memref<32x128xf32, #tpu.memory_space<hbm>>) target(%dma_start3A_1394 : memref<32x128xf32, #tpu.memory_space<vmem>>) target_semaphore(%dma_start3A_1390 : memref<!tpu.dma_semaphore, #tpu.memory_space<semaphore_mem>>)
        %slice3A_1397 = vector.extract_strided_slice %mul3A_1339 {offsets = [3], sizes = [1], strides = [1]} : vector<16xi32> to vector<1xi32>
        %squeeze3A_1398 = vector.extract %slice3A_1397[0] : i32 from vector<1xi32>
        %multiple_of3A_1399 = tpu.assume_multiple %squeeze3A_1398, 128 : i32
        %dma_start3A_1400 = arith.constant 11 : i32
        %dma_start3A_1401 = arith.constant 11 : i32
        %dma_start3A_1402 = arith.constant 0 : i32
        %dma_start3A_1403 = arith.constant 0 : i32
        %dma_start3A_1404 = tpu.memref_slice %arg11[%dma_start3A_1400, %dma_start3A_1402, %dma_start3A_1403] : memref<16x32x128xf32, #tpu.memory_space<vmem>> -> memref<1x32x128xf32, #tpu.memory_space<vmem>>
        %dma_start3A_1405 = tpu.memref_squeeze %dma_start3A_1404 : memref<1x32x128xf32, #tpu.memory_space<vmem>> -> memref<32x128xf32, #tpu.memory_space<vmem>>
        %dma_start3A_1406 = arith.constant 0 : i32
        %dma_start3A_1407 = tpu.memref_slice %arg4[%dma_start3A_1406, %multiple_of3A_1399] : memref<32x1000000xf32, #tpu.memory_space<hbm>> -> memref<32x128xf32, #tpu.memory_space<hbm>>
        %dma_start3A_1408 = tpu.memref_slice %arg17[%dma_start3A_1401] : memref<16x!tpu.dma_semaphore, #tpu.memory_space<semaphore_mem>> -> memref<1x!tpu.dma_semaphore, #tpu.memory_space<semaphore_mem>>
        %dma_start3A_1409 = tpu.memref_squeeze %dma_start3A_1408 : memref<1x!tpu.dma_semaphore, #tpu.memory_space<semaphore_mem>> -> memref<!tpu.dma_semaphore, #tpu.memory_space<semaphore_mem>>
        %dma_start3A_1410 = arith.constant 0 : i32
        %dma_start3A_1411 = arith.constant 0 : i32
        %dma_start3A_1412 = tpu.memref_slice %arg11[%dma_start3A_1400, %dma_start3A_1410, %dma_start3A_1411] : memref<16x32x128xf32, #tpu.memory_space<vmem>> -> memref<1x32x128xf32, #tpu.memory_space<vmem>>
        %dma_start3A_1413 = tpu.memref_squeeze %dma_start3A_1412 : memref<1x32x128xf32, #tpu.memory_space<vmem>> -> memref<32x128xf32, #tpu.memory_space<vmem>>
        %dma_start3A_1414 = arith.constant 0 : i32
        %dma_start3A_1415 = tpu.memref_slice %arg4[%dma_start3A_1414, %multiple_of3A_1399] : memref<32x1000000xf32, #tpu.memory_space<hbm>> -> memref<32x128xf32, #tpu.memory_space<hbm>>
        tpu.enqueue_dma source(%dma_start3A_1415 : memref<32x128xf32, #tpu.memory_space<hbm>>) target(%dma_start3A_1413 : memref<32x128xf32, #tpu.memory_space<vmem>>) target_semaphore(%dma_start3A_1409 : memref<!tpu.dma_semaphore, #tpu.memory_space<semaphore_mem>>)
      } else {
      }
      %add3A_1168 = arith.constant 3 : i32
      %add3A_1169 = arith.addi %mul3A_694, %add3A_1168 : i32
      %dma_wait3A_1170 = arith.constant 12 : i32
      %dma_wait3A_1171 = arith.constant 12 : i32
      %dma_wait3A_1172 = arith.constant 0 : i32
      %dma_wait3A_1173 = arith.constant 0 : i32
      %dma_wait3A_1174 = tpu.memref_slice %arg11[%dma_wait3A_1170, %dma_wait3A_1172, %dma_wait3A_1173] : memref<16x32x128xf32, #tpu.memory_space<vmem>> -> memref<1x32x128xf32, #tpu.memory_space<vmem>>
      %dma_wait3A_1175 = tpu.memref_squeeze %dma_wait3A_1174 : memref<1x32x128xf32, #tpu.memory_space<vmem>> -> memref<32x128xf32, #tpu.memory_space<vmem>>
      %dma_wait3A_1176 = arith.constant 0 : i32
      %dma_wait3A_1177 = arith.constant 0 : i32
      %dma_wait3A_1178 = tpu.memref_slice %arg4[%dma_wait3A_1176, %dma_wait3A_1177] : memref<32x1000000xf32, #tpu.memory_space<hbm>> -> memref<32x128xf32, #tpu.memory_space<hbm>>
      %dma_wait3A_1179 = tpu.memref_slice %arg17[%dma_wait3A_1171] : memref<16x!tpu.dma_semaphore, #tpu.memory_space<semaphore_mem>> -> memref<1x!tpu.dma_semaphore, #tpu.memory_space<semaphore_mem>>
      %dma_wait3A_1180 = tpu.memref_squeeze %dma_wait3A_1179 : memref<1x!tpu.dma_semaphore, #tpu.memory_space<semaphore_mem>> -> memref<!tpu.dma_semaphore, #tpu.memory_space<semaphore_mem>>
      %dma_wait3A_1181 = arith.constant 0 : i32
      %dma_wait3A_1182 = arith.constant 0 : i32
      %dma_wait3A_1183 = tpu.memref_slice %arg11[%dma_wait3A_1170, %dma_wait3A_1181, %dma_wait3A_1182] : memref<16x32x128xf32, #tpu.memory_space<vmem>> -> memref<1x32x128xf32, #tpu.memory_space<vmem>>
      %dma_wait3A_1184 = tpu.memref_squeeze %dma_wait3A_1183 : memref<1x32x128xf32, #tpu.memory_space<vmem>> -> memref<32x128xf32, #tpu.memory_space<vmem>>
      %dma_wait3A_1185 = arith.constant 0 : i32
      %dma_wait3A_1186 = arith.constant 0 : i32
      %dma_wait3A_1187 = tpu.memref_slice %arg4[%dma_wait3A_1185, %dma_wait3A_1186] : memref<32x1000000xf32, #tpu.memory_space<hbm>> -> memref<32x128xf32, #tpu.memory_space<hbm>>
      tpu.wait_dma2 semaphore(%dma_wait3A_1180 : memref<!tpu.dma_semaphore, #tpu.memory_space<semaphore_mem>>) src(%dma_wait3A_1187 : memref<32x128xf32, #tpu.memory_space<hbm>>) dst(%dma_wait3A_1184 : memref<32x128xf32, #tpu.memory_space<vmem>>)
      %dma_wait3A_1188 = arith.constant 13 : i32
      %dma_wait3A_1189 = arith.constant 13 : i32
      %dma_wait3A_1190 = arith.constant 0 : i32
      %dma_wait3A_1191 = arith.constant 0 : i32
      %dma_wait3A_1192 = tpu.memref_slice %arg11[%dma_wait3A_1188, %dma_wait3A_1190, %dma_wait3A_1191] : memref<16x32x128xf32, #tpu.memory_space<vmem>> -> memref<1x32x128xf32, #tpu.memory_space<vmem>>
      %dma_wait3A_1193 = tpu.memref_squeeze %dma_wait3A_1192 : memref<1x32x128xf32, #tpu.memory_space<vmem>> -> memref<32x128xf32, #tpu.memory_space<vmem>>
      %dma_wait3A_1194 = arith.constant 0 : i32
      %dma_wait3A_1195 = arith.constant 0 : i32
      %dma_wait3A_1196 = tpu.memref_slice %arg4[%dma_wait3A_1194, %dma_wait3A_1195] : memref<32x1000000xf32, #tpu.memory_space<hbm>> -> memref<32x128xf32, #tpu.memory_space<hbm>>
      %dma_wait3A_1197 = tpu.memref_slice %arg17[%dma_wait3A_1189] : memref<16x!tpu.dma_semaphore, #tpu.memory_space<semaphore_mem>> -> memref<1x!tpu.dma_semaphore, #tpu.memory_space<semaphore_mem>>
      %dma_wait3A_1198 = tpu.memref_squeeze %dma_wait3A_1197 : memref<1x!tpu.dma_semaphore, #tpu.memory_space<semaphore_mem>> -> memref<!tpu.dma_semaphore, #tpu.memory_space<semaphore_mem>>
      %dma_wait3A_1199 = arith.constant 0 : i32
      %dma_wait3A_1200 = arith.constant 0 : i32
      %dma_wait3A_1201 = tpu.memref_slice %arg11[%dma_wait3A_1188, %dma_wait3A_1199, %dma_wait3A_1200] : memref<16x32x128xf32, #tpu.memory_space<vmem>> -> memref<1x32x128xf32, #tpu.memory_space<vmem>>
      %dma_wait3A_1202 = tpu.memref_squeeze %dma_wait3A_1201 : memref<1x32x128xf32, #tpu.memory_space<vmem>> -> memref<32x128xf32, #tpu.memory_space<vmem>>
      %dma_wait3A_1203 = arith.constant 0 : i32
      %dma_wait3A_1204 = arith.constant 0 : i32
      %dma_wait3A_1205 = tpu.memref_slice %arg4[%dma_wait3A_1203, %dma_wait3A_1204] : memref<32x1000000xf32, #tpu.memory_space<hbm>> -> memref<32x128xf32, #tpu.memory_space<hbm>>
      tpu.wait_dma2 semaphore(%dma_wait3A_1198 : memref<!tpu.dma_semaphore, #tpu.memory_space<semaphore_mem>>) src(%dma_wait3A_1205 : memref<32x128xf32, #tpu.memory_space<hbm>>) dst(%dma_wait3A_1202 : memref<32x128xf32, #tpu.memory_space<vmem>>)
      %dma_wait3A_1206 = arith.constant 14 : i32
      %dma_wait3A_1207 = arith.constant 14 : i32
      %dma_wait3A_1208 = arith.constant 0 : i32
      %dma_wait3A_1209 = arith.constant 0 : i32
      %dma_wait3A_1210 = tpu.memref_slice %arg11[%dma_wait3A_1206, %dma_wait3A_1208, %dma_wait3A_1209] : memref<16x32x128xf32, #tpu.memory_space<vmem>> -> memref<1x32x128xf32, #tpu.memory_space<vmem>>
      %dma_wait3A_1211 = tpu.memref_squeeze %dma_wait3A_1210 : memref<1x32x128xf32, #tpu.memory_space<vmem>> -> memref<32x128xf32, #tpu.memory_space<vmem>>
      %dma_wait3A_1212 = arith.constant 0 : i32
      %dma_wait3A_1213 = arith.constant 0 : i32
      %dma_wait3A_1214 = tpu.memref_slice %arg4[%dma_wait3A_1212, %dma_wait3A_1213] : memref<32x1000000xf32, #tpu.memory_space<hbm>> -> memref<32x128xf32, #tpu.memory_space<hbm>>
      %dma_wait3A_1215 = tpu.memref_slice %arg17[%dma_wait3A_1207] : memref<16x!tpu.dma_semaphore, #tpu.memory_space<semaphore_mem>> -> memref<1x!tpu.dma_semaphore, #tpu.memory_space<semaphore_mem>>
      %dma_wait3A_1216 = tpu.memref_squeeze %dma_wait3A_1215 : memref<1x!tpu.dma_semaphore, #tpu.memory_space<semaphore_mem>> -> memref<!tpu.dma_semaphore, #tpu.memory_space<semaphore_mem>>
      %dma_wait3A_1217 = arith.constant 0 : i32
      %dma_wait3A_1218 = arith.constant 0 : i32
      %dma_wait3A_1219 = tpu.memref_slice %arg11[%dma_wait3A_1206, %dma_wait3A_1217, %dma_wait3A_1218] : memref<16x32x128xf32, #tpu.memory_space<vmem>> -> memref<1x32x128xf32, #tpu.memory_space<vmem>>
      %dma_wait3A_1220 = tpu.memref_squeeze %dma_wait3A_1219 : memref<1x32x128xf32, #tpu.memory_space<vmem>> -> memref<32x128xf32, #tpu.memory_space<vmem>>
      %dma_wait3A_1221 = arith.constant 0 : i32
      %dma_wait3A_1222 = arith.constant 0 : i32
      %dma_wait3A_1223 = tpu.memref_slice %arg4[%dma_wait3A_1221, %dma_wait3A_1222] : memref<32x1000000xf32, #tpu.memory_space<hbm>> -> memref<32x128xf32, #tpu.memory_space<hbm>>
      tpu.wait_dma2 semaphore(%dma_wait3A_1216 : memref<!tpu.dma_semaphore, #tpu.memory_space<semaphore_mem>>) src(%dma_wait3A_1223 : memref<32x128xf32, #tpu.memory_space<hbm>>) dst(%dma_wait3A_1220 : memref<32x128xf32, #tpu.memory_space<vmem>>)
      %dma_wait3A_1224 = arith.constant 15 : i32
      %dma_wait3A_1225 = arith.constant 15 : i32
      %dma_wait3A_1226 = arith.constant 0 : i32
      %dma_wait3A_1227 = arith.constant 0 : i32
      %dma_wait3A_1228 = tpu.memref_slice %arg11[%dma_wait3A_1224, %dma_wait3A_1226, %dma_wait3A_1227] : memref<16x32x128xf32, #tpu.memory_space<vmem>> -> memref<1x32x128xf32, #tpu.memory_space<vmem>>
      %dma_wait3A_1229 = tpu.memref_squeeze %dma_wait3A_1228 : memref<1x32x128xf32, #tpu.memory_space<vmem>> -> memref<32x128xf32, #tpu.memory_space<vmem>>
      %dma_wait3A_1230 = arith.constant 0 : i32
      %dma_wait3A_1231 = arith.constant 0 : i32
      %dma_wait3A_1232 = tpu.memref_slice %arg4[%dma_wait3A_1230, %dma_wait3A_1231] : memref<32x1000000xf32, #tpu.memory_space<hbm>> -> memref<32x128xf32, #tpu.memory_space<hbm>>
      %dma_wait3A_1233 = tpu.memref_slice %arg17[%dma_wait3A_1225] : memref<16x!tpu.dma_semaphore, #tpu.memory_space<semaphore_mem>> -> memref<1x!tpu.dma_semaphore, #tpu.memory_space<semaphore_mem>>
      %dma_wait3A_1234 = tpu.memref_squeeze %dma_wait3A_1233 : memref<1x!tpu.dma_semaphore, #tpu.memory_space<semaphore_mem>> -> memref<!tpu.dma_semaphore, #tpu.memory_space<semaphore_mem>>
      %dma_wait3A_1235 = arith.constant 0 : i32
      %dma_wait3A_1236 = arith.constant 0 : i32
      %dma_wait3A_1237 = tpu.memref_slice %arg11[%dma_wait3A_1224, %dma_wait3A_1235, %dma_wait3A_1236] : memref<16x32x128xf32, #tpu.memory_space<vmem>> -> memref<1x32x128xf32, #tpu.memory_space<vmem>>
      %dma_wait3A_1238 = tpu.memref_squeeze %dma_wait3A_1237 : memref<1x32x128xf32, #tpu.memory_space<vmem>> -> memref<32x128xf32, #tpu.memory_space<vmem>>
      %dma_wait3A_1239 = arith.constant 0 : i32
      %dma_wait3A_1240 = arith.constant 0 : i32
      %dma_wait3A_1241 = tpu.memref_slice %arg4[%dma_wait3A_1239, %dma_wait3A_1240] : memref<32x1000000xf32, #tpu.memory_space<hbm>> -> memref<32x128xf32, #tpu.memory_space<hbm>>
      tpu.wait_dma2 semaphore(%dma_wait3A_1234 : memref<!tpu.dma_semaphore, #tpu.memory_space<semaphore_mem>>) src(%dma_wait3A_1241 : memref<32x128xf32, #tpu.memory_space<hbm>>) dst(%dma_wait3A_1238 : memref<32x128xf32, #tpu.memory_space<vmem>>)
      %mul3A_1242 = arith.constant 4 : i32
      %mul3A_1243 = arith.muli %add3A_1169, %mul3A_1242 : i32
      %get3A_1244 = arith.index_cast %mul3A_1243 : i32 to index
      %get3A_1245 = tpu.vector_load %arg9[%get3A_1244] {strides = array<i32>} : memref<528xi32, #tpu.memory_space<vmem>>, vector<16xi32>,
      %and3A_1246 = arith.constant 127 : i32
      %and3A_1247 = vector.broadcast %and3A_1246 : i32 to vector<16xi32>
      %and3A_1248 = arith.andi %get3A_1245, %and3A_1247 : vector<16xi32>
      %mul3A_1249 = arith.constant 4 : i32
      %mul3A_1250 = arith.muli %add3A_1169, %mul3A_1249 : i32
      %add3A_1251 = arith.constant 0 : i32
      %add3A_1252 = arith.addi %mul3A_1250, %add3A_1251 : i32
      %slice3A_1253 = vector.extract_strided_slice %and3A_1248 {offsets = [0], sizes = [1], strides = [1]} : vector<16xi32> to vector<1xi32>
      %squeeze3A_1254 = vector.extract %slice3A_1253[0] : i32 from vector<1xi32>
      %broadcast_in_dim3A_1255 = vector.broadcast %squeeze3A_1254 : i32 to vector<16xi32>
      %broadcast_in_dim3A_1256 = arith.constant 12 : i32
      %broadcast_in_dim3A_1257 = vector.broadcast %broadcast_in_dim3A_1256 : i32 to vector<16xi32>
      %broadcast_in_dim3A_1258 = vector.broadcast %add3A_1252 : i32 to vector<16xi32>
      %gather3A_1259 = tpu.vector_load_idx %arg11[%broadcast_in_dim3A_1257, %iota3A, %broadcast_in_dim3A_1255] : memref<16x32x128xf32, #tpu.memory_space<vmem>>[vector<16xi32>, vector<16xi32>, vector<16xi32>], vector<16xf32>,
      %add3A_1260 = arith.constant 16 : i32
      %add3A_1261 = vector.broadcast %add3A_1260 : i32 to vector<16xi32>
      %add3A_1262 = arith.addi %iota3A, %add3A_1261 : vector<16xi32>
      %gather3A_1263 = tpu.vector_load_idx %arg11[%broadcast_in_dim3A_1257, %add3A_1262, %broadcast_in_dim3A_1255] : memref<16x32x128xf32, #tpu.memory_space<vmem>>[vector<16xi32>, vector<16xi32>, vector<16xi32>], vector<16xf32>,
      tpu.vector_store_idx %arg12[%iota3A, %broadcast_in_dim3A_1258], %gather3A_1259 : memref<32x512xf32, #tpu.memory_space<vmem>>[vector<16xi32>, vector<16xi32>], vector<16xf32>,
      %add3A_1264 = arith.constant 16 : i32
      %add3A_1265 = vector.broadcast %add3A_1264 : i32 to vector<16xi32>
      %add3A_1266 = arith.addi %iota3A, %add3A_1265 : vector<16xi32>
      tpu.vector_store_idx %arg12[%add3A_1266, %broadcast_in_dim3A_1258], %gather3A_1263 : memref<32x512xf32, #tpu.memory_space<vmem>>[vector<16xi32>, vector<16xi32>], vector<16xf32>,
      %mul3A_1267 = arith.constant 4 : i32
      %mul3A_1268 = arith.muli %add3A_1169, %mul3A_1267 : i32
      %add3A_1269 = arith.constant 1 : i32
      %add3A_1270 = arith.addi %mul3A_1268, %add3A_1269 : i32
      %slice3A_1271 = vector.extract_strided_slice %and3A_1248 {offsets = [1], sizes = [1], strides = [1]} : vector<16xi32> to vector<1xi32>
      %squeeze3A_1272 = vector.extract %slice3A_1271[0] : i32 from vector<1xi32>
      %broadcast_in_dim3A_1273 = vector.broadcast %squeeze3A_1272 : i32 to vector<16xi32>
      %broadcast_in_dim3A_1274 = arith.constant 13 : i32
      %broadcast_in_dim3A_1275 = vector.broadcast %broadcast_in_dim3A_1274 : i32 to vector<16xi32>
      %broadcast_in_dim3A_1276 = vector.broadcast %add3A_1270 : i32 to vector<16xi32>
      %gather3A_1277 = tpu.vector_load_idx %arg11[%broadcast_in_dim3A_1275, %iota3A, %broadcast_in_dim3A_1273] : memref<16x32x128xf32, #tpu.memory_space<vmem>>[vector<16xi32>, vector<16xi32>, vector<16xi32>], vector<16xf32>,
      %add3A_1278 = arith.constant 16 : i32
      %add3A_1279 = vector.broadcast %add3A_1278 : i32 to vector<16xi32>
      %add3A_1280 = arith.addi %iota3A, %add3A_1279 : vector<16xi32>
      %gather3A_1281 = tpu.vector_load_idx %arg11[%broadcast_in_dim3A_1275, %add3A_1280, %broadcast_in_dim3A_1273] : memref<16x32x128xf32, #tpu.memory_space<vmem>>[vector<16xi32>, vector<16xi32>, vector<16xi32>], vector<16xf32>,
      tpu.vector_store_idx %arg12[%iota3A, %broadcast_in_dim3A_1276], %gather3A_1277 : memref<32x512xf32, #tpu.memory_space<vmem>>[vector<16xi32>, vector<16xi32>], vector<16xf32>,
      %add3A_1282 = arith.constant 16 : i32
      %add3A_1283 = vector.broadcast %add3A_1282 : i32 to vector<16xi32>
      %add3A_1284 = arith.addi %iota3A, %add3A_1283 : vector<16xi32>
      tpu.vector_store_idx %arg12[%add3A_1284, %broadcast_in_dim3A_1276], %gather3A_1281 : memref<32x512xf32, #tpu.memory_space<vmem>>[vector<16xi32>, vector<16xi32>], vector<16xf32>,
      %mul3A_1285 = arith.constant 4 : i32
      %mul3A_1286 = arith.muli %add3A_1169, %mul3A_1285 : i32
      %add3A_1287 = arith.constant 2 : i32
      %add3A_1288 = arith.addi %mul3A_1286, %add3A_1287 : i32
      %slice3A_1289 = vector.extract_strided_slice %and3A_1248 {offsets = [2], sizes = [1], strides = [1]} : vector<16xi32> to vector<1xi32>
      %squeeze3A_1290 = vector.extract %slice3A_1289[0] : i32 from vector<1xi32>
      %broadcast_in_dim3A_1291 = vector.broadcast %squeeze3A_1290 : i32 to vector<16xi32>
      %broadcast_in_dim3A_1292 = arith.constant 14 : i32
      %broadcast_in_dim3A_1293 = vector.broadcast %broadcast_in_dim3A_1292 : i32 to vector<16xi32>
      %broadcast_in_dim3A_1294 = vector.broadcast %add3A_1288 : i32 to vector<16xi32>
      %gather3A_1295 = tpu.vector_load_idx %arg11[%broadcast_in_dim3A_1293, %iota3A, %broadcast_in_dim3A_1291] : memref<16x32x128xf32, #tpu.memory_space<vmem>>[vector<16xi32>, vector<16xi32>, vector<16xi32>], vector<16xf32>,
      %add3A_1296 = arith.constant 16 : i32
      %add3A_1297 = vector.broadcast %add3A_1296 : i32 to vector<16xi32>
      %add3A_1298 = arith.addi %iota3A, %add3A_1297 : vector<16xi32>
      %gather3A_1299 = tpu.vector_load_idx %arg11[%broadcast_in_dim3A_1293, %add3A_1298, %broadcast_in_dim3A_1291] : memref<16x32x128xf32, #tpu.memory_space<vmem>>[vector<16xi32>, vector<16xi32>, vector<16xi32>], vector<16xf32>,
      tpu.vector_store_idx %arg12[%iota3A, %broadcast_in_dim3A_1294], %gather3A_1295 : memref<32x512xf32, #tpu.memory_space<vmem>>[vector<16xi32>, vector<16xi32>], vector<16xf32>,
      %add3A_1300 = arith.constant 16 : i32
      %add3A_1301 = vector.broadcast %add3A_1300 : i32 to vector<16xi32>
      %add3A_1302 = arith.addi %iota3A, %add3A_1301 : vector<16xi32>
      tpu.vector_store_idx %arg12[%add3A_1302, %broadcast_in_dim3A_1294], %gather3A_1299 : memref<32x512xf32, #tpu.memory_space<vmem>>[vector<16xi32>, vector<16xi32>], vector<16xf32>,
      %mul3A_1303 = arith.constant 4 : i32
      %mul3A_1304 = arith.muli %add3A_1169, %mul3A_1303 : i32
      %add3A_1305 = arith.constant 3 : i32
      %add3A_1306 = arith.addi %mul3A_1304, %add3A_1305 : i32
      %slice3A_1307 = vector.extract_strided_slice %and3A_1248 {offsets = [3], sizes = [1], strides = [1]} : vector<16xi32> to vector<1xi32>
      %squeeze3A_1308 = vector.extract %slice3A_1307[0] : i32 from vector<1xi32>
      %broadcast_in_dim3A_1309 = vector.broadcast %squeeze3A_1308 : i32 to vector<16xi32>
      %broadcast_in_dim3A_1310 = arith.constant 15 : i32
      %broadcast_in_dim3A_1311 = vector.broadcast %broadcast_in_dim3A_1310 : i32 to vector<16xi32>
      %broadcast_in_dim3A_1312 = vector.broadcast %add3A_1306 : i32 to vector<16xi32>
      %gather3A_1313 = tpu.vector_load_idx %arg11[%broadcast_in_dim3A_1311, %iota3A, %broadcast_in_dim3A_1309] : memref<16x32x128xf32, #tpu.memory_space<vmem>>[vector<16xi32>, vector<16xi32>, vector<16xi32>], vector<16xf32>,
      %add3A_1314 = arith.constant 16 : i32
      %add3A_1315 = vector.broadcast %add3A_1314 : i32 to vector<16xi32>
      %add3A_1316 = arith.addi %iota3A, %add3A_1315 : vector<16xi32>
      %gather3A_1317 = tpu.vector_load_idx %arg11[%broadcast_in_dim3A_1311, %add3A_1316, %broadcast_in_dim3A_1309] : memref<16x32x128xf32, #tpu.memory_space<vmem>>[vector<16xi32>, vector<16xi32>, vector<16xi32>], vector<16xf32>,
      tpu.vector_store_idx %arg12[%iota3A, %broadcast_in_dim3A_1312], %gather3A_1313 : memref<32x512xf32, #tpu.memory_space<vmem>>[vector<16xi32>, vector<16xi32>], vector<16xf32>,
      %add3A_1318 = arith.constant 16 : i32
      %add3A_1319 = vector.broadcast %add3A_1318 : i32 to vector<16xi32>
      %add3A_1320 = arith.addi %iota3A, %add3A_1319 : vector<16xi32>
      tpu.vector_store_idx %arg12[%add3A_1320, %broadcast_in_dim3A_1312], %gather3A_1317 : memref<32x512xf32, #tpu.memory_space<vmem>>[vector<16xi32>, vector<16xi32>], vector<16xf32>,
      %add3A_1321 = arith.constant 4 : i32
      %add3A_1322 = arith.addi %add3A_1169, %add3A_1321 : i32
      %lt3A_1323 = arith.constant 128 : i32
      %lt3A_1324 = arith.cmpi slt, %add3A_1322, %lt3A_1323 : i32
      %convert_element_type3A_1325 = arith.extui %lt3A_1324 : i1 to i32
      %cond3A_1326 = arith.constant 0 : i32
      %cond3A_1327 = arith.cmpi ne, %convert_element_type3A_1325, %cond3A_1326 : i32
      scf.if %cond3A_1327 {
        %add3A_1328 = arith.constant 4 : i32
        %add3A_1329 = arith.addi %add3A_1169, %add3A_1328 : i32
        %mul3A_1330 = arith.constant 4 : i32
        %mul3A_1331 = arith.muli %add3A_1329, %mul3A_1330 : i32
        %get3A_1332 = arith.index_cast %mul3A_1331 : i32 to index
        %get3A_1333 = tpu.vector_load %arg9[%get3A_1332] {strides = array<i32>} : memref<528xi32, #tpu.memory_space<vmem>>, vector<16xi32>,
        %shift_right_logical3A_1334 = arith.constant 7 : i32
        %shift_right_logical3A_1335 = vector.broadcast %shift_right_logical3A_1334 : i32 to vector<16xi32>
        %shift_right_logical3A_1336 = arith.shrui %get3A_1333, %shift_right_logical3A_1335 : vector<16xi32>
        %mul3A_1337 = arith.constant 128 : i32
        %mul3A_1338 = vector.broadcast %mul3A_1337 : i32 to vector<16xi32>
        %mul3A_1339 = arith.muli %shift_right_logical3A_1336, %mul3A_1338 : vector<16xi32>
        %slice3A_1340 = vector.extract_strided_slice %mul3A_1339 {offsets = [0], sizes = [1], strides = [1]} : vector<16xi32> to vector<1xi32>
        %squeeze3A_1341 = vector.extract %slice3A_1340[0] : i32 from vector<1xi32>
        %multiple_of3A_1342 = tpu.assume_multiple %squeeze3A_1341, 128 : i32
        %dma_start3A_1343 = arith.constant 12 : i32
        %dma_start3A_1344 = arith.constant 12 : i32
        %dma_start3A_1345 = arith.constant 0 : i32
        %dma_start3A_1346 = arith.constant 0 : i32
        %dma_start3A_1347 = tpu.memref_slice %arg11[%dma_start3A_1343, %dma_start3A_1345, %dma_start3A_1346] : memref<16x32x128xf32, #tpu.memory_space<vmem>> -> memref<1x32x128xf32, #tpu.memory_space<vmem>>
        %dma_start3A_1348 = tpu.memref_squeeze %dma_start3A_1347 : memref<1x32x128xf32, #tpu.memory_space<vmem>> -> memref<32x128xf32, #tpu.memory_space<vmem>>
        %dma_start3A_1349 = arith.constant 0 : i32
        %dma_start3A_1350 = tpu.memref_slice %arg4[%dma_start3A_1349, %multiple_of3A_1342] : memref<32x1000000xf32, #tpu.memory_space<hbm>> -> memref<32x128xf32, #tpu.memory_space<hbm>>
        %dma_start3A_1351 = tpu.memref_slice %arg17[%dma_start3A_1344] : memref<16x!tpu.dma_semaphore, #tpu.memory_space<semaphore_mem>> -> memref<1x!tpu.dma_semaphore, #tpu.memory_space<semaphore_mem>>
        %dma_start3A_1352 = tpu.memref_squeeze %dma_start3A_1351 : memref<1x!tpu.dma_semaphore, #tpu.memory_space<semaphore_mem>> -> memref<!tpu.dma_semaphore, #tpu.memory_space<semaphore_mem>>
        %dma_start3A_1353 = arith.constant 0 : i32
        %dma_start3A_1354 = arith.constant 0 : i32
        %dma_start3A_1355 = tpu.memref_slice %arg11[%dma_start3A_1343, %dma_start3A_1353, %dma_start3A_1354] : memref<16x32x128xf32, #tpu.memory_space<vmem>> -> memref<1x32x128xf32, #tpu.memory_space<vmem>>
        %dma_start3A_1356 = tpu.memref_squeeze %dma_start3A_1355 : memref<1x32x128xf32, #tpu.memory_space<vmem>> -> memref<32x128xf32, #tpu.memory_space<vmem>>
        %dma_start3A_1357 = arith.constant 0 : i32
        %dma_start3A_1358 = tpu.memref_slice %arg4[%dma_start3A_1357, %multiple_of3A_1342] : memref<32x1000000xf32, #tpu.memory_space<hbm>> -> memref<32x128xf32, #tpu.memory_space<hbm>>
        tpu.enqueue_dma source(%dma_start3A_1358 : memref<32x128xf32, #tpu.memory_space<hbm>>) target(%dma_start3A_1356 : memref<32x128xf32, #tpu.memory_space<vmem>>) target_semaphore(%dma_start3A_1352 : memref<!tpu.dma_semaphore, #tpu.memory_space<semaphore_mem>>)
        %slice3A_1359 = vector.extract_strided_slice %mul3A_1339 {offsets = [1], sizes = [1], strides = [1]} : vector<16xi32> to vector<1xi32>
        %squeeze3A_1360 = vector.extract %slice3A_1359[0] : i32 from vector<1xi32>
        %multiple_of3A_1361 = tpu.assume_multiple %squeeze3A_1360, 128 : i32
        %dma_start3A_1362 = arith.constant 13 : i32
        %dma_start3A_1363 = arith.constant 13 : i32
        %dma_start3A_1364 = arith.constant 0 : i32
        %dma_start3A_1365 = arith.constant 0 : i32
        %dma_start3A_1366 = tpu.memref_slice %arg11[%dma_start3A_1362, %dma_start3A_1364, %dma_start3A_1365] : memref<16x32x128xf32, #tpu.memory_space<vmem>> -> memref<1x32x128xf32, #tpu.memory_space<vmem>>
        %dma_start3A_1367 = tpu.memref_squeeze %dma_start3A_1366 : memref<1x32x128xf32, #tpu.memory_space<vmem>> -> memref<32x128xf32, #tpu.memory_space<vmem>>
        %dma_start3A_1368 = arith.constant 0 : i32
        %dma_start3A_1369 = tpu.memref_slice %arg4[%dma_start3A_1368, %multiple_of3A_1361] : memref<32x1000000xf32, #tpu.memory_space<hbm>> -> memref<32x128xf32, #tpu.memory_space<hbm>>
        %dma_start3A_1370 = tpu.memref_slice %arg17[%dma_start3A_1363] : memref<16x!tpu.dma_semaphore, #tpu.memory_space<semaphore_mem>> -> memref<1x!tpu.dma_semaphore, #tpu.memory_space<semaphore_mem>>
        %dma_start3A_1371 = tpu.memref_squeeze %dma_start3A_1370 : memref<1x!tpu.dma_semaphore, #tpu.memory_space<semaphore_mem>> -> memref<!tpu.dma_semaphore, #tpu.memory_space<semaphore_mem>>
        %dma_start3A_1372 = arith.constant 0 : i32
        %dma_start3A_1373 = arith.constant 0 : i32
        %dma_start3A_1374 = tpu.memref_slice %arg11[%dma_start3A_1362, %dma_start3A_1372, %dma_start3A_1373] : memref<16x32x128xf32, #tpu.memory_space<vmem>> -> memref<1x32x128xf32, #tpu.memory_space<vmem>>
        %dma_start3A_1375 = tpu.memref_squeeze %dma_start3A_1374 : memref<1x32x128xf32, #tpu.memory_space<vmem>> -> memref<32x128xf32, #tpu.memory_space<vmem>>
        %dma_start3A_1376 = arith.constant 0 : i32
        %dma_start3A_1377 = tpu.memref_slice %arg4[%dma_start3A_1376, %multiple_of3A_1361] : memref<32x1000000xf32, #tpu.memory_space<hbm>> -> memref<32x128xf32, #tpu.memory_space<hbm>>
        tpu.enqueue_dma source(%dma_start3A_1377 : memref<32x128xf32, #tpu.memory_space<hbm>>) target(%dma_start3A_1375 : memref<32x128xf32, #tpu.memory_space<vmem>>) target_semaphore(%dma_start3A_1371 : memref<!tpu.dma_semaphore, #tpu.memory_space<semaphore_mem>>)
        %slice3A_1378 = vector.extract_strided_slice %mul3A_1339 {offsets = [2], sizes = [1], strides = [1]} : vector<16xi32> to vector<1xi32>
        %squeeze3A_1379 = vector.extract %slice3A_1378[0] : i32 from vector<1xi32>
        %multiple_of3A_1380 = tpu.assume_multiple %squeeze3A_1379, 128 : i32
        %dma_start3A_1381 = arith.constant 14 : i32
        %dma_start3A_1382 = arith.constant 14 : i32
        %dma_start3A_1383 = arith.constant 0 : i32
        %dma_start3A_1384 = arith.constant 0 : i32
        %dma_start3A_1385 = tpu.memref_slice %arg11[%dma_start3A_1381, %dma_start3A_1383, %dma_start3A_1384] : memref<16x32x128xf32, #tpu.memory_space<vmem>> -> memref<1x32x128xf32, #tpu.memory_space<vmem>>
        %dma_start3A_1386 = tpu.memref_squeeze %dma_start3A_1385 : memref<1x32x128xf32, #tpu.memory_space<vmem>> -> memref<32x128xf32, #tpu.memory_space<vmem>>
        %dma_start3A_1387 = arith.constant 0 : i32
        %dma_start3A_1388 = tpu.memref_slice %arg4[%dma_start3A_1387, %multiple_of3A_1380] : memref<32x1000000xf32, #tpu.memory_space<hbm>> -> memref<32x128xf32, #tpu.memory_space<hbm>>
        %dma_start3A_1389 = tpu.memref_slice %arg17[%dma_start3A_1382] : memref<16x!tpu.dma_semaphore, #tpu.memory_space<semaphore_mem>> -> memref<1x!tpu.dma_semaphore, #tpu.memory_space<semaphore_mem>>
        %dma_start3A_1390 = tpu.memref_squeeze %dma_start3A_1389 : memref<1x!tpu.dma_semaphore, #tpu.memory_space<semaphore_mem>> -> memref<!tpu.dma_semaphore, #tpu.memory_space<semaphore_mem>>
        %dma_start3A_1391 = arith.constant 0 : i32
        %dma_start3A_1392 = arith.constant 0 : i32
        %dma_start3A_1393 = tpu.memref_slice %arg11[%dma_start3A_1381, %dma_start3A_1391, %dma_start3A_1392] : memref<16x32x128xf32, #tpu.memory_space<vmem>> -> memref<1x32x128xf32, #tpu.memory_space<vmem>>
        %dma_start3A_1394 = tpu.memref_squeeze %dma_start3A_1393 : memref<1x32x128xf32, #tpu.memory_space<vmem>> -> memref<32x128xf32, #tpu.memory_space<vmem>>
        %dma_start3A_1395 = arith.constant 0 : i32
        %dma_start3A_1396 = tpu.memref_slice %arg4[%dma_start3A_1395, %multiple_of3A_1380] : memref<32x1000000xf32, #tpu.memory_space<hbm>> -> memref<32x128xf32, #tpu.memory_space<hbm>>
        tpu.enqueue_dma source(%dma_start3A_1396 : memref<32x128xf32, #tpu.memory_space<hbm>>) target(%dma_start3A_1394 : memref<32x128xf32, #tpu.memory_space<vmem>>) target_semaphore(%dma_start3A_1390 : memref<!tpu.dma_semaphore, #tpu.memory_space<semaphore_mem>>)
        %slice3A_1397 = vector.extract_strided_slice %mul3A_1339 {offsets = [3], sizes = [1], strides = [1]} : vector<16xi32> to vector<1xi32>
        %squeeze3A_1398 = vector.extract %slice3A_1397[0] : i32 from vector<1xi32>
        %multiple_of3A_1399 = tpu.assume_multiple %squeeze3A_1398, 128 : i32
        %dma_start3A_1400 = arith.constant 15 : i32
        %dma_start3A_1401 = arith.constant 15 : i32
        %dma_start3A_1402 = arith.constant 0 : i32
        %dma_start3A_1403 = arith.constant 0 : i32
        %dma_start3A_1404 = tpu.memref_slice %arg11[%dma_start3A_1400, %dma_start3A_1402, %dma_start3A_1403] : memref<16x32x128xf32, #tpu.memory_space<vmem>> -> memref<1x32x128xf32, #tpu.memory_space<vmem>>
        %dma_start3A_1405 = tpu.memref_squeeze %dma_start3A_1404 : memref<1x32x128xf32, #tpu.memory_space<vmem>> -> memref<32x128xf32, #tpu.memory_space<vmem>>
        %dma_start3A_1406 = arith.constant 0 : i32
        %dma_start3A_1407 = tpu.memref_slice %arg4[%dma_start3A_1406, %multiple_of3A_1399] : memref<32x1000000xf32, #tpu.memory_space<hbm>> -> memref<32x128xf32, #tpu.memory_space<hbm>>
        %dma_start3A_1408 = tpu.memref_slice %arg17[%dma_start3A_1401] : memref<16x!tpu.dma_semaphore, #tpu.memory_space<semaphore_mem>> -> memref<1x!tpu.dma_semaphore, #tpu.memory_space<semaphore_mem>>
        %dma_start3A_1409 = tpu.memref_squeeze %dma_start3A_1408 : memref<1x!tpu.dma_semaphore, #tpu.memory_space<semaphore_mem>> -> memref<!tpu.dma_semaphore, #tpu.memory_space<semaphore_mem>>
        %dma_start3A_1410 = arith.constant 0 : i32
        %dma_start3A_1411 = arith.constant 0 : i32
        %dma_start3A_1412 = tpu.memref_slice %arg11[%dma_start3A_1400, %dma_start3A_1410, %dma_start3A_1411] : memref<16x32x128xf32, #tpu.memory_space<vmem>> -> memref<1x32x128xf32, #tpu.memory_space<vmem>>
        %dma_start3A_1413 = tpu.memref_squeeze %dma_start3A_1412 : memref<1x32x128xf32, #tpu.memory_space<vmem>> -> memref<32x128xf32, #tpu.memory_space<vmem>>
        %dma_start3A_1414 = arith.constant 0 : i32
        %dma_start3A_1415 = tpu.memref_slice %arg4[%dma_start3A_1414, %multiple_of3A_1399] : memref<32x1000000xf32, #tpu.memory_space<hbm>> -> memref<32x128xf32, #tpu.memory_space<hbm>>
        tpu.enqueue_dma source(%dma_start3A_1415 : memref<32x128xf32, #tpu.memory_space<hbm>>) target(%dma_start3A_1413 : memref<32x128xf32, #tpu.memory_space<vmem>>) target_semaphore(%dma_start3A_1409 : memref<!tpu.dma_semaphore, #tpu.memory_space<semaphore_mem>>)
      } else {
      }
    }
    %scan3A_343 = arith.constant 32 : i32
    %get3A_344 = arith.constant 0 : index
    %get3A_345 = tpu.vector_load %arg10[%get3A_344] {strides = array<i32>} : memref<528xi32, #tpu.memory_space<vmem>>, vector<16xi32>,
    %shift_right_logical3A_346 = arith.constant 7 : i32
    %shift_right_logical3A_347 = vector.broadcast %shift_right_logical3A_346 : i32 to vector<16xi32>
    %shift_right_logical3A_348 = arith.shrui %get3A_345, %shift_right_logical3A_347 : vector<16xi32>
    %mul3A_349 = arith.constant 128 : i32
    %mul3A_350 = vector.broadcast %mul3A_349 : i32 to vector<16xi32>
    %mul3A_351 = arith.muli %shift_right_logical3A_348, %mul3A_350 : vector<16xi32>
    %slice3A_352 = vector.extract_strided_slice %mul3A_351 {offsets = [0], sizes = [1], strides = [1]} : vector<16xi32> to vector<1xi32>
    %squeeze3A_353 = vector.extract %slice3A_352[0] : i32 from vector<1xi32>
    %multiple_of3A_354 = tpu.assume_multiple %squeeze3A_353, 128 : i32
    %dma_start3A_355 = arith.constant 0 : i32
    %dma_start3A_356 = arith.constant 0 : i32
    %dma_start3A_357 = arith.constant 0 : i32
    %dma_start3A_358 = arith.constant 0 : i32
    %dma_start3A_359 = tpu.memref_slice %arg11[%dma_start3A_355, %dma_start3A_357, %dma_start3A_358] : memref<16x32x128xf32, #tpu.memory_space<vmem>> -> memref<1x32x128xf32, #tpu.memory_space<vmem>>
    %dma_start3A_360 = tpu.memref_squeeze %dma_start3A_359 : memref<1x32x128xf32, #tpu.memory_space<vmem>> -> memref<32x128xf32, #tpu.memory_space<vmem>>
    %dma_start3A_361 = arith.constant 0 : i32
    %dma_start3A_362 = tpu.memref_slice %arg5[%dma_start3A_361, %multiple_of3A_354] : memref<32x1000000xf32, #tpu.memory_space<hbm>> -> memref<32x128xf32, #tpu.memory_space<hbm>>
    %dma_start3A_363 = tpu.memref_slice %arg17[%dma_start3A_356] : memref<16x!tpu.dma_semaphore, #tpu.memory_space<semaphore_mem>> -> memref<1x!tpu.dma_semaphore, #tpu.memory_space<semaphore_mem>>
    %dma_start3A_364 = tpu.memref_squeeze %dma_start3A_363 : memref<1x!tpu.dma_semaphore, #tpu.memory_space<semaphore_mem>> -> memref<!tpu.dma_semaphore, #tpu.memory_space<semaphore_mem>>
    %dma_start3A_365 = arith.constant 0 : i32
    %dma_start3A_366 = arith.constant 0 : i32
    %dma_start3A_367 = tpu.memref_slice %arg11[%dma_start3A_355, %dma_start3A_365, %dma_start3A_366] : memref<16x32x128xf32, #tpu.memory_space<vmem>> -> memref<1x32x128xf32, #tpu.memory_space<vmem>>
    %dma_start3A_368 = tpu.memref_squeeze %dma_start3A_367 : memref<1x32x128xf32, #tpu.memory_space<vmem>> -> memref<32x128xf32, #tpu.memory_space<vmem>>
    %dma_start3A_369 = arith.constant 0 : i32
    %dma_start3A_370 = tpu.memref_slice %arg5[%dma_start3A_369, %multiple_of3A_354] : memref<32x1000000xf32, #tpu.memory_space<hbm>> -> memref<32x128xf32, #tpu.memory_space<hbm>>
    tpu.enqueue_dma source(%dma_start3A_370 : memref<32x128xf32, #tpu.memory_space<hbm>>) target(%dma_start3A_368 : memref<32x128xf32, #tpu.memory_space<vmem>>) target_semaphore(%dma_start3A_364 : memref<!tpu.dma_semaphore, #tpu.memory_space<semaphore_mem>>)
    %slice3A_371 = vector.extract_strided_slice %mul3A_351 {offsets = [1], sizes = [1], strides = [1]} : vector<16xi32> to vector<1xi32>
    %squeeze3A_372 = vector.extract %slice3A_371[0] : i32 from vector<1xi32>
    %multiple_of3A_373 = tpu.assume_multiple %squeeze3A_372, 128 : i32
    %dma_start3A_374 = arith.constant 1 : i32
    %dma_start3A_375 = arith.constant 1 : i32
    %dma_start3A_376 = arith.constant 0 : i32
    %dma_start3A_377 = arith.constant 0 : i32
    %dma_start3A_378 = tpu.memref_slice %arg11[%dma_start3A_374, %dma_start3A_376, %dma_start3A_377] : memref<16x32x128xf32, #tpu.memory_space<vmem>> -> memref<1x32x128xf32, #tpu.memory_space<vmem>>
    %dma_start3A_379 = tpu.memref_squeeze %dma_start3A_378 : memref<1x32x128xf32, #tpu.memory_space<vmem>> -> memref<32x128xf32, #tpu.memory_space<vmem>>
    %dma_start3A_380 = arith.constant 0 : i32
    %dma_start3A_381 = tpu.memref_slice %arg5[%dma_start3A_380, %multiple_of3A_373] : memref<32x1000000xf32, #tpu.memory_space<hbm>> -> memref<32x128xf32, #tpu.memory_space<hbm>>
    %dma_start3A_382 = tpu.memref_slice %arg17[%dma_start3A_375] : memref<16x!tpu.dma_semaphore, #tpu.memory_space<semaphore_mem>> -> memref<1x!tpu.dma_semaphore, #tpu.memory_space<semaphore_mem>>
    %dma_start3A_383 = tpu.memref_squeeze %dma_start3A_382 : memref<1x!tpu.dma_semaphore, #tpu.memory_space<semaphore_mem>> -> memref<!tpu.dma_semaphore, #tpu.memory_space<semaphore_mem>>
    %dma_start3A_384 = arith.constant 0 : i32
    %dma_start3A_385 = arith.constant 0 : i32
    %dma_start3A_386 = tpu.memref_slice %arg11[%dma_start3A_374, %dma_start3A_384, %dma_start3A_385] : memref<16x32x128xf32, #tpu.memory_space<vmem>> -> memref<1x32x128xf32, #tpu.memory_space<vmem>>
    %dma_start3A_387 = tpu.memref_squeeze %dma_start3A_386 : memref<1x32x128xf32, #tpu.memory_space<vmem>> -> memref<32x128xf32, #tpu.memory_space<vmem>>
    %dma_start3A_388 = arith.constant 0 : i32
    %dma_start3A_389 = tpu.memref_slice %arg5[%dma_start3A_388, %multiple_of3A_373] : memref<32x1000000xf32, #tpu.memory_space<hbm>> -> memref<32x128xf32, #tpu.memory_space<hbm>>
    tpu.enqueue_dma source(%dma_start3A_389 : memref<32x128xf32, #tpu.memory_space<hbm>>) target(%dma_start3A_387 : memref<32x128xf32, #tpu.memory_space<vmem>>) target_semaphore(%dma_start3A_383 : memref<!tpu.dma_semaphore, #tpu.memory_space<semaphore_mem>>)
    %slice3A_390 = vector.extract_strided_slice %mul3A_351 {offsets = [2], sizes = [1], strides = [1]} : vector<16xi32> to vector<1xi32>
    %squeeze3A_391 = vector.extract %slice3A_390[0] : i32 from vector<1xi32>
    %multiple_of3A_392 = tpu.assume_multiple %squeeze3A_391, 128 : i32
    %dma_start3A_393 = arith.constant 2 : i32
    %dma_start3A_394 = arith.constant 2 : i32
    %dma_start3A_395 = arith.constant 0 : i32
    %dma_start3A_396 = arith.constant 0 : i32
    %dma_start3A_397 = tpu.memref_slice %arg11[%dma_start3A_393, %dma_start3A_395, %dma_start3A_396] : memref<16x32x128xf32, #tpu.memory_space<vmem>> -> memref<1x32x128xf32, #tpu.memory_space<vmem>>
    %dma_start3A_398 = tpu.memref_squeeze %dma_start3A_397 : memref<1x32x128xf32, #tpu.memory_space<vmem>> -> memref<32x128xf32, #tpu.memory_space<vmem>>
    %dma_start3A_399 = arith.constant 0 : i32
    %dma_start3A_400 = tpu.memref_slice %arg5[%dma_start3A_399, %multiple_of3A_392] : memref<32x1000000xf32, #tpu.memory_space<hbm>> -> memref<32x128xf32, #tpu.memory_space<hbm>>
    %dma_start3A_401 = tpu.memref_slice %arg17[%dma_start3A_394] : memref<16x!tpu.dma_semaphore, #tpu.memory_space<semaphore_mem>> -> memref<1x!tpu.dma_semaphore, #tpu.memory_space<semaphore_mem>>
    %dma_start3A_402 = tpu.memref_squeeze %dma_start3A_401 : memref<1x!tpu.dma_semaphore, #tpu.memory_space<semaphore_mem>> -> memref<!tpu.dma_semaphore, #tpu.memory_space<semaphore_mem>>
    %dma_start3A_403 = arith.constant 0 : i32
    %dma_start3A_404 = arith.constant 0 : i32
    %dma_start3A_405 = tpu.memref_slice %arg11[%dma_start3A_393, %dma_start3A_403, %dma_start3A_404] : memref<16x32x128xf32, #tpu.memory_space<vmem>> -> memref<1x32x128xf32, #tpu.memory_space<vmem>>
    %dma_start3A_406 = tpu.memref_squeeze %dma_start3A_405 : memref<1x32x128xf32, #tpu.memory_space<vmem>> -> memref<32x128xf32, #tpu.memory_space<vmem>>
    %dma_start3A_407 = arith.constant 0 : i32
    %dma_start3A_408 = tpu.memref_slice %arg5[%dma_start3A_407, %multiple_of3A_392] : memref<32x1000000xf32, #tpu.memory_space<hbm>> -> memref<32x128xf32, #tpu.memory_space<hbm>>
    tpu.enqueue_dma source(%dma_start3A_408 : memref<32x128xf32, #tpu.memory_space<hbm>>) target(%dma_start3A_406 : memref<32x128xf32, #tpu.memory_space<vmem>>) target_semaphore(%dma_start3A_402 : memref<!tpu.dma_semaphore, #tpu.memory_space<semaphore_mem>>)
    %slice3A_409 = vector.extract_strided_slice %mul3A_351 {offsets = [3], sizes = [1], strides = [1]} : vector<16xi32> to vector<1xi32>
    %squeeze3A_410 = vector.extract %slice3A_409[0] : i32 from vector<1xi32>
    %multiple_of3A_411 = tpu.assume_multiple %squeeze3A_410, 128 : i32
    %dma_start3A_412 = arith.constant 3 : i32
    %dma_start3A_413 = arith.constant 3 : i32
    %dma_start3A_414 = arith.constant 0 : i32
    %dma_start3A_415 = arith.constant 0 : i32
    %dma_start3A_416 = tpu.memref_slice %arg11[%dma_start3A_412, %dma_start3A_414, %dma_start3A_415] : memref<16x32x128xf32, #tpu.memory_space<vmem>> -> memref<1x32x128xf32, #tpu.memory_space<vmem>>
    %dma_start3A_417 = tpu.memref_squeeze %dma_start3A_416 : memref<1x32x128xf32, #tpu.memory_space<vmem>> -> memref<32x128xf32, #tpu.memory_space<vmem>>
    %dma_start3A_418 = arith.constant 0 : i32
    %dma_start3A_419 = tpu.memref_slice %arg5[%dma_start3A_418, %multiple_of3A_411] : memref<32x1000000xf32, #tpu.memory_space<hbm>> -> memref<32x128xf32, #tpu.memory_space<hbm>>
    %dma_start3A_420 = tpu.memref_slice %arg17[%dma_start3A_413] : memref<16x!tpu.dma_semaphore, #tpu.memory_space<semaphore_mem>> -> memref<1x!tpu.dma_semaphore, #tpu.memory_space<semaphore_mem>>
    %dma_start3A_421 = tpu.memref_squeeze %dma_start3A_420 : memref<1x!tpu.dma_semaphore, #tpu.memory_space<semaphore_mem>> -> memref<!tpu.dma_semaphore, #tpu.memory_space<semaphore_mem>>
    %dma_start3A_422 = arith.constant 0 : i32
    %dma_start3A_423 = arith.constant 0 : i32
    %dma_start3A_424 = tpu.memref_slice %arg11[%dma_start3A_412, %dma_start3A_422, %dma_start3A_423] : memref<16x32x128xf32, #tpu.memory_space<vmem>> -> memref<1x32x128xf32, #tpu.memory_space<vmem>>
    %dma_start3A_425 = tpu.memref_squeeze %dma_start3A_424 : memref<1x32x128xf32, #tpu.memory_space<vmem>> -> memref<32x128xf32, #tpu.memory_space<vmem>>
    %dma_start3A_426 = arith.constant 0 : i32
    %dma_start3A_427 = tpu.memref_slice %arg5[%dma_start3A_426, %multiple_of3A_411] : memref<32x1000000xf32, #tpu.memory_space<hbm>> -> memref<32x128xf32, #tpu.memory_space<hbm>>
    tpu.enqueue_dma source(%dma_start3A_427 : memref<32x128xf32, #tpu.memory_space<hbm>>) target(%dma_start3A_425 : memref<32x128xf32, #tpu.memory_space<vmem>>) target_semaphore(%dma_start3A_421 : memref<!tpu.dma_semaphore, #tpu.memory_space<semaphore_mem>>)
    %get3A_428 = arith.constant 4 : index
    %get3A_429 = tpu.vector_load %arg10[%get3A_428] {strides = array<i32>} : memref<528xi32, #tpu.memory_space<vmem>>, vector<16xi32>,
    %shift_right_logical3A_430 = arith.constant 7 : i32
    %shift_right_logical3A_431 = vector.broadcast %shift_right_logical3A_430 : i32 to vector<16xi32>
    %shift_right_logical3A_432 = arith.shrui %get3A_429, %shift_right_logical3A_431 : vector<16xi32>
    %mul3A_433 = arith.constant 128 : i32
    %mul3A_434 = vector.broadcast %mul3A_433 : i32 to vector<16xi32>
    %mul3A_435 = arith.muli %shift_right_logical3A_432, %mul3A_434 : vector<16xi32>
    %slice3A_436 = vector.extract_strided_slice %mul3A_435 {offsets = [0], sizes = [1], strides = [1]} : vector<16xi32> to vector<1xi32>
    %squeeze3A_437 = vector.extract %slice3A_436[0] : i32 from vector<1xi32>
    %multiple_of3A_438 = tpu.assume_multiple %squeeze3A_437, 128 : i32
    %dma_start3A_439 = arith.constant 4 : i32
    %dma_start3A_440 = arith.constant 4 : i32
    %dma_start3A_441 = arith.constant 0 : i32
    %dma_start3A_442 = arith.constant 0 : i32
    %dma_start3A_443 = tpu.memref_slice %arg11[%dma_start3A_439, %dma_start3A_441, %dma_start3A_442] : memref<16x32x128xf32, #tpu.memory_space<vmem>> -> memref<1x32x128xf32, #tpu.memory_space<vmem>>
    %dma_start3A_444 = tpu.memref_squeeze %dma_start3A_443 : memref<1x32x128xf32, #tpu.memory_space<vmem>> -> memref<32x128xf32, #tpu.memory_space<vmem>>
    %dma_start3A_445 = arith.constant 0 : i32
    %dma_start3A_446 = tpu.memref_slice %arg5[%dma_start3A_445, %multiple_of3A_438] : memref<32x1000000xf32, #tpu.memory_space<hbm>> -> memref<32x128xf32, #tpu.memory_space<hbm>>
    %dma_start3A_447 = tpu.memref_slice %arg17[%dma_start3A_440] : memref<16x!tpu.dma_semaphore, #tpu.memory_space<semaphore_mem>> -> memref<1x!tpu.dma_semaphore, #tpu.memory_space<semaphore_mem>>
    %dma_start3A_448 = tpu.memref_squeeze %dma_start3A_447 : memref<1x!tpu.dma_semaphore, #tpu.memory_space<semaphore_mem>> -> memref<!tpu.dma_semaphore, #tpu.memory_space<semaphore_mem>>
    %dma_start3A_449 = arith.constant 0 : i32
    %dma_start3A_450 = arith.constant 0 : i32
    %dma_start3A_451 = tpu.memref_slice %arg11[%dma_start3A_439, %dma_start3A_449, %dma_start3A_450] : memref<16x32x128xf32, #tpu.memory_space<vmem>> -> memref<1x32x128xf32, #tpu.memory_space<vmem>>
    %dma_start3A_452 = tpu.memref_squeeze %dma_start3A_451 : memref<1x32x128xf32, #tpu.memory_space<vmem>> -> memref<32x128xf32, #tpu.memory_space<vmem>>
    %dma_start3A_453 = arith.constant 0 : i32
    %dma_start3A_454 = tpu.memref_slice %arg5[%dma_start3A_453, %multiple_of3A_438] : memref<32x1000000xf32, #tpu.memory_space<hbm>> -> memref<32x128xf32, #tpu.memory_space<hbm>>
    tpu.enqueue_dma source(%dma_start3A_454 : memref<32x128xf32, #tpu.memory_space<hbm>>) target(%dma_start3A_452 : memref<32x128xf32, #tpu.memory_space<vmem>>) target_semaphore(%dma_start3A_448 : memref<!tpu.dma_semaphore, #tpu.memory_space<semaphore_mem>>)
    %slice3A_455 = vector.extract_strided_slice %mul3A_435 {offsets = [1], sizes = [1], strides = [1]} : vector<16xi32> to vector<1xi32>
    %squeeze3A_456 = vector.extract %slice3A_455[0] : i32 from vector<1xi32>
    %multiple_of3A_457 = tpu.assume_multiple %squeeze3A_456, 128 : i32
    %dma_start3A_458 = arith.constant 5 : i32
    %dma_start3A_459 = arith.constant 5 : i32
    %dma_start3A_460 = arith.constant 0 : i32
    %dma_start3A_461 = arith.constant 0 : i32
    %dma_start3A_462 = tpu.memref_slice %arg11[%dma_start3A_458, %dma_start3A_460, %dma_start3A_461] : memref<16x32x128xf32, #tpu.memory_space<vmem>> -> memref<1x32x128xf32, #tpu.memory_space<vmem>>
    %dma_start3A_463 = tpu.memref_squeeze %dma_start3A_462 : memref<1x32x128xf32, #tpu.memory_space<vmem>> -> memref<32x128xf32, #tpu.memory_space<vmem>>
    %dma_start3A_464 = arith.constant 0 : i32
    %dma_start3A_465 = tpu.memref_slice %arg5[%dma_start3A_464, %multiple_of3A_457] : memref<32x1000000xf32, #tpu.memory_space<hbm>> -> memref<32x128xf32, #tpu.memory_space<hbm>>
    %dma_start3A_466 = tpu.memref_slice %arg17[%dma_start3A_459] : memref<16x!tpu.dma_semaphore, #tpu.memory_space<semaphore_mem>> -> memref<1x!tpu.dma_semaphore, #tpu.memory_space<semaphore_mem>>
    %dma_start3A_467 = tpu.memref_squeeze %dma_start3A_466 : memref<1x!tpu.dma_semaphore, #tpu.memory_space<semaphore_mem>> -> memref<!tpu.dma_semaphore, #tpu.memory_space<semaphore_mem>>
    %dma_start3A_468 = arith.constant 0 : i32
    %dma_start3A_469 = arith.constant 0 : i32
    %dma_start3A_470 = tpu.memref_slice %arg11[%dma_start3A_458, %dma_start3A_468, %dma_start3A_469] : memref<16x32x128xf32, #tpu.memory_space<vmem>> -> memref<1x32x128xf32, #tpu.memory_space<vmem>>
    %dma_start3A_471 = tpu.memref_squeeze %dma_start3A_470 : memref<1x32x128xf32, #tpu.memory_space<vmem>> -> memref<32x128xf32, #tpu.memory_space<vmem>>
    %dma_start3A_472 = arith.constant 0 : i32
    %dma_start3A_473 = tpu.memref_slice %arg5[%dma_start3A_472, %multiple_of3A_457] : memref<32x1000000xf32, #tpu.memory_space<hbm>> -> memref<32x128xf32, #tpu.memory_space<hbm>>
    tpu.enqueue_dma source(%dma_start3A_473 : memref<32x128xf32, #tpu.memory_space<hbm>>) target(%dma_start3A_471 : memref<32x128xf32, #tpu.memory_space<vmem>>) target_semaphore(%dma_start3A_467 : memref<!tpu.dma_semaphore, #tpu.memory_space<semaphore_mem>>)
    %slice3A_474 = vector.extract_strided_slice %mul3A_435 {offsets = [2], sizes = [1], strides = [1]} : vector<16xi32> to vector<1xi32>
    %squeeze3A_475 = vector.extract %slice3A_474[0] : i32 from vector<1xi32>
    %multiple_of3A_476 = tpu.assume_multiple %squeeze3A_475, 128 : i32
    %dma_start3A_477 = arith.constant 6 : i32
    %dma_start3A_478 = arith.constant 6 : i32
    %dma_start3A_479 = arith.constant 0 : i32
    %dma_start3A_480 = arith.constant 0 : i32
    %dma_start3A_481 = tpu.memref_slice %arg11[%dma_start3A_477, %dma_start3A_479, %dma_start3A_480] : memref<16x32x128xf32, #tpu.memory_space<vmem>> -> memref<1x32x128xf32, #tpu.memory_space<vmem>>
    %dma_start3A_482 = tpu.memref_squeeze %dma_start3A_481 : memref<1x32x128xf32, #tpu.memory_space<vmem>> -> memref<32x128xf32, #tpu.memory_space<vmem>>
    %dma_start3A_483 = arith.constant 0 : i32
    %dma_start3A_484 = tpu.memref_slice %arg5[%dma_start3A_483, %multiple_of3A_476] : memref<32x1000000xf32, #tpu.memory_space<hbm>> -> memref<32x128xf32, #tpu.memory_space<hbm>>
    %dma_start3A_485 = tpu.memref_slice %arg17[%dma_start3A_478] : memref<16x!tpu.dma_semaphore, #tpu.memory_space<semaphore_mem>> -> memref<1x!tpu.dma_semaphore, #tpu.memory_space<semaphore_mem>>
    %dma_start3A_486 = tpu.memref_squeeze %dma_start3A_485 : memref<1x!tpu.dma_semaphore, #tpu.memory_space<semaphore_mem>> -> memref<!tpu.dma_semaphore, #tpu.memory_space<semaphore_mem>>
    %dma_start3A_487 = arith.constant 0 : i32
    %dma_start3A_488 = arith.constant 0 : i32
    %dma_start3A_489 = tpu.memref_slice %arg11[%dma_start3A_477, %dma_start3A_487, %dma_start3A_488] : memref<16x32x128xf32, #tpu.memory_space<vmem>> -> memref<1x32x128xf32, #tpu.memory_space<vmem>>
    %dma_start3A_490 = tpu.memref_squeeze %dma_start3A_489 : memref<1x32x128xf32, #tpu.memory_space<vmem>> -> memref<32x128xf32, #tpu.memory_space<vmem>>
    %dma_start3A_491 = arith.constant 0 : i32
    %dma_start3A_492 = tpu.memref_slice %arg5[%dma_start3A_491, %multiple_of3A_476] : memref<32x1000000xf32, #tpu.memory_space<hbm>> -> memref<32x128xf32, #tpu.memory_space<hbm>>
    tpu.enqueue_dma source(%dma_start3A_492 : memref<32x128xf32, #tpu.memory_space<hbm>>) target(%dma_start3A_490 : memref<32x128xf32, #tpu.memory_space<vmem>>) target_semaphore(%dma_start3A_486 : memref<!tpu.dma_semaphore, #tpu.memory_space<semaphore_mem>>)
    %slice3A_493 = vector.extract_strided_slice %mul3A_435 {offsets = [3], sizes = [1], strides = [1]} : vector<16xi32> to vector<1xi32>
    %squeeze3A_494 = vector.extract %slice3A_493[0] : i32 from vector<1xi32>
    %multiple_of3A_495 = tpu.assume_multiple %squeeze3A_494, 128 : i32
    %dma_start3A_496 = arith.constant 7 : i32
    %dma_start3A_497 = arith.constant 7 : i32
    %dma_start3A_498 = arith.constant 0 : i32
    %dma_start3A_499 = arith.constant 0 : i32
    %dma_start3A_500 = tpu.memref_slice %arg11[%dma_start3A_496, %dma_start3A_498, %dma_start3A_499] : memref<16x32x128xf32, #tpu.memory_space<vmem>> -> memref<1x32x128xf32, #tpu.memory_space<vmem>>
    %dma_start3A_501 = tpu.memref_squeeze %dma_start3A_500 : memref<1x32x128xf32, #tpu.memory_space<vmem>> -> memref<32x128xf32, #tpu.memory_space<vmem>>
    %dma_start3A_502 = arith.constant 0 : i32
    %dma_start3A_503 = tpu.memref_slice %arg5[%dma_start3A_502, %multiple_of3A_495] : memref<32x1000000xf32, #tpu.memory_space<hbm>> -> memref<32x128xf32, #tpu.memory_space<hbm>>
    %dma_start3A_504 = tpu.memref_slice %arg17[%dma_start3A_497] : memref<16x!tpu.dma_semaphore, #tpu.memory_space<semaphore_mem>> -> memref<1x!tpu.dma_semaphore, #tpu.memory_space<semaphore_mem>>
    %dma_start3A_505 = tpu.memref_squeeze %dma_start3A_504 : memref<1x!tpu.dma_semaphore, #tpu.memory_space<semaphore_mem>> -> memref<!tpu.dma_semaphore, #tpu.memory_space<semaphore_mem>>
    %dma_start3A_506 = arith.constant 0 : i32
    %dma_start3A_507 = arith.constant 0 : i32
    %dma_start3A_508 = tpu.memref_slice %arg11[%dma_start3A_496, %dma_start3A_506, %dma_start3A_507] : memref<16x32x128xf32, #tpu.memory_space<vmem>> -> memref<1x32x128xf32, #tpu.memory_space<vmem>>
    %dma_start3A_509 = tpu.memref_squeeze %dma_start3A_508 : memref<1x32x128xf32, #tpu.memory_space<vmem>> -> memref<32x128xf32, #tpu.memory_space<vmem>>
    %dma_start3A_510 = arith.constant 0 : i32
    %dma_start3A_511 = tpu.memref_slice %arg5[%dma_start3A_510, %multiple_of3A_495] : memref<32x1000000xf32, #tpu.memory_space<hbm>> -> memref<32x128xf32, #tpu.memory_space<hbm>>
    tpu.enqueue_dma source(%dma_start3A_511 : memref<32x128xf32, #tpu.memory_space<hbm>>) target(%dma_start3A_509 : memref<32x128xf32, #tpu.memory_space<vmem>>) target_semaphore(%dma_start3A_505 : memref<!tpu.dma_semaphore, #tpu.memory_space<semaphore_mem>>)
    %get3A_512 = arith.constant 8 : index
    %get3A_513 = tpu.vector_load %arg10[%get3A_512] {strides = array<i32>} : memref<528xi32, #tpu.memory_space<vmem>>, vector<16xi32>,
    %shift_right_logical3A_514 = arith.constant 7 : i32
    %shift_right_logical3A_515 = vector.broadcast %shift_right_logical3A_514 : i32 to vector<16xi32>
    %shift_right_logical3A_516 = arith.shrui %get3A_513, %shift_right_logical3A_515 : vector<16xi32>
    %mul3A_517 = arith.constant 128 : i32
    %mul3A_518 = vector.broadcast %mul3A_517 : i32 to vector<16xi32>
    %mul3A_519 = arith.muli %shift_right_logical3A_516, %mul3A_518 : vector<16xi32>
    %slice3A_520 = vector.extract_strided_slice %mul3A_519 {offsets = [0], sizes = [1], strides = [1]} : vector<16xi32> to vector<1xi32>
    %squeeze3A_521 = vector.extract %slice3A_520[0] : i32 from vector<1xi32>
    %multiple_of3A_522 = tpu.assume_multiple %squeeze3A_521, 128 : i32
    %dma_start3A_523 = arith.constant 8 : i32
    %dma_start3A_524 = arith.constant 8 : i32
    %dma_start3A_525 = arith.constant 0 : i32
    %dma_start3A_526 = arith.constant 0 : i32
    %dma_start3A_527 = tpu.memref_slice %arg11[%dma_start3A_523, %dma_start3A_525, %dma_start3A_526] : memref<16x32x128xf32, #tpu.memory_space<vmem>> -> memref<1x32x128xf32, #tpu.memory_space<vmem>>
    %dma_start3A_528 = tpu.memref_squeeze %dma_start3A_527 : memref<1x32x128xf32, #tpu.memory_space<vmem>> -> memref<32x128xf32, #tpu.memory_space<vmem>>
    %dma_start3A_529 = arith.constant 0 : i32
    %dma_start3A_530 = tpu.memref_slice %arg5[%dma_start3A_529, %multiple_of3A_522] : memref<32x1000000xf32, #tpu.memory_space<hbm>> -> memref<32x128xf32, #tpu.memory_space<hbm>>
    %dma_start3A_531 = tpu.memref_slice %arg17[%dma_start3A_524] : memref<16x!tpu.dma_semaphore, #tpu.memory_space<semaphore_mem>> -> memref<1x!tpu.dma_semaphore, #tpu.memory_space<semaphore_mem>>
    %dma_start3A_532 = tpu.memref_squeeze %dma_start3A_531 : memref<1x!tpu.dma_semaphore, #tpu.memory_space<semaphore_mem>> -> memref<!tpu.dma_semaphore, #tpu.memory_space<semaphore_mem>>
    %dma_start3A_533 = arith.constant 0 : i32
    %dma_start3A_534 = arith.constant 0 : i32
    %dma_start3A_535 = tpu.memref_slice %arg11[%dma_start3A_523, %dma_start3A_533, %dma_start3A_534] : memref<16x32x128xf32, #tpu.memory_space<vmem>> -> memref<1x32x128xf32, #tpu.memory_space<vmem>>
    %dma_start3A_536 = tpu.memref_squeeze %dma_start3A_535 : memref<1x32x128xf32, #tpu.memory_space<vmem>> -> memref<32x128xf32, #tpu.memory_space<vmem>>
    %dma_start3A_537 = arith.constant 0 : i32
    %dma_start3A_538 = tpu.memref_slice %arg5[%dma_start3A_537, %multiple_of3A_522] : memref<32x1000000xf32, #tpu.memory_space<hbm>> -> memref<32x128xf32, #tpu.memory_space<hbm>>
    tpu.enqueue_dma source(%dma_start3A_538 : memref<32x128xf32, #tpu.memory_space<hbm>>) target(%dma_start3A_536 : memref<32x128xf32, #tpu.memory_space<vmem>>) target_semaphore(%dma_start3A_532 : memref<!tpu.dma_semaphore, #tpu.memory_space<semaphore_mem>>)
    %slice3A_539 = vector.extract_strided_slice %mul3A_519 {offsets = [1], sizes = [1], strides = [1]} : vector<16xi32> to vector<1xi32>
    %squeeze3A_540 = vector.extract %slice3A_539[0] : i32 from vector<1xi32>
    %multiple_of3A_541 = tpu.assume_multiple %squeeze3A_540, 128 : i32
    %dma_start3A_542 = arith.constant 9 : i32
    %dma_start3A_543 = arith.constant 9 : i32
    %dma_start3A_544 = arith.constant 0 : i32
    %dma_start3A_545 = arith.constant 0 : i32
    %dma_start3A_546 = tpu.memref_slice %arg11[%dma_start3A_542, %dma_start3A_544, %dma_start3A_545] : memref<16x32x128xf32, #tpu.memory_space<vmem>> -> memref<1x32x128xf32, #tpu.memory_space<vmem>>
    %dma_start3A_547 = tpu.memref_squeeze %dma_start3A_546 : memref<1x32x128xf32, #tpu.memory_space<vmem>> -> memref<32x128xf32, #tpu.memory_space<vmem>>
    %dma_start3A_548 = arith.constant 0 : i32
    %dma_start3A_549 = tpu.memref_slice %arg5[%dma_start3A_548, %multiple_of3A_541] : memref<32x1000000xf32, #tpu.memory_space<hbm>> -> memref<32x128xf32, #tpu.memory_space<hbm>>
    %dma_start3A_550 = tpu.memref_slice %arg17[%dma_start3A_543] : memref<16x!tpu.dma_semaphore, #tpu.memory_space<semaphore_mem>> -> memref<1x!tpu.dma_semaphore, #tpu.memory_space<semaphore_mem>>
    %dma_start3A_551 = tpu.memref_squeeze %dma_start3A_550 : memref<1x!tpu.dma_semaphore, #tpu.memory_space<semaphore_mem>> -> memref<!tpu.dma_semaphore, #tpu.memory_space<semaphore_mem>>
    %dma_start3A_552 = arith.constant 0 : i32
    %dma_start3A_553 = arith.constant 0 : i32
    %dma_start3A_554 = tpu.memref_slice %arg11[%dma_start3A_542, %dma_start3A_552, %dma_start3A_553] : memref<16x32x128xf32, #tpu.memory_space<vmem>> -> memref<1x32x128xf32, #tpu.memory_space<vmem>>
    %dma_start3A_555 = tpu.memref_squeeze %dma_start3A_554 : memref<1x32x128xf32, #tpu.memory_space<vmem>> -> memref<32x128xf32, #tpu.memory_space<vmem>>
    %dma_start3A_556 = arith.constant 0 : i32
    %dma_start3A_557 = tpu.memref_slice %arg5[%dma_start3A_556, %multiple_of3A_541] : memref<32x1000000xf32, #tpu.memory_space<hbm>> -> memref<32x128xf32, #tpu.memory_space<hbm>>
    tpu.enqueue_dma source(%dma_start3A_557 : memref<32x128xf32, #tpu.memory_space<hbm>>) target(%dma_start3A_555 : memref<32x128xf32, #tpu.memory_space<vmem>>) target_semaphore(%dma_start3A_551 : memref<!tpu.dma_semaphore, #tpu.memory_space<semaphore_mem>>)
    %slice3A_558 = vector.extract_strided_slice %mul3A_519 {offsets = [2], sizes = [1], strides = [1]} : vector<16xi32> to vector<1xi32>
    %squeeze3A_559 = vector.extract %slice3A_558[0] : i32 from vector<1xi32>
    %multiple_of3A_560 = tpu.assume_multiple %squeeze3A_559, 128 : i32
    %dma_start3A_561 = arith.constant 10 : i32
    %dma_start3A_562 = arith.constant 10 : i32
    %dma_start3A_563 = arith.constant 0 : i32
    %dma_start3A_564 = arith.constant 0 : i32
    %dma_start3A_565 = tpu.memref_slice %arg11[%dma_start3A_561, %dma_start3A_563, %dma_start3A_564] : memref<16x32x128xf32, #tpu.memory_space<vmem>> -> memref<1x32x128xf32, #tpu.memory_space<vmem>>
    %dma_start3A_566 = tpu.memref_squeeze %dma_start3A_565 : memref<1x32x128xf32, #tpu.memory_space<vmem>> -> memref<32x128xf32, #tpu.memory_space<vmem>>
    %dma_start3A_567 = arith.constant 0 : i32
    %dma_start3A_568 = tpu.memref_slice %arg5[%dma_start3A_567, %multiple_of3A_560] : memref<32x1000000xf32, #tpu.memory_space<hbm>> -> memref<32x128xf32, #tpu.memory_space<hbm>>
    %dma_start3A_569 = tpu.memref_slice %arg17[%dma_start3A_562] : memref<16x!tpu.dma_semaphore, #tpu.memory_space<semaphore_mem>> -> memref<1x!tpu.dma_semaphore, #tpu.memory_space<semaphore_mem>>
    %dma_start3A_570 = tpu.memref_squeeze %dma_start3A_569 : memref<1x!tpu.dma_semaphore, #tpu.memory_space<semaphore_mem>> -> memref<!tpu.dma_semaphore, #tpu.memory_space<semaphore_mem>>
    %dma_start3A_571 = arith.constant 0 : i32
    %dma_start3A_572 = arith.constant 0 : i32
    %dma_start3A_573 = tpu.memref_slice %arg11[%dma_start3A_561, %dma_start3A_571, %dma_start3A_572] : memref<16x32x128xf32, #tpu.memory_space<vmem>> -> memref<1x32x128xf32, #tpu.memory_space<vmem>>
    %dma_start3A_574 = tpu.memref_squeeze %dma_start3A_573 : memref<1x32x128xf32, #tpu.memory_space<vmem>> -> memref<32x128xf32, #tpu.memory_space<vmem>>
    %dma_start3A_575 = arith.constant 0 : i32
    %dma_start3A_576 = tpu.memref_slice %arg5[%dma_start3A_575, %multiple_of3A_560] : memref<32x1000000xf32, #tpu.memory_space<hbm>> -> memref<32x128xf32, #tpu.memory_space<hbm>>
    tpu.enqueue_dma source(%dma_start3A_576 : memref<32x128xf32, #tpu.memory_space<hbm>>) target(%dma_start3A_574 : memref<32x128xf32, #tpu.memory_space<vmem>>) target_semaphore(%dma_start3A_570 : memref<!tpu.dma_semaphore, #tpu.memory_space<semaphore_mem>>)
    %slice3A_577 = vector.extract_strided_slice %mul3A_519 {offsets = [3], sizes = [1], strides = [1]} : vector<16xi32> to vector<1xi32>
    %squeeze3A_578 = vector.extract %slice3A_577[0] : i32 from vector<1xi32>
    %multiple_of3A_579 = tpu.assume_multiple %squeeze3A_578, 128 : i32
    %dma_start3A_580 = arith.constant 11 : i32
    %dma_start3A_581 = arith.constant 11 : i32
    %dma_start3A_582 = arith.constant 0 : i32
    %dma_start3A_583 = arith.constant 0 : i32
    %dma_start3A_584 = tpu.memref_slice %arg11[%dma_start3A_580, %dma_start3A_582, %dma_start3A_583] : memref<16x32x128xf32, #tpu.memory_space<vmem>> -> memref<1x32x128xf32, #tpu.memory_space<vmem>>
    %dma_start3A_585 = tpu.memref_squeeze %dma_start3A_584 : memref<1x32x128xf32, #tpu.memory_space<vmem>> -> memref<32x128xf32, #tpu.memory_space<vmem>>
    %dma_start3A_586 = arith.constant 0 : i32
    %dma_start3A_587 = tpu.memref_slice %arg5[%dma_start3A_586, %multiple_of3A_579] : memref<32x1000000xf32, #tpu.memory_space<hbm>> -> memref<32x128xf32, #tpu.memory_space<hbm>>
    %dma_start3A_588 = tpu.memref_slice %arg17[%dma_start3A_581] : memref<16x!tpu.dma_semaphore, #tpu.memory_space<semaphore_mem>> -> memref<1x!tpu.dma_semaphore, #tpu.memory_space<semaphore_mem>>
    %dma_start3A_589 = tpu.memref_squeeze %dma_start3A_588 : memref<1x!tpu.dma_semaphore, #tpu.memory_space<semaphore_mem>> -> memref<!tpu.dma_semaphore, #tpu.memory_space<semaphore_mem>>
    %dma_start3A_590 = arith.constant 0 : i32
    %dma_start3A_591 = arith.constant 0 : i32
    %dma_start3A_592 = tpu.memref_slice %arg11[%dma_start3A_580, %dma_start3A_590, %dma_start3A_591] : memref<16x32x128xf32, #tpu.memory_space<vmem>> -> memref<1x32x128xf32, #tpu.memory_space<vmem>>
    %dma_start3A_593 = tpu.memref_squeeze %dma_start3A_592 : memref<1x32x128xf32, #tpu.memory_space<vmem>> -> memref<32x128xf32, #tpu.memory_space<vmem>>
    %dma_start3A_594 = arith.constant 0 : i32
    %dma_start3A_595 = tpu.memref_slice %arg5[%dma_start3A_594, %multiple_of3A_579] : memref<32x1000000xf32, #tpu.memory_space<hbm>> -> memref<32x128xf32, #tpu.memory_space<hbm>>
    tpu.enqueue_dma source(%dma_start3A_595 : memref<32x128xf32, #tpu.memory_space<hbm>>) target(%dma_start3A_593 : memref<32x128xf32, #tpu.memory_space<vmem>>) target_semaphore(%dma_start3A_589 : memref<!tpu.dma_semaphore, #tpu.memory_space<semaphore_mem>>)
    %get3A_596 = arith.constant 12 : index
    %get3A_597 = tpu.vector_load %arg10[%get3A_596] {strides = array<i32>} : memref<528xi32, #tpu.memory_space<vmem>>, vector<16xi32>,
    %shift_right_logical3A_598 = arith.constant 7 : i32
    %shift_right_logical3A_599 = vector.broadcast %shift_right_logical3A_598 : i32 to vector<16xi32>
    %shift_right_logical3A_600 = arith.shrui %get3A_597, %shift_right_logical3A_599 : vector<16xi32>
    %mul3A_601 = arith.constant 128 : i32
    %mul3A_602 = vector.broadcast %mul3A_601 : i32 to vector<16xi32>
    %mul3A_603 = arith.muli %shift_right_logical3A_600, %mul3A_602 : vector<16xi32>
    %slice3A_604 = vector.extract_strided_slice %mul3A_603 {offsets = [0], sizes = [1], strides = [1]} : vector<16xi32> to vector<1xi32>
    %squeeze3A_605 = vector.extract %slice3A_604[0] : i32 from vector<1xi32>
    %multiple_of3A_606 = tpu.assume_multiple %squeeze3A_605, 128 : i32
    %dma_start3A_607 = arith.constant 12 : i32
    %dma_start3A_608 = arith.constant 12 : i32
    %dma_start3A_609 = arith.constant 0 : i32
    %dma_start3A_610 = arith.constant 0 : i32
    %dma_start3A_611 = tpu.memref_slice %arg11[%dma_start3A_607, %dma_start3A_609, %dma_start3A_610] : memref<16x32x128xf32, #tpu.memory_space<vmem>> -> memref<1x32x128xf32, #tpu.memory_space<vmem>>
    %dma_start3A_612 = tpu.memref_squeeze %dma_start3A_611 : memref<1x32x128xf32, #tpu.memory_space<vmem>> -> memref<32x128xf32, #tpu.memory_space<vmem>>
    %dma_start3A_613 = arith.constant 0 : i32
    %dma_start3A_614 = tpu.memref_slice %arg5[%dma_start3A_613, %multiple_of3A_606] : memref<32x1000000xf32, #tpu.memory_space<hbm>> -> memref<32x128xf32, #tpu.memory_space<hbm>>
    %dma_start3A_615 = tpu.memref_slice %arg17[%dma_start3A_608] : memref<16x!tpu.dma_semaphore, #tpu.memory_space<semaphore_mem>> -> memref<1x!tpu.dma_semaphore, #tpu.memory_space<semaphore_mem>>
    %dma_start3A_616 = tpu.memref_squeeze %dma_start3A_615 : memref<1x!tpu.dma_semaphore, #tpu.memory_space<semaphore_mem>> -> memref<!tpu.dma_semaphore, #tpu.memory_space<semaphore_mem>>
    %dma_start3A_617 = arith.constant 0 : i32
    %dma_start3A_618 = arith.constant 0 : i32
    %dma_start3A_619 = tpu.memref_slice %arg11[%dma_start3A_607, %dma_start3A_617, %dma_start3A_618] : memref<16x32x128xf32, #tpu.memory_space<vmem>> -> memref<1x32x128xf32, #tpu.memory_space<vmem>>
    %dma_start3A_620 = tpu.memref_squeeze %dma_start3A_619 : memref<1x32x128xf32, #tpu.memory_space<vmem>> -> memref<32x128xf32, #tpu.memory_space<vmem>>
    %dma_start3A_621 = arith.constant 0 : i32
    %dma_start3A_622 = tpu.memref_slice %arg5[%dma_start3A_621, %multiple_of3A_606] : memref<32x1000000xf32, #tpu.memory_space<hbm>> -> memref<32x128xf32, #tpu.memory_space<hbm>>
    tpu.enqueue_dma source(%dma_start3A_622 : memref<32x128xf32, #tpu.memory_space<hbm>>) target(%dma_start3A_620 : memref<32x128xf32, #tpu.memory_space<vmem>>) target_semaphore(%dma_start3A_616 : memref<!tpu.dma_semaphore, #tpu.memory_space<semaphore_mem>>)
    %slice3A_623 = vector.extract_strided_slice %mul3A_603 {offsets = [1], sizes = [1], strides = [1]} : vector<16xi32> to vector<1xi32>
    %squeeze3A_624 = vector.extract %slice3A_623[0] : i32 from vector<1xi32>
    %multiple_of3A_625 = tpu.assume_multiple %squeeze3A_624, 128 : i32
    %dma_start3A_626 = arith.constant 13 : i32
    %dma_start3A_627 = arith.constant 13 : i32
    %dma_start3A_628 = arith.constant 0 : i32
    %dma_start3A_629 = arith.constant 0 : i32
    %dma_start3A_630 = tpu.memref_slice %arg11[%dma_start3A_626, %dma_start3A_628, %dma_start3A_629] : memref<16x32x128xf32, #tpu.memory_space<vmem>> -> memref<1x32x128xf32, #tpu.memory_space<vmem>>
    %dma_start3A_631 = tpu.memref_squeeze %dma_start3A_630 : memref<1x32x128xf32, #tpu.memory_space<vmem>> -> memref<32x128xf32, #tpu.memory_space<vmem>>
    %dma_start3A_632 = arith.constant 0 : i32
    %dma_start3A_633 = tpu.memref_slice %arg5[%dma_start3A_632, %multiple_of3A_625] : memref<32x1000000xf32, #tpu.memory_space<hbm>> -> memref<32x128xf32, #tpu.memory_space<hbm>>
    %dma_start3A_634 = tpu.memref_slice %arg17[%dma_start3A_627] : memref<16x!tpu.dma_semaphore, #tpu.memory_space<semaphore_mem>> -> memref<1x!tpu.dma_semaphore, #tpu.memory_space<semaphore_mem>>
    %dma_start3A_635 = tpu.memref_squeeze %dma_start3A_634 : memref<1x!tpu.dma_semaphore, #tpu.memory_space<semaphore_mem>> -> memref<!tpu.dma_semaphore, #tpu.memory_space<semaphore_mem>>
    %dma_start3A_636 = arith.constant 0 : i32
    %dma_start3A_637 = arith.constant 0 : i32
    %dma_start3A_638 = tpu.memref_slice %arg11[%dma_start3A_626, %dma_start3A_636, %dma_start3A_637] : memref<16x32x128xf32, #tpu.memory_space<vmem>> -> memref<1x32x128xf32, #tpu.memory_space<vmem>>
    %dma_start3A_639 = tpu.memref_squeeze %dma_start3A_638 : memref<1x32x128xf32, #tpu.memory_space<vmem>> -> memref<32x128xf32, #tpu.memory_space<vmem>>
    %dma_start3A_640 = arith.constant 0 : i32
    %dma_start3A_641 = tpu.memref_slice %arg5[%dma_start3A_640, %multiple_of3A_625] : memref<32x1000000xf32, #tpu.memory_space<hbm>> -> memref<32x128xf32, #tpu.memory_space<hbm>>
    tpu.enqueue_dma source(%dma_start3A_641 : memref<32x128xf32, #tpu.memory_space<hbm>>) target(%dma_start3A_639 : memref<32x128xf32, #tpu.memory_space<vmem>>) target_semaphore(%dma_start3A_635 : memref<!tpu.dma_semaphore, #tpu.memory_space<semaphore_mem>>)
    %slice3A_642 = vector.extract_strided_slice %mul3A_603 {offsets = [2], sizes = [1], strides = [1]} : vector<16xi32> to vector<1xi32>
    %squeeze3A_643 = vector.extract %slice3A_642[0] : i32 from vector<1xi32>
    %multiple_of3A_644 = tpu.assume_multiple %squeeze3A_643, 128 : i32
    %dma_start3A_645 = arith.constant 14 : i32
    %dma_start3A_646 = arith.constant 14 : i32
    %dma_start3A_647 = arith.constant 0 : i32
    %dma_start3A_648 = arith.constant 0 : i32
    %dma_start3A_649 = tpu.memref_slice %arg11[%dma_start3A_645, %dma_start3A_647, %dma_start3A_648] : memref<16x32x128xf32, #tpu.memory_space<vmem>> -> memref<1x32x128xf32, #tpu.memory_space<vmem>>
    %dma_start3A_650 = tpu.memref_squeeze %dma_start3A_649 : memref<1x32x128xf32, #tpu.memory_space<vmem>> -> memref<32x128xf32, #tpu.memory_space<vmem>>
    %dma_start3A_651 = arith.constant 0 : i32
    %dma_start3A_652 = tpu.memref_slice %arg5[%dma_start3A_651, %multiple_of3A_644] : memref<32x1000000xf32, #tpu.memory_space<hbm>> -> memref<32x128xf32, #tpu.memory_space<hbm>>
    %dma_start3A_653 = tpu.memref_slice %arg17[%dma_start3A_646] : memref<16x!tpu.dma_semaphore, #tpu.memory_space<semaphore_mem>> -> memref<1x!tpu.dma_semaphore, #tpu.memory_space<semaphore_mem>>
    %dma_start3A_654 = tpu.memref_squeeze %dma_start3A_653 : memref<1x!tpu.dma_semaphore, #tpu.memory_space<semaphore_mem>> -> memref<!tpu.dma_semaphore, #tpu.memory_space<semaphore_mem>>
    %dma_start3A_655 = arith.constant 0 : i32
    %dma_start3A_656 = arith.constant 0 : i32
    %dma_start3A_657 = tpu.memref_slice %arg11[%dma_start3A_645, %dma_start3A_655, %dma_start3A_656] : memref<16x32x128xf32, #tpu.memory_space<vmem>> -> memref<1x32x128xf32, #tpu.memory_space<vmem>>
    %dma_start3A_658 = tpu.memref_squeeze %dma_start3A_657 : memref<1x32x128xf32, #tpu.memory_space<vmem>> -> memref<32x128xf32, #tpu.memory_space<vmem>>
    %dma_start3A_659 = arith.constant 0 : i32
    %dma_start3A_660 = tpu.memref_slice %arg5[%dma_start3A_659, %multiple_of3A_644] : memref<32x1000000xf32, #tpu.memory_space<hbm>> -> memref<32x128xf32, #tpu.memory_space<hbm>>
    tpu.enqueue_dma source(%dma_start3A_660 : memref<32x128xf32, #tpu.memory_space<hbm>>) target(%dma_start3A_658 : memref<32x128xf32, #tpu.memory_space<vmem>>) target_semaphore(%dma_start3A_654 : memref<!tpu.dma_semaphore, #tpu.memory_space<semaphore_mem>>)
    %slice3A_661 = vector.extract_strided_slice %mul3A_603 {offsets = [3], sizes = [1], strides = [1]} : vector<16xi32> to vector<1xi32>
    %squeeze3A_662 = vector.extract %slice3A_661[0] : i32 from vector<1xi32>
    %multiple_of3A_663 = tpu.assume_multiple %squeeze3A_662, 128 : i32
    %dma_start3A_664 = arith.constant 15 : i32
    %dma_start3A_665 = arith.constant 15 : i32
    %dma_start3A_666 = arith.constant 0 : i32
    %dma_start3A_667 = arith.constant 0 : i32
    %dma_start3A_668 = tpu.memref_slice %arg11[%dma_start3A_664, %dma_start3A_666, %dma_start3A_667] : memref<16x32x128xf32, #tpu.memory_space<vmem>> -> memref<1x32x128xf32, #tpu.memory_space<vmem>>
    %dma_start3A_669 = tpu.memref_squeeze %dma_start3A_668 : memref<1x32x128xf32, #tpu.memory_space<vmem>> -> memref<32x128xf32, #tpu.memory_space<vmem>>
    %dma_start3A_670 = arith.constant 0 : i32
    %dma_start3A_671 = tpu.memref_slice %arg5[%dma_start3A_670, %multiple_of3A_663] : memref<32x1000000xf32, #tpu.memory_space<hbm>> -> memref<32x128xf32, #tpu.memory_space<hbm>>
    %dma_start3A_672 = tpu.memref_slice %arg17[%dma_start3A_665] : memref<16x!tpu.dma_semaphore, #tpu.memory_space<semaphore_mem>> -> memref<1x!tpu.dma_semaphore, #tpu.memory_space<semaphore_mem>>
    %dma_start3A_673 = tpu.memref_squeeze %dma_start3A_672 : memref<1x!tpu.dma_semaphore, #tpu.memory_space<semaphore_mem>> -> memref<!tpu.dma_semaphore, #tpu.memory_space<semaphore_mem>>
    %dma_start3A_674 = arith.constant 0 : i32
    %dma_start3A_675 = arith.constant 0 : i32
    %dma_start3A_676 = tpu.memref_slice %arg11[%dma_start3A_664, %dma_start3A_674, %dma_start3A_675] : memref<16x32x128xf32, #tpu.memory_space<vmem>> -> memref<1x32x128xf32, #tpu.memory_space<vmem>>
    %dma_start3A_677 = tpu.memref_squeeze %dma_start3A_676 : memref<1x32x128xf32, #tpu.memory_space<vmem>> -> memref<32x128xf32, #tpu.memory_space<vmem>>
    %dma_start3A_678 = arith.constant 0 : i32
    %dma_start3A_679 = tpu.memref_slice %arg5[%dma_start3A_678, %multiple_of3A_663] : memref<32x1000000xf32, #tpu.memory_space<hbm>> -> memref<32x128xf32, #tpu.memory_space<hbm>>
    tpu.enqueue_dma source(%dma_start3A_679 : memref<32x128xf32, #tpu.memory_space<hbm>>) target(%dma_start3A_677 : memref<32x128xf32, #tpu.memory_space<vmem>>) target_semaphore(%dma_start3A_673 : memref<!tpu.dma_semaphore, #tpu.memory_space<semaphore_mem>>)
    %scan3A_680 = arith.constant 0 : i32
    %scan3A_681 = arith.constant 0 : i32
    %scan3A_682 = arith.constant 32 : i32
    %scan3A_683 = arith.addi %scan3A_681, %scan3A_682 : i32
    %scan3A_684 = arith.constant 1 : i32
    scf.for %scan3A_692 = %scan3A_681 to %scan3A_683 step %scan3A_684  : i32 {
      %mul3A_693 = arith.constant 4 : i32
      %mul3A_694 = arith.muli %scan3A_692, %mul3A_693 : i32
      %add3A_695 = arith.constant 0 : i32
      %add3A_696 = arith.addi %mul3A_694, %add3A_695 : i32
      %dma_wait3A = arith.constant 0 : i32
      %dma_wait3A_697 = arith.constant 0 : i32
      %dma_wait3A_698 = arith.constant 0 : i32
      %dma_wait3A_699 = arith.constant 0 : i32
      %dma_wait3A_700 = tpu.memref_slice %arg11[%dma_wait3A, %dma_wait3A_698, %dma_wait3A_699] : memref<16x32x128xf32, #tpu.memory_space<vmem>> -> memref<1x32x128xf32, #tpu.memory_space<vmem>>
      %dma_wait3A_701 = tpu.memref_squeeze %dma_wait3A_700 : memref<1x32x128xf32, #tpu.memory_space<vmem>> -> memref<32x128xf32, #tpu.memory_space<vmem>>
      %dma_wait3A_702 = arith.constant 0 : i32
      %dma_wait3A_703 = arith.constant 0 : i32
      %dma_wait3A_704 = tpu.memref_slice %arg5[%dma_wait3A_702, %dma_wait3A_703] : memref<32x1000000xf32, #tpu.memory_space<hbm>> -> memref<32x128xf32, #tpu.memory_space<hbm>>
      %dma_wait3A_705 = tpu.memref_slice %arg17[%dma_wait3A_697] : memref<16x!tpu.dma_semaphore, #tpu.memory_space<semaphore_mem>> -> memref<1x!tpu.dma_semaphore, #tpu.memory_space<semaphore_mem>>
      %dma_wait3A_706 = tpu.memref_squeeze %dma_wait3A_705 : memref<1x!tpu.dma_semaphore, #tpu.memory_space<semaphore_mem>> -> memref<!tpu.dma_semaphore, #tpu.memory_space<semaphore_mem>>
      %dma_wait3A_707 = arith.constant 0 : i32
      %dma_wait3A_708 = arith.constant 0 : i32
      %dma_wait3A_709 = tpu.memref_slice %arg11[%dma_wait3A, %dma_wait3A_707, %dma_wait3A_708] : memref<16x32x128xf32, #tpu.memory_space<vmem>> -> memref<1x32x128xf32, #tpu.memory_space<vmem>>
      %dma_wait3A_710 = tpu.memref_squeeze %dma_wait3A_709 : memref<1x32x128xf32, #tpu.memory_space<vmem>> -> memref<32x128xf32, #tpu.memory_space<vmem>>
      %dma_wait3A_711 = arith.constant 0 : i32
      %dma_wait3A_712 = arith.constant 0 : i32
      %dma_wait3A_713 = tpu.memref_slice %arg5[%dma_wait3A_711, %dma_wait3A_712] : memref<32x1000000xf32, #tpu.memory_space<hbm>> -> memref<32x128xf32, #tpu.memory_space<hbm>>
      tpu.wait_dma2 semaphore(%dma_wait3A_706 : memref<!tpu.dma_semaphore, #tpu.memory_space<semaphore_mem>>) src(%dma_wait3A_713 : memref<32x128xf32, #tpu.memory_space<hbm>>) dst(%dma_wait3A_710 : memref<32x128xf32, #tpu.memory_space<vmem>>)
      %dma_wait3A_714 = arith.constant 1 : i32
      %dma_wait3A_715 = arith.constant 1 : i32
      %dma_wait3A_716 = arith.constant 0 : i32
      %dma_wait3A_717 = arith.constant 0 : i32
      %dma_wait3A_718 = tpu.memref_slice %arg11[%dma_wait3A_714, %dma_wait3A_716, %dma_wait3A_717] : memref<16x32x128xf32, #tpu.memory_space<vmem>> -> memref<1x32x128xf32, #tpu.memory_space<vmem>>
      %dma_wait3A_719 = tpu.memref_squeeze %dma_wait3A_718 : memref<1x32x128xf32, #tpu.memory_space<vmem>> -> memref<32x128xf32, #tpu.memory_space<vmem>>
      %dma_wait3A_720 = arith.constant 0 : i32
      %dma_wait3A_721 = arith.constant 0 : i32
      %dma_wait3A_722 = tpu.memref_slice %arg5[%dma_wait3A_720, %dma_wait3A_721] : memref<32x1000000xf32, #tpu.memory_space<hbm>> -> memref<32x128xf32, #tpu.memory_space<hbm>>
      %dma_wait3A_723 = tpu.memref_slice %arg17[%dma_wait3A_715] : memref<16x!tpu.dma_semaphore, #tpu.memory_space<semaphore_mem>> -> memref<1x!tpu.dma_semaphore, #tpu.memory_space<semaphore_mem>>
      %dma_wait3A_724 = tpu.memref_squeeze %dma_wait3A_723 : memref<1x!tpu.dma_semaphore, #tpu.memory_space<semaphore_mem>> -> memref<!tpu.dma_semaphore, #tpu.memory_space<semaphore_mem>>
      %dma_wait3A_725 = arith.constant 0 : i32
      %dma_wait3A_726 = arith.constant 0 : i32
      %dma_wait3A_727 = tpu.memref_slice %arg11[%dma_wait3A_714, %dma_wait3A_725, %dma_wait3A_726] : memref<16x32x128xf32, #tpu.memory_space<vmem>> -> memref<1x32x128xf32, #tpu.memory_space<vmem>>
      %dma_wait3A_728 = tpu.memref_squeeze %dma_wait3A_727 : memref<1x32x128xf32, #tpu.memory_space<vmem>> -> memref<32x128xf32, #tpu.memory_space<vmem>>
      %dma_wait3A_729 = arith.constant 0 : i32
      %dma_wait3A_730 = arith.constant 0 : i32
      %dma_wait3A_731 = tpu.memref_slice %arg5[%dma_wait3A_729, %dma_wait3A_730] : memref<32x1000000xf32, #tpu.memory_space<hbm>> -> memref<32x128xf32, #tpu.memory_space<hbm>>
      tpu.wait_dma2 semaphore(%dma_wait3A_724 : memref<!tpu.dma_semaphore, #tpu.memory_space<semaphore_mem>>) src(%dma_wait3A_731 : memref<32x128xf32, #tpu.memory_space<hbm>>) dst(%dma_wait3A_728 : memref<32x128xf32, #tpu.memory_space<vmem>>)
      %dma_wait3A_732 = arith.constant 2 : i32
      %dma_wait3A_733 = arith.constant 2 : i32
      %dma_wait3A_734 = arith.constant 0 : i32
      %dma_wait3A_735 = arith.constant 0 : i32
      %dma_wait3A_736 = tpu.memref_slice %arg11[%dma_wait3A_732, %dma_wait3A_734, %dma_wait3A_735] : memref<16x32x128xf32, #tpu.memory_space<vmem>> -> memref<1x32x128xf32, #tpu.memory_space<vmem>>
      %dma_wait3A_737 = tpu.memref_squeeze %dma_wait3A_736 : memref<1x32x128xf32, #tpu.memory_space<vmem>> -> memref<32x128xf32, #tpu.memory_space<vmem>>
      %dma_wait3A_738 = arith.constant 0 : i32
      %dma_wait3A_739 = arith.constant 0 : i32
      %dma_wait3A_740 = tpu.memref_slice %arg5[%dma_wait3A_738, %dma_wait3A_739] : memref<32x1000000xf32, #tpu.memory_space<hbm>> -> memref<32x128xf32, #tpu.memory_space<hbm>>
      %dma_wait3A_741 = tpu.memref_slice %arg17[%dma_wait3A_733] : memref<16x!tpu.dma_semaphore, #tpu.memory_space<semaphore_mem>> -> memref<1x!tpu.dma_semaphore, #tpu.memory_space<semaphore_mem>>
      %dma_wait3A_742 = tpu.memref_squeeze %dma_wait3A_741 : memref<1x!tpu.dma_semaphore, #tpu.memory_space<semaphore_mem>> -> memref<!tpu.dma_semaphore, #tpu.memory_space<semaphore_mem>>
      %dma_wait3A_743 = arith.constant 0 : i32
      %dma_wait3A_744 = arith.constant 0 : i32
      %dma_wait3A_745 = tpu.memref_slice %arg11[%dma_wait3A_732, %dma_wait3A_743, %dma_wait3A_744] : memref<16x32x128xf32, #tpu.memory_space<vmem>> -> memref<1x32x128xf32, #tpu.memory_space<vmem>>
      %dma_wait3A_746 = tpu.memref_squeeze %dma_wait3A_745 : memref<1x32x128xf32, #tpu.memory_space<vmem>> -> memref<32x128xf32, #tpu.memory_space<vmem>>
      %dma_wait3A_747 = arith.constant 0 : i32
      %dma_wait3A_748 = arith.constant 0 : i32
      %dma_wait3A_749 = tpu.memref_slice %arg5[%dma_wait3A_747, %dma_wait3A_748] : memref<32x1000000xf32, #tpu.memory_space<hbm>> -> memref<32x128xf32, #tpu.memory_space<hbm>>
      tpu.wait_dma2 semaphore(%dma_wait3A_742 : memref<!tpu.dma_semaphore, #tpu.memory_space<semaphore_mem>>) src(%dma_wait3A_749 : memref<32x128xf32, #tpu.memory_space<hbm>>) dst(%dma_wait3A_746 : memref<32x128xf32, #tpu.memory_space<vmem>>)
      %dma_wait3A_750 = arith.constant 3 : i32
      %dma_wait3A_751 = arith.constant 3 : i32
      %dma_wait3A_752 = arith.constant 0 : i32
      %dma_wait3A_753 = arith.constant 0 : i32
      %dma_wait3A_754 = tpu.memref_slice %arg11[%dma_wait3A_750, %dma_wait3A_752, %dma_wait3A_753] : memref<16x32x128xf32, #tpu.memory_space<vmem>> -> memref<1x32x128xf32, #tpu.memory_space<vmem>>
      %dma_wait3A_755 = tpu.memref_squeeze %dma_wait3A_754 : memref<1x32x128xf32, #tpu.memory_space<vmem>> -> memref<32x128xf32, #tpu.memory_space<vmem>>
      %dma_wait3A_756 = arith.constant 0 : i32
      %dma_wait3A_757 = arith.constant 0 : i32
      %dma_wait3A_758 = tpu.memref_slice %arg5[%dma_wait3A_756, %dma_wait3A_757] : memref<32x1000000xf32, #tpu.memory_space<hbm>> -> memref<32x128xf32, #tpu.memory_space<hbm>>
      %dma_wait3A_759 = tpu.memref_slice %arg17[%dma_wait3A_751] : memref<16x!tpu.dma_semaphore, #tpu.memory_space<semaphore_mem>> -> memref<1x!tpu.dma_semaphore, #tpu.memory_space<semaphore_mem>>
      %dma_wait3A_760 = tpu.memref_squeeze %dma_wait3A_759 : memref<1x!tpu.dma_semaphore, #tpu.memory_space<semaphore_mem>> -> memref<!tpu.dma_semaphore, #tpu.memory_space<semaphore_mem>>
      %dma_wait3A_761 = arith.constant 0 : i32
      %dma_wait3A_762 = arith.constant 0 : i32
      %dma_wait3A_763 = tpu.memref_slice %arg11[%dma_wait3A_750, %dma_wait3A_761, %dma_wait3A_762] : memref<16x32x128xf32, #tpu.memory_space<vmem>> -> memref<1x32x128xf32, #tpu.memory_space<vmem>>
      %dma_wait3A_764 = tpu.memref_squeeze %dma_wait3A_763 : memref<1x32x128xf32, #tpu.memory_space<vmem>> -> memref<32x128xf32, #tpu.memory_space<vmem>>
      %dma_wait3A_765 = arith.constant 0 : i32
      %dma_wait3A_766 = arith.constant 0 : i32
      %dma_wait3A_767 = tpu.memref_slice %arg5[%dma_wait3A_765, %dma_wait3A_766] : memref<32x1000000xf32, #tpu.memory_space<hbm>> -> memref<32x128xf32, #tpu.memory_space<hbm>>
      tpu.wait_dma2 semaphore(%dma_wait3A_760 : memref<!tpu.dma_semaphore, #tpu.memory_space<semaphore_mem>>) src(%dma_wait3A_767 : memref<32x128xf32, #tpu.memory_space<hbm>>) dst(%dma_wait3A_764 : memref<32x128xf32, #tpu.memory_space<vmem>>)
      %mul3A_768 = arith.constant 4 : i32
      %mul3A_769 = arith.muli %add3A_696, %mul3A_768 : i32
      %get3A_770 = arith.index_cast %mul3A_769 : i32 to index
      %get3A_771 = tpu.vector_load %arg10[%get3A_770] {strides = array<i32>} : memref<528xi32, #tpu.memory_space<vmem>>, vector<16xi32>,
      %and3A = arith.constant 127 : i32
      %and3A_772 = vector.broadcast %and3A : i32 to vector<16xi32>
      %and3A_773 = arith.andi %get3A_771, %and3A_772 : vector<16xi32>
      %mul3A_774 = arith.constant 4 : i32
      %mul3A_775 = arith.muli %add3A_696, %mul3A_774 : i32
      %add3A_776 = arith.constant 0 : i32
      %add3A_777 = arith.addi %mul3A_775, %add3A_776 : i32
      %slice3A_778 = vector.extract_strided_slice %and3A_773 {offsets = [0], sizes = [1], strides = [1]} : vector<16xi32> to vector<1xi32>
      %squeeze3A_779 = vector.extract %slice3A_778[0] : i32 from vector<1xi32>
      %broadcast_in_dim3A = vector.broadcast %squeeze3A_779 : i32 to vector<16xi32>
      %broadcast_in_dim3A_780 = arith.constant 0 : i32
      %broadcast_in_dim3A_781 = vector.broadcast %broadcast_in_dim3A_780 : i32 to vector<16xi32>
      %broadcast_in_dim3A_782 = vector.broadcast %add3A_777 : i32 to vector<16xi32>
      %gather3A = tpu.vector_load_idx %arg11[%broadcast_in_dim3A_781, %iota3A, %broadcast_in_dim3A] : memref<16x32x128xf32, #tpu.memory_space<vmem>>[vector<16xi32>, vector<16xi32>, vector<16xi32>], vector<16xf32>,
      %add3A_783 = arith.constant 16 : i32
      %add3A_784 = vector.broadcast %add3A_783 : i32 to vector<16xi32>
      %add3A_785 = arith.addi %iota3A, %add3A_784 : vector<16xi32>
      %gather3A_786 = tpu.vector_load_idx %arg11[%broadcast_in_dim3A_781, %add3A_785, %broadcast_in_dim3A] : memref<16x32x128xf32, #tpu.memory_space<vmem>>[vector<16xi32>, vector<16xi32>, vector<16xi32>], vector<16xf32>,
      tpu.vector_store_idx %arg13[%iota3A, %broadcast_in_dim3A_782], %gather3A : memref<32x512xf32, #tpu.memory_space<vmem>>[vector<16xi32>, vector<16xi32>], vector<16xf32>,
      %add3A_787 = arith.constant 16 : i32
      %add3A_788 = vector.broadcast %add3A_787 : i32 to vector<16xi32>
      %add3A_789 = arith.addi %iota3A, %add3A_788 : vector<16xi32>
      tpu.vector_store_idx %arg13[%add3A_789, %broadcast_in_dim3A_782], %gather3A_786 : memref<32x512xf32, #tpu.memory_space<vmem>>[vector<16xi32>, vector<16xi32>], vector<16xf32>,
      %mul3A_790 = arith.constant 4 : i32
      %mul3A_791 = arith.muli %add3A_696, %mul3A_790 : i32
      %add3A_792 = arith.constant 1 : i32
      %add3A_793 = arith.addi %mul3A_791, %add3A_792 : i32
      %slice3A_794 = vector.extract_strided_slice %and3A_773 {offsets = [1], sizes = [1], strides = [1]} : vector<16xi32> to vector<1xi32>
      %squeeze3A_795 = vector.extract %slice3A_794[0] : i32 from vector<1xi32>
      %broadcast_in_dim3A_796 = vector.broadcast %squeeze3A_795 : i32 to vector<16xi32>
      %broadcast_in_dim3A_797 = arith.constant 1 : i32
      %broadcast_in_dim3A_798 = vector.broadcast %broadcast_in_dim3A_797 : i32 to vector<16xi32>
      %broadcast_in_dim3A_799 = vector.broadcast %add3A_793 : i32 to vector<16xi32>
      %gather3A_800 = tpu.vector_load_idx %arg11[%broadcast_in_dim3A_798, %iota3A, %broadcast_in_dim3A_796] : memref<16x32x128xf32, #tpu.memory_space<vmem>>[vector<16xi32>, vector<16xi32>, vector<16xi32>], vector<16xf32>,
      %add3A_801 = arith.constant 16 : i32
      %add3A_802 = vector.broadcast %add3A_801 : i32 to vector<16xi32>
      %add3A_803 = arith.addi %iota3A, %add3A_802 : vector<16xi32>
      %gather3A_804 = tpu.vector_load_idx %arg11[%broadcast_in_dim3A_798, %add3A_803, %broadcast_in_dim3A_796] : memref<16x32x128xf32, #tpu.memory_space<vmem>>[vector<16xi32>, vector<16xi32>, vector<16xi32>], vector<16xf32>,
      tpu.vector_store_idx %arg13[%iota3A, %broadcast_in_dim3A_799], %gather3A_800 : memref<32x512xf32, #tpu.memory_space<vmem>>[vector<16xi32>, vector<16xi32>], vector<16xf32>,
      %add3A_805 = arith.constant 16 : i32
      %add3A_806 = vector.broadcast %add3A_805 : i32 to vector<16xi32>
      %add3A_807 = arith.addi %iota3A, %add3A_806 : vector<16xi32>
      tpu.vector_store_idx %arg13[%add3A_807, %broadcast_in_dim3A_799], %gather3A_804 : memref<32x512xf32, #tpu.memory_space<vmem>>[vector<16xi32>, vector<16xi32>], vector<16xf32>,
      %mul3A_808 = arith.constant 4 : i32
      %mul3A_809 = arith.muli %add3A_696, %mul3A_808 : i32
      %add3A_810 = arith.constant 2 : i32
      %add3A_811 = arith.addi %mul3A_809, %add3A_810 : i32
      %slice3A_812 = vector.extract_strided_slice %and3A_773 {offsets = [2], sizes = [1], strides = [1]} : vector<16xi32> to vector<1xi32>
      %squeeze3A_813 = vector.extract %slice3A_812[0] : i32 from vector<1xi32>
      %broadcast_in_dim3A_814 = vector.broadcast %squeeze3A_813 : i32 to vector<16xi32>
      %broadcast_in_dim3A_815 = arith.constant 2 : i32
      %broadcast_in_dim3A_816 = vector.broadcast %broadcast_in_dim3A_815 : i32 to vector<16xi32>
      %broadcast_in_dim3A_817 = vector.broadcast %add3A_811 : i32 to vector<16xi32>
      %gather3A_818 = tpu.vector_load_idx %arg11[%broadcast_in_dim3A_816, %iota3A, %broadcast_in_dim3A_814] : memref<16x32x128xf32, #tpu.memory_space<vmem>>[vector<16xi32>, vector<16xi32>, vector<16xi32>], vector<16xf32>,
      %add3A_819 = arith.constant 16 : i32
      %add3A_820 = vector.broadcast %add3A_819 : i32 to vector<16xi32>
      %add3A_821 = arith.addi %iota3A, %add3A_820 : vector<16xi32>
      %gather3A_822 = tpu.vector_load_idx %arg11[%broadcast_in_dim3A_816, %add3A_821, %broadcast_in_dim3A_814] : memref<16x32x128xf32, #tpu.memory_space<vmem>>[vector<16xi32>, vector<16xi32>, vector<16xi32>], vector<16xf32>,
      tpu.vector_store_idx %arg13[%iota3A, %broadcast_in_dim3A_817], %gather3A_818 : memref<32x512xf32, #tpu.memory_space<vmem>>[vector<16xi32>, vector<16xi32>], vector<16xf32>,
      %add3A_823 = arith.constant 16 : i32
      %add3A_824 = vector.broadcast %add3A_823 : i32 to vector<16xi32>
      %add3A_825 = arith.addi %iota3A, %add3A_824 : vector<16xi32>
      tpu.vector_store_idx %arg13[%add3A_825, %broadcast_in_dim3A_817], %gather3A_822 : memref<32x512xf32, #tpu.memory_space<vmem>>[vector<16xi32>, vector<16xi32>], vector<16xf32>,
      %mul3A_826 = arith.constant 4 : i32
      %mul3A_827 = arith.muli %add3A_696, %mul3A_826 : i32
      %add3A_828 = arith.constant 3 : i32
      %add3A_829 = arith.addi %mul3A_827, %add3A_828 : i32
      %slice3A_830 = vector.extract_strided_slice %and3A_773 {offsets = [3], sizes = [1], strides = [1]} : vector<16xi32> to vector<1xi32>
      %squeeze3A_831 = vector.extract %slice3A_830[0] : i32 from vector<1xi32>
      %broadcast_in_dim3A_832 = vector.broadcast %squeeze3A_831 : i32 to vector<16xi32>
      %broadcast_in_dim3A_833 = arith.constant 3 : i32
      %broadcast_in_dim3A_834 = vector.broadcast %broadcast_in_dim3A_833 : i32 to vector<16xi32>
      %broadcast_in_dim3A_835 = vector.broadcast %add3A_829 : i32 to vector<16xi32>
      %gather3A_836 = tpu.vector_load_idx %arg11[%broadcast_in_dim3A_834, %iota3A, %broadcast_in_dim3A_832] : memref<16x32x128xf32, #tpu.memory_space<vmem>>[vector<16xi32>, vector<16xi32>, vector<16xi32>], vector<16xf32>,
      %add3A_837 = arith.constant 16 : i32
      %add3A_838 = vector.broadcast %add3A_837 : i32 to vector<16xi32>
      %add3A_839 = arith.addi %iota3A, %add3A_838 : vector<16xi32>
      %gather3A_840 = tpu.vector_load_idx %arg11[%broadcast_in_dim3A_834, %add3A_839, %broadcast_in_dim3A_832] : memref<16x32x128xf32, #tpu.memory_space<vmem>>[vector<16xi32>, vector<16xi32>, vector<16xi32>], vector<16xf32>,
      tpu.vector_store_idx %arg13[%iota3A, %broadcast_in_dim3A_835], %gather3A_836 : memref<32x512xf32, #tpu.memory_space<vmem>>[vector<16xi32>, vector<16xi32>], vector<16xf32>,
      %add3A_841 = arith.constant 16 : i32
      %add3A_842 = vector.broadcast %add3A_841 : i32 to vector<16xi32>
      %add3A_843 = arith.addi %iota3A, %add3A_842 : vector<16xi32>
      tpu.vector_store_idx %arg13[%add3A_843, %broadcast_in_dim3A_835], %gather3A_840 : memref<32x512xf32, #tpu.memory_space<vmem>>[vector<16xi32>, vector<16xi32>], vector<16xf32>,
      %add3A_844 = arith.constant 4 : i32
      %add3A_845 = arith.addi %add3A_696, %add3A_844 : i32
      %lt3A = arith.constant 128 : i32
      %lt3A_846 = arith.cmpi slt, %add3A_845, %lt3A : i32
      %convert_element_type3A = arith.extui %lt3A_846 : i1 to i32
      %cond3A = arith.constant 0 : i32
      %cond3A_847 = arith.cmpi ne, %convert_element_type3A, %cond3A : i32
      scf.if %cond3A_847 {
        %add3A_1328 = arith.constant 4 : i32
        %add3A_1329 = arith.addi %add3A_696, %add3A_1328 : i32
        %mul3A_1330 = arith.constant 4 : i32
        %mul3A_1331 = arith.muli %add3A_1329, %mul3A_1330 : i32
        %get3A_1332 = arith.index_cast %mul3A_1331 : i32 to index
        %get3A_1333 = tpu.vector_load %arg10[%get3A_1332] {strides = array<i32>} : memref<528xi32, #tpu.memory_space<vmem>>, vector<16xi32>,
        %shift_right_logical3A_1334 = arith.constant 7 : i32
        %shift_right_logical3A_1335 = vector.broadcast %shift_right_logical3A_1334 : i32 to vector<16xi32>
        %shift_right_logical3A_1336 = arith.shrui %get3A_1333, %shift_right_logical3A_1335 : vector<16xi32>
        %mul3A_1337 = arith.constant 128 : i32
        %mul3A_1338 = vector.broadcast %mul3A_1337 : i32 to vector<16xi32>
        %mul3A_1339 = arith.muli %shift_right_logical3A_1336, %mul3A_1338 : vector<16xi32>
        %slice3A_1340 = vector.extract_strided_slice %mul3A_1339 {offsets = [0], sizes = [1], strides = [1]} : vector<16xi32> to vector<1xi32>
        %squeeze3A_1341 = vector.extract %slice3A_1340[0] : i32 from vector<1xi32>
        %multiple_of3A_1342 = tpu.assume_multiple %squeeze3A_1341, 128 : i32
        %dma_start3A_1343 = arith.constant 0 : i32
        %dma_start3A_1344 = arith.constant 0 : i32
        %dma_start3A_1345 = arith.constant 0 : i32
        %dma_start3A_1346 = arith.constant 0 : i32
        %dma_start3A_1347 = tpu.memref_slice %arg11[%dma_start3A_1343, %dma_start3A_1345, %dma_start3A_1346] : memref<16x32x128xf32, #tpu.memory_space<vmem>> -> memref<1x32x128xf32, #tpu.memory_space<vmem>>
        %dma_start3A_1348 = tpu.memref_squeeze %dma_start3A_1347 : memref<1x32x128xf32, #tpu.memory_space<vmem>> -> memref<32x128xf32, #tpu.memory_space<vmem>>
        %dma_start3A_1349 = arith.constant 0 : i32
        %dma_start3A_1350 = tpu.memref_slice %arg5[%dma_start3A_1349, %multiple_of3A_1342] : memref<32x1000000xf32, #tpu.memory_space<hbm>> -> memref<32x128xf32, #tpu.memory_space<hbm>>
        %dma_start3A_1351 = tpu.memref_slice %arg17[%dma_start3A_1344] : memref<16x!tpu.dma_semaphore, #tpu.memory_space<semaphore_mem>> -> memref<1x!tpu.dma_semaphore, #tpu.memory_space<semaphore_mem>>
        %dma_start3A_1352 = tpu.memref_squeeze %dma_start3A_1351 : memref<1x!tpu.dma_semaphore, #tpu.memory_space<semaphore_mem>> -> memref<!tpu.dma_semaphore, #tpu.memory_space<semaphore_mem>>
        %dma_start3A_1353 = arith.constant 0 : i32
        %dma_start3A_1354 = arith.constant 0 : i32
        %dma_start3A_1355 = tpu.memref_slice %arg11[%dma_start3A_1343, %dma_start3A_1353, %dma_start3A_1354] : memref<16x32x128xf32, #tpu.memory_space<vmem>> -> memref<1x32x128xf32, #tpu.memory_space<vmem>>
        %dma_start3A_1356 = tpu.memref_squeeze %dma_start3A_1355 : memref<1x32x128xf32, #tpu.memory_space<vmem>> -> memref<32x128xf32, #tpu.memory_space<vmem>>
        %dma_start3A_1357 = arith.constant 0 : i32
        %dma_start3A_1358 = tpu.memref_slice %arg5[%dma_start3A_1357, %multiple_of3A_1342] : memref<32x1000000xf32, #tpu.memory_space<hbm>> -> memref<32x128xf32, #tpu.memory_space<hbm>>
        tpu.enqueue_dma source(%dma_start3A_1358 : memref<32x128xf32, #tpu.memory_space<hbm>>) target(%dma_start3A_1356 : memref<32x128xf32, #tpu.memory_space<vmem>>) target_semaphore(%dma_start3A_1352 : memref<!tpu.dma_semaphore, #tpu.memory_space<semaphore_mem>>)
        %slice3A_1359 = vector.extract_strided_slice %mul3A_1339 {offsets = [1], sizes = [1], strides = [1]} : vector<16xi32> to vector<1xi32>
        %squeeze3A_1360 = vector.extract %slice3A_1359[0] : i32 from vector<1xi32>
        %multiple_of3A_1361 = tpu.assume_multiple %squeeze3A_1360, 128 : i32
        %dma_start3A_1362 = arith.constant 1 : i32
        %dma_start3A_1363 = arith.constant 1 : i32
        %dma_start3A_1364 = arith.constant 0 : i32
        %dma_start3A_1365 = arith.constant 0 : i32
        %dma_start3A_1366 = tpu.memref_slice %arg11[%dma_start3A_1362, %dma_start3A_1364, %dma_start3A_1365] : memref<16x32x128xf32, #tpu.memory_space<vmem>> -> memref<1x32x128xf32, #tpu.memory_space<vmem>>
        %dma_start3A_1367 = tpu.memref_squeeze %dma_start3A_1366 : memref<1x32x128xf32, #tpu.memory_space<vmem>> -> memref<32x128xf32, #tpu.memory_space<vmem>>
        %dma_start3A_1368 = arith.constant 0 : i32
        %dma_start3A_1369 = tpu.memref_slice %arg5[%dma_start3A_1368, %multiple_of3A_1361] : memref<32x1000000xf32, #tpu.memory_space<hbm>> -> memref<32x128xf32, #tpu.memory_space<hbm>>
        %dma_start3A_1370 = tpu.memref_slice %arg17[%dma_start3A_1363] : memref<16x!tpu.dma_semaphore, #tpu.memory_space<semaphore_mem>> -> memref<1x!tpu.dma_semaphore, #tpu.memory_space<semaphore_mem>>
        %dma_start3A_1371 = tpu.memref_squeeze %dma_start3A_1370 : memref<1x!tpu.dma_semaphore, #tpu.memory_space<semaphore_mem>> -> memref<!tpu.dma_semaphore, #tpu.memory_space<semaphore_mem>>
        %dma_start3A_1372 = arith.constant 0 : i32
        %dma_start3A_1373 = arith.constant 0 : i32
        %dma_start3A_1374 = tpu.memref_slice %arg11[%dma_start3A_1362, %dma_start3A_1372, %dma_start3A_1373] : memref<16x32x128xf32, #tpu.memory_space<vmem>> -> memref<1x32x128xf32, #tpu.memory_space<vmem>>
        %dma_start3A_1375 = tpu.memref_squeeze %dma_start3A_1374 : memref<1x32x128xf32, #tpu.memory_space<vmem>> -> memref<32x128xf32, #tpu.memory_space<vmem>>
        %dma_start3A_1376 = arith.constant 0 : i32
        %dma_start3A_1377 = tpu.memref_slice %arg5[%dma_start3A_1376, %multiple_of3A_1361] : memref<32x1000000xf32, #tpu.memory_space<hbm>> -> memref<32x128xf32, #tpu.memory_space<hbm>>
        tpu.enqueue_dma source(%dma_start3A_1377 : memref<32x128xf32, #tpu.memory_space<hbm>>) target(%dma_start3A_1375 : memref<32x128xf32, #tpu.memory_space<vmem>>) target_semaphore(%dma_start3A_1371 : memref<!tpu.dma_semaphore, #tpu.memory_space<semaphore_mem>>)
        %slice3A_1378 = vector.extract_strided_slice %mul3A_1339 {offsets = [2], sizes = [1], strides = [1]} : vector<16xi32> to vector<1xi32>
        %squeeze3A_1379 = vector.extract %slice3A_1378[0] : i32 from vector<1xi32>
        %multiple_of3A_1380 = tpu.assume_multiple %squeeze3A_1379, 128 : i32
        %dma_start3A_1381 = arith.constant 2 : i32
        %dma_start3A_1382 = arith.constant 2 : i32
        %dma_start3A_1383 = arith.constant 0 : i32
        %dma_start3A_1384 = arith.constant 0 : i32
        %dma_start3A_1385 = tpu.memref_slice %arg11[%dma_start3A_1381, %dma_start3A_1383, %dma_start3A_1384] : memref<16x32x128xf32, #tpu.memory_space<vmem>> -> memref<1x32x128xf32, #tpu.memory_space<vmem>>
        %dma_start3A_1386 = tpu.memref_squeeze %dma_start3A_1385 : memref<1x32x128xf32, #tpu.memory_space<vmem>> -> memref<32x128xf32, #tpu.memory_space<vmem>>
        %dma_start3A_1387 = arith.constant 0 : i32
        %dma_start3A_1388 = tpu.memref_slice %arg5[%dma_start3A_1387, %multiple_of3A_1380] : memref<32x1000000xf32, #tpu.memory_space<hbm>> -> memref<32x128xf32, #tpu.memory_space<hbm>>
        %dma_start3A_1389 = tpu.memref_slice %arg17[%dma_start3A_1382] : memref<16x!tpu.dma_semaphore, #tpu.memory_space<semaphore_mem>> -> memref<1x!tpu.dma_semaphore, #tpu.memory_space<semaphore_mem>>
        %dma_start3A_1390 = tpu.memref_squeeze %dma_start3A_1389 : memref<1x!tpu.dma_semaphore, #tpu.memory_space<semaphore_mem>> -> memref<!tpu.dma_semaphore, #tpu.memory_space<semaphore_mem>>
        %dma_start3A_1391 = arith.constant 0 : i32
        %dma_start3A_1392 = arith.constant 0 : i32
        %dma_start3A_1393 = tpu.memref_slice %arg11[%dma_start3A_1381, %dma_start3A_1391, %dma_start3A_1392] : memref<16x32x128xf32, #tpu.memory_space<vmem>> -> memref<1x32x128xf32, #tpu.memory_space<vmem>>
        %dma_start3A_1394 = tpu.memref_squeeze %dma_start3A_1393 : memref<1x32x128xf32, #tpu.memory_space<vmem>> -> memref<32x128xf32, #tpu.memory_space<vmem>>
        %dma_start3A_1395 = arith.constant 0 : i32
        %dma_start3A_1396 = tpu.memref_slice %arg5[%dma_start3A_1395, %multiple_of3A_1380] : memref<32x1000000xf32, #tpu.memory_space<hbm>> -> memref<32x128xf32, #tpu.memory_space<hbm>>
        tpu.enqueue_dma source(%dma_start3A_1396 : memref<32x128xf32, #tpu.memory_space<hbm>>) target(%dma_start3A_1394 : memref<32x128xf32, #tpu.memory_space<vmem>>) target_semaphore(%dma_start3A_1390 : memref<!tpu.dma_semaphore, #tpu.memory_space<semaphore_mem>>)
        %slice3A_1397 = vector.extract_strided_slice %mul3A_1339 {offsets = [3], sizes = [1], strides = [1]} : vector<16xi32> to vector<1xi32>
        %squeeze3A_1398 = vector.extract %slice3A_1397[0] : i32 from vector<1xi32>
        %multiple_of3A_1399 = tpu.assume_multiple %squeeze3A_1398, 128 : i32
        %dma_start3A_1400 = arith.constant 3 : i32
        %dma_start3A_1401 = arith.constant 3 : i32
        %dma_start3A_1402 = arith.constant 0 : i32
        %dma_start3A_1403 = arith.constant 0 : i32
        %dma_start3A_1404 = tpu.memref_slice %arg11[%dma_start3A_1400, %dma_start3A_1402, %dma_start3A_1403] : memref<16x32x128xf32, #tpu.memory_space<vmem>> -> memref<1x32x128xf32, #tpu.memory_space<vmem>>
        %dma_start3A_1405 = tpu.memref_squeeze %dma_start3A_1404 : memref<1x32x128xf32, #tpu.memory_space<vmem>> -> memref<32x128xf32, #tpu.memory_space<vmem>>
        %dma_start3A_1406 = arith.constant 0 : i32
        %dma_start3A_1407 = tpu.memref_slice %arg5[%dma_start3A_1406, %multiple_of3A_1399] : memref<32x1000000xf32, #tpu.memory_space<hbm>> -> memref<32x128xf32, #tpu.memory_space<hbm>>
        %dma_start3A_1408 = tpu.memref_slice %arg17[%dma_start3A_1401] : memref<16x!tpu.dma_semaphore, #tpu.memory_space<semaphore_mem>> -> memref<1x!tpu.dma_semaphore, #tpu.memory_space<semaphore_mem>>
        %dma_start3A_1409 = tpu.memref_squeeze %dma_start3A_1408 : memref<1x!tpu.dma_semaphore, #tpu.memory_space<semaphore_mem>> -> memref<!tpu.dma_semaphore, #tpu.memory_space<semaphore_mem>>
        %dma_start3A_1410 = arith.constant 0 : i32
        %dma_start3A_1411 = arith.constant 0 : i32
        %dma_start3A_1412 = tpu.memref_slice %arg11[%dma_start3A_1400, %dma_start3A_1410, %dma_start3A_1411] : memref<16x32x128xf32, #tpu.memory_space<vmem>> -> memref<1x32x128xf32, #tpu.memory_space<vmem>>
        %dma_start3A_1413 = tpu.memref_squeeze %dma_start3A_1412 : memref<1x32x128xf32, #tpu.memory_space<vmem>> -> memref<32x128xf32, #tpu.memory_space<vmem>>
        %dma_start3A_1414 = arith.constant 0 : i32
        %dma_start3A_1415 = tpu.memref_slice %arg5[%dma_start3A_1414, %multiple_of3A_1399] : memref<32x1000000xf32, #tpu.memory_space<hbm>> -> memref<32x128xf32, #tpu.memory_space<hbm>>
        tpu.enqueue_dma source(%dma_start3A_1415 : memref<32x128xf32, #tpu.memory_space<hbm>>) target(%dma_start3A_1413 : memref<32x128xf32, #tpu.memory_space<vmem>>) target_semaphore(%dma_start3A_1409 : memref<!tpu.dma_semaphore, #tpu.memory_space<semaphore_mem>>)
      } else {
      }
      %add3A_848 = arith.constant 1 : i32
      %add3A_849 = arith.addi %mul3A_694, %add3A_848 : i32
      %dma_wait3A_850 = arith.constant 4 : i32
      %dma_wait3A_851 = arith.constant 4 : i32
      %dma_wait3A_852 = arith.constant 0 : i32
      %dma_wait3A_853 = arith.constant 0 : i32
      %dma_wait3A_854 = tpu.memref_slice %arg11[%dma_wait3A_850, %dma_wait3A_852, %dma_wait3A_853] : memref<16x32x128xf32, #tpu.memory_space<vmem>> -> memref<1x32x128xf32, #tpu.memory_space<vmem>>
      %dma_wait3A_855 = tpu.memref_squeeze %dma_wait3A_854 : memref<1x32x128xf32, #tpu.memory_space<vmem>> -> memref<32x128xf32, #tpu.memory_space<vmem>>
      %dma_wait3A_856 = arith.constant 0 : i32
      %dma_wait3A_857 = arith.constant 0 : i32
      %dma_wait3A_858 = tpu.memref_slice %arg5[%dma_wait3A_856, %dma_wait3A_857] : memref<32x1000000xf32, #tpu.memory_space<hbm>> -> memref<32x128xf32, #tpu.memory_space<hbm>>
      %dma_wait3A_859 = tpu.memref_slice %arg17[%dma_wait3A_851] : memref<16x!tpu.dma_semaphore, #tpu.memory_space<semaphore_mem>> -> memref<1x!tpu.dma_semaphore, #tpu.memory_space<semaphore_mem>>
      %dma_wait3A_860 = tpu.memref_squeeze %dma_wait3A_859 : memref<1x!tpu.dma_semaphore, #tpu.memory_space<semaphore_mem>> -> memref<!tpu.dma_semaphore, #tpu.memory_space<semaphore_mem>>
      %dma_wait3A_861 = arith.constant 0 : i32
      %dma_wait3A_862 = arith.constant 0 : i32
      %dma_wait3A_863 = tpu.memref_slice %arg11[%dma_wait3A_850, %dma_wait3A_861, %dma_wait3A_862] : memref<16x32x128xf32, #tpu.memory_space<vmem>> -> memref<1x32x128xf32, #tpu.memory_space<vmem>>
      %dma_wait3A_864 = tpu.memref_squeeze %dma_wait3A_863 : memref<1x32x128xf32, #tpu.memory_space<vmem>> -> memref<32x128xf32, #tpu.memory_space<vmem>>
      %dma_wait3A_865 = arith.constant 0 : i32
      %dma_wait3A_866 = arith.constant 0 : i32
      %dma_wait3A_867 = tpu.memref_slice %arg5[%dma_wait3A_865, %dma_wait3A_866] : memref<32x1000000xf32, #tpu.memory_space<hbm>> -> memref<32x128xf32, #tpu.memory_space<hbm>>
      tpu.wait_dma2 semaphore(%dma_wait3A_860 : memref<!tpu.dma_semaphore, #tpu.memory_space<semaphore_mem>>) src(%dma_wait3A_867 : memref<32x128xf32, #tpu.memory_space<hbm>>) dst(%dma_wait3A_864 : memref<32x128xf32, #tpu.memory_space<vmem>>)
      %dma_wait3A_868 = arith.constant 5 : i32
      %dma_wait3A_869 = arith.constant 5 : i32
      %dma_wait3A_870 = arith.constant 0 : i32
      %dma_wait3A_871 = arith.constant 0 : i32
      %dma_wait3A_872 = tpu.memref_slice %arg11[%dma_wait3A_868, %dma_wait3A_870, %dma_wait3A_871] : memref<16x32x128xf32, #tpu.memory_space<vmem>> -> memref<1x32x128xf32, #tpu.memory_space<vmem>>
      %dma_wait3A_873 = tpu.memref_squeeze %dma_wait3A_872 : memref<1x32x128xf32, #tpu.memory_space<vmem>> -> memref<32x128xf32, #tpu.memory_space<vmem>>
      %dma_wait3A_874 = arith.constant 0 : i32
      %dma_wait3A_875 = arith.constant 0 : i32
      %dma_wait3A_876 = tpu.memref_slice %arg5[%dma_wait3A_874, %dma_wait3A_875] : memref<32x1000000xf32, #tpu.memory_space<hbm>> -> memref<32x128xf32, #tpu.memory_space<hbm>>
      %dma_wait3A_877 = tpu.memref_slice %arg17[%dma_wait3A_869] : memref<16x!tpu.dma_semaphore, #tpu.memory_space<semaphore_mem>> -> memref<1x!tpu.dma_semaphore, #tpu.memory_space<semaphore_mem>>
      %dma_wait3A_878 = tpu.memref_squeeze %dma_wait3A_877 : memref<1x!tpu.dma_semaphore, #tpu.memory_space<semaphore_mem>> -> memref<!tpu.dma_semaphore, #tpu.memory_space<semaphore_mem>>
      %dma_wait3A_879 = arith.constant 0 : i32
      %dma_wait3A_880 = arith.constant 0 : i32
      %dma_wait3A_881 = tpu.memref_slice %arg11[%dma_wait3A_868, %dma_wait3A_879, %dma_wait3A_880] : memref<16x32x128xf32, #tpu.memory_space<vmem>> -> memref<1x32x128xf32, #tpu.memory_space<vmem>>
      %dma_wait3A_882 = tpu.memref_squeeze %dma_wait3A_881 : memref<1x32x128xf32, #tpu.memory_space<vmem>> -> memref<32x128xf32, #tpu.memory_space<vmem>>
      %dma_wait3A_883 = arith.constant 0 : i32
      %dma_wait3A_884 = arith.constant 0 : i32
      %dma_wait3A_885 = tpu.memref_slice %arg5[%dma_wait3A_883, %dma_wait3A_884] : memref<32x1000000xf32, #tpu.memory_space<hbm>> -> memref<32x128xf32, #tpu.memory_space<hbm>>
      tpu.wait_dma2 semaphore(%dma_wait3A_878 : memref<!tpu.dma_semaphore, #tpu.memory_space<semaphore_mem>>) src(%dma_wait3A_885 : memref<32x128xf32, #tpu.memory_space<hbm>>) dst(%dma_wait3A_882 : memref<32x128xf32, #tpu.memory_space<vmem>>)
      %dma_wait3A_886 = arith.constant 6 : i32
      %dma_wait3A_887 = arith.constant 6 : i32
      %dma_wait3A_888 = arith.constant 0 : i32
      %dma_wait3A_889 = arith.constant 0 : i32
      %dma_wait3A_890 = tpu.memref_slice %arg11[%dma_wait3A_886, %dma_wait3A_888, %dma_wait3A_889] : memref<16x32x128xf32, #tpu.memory_space<vmem>> -> memref<1x32x128xf32, #tpu.memory_space<vmem>>
      %dma_wait3A_891 = tpu.memref_squeeze %dma_wait3A_890 : memref<1x32x128xf32, #tpu.memory_space<vmem>> -> memref<32x128xf32, #tpu.memory_space<vmem>>
      %dma_wait3A_892 = arith.constant 0 : i32
      %dma_wait3A_893 = arith.constant 0 : i32
      %dma_wait3A_894 = tpu.memref_slice %arg5[%dma_wait3A_892, %dma_wait3A_893] : memref<32x1000000xf32, #tpu.memory_space<hbm>> -> memref<32x128xf32, #tpu.memory_space<hbm>>
      %dma_wait3A_895 = tpu.memref_slice %arg17[%dma_wait3A_887] : memref<16x!tpu.dma_semaphore, #tpu.memory_space<semaphore_mem>> -> memref<1x!tpu.dma_semaphore, #tpu.memory_space<semaphore_mem>>
      %dma_wait3A_896 = tpu.memref_squeeze %dma_wait3A_895 : memref<1x!tpu.dma_semaphore, #tpu.memory_space<semaphore_mem>> -> memref<!tpu.dma_semaphore, #tpu.memory_space<semaphore_mem>>
      %dma_wait3A_897 = arith.constant 0 : i32
      %dma_wait3A_898 = arith.constant 0 : i32
      %dma_wait3A_899 = tpu.memref_slice %arg11[%dma_wait3A_886, %dma_wait3A_897, %dma_wait3A_898] : memref<16x32x128xf32, #tpu.memory_space<vmem>> -> memref<1x32x128xf32, #tpu.memory_space<vmem>>
      %dma_wait3A_900 = tpu.memref_squeeze %dma_wait3A_899 : memref<1x32x128xf32, #tpu.memory_space<vmem>> -> memref<32x128xf32, #tpu.memory_space<vmem>>
      %dma_wait3A_901 = arith.constant 0 : i32
      %dma_wait3A_902 = arith.constant 0 : i32
      %dma_wait3A_903 = tpu.memref_slice %arg5[%dma_wait3A_901, %dma_wait3A_902] : memref<32x1000000xf32, #tpu.memory_space<hbm>> -> memref<32x128xf32, #tpu.memory_space<hbm>>
      tpu.wait_dma2 semaphore(%dma_wait3A_896 : memref<!tpu.dma_semaphore, #tpu.memory_space<semaphore_mem>>) src(%dma_wait3A_903 : memref<32x128xf32, #tpu.memory_space<hbm>>) dst(%dma_wait3A_900 : memref<32x128xf32, #tpu.memory_space<vmem>>)
      %dma_wait3A_904 = arith.constant 7 : i32
      %dma_wait3A_905 = arith.constant 7 : i32
      %dma_wait3A_906 = arith.constant 0 : i32
      %dma_wait3A_907 = arith.constant 0 : i32
      %dma_wait3A_908 = tpu.memref_slice %arg11[%dma_wait3A_904, %dma_wait3A_906, %dma_wait3A_907] : memref<16x32x128xf32, #tpu.memory_space<vmem>> -> memref<1x32x128xf32, #tpu.memory_space<vmem>>
      %dma_wait3A_909 = tpu.memref_squeeze %dma_wait3A_908 : memref<1x32x128xf32, #tpu.memory_space<vmem>> -> memref<32x128xf32, #tpu.memory_space<vmem>>
      %dma_wait3A_910 = arith.constant 0 : i32
      %dma_wait3A_911 = arith.constant 0 : i32
      %dma_wait3A_912 = tpu.memref_slice %arg5[%dma_wait3A_910, %dma_wait3A_911] : memref<32x1000000xf32, #tpu.memory_space<hbm>> -> memref<32x128xf32, #tpu.memory_space<hbm>>
      %dma_wait3A_913 = tpu.memref_slice %arg17[%dma_wait3A_905] : memref<16x!tpu.dma_semaphore, #tpu.memory_space<semaphore_mem>> -> memref<1x!tpu.dma_semaphore, #tpu.memory_space<semaphore_mem>>
      %dma_wait3A_914 = tpu.memref_squeeze %dma_wait3A_913 : memref<1x!tpu.dma_semaphore, #tpu.memory_space<semaphore_mem>> -> memref<!tpu.dma_semaphore, #tpu.memory_space<semaphore_mem>>
      %dma_wait3A_915 = arith.constant 0 : i32
      %dma_wait3A_916 = arith.constant 0 : i32
      %dma_wait3A_917 = tpu.memref_slice %arg11[%dma_wait3A_904, %dma_wait3A_915, %dma_wait3A_916] : memref<16x32x128xf32, #tpu.memory_space<vmem>> -> memref<1x32x128xf32, #tpu.memory_space<vmem>>
      %dma_wait3A_918 = tpu.memref_squeeze %dma_wait3A_917 : memref<1x32x128xf32, #tpu.memory_space<vmem>> -> memref<32x128xf32, #tpu.memory_space<vmem>>
      %dma_wait3A_919 = arith.constant 0 : i32
      %dma_wait3A_920 = arith.constant 0 : i32
      %dma_wait3A_921 = tpu.memref_slice %arg5[%dma_wait3A_919, %dma_wait3A_920] : memref<32x1000000xf32, #tpu.memory_space<hbm>> -> memref<32x128xf32, #tpu.memory_space<hbm>>
      tpu.wait_dma2 semaphore(%dma_wait3A_914 : memref<!tpu.dma_semaphore, #tpu.memory_space<semaphore_mem>>) src(%dma_wait3A_921 : memref<32x128xf32, #tpu.memory_space<hbm>>) dst(%dma_wait3A_918 : memref<32x128xf32, #tpu.memory_space<vmem>>)
      %mul3A_922 = arith.constant 4 : i32
      %mul3A_923 = arith.muli %add3A_849, %mul3A_922 : i32
      %get3A_924 = arith.index_cast %mul3A_923 : i32 to index
      %get3A_925 = tpu.vector_load %arg10[%get3A_924] {strides = array<i32>} : memref<528xi32, #tpu.memory_space<vmem>>, vector<16xi32>,
      %and3A_926 = arith.constant 127 : i32
      %and3A_927 = vector.broadcast %and3A_926 : i32 to vector<16xi32>
      %and3A_928 = arith.andi %get3A_925, %and3A_927 : vector<16xi32>
      %mul3A_929 = arith.constant 4 : i32
      %mul3A_930 = arith.muli %add3A_849, %mul3A_929 : i32
      %add3A_931 = arith.constant 0 : i32
      %add3A_932 = arith.addi %mul3A_930, %add3A_931 : i32
      %slice3A_933 = vector.extract_strided_slice %and3A_928 {offsets = [0], sizes = [1], strides = [1]} : vector<16xi32> to vector<1xi32>
      %squeeze3A_934 = vector.extract %slice3A_933[0] : i32 from vector<1xi32>
      %broadcast_in_dim3A_935 = vector.broadcast %squeeze3A_934 : i32 to vector<16xi32>
      %broadcast_in_dim3A_936 = arith.constant 4 : i32
      %broadcast_in_dim3A_937 = vector.broadcast %broadcast_in_dim3A_936 : i32 to vector<16xi32>
      %broadcast_in_dim3A_938 = vector.broadcast %add3A_932 : i32 to vector<16xi32>
      %gather3A_939 = tpu.vector_load_idx %arg11[%broadcast_in_dim3A_937, %iota3A, %broadcast_in_dim3A_935] : memref<16x32x128xf32, #tpu.memory_space<vmem>>[vector<16xi32>, vector<16xi32>, vector<16xi32>], vector<16xf32>,
      %add3A_940 = arith.constant 16 : i32
      %add3A_941 = vector.broadcast %add3A_940 : i32 to vector<16xi32>
      %add3A_942 = arith.addi %iota3A, %add3A_941 : vector<16xi32>
      %gather3A_943 = tpu.vector_load_idx %arg11[%broadcast_in_dim3A_937, %add3A_942, %broadcast_in_dim3A_935] : memref<16x32x128xf32, #tpu.memory_space<vmem>>[vector<16xi32>, vector<16xi32>, vector<16xi32>], vector<16xf32>,
      tpu.vector_store_idx %arg13[%iota3A, %broadcast_in_dim3A_938], %gather3A_939 : memref<32x512xf32, #tpu.memory_space<vmem>>[vector<16xi32>, vector<16xi32>], vector<16xf32>,
      %add3A_944 = arith.constant 16 : i32
      %add3A_945 = vector.broadcast %add3A_944 : i32 to vector<16xi32>
      %add3A_946 = arith.addi %iota3A, %add3A_945 : vector<16xi32>
      tpu.vector_store_idx %arg13[%add3A_946, %broadcast_in_dim3A_938], %gather3A_943 : memref<32x512xf32, #tpu.memory_space<vmem>>[vector<16xi32>, vector<16xi32>], vector<16xf32>,
      %mul3A_947 = arith.constant 4 : i32
      %mul3A_948 = arith.muli %add3A_849, %mul3A_947 : i32
      %add3A_949 = arith.constant 1 : i32
      %add3A_950 = arith.addi %mul3A_948, %add3A_949 : i32
      %slice3A_951 = vector.extract_strided_slice %and3A_928 {offsets = [1], sizes = [1], strides = [1]} : vector<16xi32> to vector<1xi32>
      %squeeze3A_952 = vector.extract %slice3A_951[0] : i32 from vector<1xi32>
      %broadcast_in_dim3A_953 = vector.broadcast %squeeze3A_952 : i32 to vector<16xi32>
      %broadcast_in_dim3A_954 = arith.constant 5 : i32
      %broadcast_in_dim3A_955 = vector.broadcast %broadcast_in_dim3A_954 : i32 to vector<16xi32>
      %broadcast_in_dim3A_956 = vector.broadcast %add3A_950 : i32 to vector<16xi32>
      %gather3A_957 = tpu.vector_load_idx %arg11[%broadcast_in_dim3A_955, %iota3A, %broadcast_in_dim3A_953] : memref<16x32x128xf32, #tpu.memory_space<vmem>>[vector<16xi32>, vector<16xi32>, vector<16xi32>], vector<16xf32>,
      %add3A_958 = arith.constant 16 : i32
      %add3A_959 = vector.broadcast %add3A_958 : i32 to vector<16xi32>
      %add3A_960 = arith.addi %iota3A, %add3A_959 : vector<16xi32>
      %gather3A_961 = tpu.vector_load_idx %arg11[%broadcast_in_dim3A_955, %add3A_960, %broadcast_in_dim3A_953] : memref<16x32x128xf32, #tpu.memory_space<vmem>>[vector<16xi32>, vector<16xi32>, vector<16xi32>], vector<16xf32>,
      tpu.vector_store_idx %arg13[%iota3A, %broadcast_in_dim3A_956], %gather3A_957 : memref<32x512xf32, #tpu.memory_space<vmem>>[vector<16xi32>, vector<16xi32>], vector<16xf32>,
      %add3A_962 = arith.constant 16 : i32
      %add3A_963 = vector.broadcast %add3A_962 : i32 to vector<16xi32>
      %add3A_964 = arith.addi %iota3A, %add3A_963 : vector<16xi32>
      tpu.vector_store_idx %arg13[%add3A_964, %broadcast_in_dim3A_956], %gather3A_961 : memref<32x512xf32, #tpu.memory_space<vmem>>[vector<16xi32>, vector<16xi32>], vector<16xf32>,
      %mul3A_965 = arith.constant 4 : i32
      %mul3A_966 = arith.muli %add3A_849, %mul3A_965 : i32
      %add3A_967 = arith.constant 2 : i32
      %add3A_968 = arith.addi %mul3A_966, %add3A_967 : i32
      %slice3A_969 = vector.extract_strided_slice %and3A_928 {offsets = [2], sizes = [1], strides = [1]} : vector<16xi32> to vector<1xi32>
      %squeeze3A_970 = vector.extract %slice3A_969[0] : i32 from vector<1xi32>
      %broadcast_in_dim3A_971 = vector.broadcast %squeeze3A_970 : i32 to vector<16xi32>
      %broadcast_in_dim3A_972 = arith.constant 6 : i32
      %broadcast_in_dim3A_973 = vector.broadcast %broadcast_in_dim3A_972 : i32 to vector<16xi32>
      %broadcast_in_dim3A_974 = vector.broadcast %add3A_968 : i32 to vector<16xi32>
      %gather3A_975 = tpu.vector_load_idx %arg11[%broadcast_in_dim3A_973, %iota3A, %broadcast_in_dim3A_971] : memref<16x32x128xf32, #tpu.memory_space<vmem>>[vector<16xi32>, vector<16xi32>, vector<16xi32>], vector<16xf32>,
      %add3A_976 = arith.constant 16 : i32
      %add3A_977 = vector.broadcast %add3A_976 : i32 to vector<16xi32>
      %add3A_978 = arith.addi %iota3A, %add3A_977 : vector<16xi32>
      %gather3A_979 = tpu.vector_load_idx %arg11[%broadcast_in_dim3A_973, %add3A_978, %broadcast_in_dim3A_971] : memref<16x32x128xf32, #tpu.memory_space<vmem>>[vector<16xi32>, vector<16xi32>, vector<16xi32>], vector<16xf32>,
      tpu.vector_store_idx %arg13[%iota3A, %broadcast_in_dim3A_974], %gather3A_975 : memref<32x512xf32, #tpu.memory_space<vmem>>[vector<16xi32>, vector<16xi32>], vector<16xf32>,
      %add3A_980 = arith.constant 16 : i32
      %add3A_981 = vector.broadcast %add3A_980 : i32 to vector<16xi32>
      %add3A_982 = arith.addi %iota3A, %add3A_981 : vector<16xi32>
      tpu.vector_store_idx %arg13[%add3A_982, %broadcast_in_dim3A_974], %gather3A_979 : memref<32x512xf32, #tpu.memory_space<vmem>>[vector<16xi32>, vector<16xi32>], vector<16xf32>,
      %mul3A_983 = arith.constant 4 : i32
      %mul3A_984 = arith.muli %add3A_849, %mul3A_983 : i32
      %add3A_985 = arith.constant 3 : i32
      %add3A_986 = arith.addi %mul3A_984, %add3A_985 : i32
      %slice3A_987 = vector.extract_strided_slice %and3A_928 {offsets = [3], sizes = [1], strides = [1]} : vector<16xi32> to vector<1xi32>
      %squeeze3A_988 = vector.extract %slice3A_987[0] : i32 from vector<1xi32>
      %broadcast_in_dim3A_989 = vector.broadcast %squeeze3A_988 : i32 to vector<16xi32>
      %broadcast_in_dim3A_990 = arith.constant 7 : i32
      %broadcast_in_dim3A_991 = vector.broadcast %broadcast_in_dim3A_990 : i32 to vector<16xi32>
      %broadcast_in_dim3A_992 = vector.broadcast %add3A_986 : i32 to vector<16xi32>
      %gather3A_993 = tpu.vector_load_idx %arg11[%broadcast_in_dim3A_991, %iota3A, %broadcast_in_dim3A_989] : memref<16x32x128xf32, #tpu.memory_space<vmem>>[vector<16xi32>, vector<16xi32>, vector<16xi32>], vector<16xf32>,
      %add3A_994 = arith.constant 16 : i32
      %add3A_995 = vector.broadcast %add3A_994 : i32 to vector<16xi32>
      %add3A_996 = arith.addi %iota3A, %add3A_995 : vector<16xi32>
      %gather3A_997 = tpu.vector_load_idx %arg11[%broadcast_in_dim3A_991, %add3A_996, %broadcast_in_dim3A_989] : memref<16x32x128xf32, #tpu.memory_space<vmem>>[vector<16xi32>, vector<16xi32>, vector<16xi32>], vector<16xf32>,
      tpu.vector_store_idx %arg13[%iota3A, %broadcast_in_dim3A_992], %gather3A_993 : memref<32x512xf32, #tpu.memory_space<vmem>>[vector<16xi32>, vector<16xi32>], vector<16xf32>,
      %add3A_998 = arith.constant 16 : i32
      %add3A_999 = vector.broadcast %add3A_998 : i32 to vector<16xi32>
      %add3A_1000 = arith.addi %iota3A, %add3A_999 : vector<16xi32>
      tpu.vector_store_idx %arg13[%add3A_1000, %broadcast_in_dim3A_992], %gather3A_997 : memref<32x512xf32, #tpu.memory_space<vmem>>[vector<16xi32>, vector<16xi32>], vector<16xf32>,
      %add3A_1001 = arith.constant 4 : i32
      %add3A_1002 = arith.addi %add3A_849, %add3A_1001 : i32
      %lt3A_1003 = arith.constant 128 : i32
      %lt3A_1004 = arith.cmpi slt, %add3A_1002, %lt3A_1003 : i32
      %convert_element_type3A_1005 = arith.extui %lt3A_1004 : i1 to i32
      %cond3A_1006 = arith.constant 0 : i32
      %cond3A_1007 = arith.cmpi ne, %convert_element_type3A_1005, %cond3A_1006 : i32
      scf.if %cond3A_1007 {
        %add3A_1328 = arith.constant 4 : i32
        %add3A_1329 = arith.addi %add3A_849, %add3A_1328 : i32
        %mul3A_1330 = arith.constant 4 : i32
        %mul3A_1331 = arith.muli %add3A_1329, %mul3A_1330 : i32
        %get3A_1332 = arith.index_cast %mul3A_1331 : i32 to index
        %get3A_1333 = tpu.vector_load %arg10[%get3A_1332] {strides = array<i32>} : memref<528xi32, #tpu.memory_space<vmem>>, vector<16xi32>,
        %shift_right_logical3A_1334 = arith.constant 7 : i32
        %shift_right_logical3A_1335 = vector.broadcast %shift_right_logical3A_1334 : i32 to vector<16xi32>
        %shift_right_logical3A_1336 = arith.shrui %get3A_1333, %shift_right_logical3A_1335 : vector<16xi32>
        %mul3A_1337 = arith.constant 128 : i32
        %mul3A_1338 = vector.broadcast %mul3A_1337 : i32 to vector<16xi32>
        %mul3A_1339 = arith.muli %shift_right_logical3A_1336, %mul3A_1338 : vector<16xi32>
        %slice3A_1340 = vector.extract_strided_slice %mul3A_1339 {offsets = [0], sizes = [1], strides = [1]} : vector<16xi32> to vector<1xi32>
        %squeeze3A_1341 = vector.extract %slice3A_1340[0] : i32 from vector<1xi32>
        %multiple_of3A_1342 = tpu.assume_multiple %squeeze3A_1341, 128 : i32
        %dma_start3A_1343 = arith.constant 4 : i32
        %dma_start3A_1344 = arith.constant 4 : i32
        %dma_start3A_1345 = arith.constant 0 : i32
        %dma_start3A_1346 = arith.constant 0 : i32
        %dma_start3A_1347 = tpu.memref_slice %arg11[%dma_start3A_1343, %dma_start3A_1345, %dma_start3A_1346] : memref<16x32x128xf32, #tpu.memory_space<vmem>> -> memref<1x32x128xf32, #tpu.memory_space<vmem>>
        %dma_start3A_1348 = tpu.memref_squeeze %dma_start3A_1347 : memref<1x32x128xf32, #tpu.memory_space<vmem>> -> memref<32x128xf32, #tpu.memory_space<vmem>>
        %dma_start3A_1349 = arith.constant 0 : i32
        %dma_start3A_1350 = tpu.memref_slice %arg5[%dma_start3A_1349, %multiple_of3A_1342] : memref<32x1000000xf32, #tpu.memory_space<hbm>> -> memref<32x128xf32, #tpu.memory_space<hbm>>
        %dma_start3A_1351 = tpu.memref_slice %arg17[%dma_start3A_1344] : memref<16x!tpu.dma_semaphore, #tpu.memory_space<semaphore_mem>> -> memref<1x!tpu.dma_semaphore, #tpu.memory_space<semaphore_mem>>
        %dma_start3A_1352 = tpu.memref_squeeze %dma_start3A_1351 : memref<1x!tpu.dma_semaphore, #tpu.memory_space<semaphore_mem>> -> memref<!tpu.dma_semaphore, #tpu.memory_space<semaphore_mem>>
        %dma_start3A_1353 = arith.constant 0 : i32
        %dma_start3A_1354 = arith.constant 0 : i32
        %dma_start3A_1355 = tpu.memref_slice %arg11[%dma_start3A_1343, %dma_start3A_1353, %dma_start3A_1354] : memref<16x32x128xf32, #tpu.memory_space<vmem>> -> memref<1x32x128xf32, #tpu.memory_space<vmem>>
        %dma_start3A_1356 = tpu.memref_squeeze %dma_start3A_1355 : memref<1x32x128xf32, #tpu.memory_space<vmem>> -> memref<32x128xf32, #tpu.memory_space<vmem>>
        %dma_start3A_1357 = arith.constant 0 : i32
        %dma_start3A_1358 = tpu.memref_slice %arg5[%dma_start3A_1357, %multiple_of3A_1342] : memref<32x1000000xf32, #tpu.memory_space<hbm>> -> memref<32x128xf32, #tpu.memory_space<hbm>>
        tpu.enqueue_dma source(%dma_start3A_1358 : memref<32x128xf32, #tpu.memory_space<hbm>>) target(%dma_start3A_1356 : memref<32x128xf32, #tpu.memory_space<vmem>>) target_semaphore(%dma_start3A_1352 : memref<!tpu.dma_semaphore, #tpu.memory_space<semaphore_mem>>)
        %slice3A_1359 = vector.extract_strided_slice %mul3A_1339 {offsets = [1], sizes = [1], strides = [1]} : vector<16xi32> to vector<1xi32>
        %squeeze3A_1360 = vector.extract %slice3A_1359[0] : i32 from vector<1xi32>
        %multiple_of3A_1361 = tpu.assume_multiple %squeeze3A_1360, 128 : i32
        %dma_start3A_1362 = arith.constant 5 : i32
        %dma_start3A_1363 = arith.constant 5 : i32
        %dma_start3A_1364 = arith.constant 0 : i32
        %dma_start3A_1365 = arith.constant 0 : i32
        %dma_start3A_1366 = tpu.memref_slice %arg11[%dma_start3A_1362, %dma_start3A_1364, %dma_start3A_1365] : memref<16x32x128xf32, #tpu.memory_space<vmem>> -> memref<1x32x128xf32, #tpu.memory_space<vmem>>
        %dma_start3A_1367 = tpu.memref_squeeze %dma_start3A_1366 : memref<1x32x128xf32, #tpu.memory_space<vmem>> -> memref<32x128xf32, #tpu.memory_space<vmem>>
        %dma_start3A_1368 = arith.constant 0 : i32
        %dma_start3A_1369 = tpu.memref_slice %arg5[%dma_start3A_1368, %multiple_of3A_1361] : memref<32x1000000xf32, #tpu.memory_space<hbm>> -> memref<32x128xf32, #tpu.memory_space<hbm>>
        %dma_start3A_1370 = tpu.memref_slice %arg17[%dma_start3A_1363] : memref<16x!tpu.dma_semaphore, #tpu.memory_space<semaphore_mem>> -> memref<1x!tpu.dma_semaphore, #tpu.memory_space<semaphore_mem>>
        %dma_start3A_1371 = tpu.memref_squeeze %dma_start3A_1370 : memref<1x!tpu.dma_semaphore, #tpu.memory_space<semaphore_mem>> -> memref<!tpu.dma_semaphore, #tpu.memory_space<semaphore_mem>>
        %dma_start3A_1372 = arith.constant 0 : i32
        %dma_start3A_1373 = arith.constant 0 : i32
        %dma_start3A_1374 = tpu.memref_slice %arg11[%dma_start3A_1362, %dma_start3A_1372, %dma_start3A_1373] : memref<16x32x128xf32, #tpu.memory_space<vmem>> -> memref<1x32x128xf32, #tpu.memory_space<vmem>>
        %dma_start3A_1375 = tpu.memref_squeeze %dma_start3A_1374 : memref<1x32x128xf32, #tpu.memory_space<vmem>> -> memref<32x128xf32, #tpu.memory_space<vmem>>
        %dma_start3A_1376 = arith.constant 0 : i32
        %dma_start3A_1377 = tpu.memref_slice %arg5[%dma_start3A_1376, %multiple_of3A_1361] : memref<32x1000000xf32, #tpu.memory_space<hbm>> -> memref<32x128xf32, #tpu.memory_space<hbm>>
        tpu.enqueue_dma source(%dma_start3A_1377 : memref<32x128xf32, #tpu.memory_space<hbm>>) target(%dma_start3A_1375 : memref<32x128xf32, #tpu.memory_space<vmem>>) target_semaphore(%dma_start3A_1371 : memref<!tpu.dma_semaphore, #tpu.memory_space<semaphore_mem>>)
        %slice3A_1378 = vector.extract_strided_slice %mul3A_1339 {offsets = [2], sizes = [1], strides = [1]} : vector<16xi32> to vector<1xi32>
        %squeeze3A_1379 = vector.extract %slice3A_1378[0] : i32 from vector<1xi32>
        %multiple_of3A_1380 = tpu.assume_multiple %squeeze3A_1379, 128 : i32
        %dma_start3A_1381 = arith.constant 6 : i32
        %dma_start3A_1382 = arith.constant 6 : i32
        %dma_start3A_1383 = arith.constant 0 : i32
        %dma_start3A_1384 = arith.constant 0 : i32
        %dma_start3A_1385 = tpu.memref_slice %arg11[%dma_start3A_1381, %dma_start3A_1383, %dma_start3A_1384] : memref<16x32x128xf32, #tpu.memory_space<vmem>> -> memref<1x32x128xf32, #tpu.memory_space<vmem>>
        %dma_start3A_1386 = tpu.memref_squeeze %dma_start3A_1385 : memref<1x32x128xf32, #tpu.memory_space<vmem>> -> memref<32x128xf32, #tpu.memory_space<vmem>>
        %dma_start3A_1387 = arith.constant 0 : i32
        %dma_start3A_1388 = tpu.memref_slice %arg5[%dma_start3A_1387, %multiple_of3A_1380] : memref<32x1000000xf32, #tpu.memory_space<hbm>> -> memref<32x128xf32, #tpu.memory_space<hbm>>
        %dma_start3A_1389 = tpu.memref_slice %arg17[%dma_start3A_1382] : memref<16x!tpu.dma_semaphore, #tpu.memory_space<semaphore_mem>> -> memref<1x!tpu.dma_semaphore, #tpu.memory_space<semaphore_mem>>
        %dma_start3A_1390 = tpu.memref_squeeze %dma_start3A_1389 : memref<1x!tpu.dma_semaphore, #tpu.memory_space<semaphore_mem>> -> memref<!tpu.dma_semaphore, #tpu.memory_space<semaphore_mem>>
        %dma_start3A_1391 = arith.constant 0 : i32
        %dma_start3A_1392 = arith.constant 0 : i32
        %dma_start3A_1393 = tpu.memref_slice %arg11[%dma_start3A_1381, %dma_start3A_1391, %dma_start3A_1392] : memref<16x32x128xf32, #tpu.memory_space<vmem>> -> memref<1x32x128xf32, #tpu.memory_space<vmem>>
        %dma_start3A_1394 = tpu.memref_squeeze %dma_start3A_1393 : memref<1x32x128xf32, #tpu.memory_space<vmem>> -> memref<32x128xf32, #tpu.memory_space<vmem>>
        %dma_start3A_1395 = arith.constant 0 : i32
        %dma_start3A_1396 = tpu.memref_slice %arg5[%dma_start3A_1395, %multiple_of3A_1380] : memref<32x1000000xf32, #tpu.memory_space<hbm>> -> memref<32x128xf32, #tpu.memory_space<hbm>>
        tpu.enqueue_dma source(%dma_start3A_1396 : memref<32x128xf32, #tpu.memory_space<hbm>>) target(%dma_start3A_1394 : memref<32x128xf32, #tpu.memory_space<vmem>>) target_semaphore(%dma_start3A_1390 : memref<!tpu.dma_semaphore, #tpu.memory_space<semaphore_mem>>)
        %slice3A_1397 = vector.extract_strided_slice %mul3A_1339 {offsets = [3], sizes = [1], strides = [1]} : vector<16xi32> to vector<1xi32>
        %squeeze3A_1398 = vector.extract %slice3A_1397[0] : i32 from vector<1xi32>
        %multiple_of3A_1399 = tpu.assume_multiple %squeeze3A_1398, 128 : i32
        %dma_start3A_1400 = arith.constant 7 : i32
        %dma_start3A_1401 = arith.constant 7 : i32
        %dma_start3A_1402 = arith.constant 0 : i32
        %dma_start3A_1403 = arith.constant 0 : i32
        %dma_start3A_1404 = tpu.memref_slice %arg11[%dma_start3A_1400, %dma_start3A_1402, %dma_start3A_1403] : memref<16x32x128xf32, #tpu.memory_space<vmem>> -> memref<1x32x128xf32, #tpu.memory_space<vmem>>
        %dma_start3A_1405 = tpu.memref_squeeze %dma_start3A_1404 : memref<1x32x128xf32, #tpu.memory_space<vmem>> -> memref<32x128xf32, #tpu.memory_space<vmem>>
        %dma_start3A_1406 = arith.constant 0 : i32
        %dma_start3A_1407 = tpu.memref_slice %arg5[%dma_start3A_1406, %multiple_of3A_1399] : memref<32x1000000xf32, #tpu.memory_space<hbm>> -> memref<32x128xf32, #tpu.memory_space<hbm>>
        %dma_start3A_1408 = tpu.memref_slice %arg17[%dma_start3A_1401] : memref<16x!tpu.dma_semaphore, #tpu.memory_space<semaphore_mem>> -> memref<1x!tpu.dma_semaphore, #tpu.memory_space<semaphore_mem>>
        %dma_start3A_1409 = tpu.memref_squeeze %dma_start3A_1408 : memref<1x!tpu.dma_semaphore, #tpu.memory_space<semaphore_mem>> -> memref<!tpu.dma_semaphore, #tpu.memory_space<semaphore_mem>>
        %dma_start3A_1410 = arith.constant 0 : i32
        %dma_start3A_1411 = arith.constant 0 : i32
        %dma_start3A_1412 = tpu.memref_slice %arg11[%dma_start3A_1400, %dma_start3A_1410, %dma_start3A_1411] : memref<16x32x128xf32, #tpu.memory_space<vmem>> -> memref<1x32x128xf32, #tpu.memory_space<vmem>>
        %dma_start3A_1413 = tpu.memref_squeeze %dma_start3A_1412 : memref<1x32x128xf32, #tpu.memory_space<vmem>> -> memref<32x128xf32, #tpu.memory_space<vmem>>
        %dma_start3A_1414 = arith.constant 0 : i32
        %dma_start3A_1415 = tpu.memref_slice %arg5[%dma_start3A_1414, %multiple_of3A_1399] : memref<32x1000000xf32, #tpu.memory_space<hbm>> -> memref<32x128xf32, #tpu.memory_space<hbm>>
        tpu.enqueue_dma source(%dma_start3A_1415 : memref<32x128xf32, #tpu.memory_space<hbm>>) target(%dma_start3A_1413 : memref<32x128xf32, #tpu.memory_space<vmem>>) target_semaphore(%dma_start3A_1409 : memref<!tpu.dma_semaphore, #tpu.memory_space<semaphore_mem>>)
      } else {
      }
      %add3A_1008 = arith.constant 2 : i32
      %add3A_1009 = arith.addi %mul3A_694, %add3A_1008 : i32
      %dma_wait3A_1010 = arith.constant 8 : i32
      %dma_wait3A_1011 = arith.constant 8 : i32
      %dma_wait3A_1012 = arith.constant 0 : i32
      %dma_wait3A_1013 = arith.constant 0 : i32
      %dma_wait3A_1014 = tpu.memref_slice %arg11[%dma_wait3A_1010, %dma_wait3A_1012, %dma_wait3A_1013] : memref<16x32x128xf32, #tpu.memory_space<vmem>> -> memref<1x32x128xf32, #tpu.memory_space<vmem>>
      %dma_wait3A_1015 = tpu.memref_squeeze %dma_wait3A_1014 : memref<1x32x128xf32, #tpu.memory_space<vmem>> -> memref<32x128xf32, #tpu.memory_space<vmem>>
      %dma_wait3A_1016 = arith.constant 0 : i32
      %dma_wait3A_1017 = arith.constant 0 : i32
      %dma_wait3A_1018 = tpu.memref_slice %arg5[%dma_wait3A_1016, %dma_wait3A_1017] : memref<32x1000000xf32, #tpu.memory_space<hbm>> -> memref<32x128xf32, #tpu.memory_space<hbm>>
      %dma_wait3A_1019 = tpu.memref_slice %arg17[%dma_wait3A_1011] : memref<16x!tpu.dma_semaphore, #tpu.memory_space<semaphore_mem>> -> memref<1x!tpu.dma_semaphore, #tpu.memory_space<semaphore_mem>>
      %dma_wait3A_1020 = tpu.memref_squeeze %dma_wait3A_1019 : memref<1x!tpu.dma_semaphore, #tpu.memory_space<semaphore_mem>> -> memref<!tpu.dma_semaphore, #tpu.memory_space<semaphore_mem>>
      %dma_wait3A_1021 = arith.constant 0 : i32
      %dma_wait3A_1022 = arith.constant 0 : i32
      %dma_wait3A_1023 = tpu.memref_slice %arg11[%dma_wait3A_1010, %dma_wait3A_1021, %dma_wait3A_1022] : memref<16x32x128xf32, #tpu.memory_space<vmem>> -> memref<1x32x128xf32, #tpu.memory_space<vmem>>
      %dma_wait3A_1024 = tpu.memref_squeeze %dma_wait3A_1023 : memref<1x32x128xf32, #tpu.memory_space<vmem>> -> memref<32x128xf32, #tpu.memory_space<vmem>>
      %dma_wait3A_1025 = arith.constant 0 : i32
      %dma_wait3A_1026 = arith.constant 0 : i32
      %dma_wait3A_1027 = tpu.memref_slice %arg5[%dma_wait3A_1025, %dma_wait3A_1026] : memref<32x1000000xf32, #tpu.memory_space<hbm>> -> memref<32x128xf32, #tpu.memory_space<hbm>>
      tpu.wait_dma2 semaphore(%dma_wait3A_1020 : memref<!tpu.dma_semaphore, #tpu.memory_space<semaphore_mem>>) src(%dma_wait3A_1027 : memref<32x128xf32, #tpu.memory_space<hbm>>) dst(%dma_wait3A_1024 : memref<32x128xf32, #tpu.memory_space<vmem>>)
      %dma_wait3A_1028 = arith.constant 9 : i32
      %dma_wait3A_1029 = arith.constant 9 : i32
      %dma_wait3A_1030 = arith.constant 0 : i32
      %dma_wait3A_1031 = arith.constant 0 : i32
      %dma_wait3A_1032 = tpu.memref_slice %arg11[%dma_wait3A_1028, %dma_wait3A_1030, %dma_wait3A_1031] : memref<16x32x128xf32, #tpu.memory_space<vmem>> -> memref<1x32x128xf32, #tpu.memory_space<vmem>>
      %dma_wait3A_1033 = tpu.memref_squeeze %dma_wait3A_1032 : memref<1x32x128xf32, #tpu.memory_space<vmem>> -> memref<32x128xf32, #tpu.memory_space<vmem>>
      %dma_wait3A_1034 = arith.constant 0 : i32
      %dma_wait3A_1035 = arith.constant 0 : i32
      %dma_wait3A_1036 = tpu.memref_slice %arg5[%dma_wait3A_1034, %dma_wait3A_1035] : memref<32x1000000xf32, #tpu.memory_space<hbm>> -> memref<32x128xf32, #tpu.memory_space<hbm>>
      %dma_wait3A_1037 = tpu.memref_slice %arg17[%dma_wait3A_1029] : memref<16x!tpu.dma_semaphore, #tpu.memory_space<semaphore_mem>> -> memref<1x!tpu.dma_semaphore, #tpu.memory_space<semaphore_mem>>
      %dma_wait3A_1038 = tpu.memref_squeeze %dma_wait3A_1037 : memref<1x!tpu.dma_semaphore, #tpu.memory_space<semaphore_mem>> -> memref<!tpu.dma_semaphore, #tpu.memory_space<semaphore_mem>>
      %dma_wait3A_1039 = arith.constant 0 : i32
      %dma_wait3A_1040 = arith.constant 0 : i32
      %dma_wait3A_1041 = tpu.memref_slice %arg11[%dma_wait3A_1028, %dma_wait3A_1039, %dma_wait3A_1040] : memref<16x32x128xf32, #tpu.memory_space<vmem>> -> memref<1x32x128xf32, #tpu.memory_space<vmem>>
      %dma_wait3A_1042 = tpu.memref_squeeze %dma_wait3A_1041 : memref<1x32x128xf32, #tpu.memory_space<vmem>> -> memref<32x128xf32, #tpu.memory_space<vmem>>
      %dma_wait3A_1043 = arith.constant 0 : i32
      %dma_wait3A_1044 = arith.constant 0 : i32
      %dma_wait3A_1045 = tpu.memref_slice %arg5[%dma_wait3A_1043, %dma_wait3A_1044] : memref<32x1000000xf32, #tpu.memory_space<hbm>> -> memref<32x128xf32, #tpu.memory_space<hbm>>
      tpu.wait_dma2 semaphore(%dma_wait3A_1038 : memref<!tpu.dma_semaphore, #tpu.memory_space<semaphore_mem>>) src(%dma_wait3A_1045 : memref<32x128xf32, #tpu.memory_space<hbm>>) dst(%dma_wait3A_1042 : memref<32x128xf32, #tpu.memory_space<vmem>>)
      %dma_wait3A_1046 = arith.constant 10 : i32
      %dma_wait3A_1047 = arith.constant 10 : i32
      %dma_wait3A_1048 = arith.constant 0 : i32
      %dma_wait3A_1049 = arith.constant 0 : i32
      %dma_wait3A_1050 = tpu.memref_slice %arg11[%dma_wait3A_1046, %dma_wait3A_1048, %dma_wait3A_1049] : memref<16x32x128xf32, #tpu.memory_space<vmem>> -> memref<1x32x128xf32, #tpu.memory_space<vmem>>
      %dma_wait3A_1051 = tpu.memref_squeeze %dma_wait3A_1050 : memref<1x32x128xf32, #tpu.memory_space<vmem>> -> memref<32x128xf32, #tpu.memory_space<vmem>>
      %dma_wait3A_1052 = arith.constant 0 : i32
      %dma_wait3A_1053 = arith.constant 0 : i32
      %dma_wait3A_1054 = tpu.memref_slice %arg5[%dma_wait3A_1052, %dma_wait3A_1053] : memref<32x1000000xf32, #tpu.memory_space<hbm>> -> memref<32x128xf32, #tpu.memory_space<hbm>>
      %dma_wait3A_1055 = tpu.memref_slice %arg17[%dma_wait3A_1047] : memref<16x!tpu.dma_semaphore, #tpu.memory_space<semaphore_mem>> -> memref<1x!tpu.dma_semaphore, #tpu.memory_space<semaphore_mem>>
      %dma_wait3A_1056 = tpu.memref_squeeze %dma_wait3A_1055 : memref<1x!tpu.dma_semaphore, #tpu.memory_space<semaphore_mem>> -> memref<!tpu.dma_semaphore, #tpu.memory_space<semaphore_mem>>
      %dma_wait3A_1057 = arith.constant 0 : i32
      %dma_wait3A_1058 = arith.constant 0 : i32
      %dma_wait3A_1059 = tpu.memref_slice %arg11[%dma_wait3A_1046, %dma_wait3A_1057, %dma_wait3A_1058] : memref<16x32x128xf32, #tpu.memory_space<vmem>> -> memref<1x32x128xf32, #tpu.memory_space<vmem>>
      %dma_wait3A_1060 = tpu.memref_squeeze %dma_wait3A_1059 : memref<1x32x128xf32, #tpu.memory_space<vmem>> -> memref<32x128xf32, #tpu.memory_space<vmem>>
      %dma_wait3A_1061 = arith.constant 0 : i32
      %dma_wait3A_1062 = arith.constant 0 : i32
      %dma_wait3A_1063 = tpu.memref_slice %arg5[%dma_wait3A_1061, %dma_wait3A_1062] : memref<32x1000000xf32, #tpu.memory_space<hbm>> -> memref<32x128xf32, #tpu.memory_space<hbm>>
      tpu.wait_dma2 semaphore(%dma_wait3A_1056 : memref<!tpu.dma_semaphore, #tpu.memory_space<semaphore_mem>>) src(%dma_wait3A_1063 : memref<32x128xf32, #tpu.memory_space<hbm>>) dst(%dma_wait3A_1060 : memref<32x128xf32, #tpu.memory_space<vmem>>)
      %dma_wait3A_1064 = arith.constant 11 : i32
      %dma_wait3A_1065 = arith.constant 11 : i32
      %dma_wait3A_1066 = arith.constant 0 : i32
      %dma_wait3A_1067 = arith.constant 0 : i32
      %dma_wait3A_1068 = tpu.memref_slice %arg11[%dma_wait3A_1064, %dma_wait3A_1066, %dma_wait3A_1067] : memref<16x32x128xf32, #tpu.memory_space<vmem>> -> memref<1x32x128xf32, #tpu.memory_space<vmem>>
      %dma_wait3A_1069 = tpu.memref_squeeze %dma_wait3A_1068 : memref<1x32x128xf32, #tpu.memory_space<vmem>> -> memref<32x128xf32, #tpu.memory_space<vmem>>
      %dma_wait3A_1070 = arith.constant 0 : i32
      %dma_wait3A_1071 = arith.constant 0 : i32
      %dma_wait3A_1072 = tpu.memref_slice %arg5[%dma_wait3A_1070, %dma_wait3A_1071] : memref<32x1000000xf32, #tpu.memory_space<hbm>> -> memref<32x128xf32, #tpu.memory_space<hbm>>
      %dma_wait3A_1073 = tpu.memref_slice %arg17[%dma_wait3A_1065] : memref<16x!tpu.dma_semaphore, #tpu.memory_space<semaphore_mem>> -> memref<1x!tpu.dma_semaphore, #tpu.memory_space<semaphore_mem>>
      %dma_wait3A_1074 = tpu.memref_squeeze %dma_wait3A_1073 : memref<1x!tpu.dma_semaphore, #tpu.memory_space<semaphore_mem>> -> memref<!tpu.dma_semaphore, #tpu.memory_space<semaphore_mem>>
      %dma_wait3A_1075 = arith.constant 0 : i32
      %dma_wait3A_1076 = arith.constant 0 : i32
      %dma_wait3A_1077 = tpu.memref_slice %arg11[%dma_wait3A_1064, %dma_wait3A_1075, %dma_wait3A_1076] : memref<16x32x128xf32, #tpu.memory_space<vmem>> -> memref<1x32x128xf32, #tpu.memory_space<vmem>>
      %dma_wait3A_1078 = tpu.memref_squeeze %dma_wait3A_1077 : memref<1x32x128xf32, #tpu.memory_space<vmem>> -> memref<32x128xf32, #tpu.memory_space<vmem>>
      %dma_wait3A_1079 = arith.constant 0 : i32
      %dma_wait3A_1080 = arith.constant 0 : i32
      %dma_wait3A_1081 = tpu.memref_slice %arg5[%dma_wait3A_1079, %dma_wait3A_1080] : memref<32x1000000xf32, #tpu.memory_space<hbm>> -> memref<32x128xf32, #tpu.memory_space<hbm>>
      tpu.wait_dma2 semaphore(%dma_wait3A_1074 : memref<!tpu.dma_semaphore, #tpu.memory_space<semaphore_mem>>) src(%dma_wait3A_1081 : memref<32x128xf32, #tpu.memory_space<hbm>>) dst(%dma_wait3A_1078 : memref<32x128xf32, #tpu.memory_space<vmem>>)
      %mul3A_1082 = arith.constant 4 : i32
      %mul3A_1083 = arith.muli %add3A_1009, %mul3A_1082 : i32
      %get3A_1084 = arith.index_cast %mul3A_1083 : i32 to index
      %get3A_1085 = tpu.vector_load %arg10[%get3A_1084] {strides = array<i32>} : memref<528xi32, #tpu.memory_space<vmem>>, vector<16xi32>,
      %and3A_1086 = arith.constant 127 : i32
      %and3A_1087 = vector.broadcast %and3A_1086 : i32 to vector<16xi32>
      %and3A_1088 = arith.andi %get3A_1085, %and3A_1087 : vector<16xi32>
      %mul3A_1089 = arith.constant 4 : i32
      %mul3A_1090 = arith.muli %add3A_1009, %mul3A_1089 : i32
      %add3A_1091 = arith.constant 0 : i32
      %add3A_1092 = arith.addi %mul3A_1090, %add3A_1091 : i32
      %slice3A_1093 = vector.extract_strided_slice %and3A_1088 {offsets = [0], sizes = [1], strides = [1]} : vector<16xi32> to vector<1xi32>
      %squeeze3A_1094 = vector.extract %slice3A_1093[0] : i32 from vector<1xi32>
      %broadcast_in_dim3A_1095 = vector.broadcast %squeeze3A_1094 : i32 to vector<16xi32>
      %broadcast_in_dim3A_1096 = arith.constant 8 : i32
      %broadcast_in_dim3A_1097 = vector.broadcast %broadcast_in_dim3A_1096 : i32 to vector<16xi32>
      %broadcast_in_dim3A_1098 = vector.broadcast %add3A_1092 : i32 to vector<16xi32>
      %gather3A_1099 = tpu.vector_load_idx %arg11[%broadcast_in_dim3A_1097, %iota3A, %broadcast_in_dim3A_1095] : memref<16x32x128xf32, #tpu.memory_space<vmem>>[vector<16xi32>, vector<16xi32>, vector<16xi32>], vector<16xf32>,
      %add3A_1100 = arith.constant 16 : i32
      %add3A_1101 = vector.broadcast %add3A_1100 : i32 to vector<16xi32>
      %add3A_1102 = arith.addi %iota3A, %add3A_1101 : vector<16xi32>
      %gather3A_1103 = tpu.vector_load_idx %arg11[%broadcast_in_dim3A_1097, %add3A_1102, %broadcast_in_dim3A_1095] : memref<16x32x128xf32, #tpu.memory_space<vmem>>[vector<16xi32>, vector<16xi32>, vector<16xi32>], vector<16xf32>,
      tpu.vector_store_idx %arg13[%iota3A, %broadcast_in_dim3A_1098], %gather3A_1099 : memref<32x512xf32, #tpu.memory_space<vmem>>[vector<16xi32>, vector<16xi32>], vector<16xf32>,
      %add3A_1104 = arith.constant 16 : i32
      %add3A_1105 = vector.broadcast %add3A_1104 : i32 to vector<16xi32>
      %add3A_1106 = arith.addi %iota3A, %add3A_1105 : vector<16xi32>
      tpu.vector_store_idx %arg13[%add3A_1106, %broadcast_in_dim3A_1098], %gather3A_1103 : memref<32x512xf32, #tpu.memory_space<vmem>>[vector<16xi32>, vector<16xi32>], vector<16xf32>,
      %mul3A_1107 = arith.constant 4 : i32
      %mul3A_1108 = arith.muli %add3A_1009, %mul3A_1107 : i32
      %add3A_1109 = arith.constant 1 : i32
      %add3A_1110 = arith.addi %mul3A_1108, %add3A_1109 : i32
      %slice3A_1111 = vector.extract_strided_slice %and3A_1088 {offsets = [1], sizes = [1], strides = [1]} : vector<16xi32> to vector<1xi32>
      %squeeze3A_1112 = vector.extract %slice3A_1111[0] : i32 from vector<1xi32>
      %broadcast_in_dim3A_1113 = vector.broadcast %squeeze3A_1112 : i32 to vector<16xi32>
      %broadcast_in_dim3A_1114 = arith.constant 9 : i32
      %broadcast_in_dim3A_1115 = vector.broadcast %broadcast_in_dim3A_1114 : i32 to vector<16xi32>
      %broadcast_in_dim3A_1116 = vector.broadcast %add3A_1110 : i32 to vector<16xi32>
      %gather3A_1117 = tpu.vector_load_idx %arg11[%broadcast_in_dim3A_1115, %iota3A, %broadcast_in_dim3A_1113] : memref<16x32x128xf32, #tpu.memory_space<vmem>>[vector<16xi32>, vector<16xi32>, vector<16xi32>], vector<16xf32>,
      %add3A_1118 = arith.constant 16 : i32
      %add3A_1119 = vector.broadcast %add3A_1118 : i32 to vector<16xi32>
      %add3A_1120 = arith.addi %iota3A, %add3A_1119 : vector<16xi32>
      %gather3A_1121 = tpu.vector_load_idx %arg11[%broadcast_in_dim3A_1115, %add3A_1120, %broadcast_in_dim3A_1113] : memref<16x32x128xf32, #tpu.memory_space<vmem>>[vector<16xi32>, vector<16xi32>, vector<16xi32>], vector<16xf32>,
      tpu.vector_store_idx %arg13[%iota3A, %broadcast_in_dim3A_1116], %gather3A_1117 : memref<32x512xf32, #tpu.memory_space<vmem>>[vector<16xi32>, vector<16xi32>], vector<16xf32>,
      %add3A_1122 = arith.constant 16 : i32
      %add3A_1123 = vector.broadcast %add3A_1122 : i32 to vector<16xi32>
      %add3A_1124 = arith.addi %iota3A, %add3A_1123 : vector<16xi32>
      tpu.vector_store_idx %arg13[%add3A_1124, %broadcast_in_dim3A_1116], %gather3A_1121 : memref<32x512xf32, #tpu.memory_space<vmem>>[vector<16xi32>, vector<16xi32>], vector<16xf32>,
      %mul3A_1125 = arith.constant 4 : i32
      %mul3A_1126 = arith.muli %add3A_1009, %mul3A_1125 : i32
      %add3A_1127 = arith.constant 2 : i32
      %add3A_1128 = arith.addi %mul3A_1126, %add3A_1127 : i32
      %slice3A_1129 = vector.extract_strided_slice %and3A_1088 {offsets = [2], sizes = [1], strides = [1]} : vector<16xi32> to vector<1xi32>
      %squeeze3A_1130 = vector.extract %slice3A_1129[0] : i32 from vector<1xi32>
      %broadcast_in_dim3A_1131 = vector.broadcast %squeeze3A_1130 : i32 to vector<16xi32>
      %broadcast_in_dim3A_1132 = arith.constant 10 : i32
      %broadcast_in_dim3A_1133 = vector.broadcast %broadcast_in_dim3A_1132 : i32 to vector<16xi32>
      %broadcast_in_dim3A_1134 = vector.broadcast %add3A_1128 : i32 to vector<16xi32>
      %gather3A_1135 = tpu.vector_load_idx %arg11[%broadcast_in_dim3A_1133, %iota3A, %broadcast_in_dim3A_1131] : memref<16x32x128xf32, #tpu.memory_space<vmem>>[vector<16xi32>, vector<16xi32>, vector<16xi32>], vector<16xf32>,
      %add3A_1136 = arith.constant 16 : i32
      %add3A_1137 = vector.broadcast %add3A_1136 : i32 to vector<16xi32>
      %add3A_1138 = arith.addi %iota3A, %add3A_1137 : vector<16xi32>
      %gather3A_1139 = tpu.vector_load_idx %arg11[%broadcast_in_dim3A_1133, %add3A_1138, %broadcast_in_dim3A_1131] : memref<16x32x128xf32, #tpu.memory_space<vmem>>[vector<16xi32>, vector<16xi32>, vector<16xi32>], vector<16xf32>,
      tpu.vector_store_idx %arg13[%iota3A, %broadcast_in_dim3A_1134], %gather3A_1135 : memref<32x512xf32, #tpu.memory_space<vmem>>[vector<16xi32>, vector<16xi32>], vector<16xf32>,
      %add3A_1140 = arith.constant 16 : i32
      %add3A_1141 = vector.broadcast %add3A_1140 : i32 to vector<16xi32>
      %add3A_1142 = arith.addi %iota3A, %add3A_1141 : vector<16xi32>
      tpu.vector_store_idx %arg13[%add3A_1142, %broadcast_in_dim3A_1134], %gather3A_1139 : memref<32x512xf32, #tpu.memory_space<vmem>>[vector<16xi32>, vector<16xi32>], vector<16xf32>,
      %mul3A_1143 = arith.constant 4 : i32
      %mul3A_1144 = arith.muli %add3A_1009, %mul3A_1143 : i32
      %add3A_1145 = arith.constant 3 : i32
      %add3A_1146 = arith.addi %mul3A_1144, %add3A_1145 : i32
      %slice3A_1147 = vector.extract_strided_slice %and3A_1088 {offsets = [3], sizes = [1], strides = [1]} : vector<16xi32> to vector<1xi32>
      %squeeze3A_1148 = vector.extract %slice3A_1147[0] : i32 from vector<1xi32>
      %broadcast_in_dim3A_1149 = vector.broadcast %squeeze3A_1148 : i32 to vector<16xi32>
      %broadcast_in_dim3A_1150 = arith.constant 11 : i32
      %broadcast_in_dim3A_1151 = vector.broadcast %broadcast_in_dim3A_1150 : i32 to vector<16xi32>
      %broadcast_in_dim3A_1152 = vector.broadcast %add3A_1146 : i32 to vector<16xi32>
      %gather3A_1153 = tpu.vector_load_idx %arg11[%broadcast_in_dim3A_1151, %iota3A, %broadcast_in_dim3A_1149] : memref<16x32x128xf32, #tpu.memory_space<vmem>>[vector<16xi32>, vector<16xi32>, vector<16xi32>], vector<16xf32>,
      %add3A_1154 = arith.constant 16 : i32
      %add3A_1155 = vector.broadcast %add3A_1154 : i32 to vector<16xi32>
      %add3A_1156 = arith.addi %iota3A, %add3A_1155 : vector<16xi32>
      %gather3A_1157 = tpu.vector_load_idx %arg11[%broadcast_in_dim3A_1151, %add3A_1156, %broadcast_in_dim3A_1149] : memref<16x32x128xf32, #tpu.memory_space<vmem>>[vector<16xi32>, vector<16xi32>, vector<16xi32>], vector<16xf32>,
      tpu.vector_store_idx %arg13[%iota3A, %broadcast_in_dim3A_1152], %gather3A_1153 : memref<32x512xf32, #tpu.memory_space<vmem>>[vector<16xi32>, vector<16xi32>], vector<16xf32>,
      %add3A_1158 = arith.constant 16 : i32
      %add3A_1159 = vector.broadcast %add3A_1158 : i32 to vector<16xi32>
      %add3A_1160 = arith.addi %iota3A, %add3A_1159 : vector<16xi32>
      tpu.vector_store_idx %arg13[%add3A_1160, %broadcast_in_dim3A_1152], %gather3A_1157 : memref<32x512xf32, #tpu.memory_space<vmem>>[vector<16xi32>, vector<16xi32>], vector<16xf32>,
      %add3A_1161 = arith.constant 4 : i32
      %add3A_1162 = arith.addi %add3A_1009, %add3A_1161 : i32
      %lt3A_1163 = arith.constant 128 : i32
      %lt3A_1164 = arith.cmpi slt, %add3A_1162, %lt3A_1163 : i32
      %convert_element_type3A_1165 = arith.extui %lt3A_1164 : i1 to i32
      %cond3A_1166 = arith.constant 0 : i32
      %cond3A_1167 = arith.cmpi ne, %convert_element_type3A_1165, %cond3A_1166 : i32
      scf.if %cond3A_1167 {
        %add3A_1328 = arith.constant 4 : i32
        %add3A_1329 = arith.addi %add3A_1009, %add3A_1328 : i32
        %mul3A_1330 = arith.constant 4 : i32
        %mul3A_1331 = arith.muli %add3A_1329, %mul3A_1330 : i32
        %get3A_1332 = arith.index_cast %mul3A_1331 : i32 to index
        %get3A_1333 = tpu.vector_load %arg10[%get3A_1332] {strides = array<i32>} : memref<528xi32, #tpu.memory_space<vmem>>, vector<16xi32>,
        %shift_right_logical3A_1334 = arith.constant 7 : i32
        %shift_right_logical3A_1335 = vector.broadcast %shift_right_logical3A_1334 : i32 to vector<16xi32>
        %shift_right_logical3A_1336 = arith.shrui %get3A_1333, %shift_right_logical3A_1335 : vector<16xi32>
        %mul3A_1337 = arith.constant 128 : i32
        %mul3A_1338 = vector.broadcast %mul3A_1337 : i32 to vector<16xi32>
        %mul3A_1339 = arith.muli %shift_right_logical3A_1336, %mul3A_1338 : vector<16xi32>
        %slice3A_1340 = vector.extract_strided_slice %mul3A_1339 {offsets = [0], sizes = [1], strides = [1]} : vector<16xi32> to vector<1xi32>
        %squeeze3A_1341 = vector.extract %slice3A_1340[0] : i32 from vector<1xi32>
        %multiple_of3A_1342 = tpu.assume_multiple %squeeze3A_1341, 128 : i32
        %dma_start3A_1343 = arith.constant 8 : i32
        %dma_start3A_1344 = arith.constant 8 : i32
        %dma_start3A_1345 = arith.constant 0 : i32
        %dma_start3A_1346 = arith.constant 0 : i32
        %dma_start3A_1347 = tpu.memref_slice %arg11[%dma_start3A_1343, %dma_start3A_1345, %dma_start3A_1346] : memref<16x32x128xf32, #tpu.memory_space<vmem>> -> memref<1x32x128xf32, #tpu.memory_space<vmem>>
        %dma_start3A_1348 = tpu.memref_squeeze %dma_start3A_1347 : memref<1x32x128xf32, #tpu.memory_space<vmem>> -> memref<32x128xf32, #tpu.memory_space<vmem>>
        %dma_start3A_1349 = arith.constant 0 : i32
        %dma_start3A_1350 = tpu.memref_slice %arg5[%dma_start3A_1349, %multiple_of3A_1342] : memref<32x1000000xf32, #tpu.memory_space<hbm>> -> memref<32x128xf32, #tpu.memory_space<hbm>>
        %dma_start3A_1351 = tpu.memref_slice %arg17[%dma_start3A_1344] : memref<16x!tpu.dma_semaphore, #tpu.memory_space<semaphore_mem>> -> memref<1x!tpu.dma_semaphore, #tpu.memory_space<semaphore_mem>>
        %dma_start3A_1352 = tpu.memref_squeeze %dma_start3A_1351 : memref<1x!tpu.dma_semaphore, #tpu.memory_space<semaphore_mem>> -> memref<!tpu.dma_semaphore, #tpu.memory_space<semaphore_mem>>
        %dma_start3A_1353 = arith.constant 0 : i32
        %dma_start3A_1354 = arith.constant 0 : i32
        %dma_start3A_1355 = tpu.memref_slice %arg11[%dma_start3A_1343, %dma_start3A_1353, %dma_start3A_1354] : memref<16x32x128xf32, #tpu.memory_space<vmem>> -> memref<1x32x128xf32, #tpu.memory_space<vmem>>
        %dma_start3A_1356 = tpu.memref_squeeze %dma_start3A_1355 : memref<1x32x128xf32, #tpu.memory_space<vmem>> -> memref<32x128xf32, #tpu.memory_space<vmem>>
        %dma_start3A_1357 = arith.constant 0 : i32
        %dma_start3A_1358 = tpu.memref_slice %arg5[%dma_start3A_1357, %multiple_of3A_1342] : memref<32x1000000xf32, #tpu.memory_space<hbm>> -> memref<32x128xf32, #tpu.memory_space<hbm>>
        tpu.enqueue_dma source(%dma_start3A_1358 : memref<32x128xf32, #tpu.memory_space<hbm>>) target(%dma_start3A_1356 : memref<32x128xf32, #tpu.memory_space<vmem>>) target_semaphore(%dma_start3A_1352 : memref<!tpu.dma_semaphore, #tpu.memory_space<semaphore_mem>>)
        %slice3A_1359 = vector.extract_strided_slice %mul3A_1339 {offsets = [1], sizes = [1], strides = [1]} : vector<16xi32> to vector<1xi32>
        %squeeze3A_1360 = vector.extract %slice3A_1359[0] : i32 from vector<1xi32>
        %multiple_of3A_1361 = tpu.assume_multiple %squeeze3A_1360, 128 : i32
        %dma_start3A_1362 = arith.constant 9 : i32
        %dma_start3A_1363 = arith.constant 9 : i32
        %dma_start3A_1364 = arith.constant 0 : i32
        %dma_start3A_1365 = arith.constant 0 : i32
        %dma_start3A_1366 = tpu.memref_slice %arg11[%dma_start3A_1362, %dma_start3A_1364, %dma_start3A_1365] : memref<16x32x128xf32, #tpu.memory_space<vmem>> -> memref<1x32x128xf32, #tpu.memory_space<vmem>>
        %dma_start3A_1367 = tpu.memref_squeeze %dma_start3A_1366 : memref<1x32x128xf32, #tpu.memory_space<vmem>> -> memref<32x128xf32, #tpu.memory_space<vmem>>
        %dma_start3A_1368 = arith.constant 0 : i32
        %dma_start3A_1369 = tpu.memref_slice %arg5[%dma_start3A_1368, %multiple_of3A_1361] : memref<32x1000000xf32, #tpu.memory_space<hbm>> -> memref<32x128xf32, #tpu.memory_space<hbm>>
        %dma_start3A_1370 = tpu.memref_slice %arg17[%dma_start3A_1363] : memref<16x!tpu.dma_semaphore, #tpu.memory_space<semaphore_mem>> -> memref<1x!tpu.dma_semaphore, #tpu.memory_space<semaphore_mem>>
        %dma_start3A_1371 = tpu.memref_squeeze %dma_start3A_1370 : memref<1x!tpu.dma_semaphore, #tpu.memory_space<semaphore_mem>> -> memref<!tpu.dma_semaphore, #tpu.memory_space<semaphore_mem>>
        %dma_start3A_1372 = arith.constant 0 : i32
        %dma_start3A_1373 = arith.constant 0 : i32
        %dma_start3A_1374 = tpu.memref_slice %arg11[%dma_start3A_1362, %dma_start3A_1372, %dma_start3A_1373] : memref<16x32x128xf32, #tpu.memory_space<vmem>> -> memref<1x32x128xf32, #tpu.memory_space<vmem>>
        %dma_start3A_1375 = tpu.memref_squeeze %dma_start3A_1374 : memref<1x32x128xf32, #tpu.memory_space<vmem>> -> memref<32x128xf32, #tpu.memory_space<vmem>>
        %dma_start3A_1376 = arith.constant 0 : i32
        %dma_start3A_1377 = tpu.memref_slice %arg5[%dma_start3A_1376, %multiple_of3A_1361] : memref<32x1000000xf32, #tpu.memory_space<hbm>> -> memref<32x128xf32, #tpu.memory_space<hbm>>
        tpu.enqueue_dma source(%dma_start3A_1377 : memref<32x128xf32, #tpu.memory_space<hbm>>) target(%dma_start3A_1375 : memref<32x128xf32, #tpu.memory_space<vmem>>) target_semaphore(%dma_start3A_1371 : memref<!tpu.dma_semaphore, #tpu.memory_space<semaphore_mem>>)
        %slice3A_1378 = vector.extract_strided_slice %mul3A_1339 {offsets = [2], sizes = [1], strides = [1]} : vector<16xi32> to vector<1xi32>
        %squeeze3A_1379 = vector.extract %slice3A_1378[0] : i32 from vector<1xi32>
        %multiple_of3A_1380 = tpu.assume_multiple %squeeze3A_1379, 128 : i32
        %dma_start3A_1381 = arith.constant 10 : i32
        %dma_start3A_1382 = arith.constant 10 : i32
        %dma_start3A_1383 = arith.constant 0 : i32
        %dma_start3A_1384 = arith.constant 0 : i32
        %dma_start3A_1385 = tpu.memref_slice %arg11[%dma_start3A_1381, %dma_start3A_1383, %dma_start3A_1384] : memref<16x32x128xf32, #tpu.memory_space<vmem>> -> memref<1x32x128xf32, #tpu.memory_space<vmem>>
        %dma_start3A_1386 = tpu.memref_squeeze %dma_start3A_1385 : memref<1x32x128xf32, #tpu.memory_space<vmem>> -> memref<32x128xf32, #tpu.memory_space<vmem>>
        %dma_start3A_1387 = arith.constant 0 : i32
        %dma_start3A_1388 = tpu.memref_slice %arg5[%dma_start3A_1387, %multiple_of3A_1380] : memref<32x1000000xf32, #tpu.memory_space<hbm>> -> memref<32x128xf32, #tpu.memory_space<hbm>>
        %dma_start3A_1389 = tpu.memref_slice %arg17[%dma_start3A_1382] : memref<16x!tpu.dma_semaphore, #tpu.memory_space<semaphore_mem>> -> memref<1x!tpu.dma_semaphore, #tpu.memory_space<semaphore_mem>>
        %dma_start3A_1390 = tpu.memref_squeeze %dma_start3A_1389 : memref<1x!tpu.dma_semaphore, #tpu.memory_space<semaphore_mem>> -> memref<!tpu.dma_semaphore, #tpu.memory_space<semaphore_mem>>
        %dma_start3A_1391 = arith.constant 0 : i32
        %dma_start3A_1392 = arith.constant 0 : i32
        %dma_start3A_1393 = tpu.memref_slice %arg11[%dma_start3A_1381, %dma_start3A_1391, %dma_start3A_1392] : memref<16x32x128xf32, #tpu.memory_space<vmem>> -> memref<1x32x128xf32, #tpu.memory_space<vmem>>
        %dma_start3A_1394 = tpu.memref_squeeze %dma_start3A_1393 : memref<1x32x128xf32, #tpu.memory_space<vmem>> -> memref<32x128xf32, #tpu.memory_space<vmem>>
        %dma_start3A_1395 = arith.constant 0 : i32
        %dma_start3A_1396 = tpu.memref_slice %arg5[%dma_start3A_1395, %multiple_of3A_1380] : memref<32x1000000xf32, #tpu.memory_space<hbm>> -> memref<32x128xf32, #tpu.memory_space<hbm>>
        tpu.enqueue_dma source(%dma_start3A_1396 : memref<32x128xf32, #tpu.memory_space<hbm>>) target(%dma_start3A_1394 : memref<32x128xf32, #tpu.memory_space<vmem>>) target_semaphore(%dma_start3A_1390 : memref<!tpu.dma_semaphore, #tpu.memory_space<semaphore_mem>>)
        %slice3A_1397 = vector.extract_strided_slice %mul3A_1339 {offsets = [3], sizes = [1], strides = [1]} : vector<16xi32> to vector<1xi32>
        %squeeze3A_1398 = vector.extract %slice3A_1397[0] : i32 from vector<1xi32>
        %multiple_of3A_1399 = tpu.assume_multiple %squeeze3A_1398, 128 : i32
        %dma_start3A_1400 = arith.constant 11 : i32
        %dma_start3A_1401 = arith.constant 11 : i32
        %dma_start3A_1402 = arith.constant 0 : i32
        %dma_start3A_1403 = arith.constant 0 : i32
        %dma_start3A_1404 = tpu.memref_slice %arg11[%dma_start3A_1400, %dma_start3A_1402, %dma_start3A_1403] : memref<16x32x128xf32, #tpu.memory_space<vmem>> -> memref<1x32x128xf32, #tpu.memory_space<vmem>>
        %dma_start3A_1405 = tpu.memref_squeeze %dma_start3A_1404 : memref<1x32x128xf32, #tpu.memory_space<vmem>> -> memref<32x128xf32, #tpu.memory_space<vmem>>
        %dma_start3A_1406 = arith.constant 0 : i32
        %dma_start3A_1407 = tpu.memref_slice %arg5[%dma_start3A_1406, %multiple_of3A_1399] : memref<32x1000000xf32, #tpu.memory_space<hbm>> -> memref<32x128xf32, #tpu.memory_space<hbm>>
        %dma_start3A_1408 = tpu.memref_slice %arg17[%dma_start3A_1401] : memref<16x!tpu.dma_semaphore, #tpu.memory_space<semaphore_mem>> -> memref<1x!tpu.dma_semaphore, #tpu.memory_space<semaphore_mem>>
        %dma_start3A_1409 = tpu.memref_squeeze %dma_start3A_1408 : memref<1x!tpu.dma_semaphore, #tpu.memory_space<semaphore_mem>> -> memref<!tpu.dma_semaphore, #tpu.memory_space<semaphore_mem>>
        %dma_start3A_1410 = arith.constant 0 : i32
        %dma_start3A_1411 = arith.constant 0 : i32
        %dma_start3A_1412 = tpu.memref_slice %arg11[%dma_start3A_1400, %dma_start3A_1410, %dma_start3A_1411] : memref<16x32x128xf32, #tpu.memory_space<vmem>> -> memref<1x32x128xf32, #tpu.memory_space<vmem>>
        %dma_start3A_1413 = tpu.memref_squeeze %dma_start3A_1412 : memref<1x32x128xf32, #tpu.memory_space<vmem>> -> memref<32x128xf32, #tpu.memory_space<vmem>>
        %dma_start3A_1414 = arith.constant 0 : i32
        %dma_start3A_1415 = tpu.memref_slice %arg5[%dma_start3A_1414, %multiple_of3A_1399] : memref<32x1000000xf32, #tpu.memory_space<hbm>> -> memref<32x128xf32, #tpu.memory_space<hbm>>
        tpu.enqueue_dma source(%dma_start3A_1415 : memref<32x128xf32, #tpu.memory_space<hbm>>) target(%dma_start3A_1413 : memref<32x128xf32, #tpu.memory_space<vmem>>) target_semaphore(%dma_start3A_1409 : memref<!tpu.dma_semaphore, #tpu.memory_space<semaphore_mem>>)
      } else {
      }
      %add3A_1168 = arith.constant 3 : i32
      %add3A_1169 = arith.addi %mul3A_694, %add3A_1168 : i32
      %dma_wait3A_1170 = arith.constant 12 : i32
      %dma_wait3A_1171 = arith.constant 12 : i32
      %dma_wait3A_1172 = arith.constant 0 : i32
      %dma_wait3A_1173 = arith.constant 0 : i32
      %dma_wait3A_1174 = tpu.memref_slice %arg11[%dma_wait3A_1170, %dma_wait3A_1172, %dma_wait3A_1173] : memref<16x32x128xf32, #tpu.memory_space<vmem>> -> memref<1x32x128xf32, #tpu.memory_space<vmem>>
      %dma_wait3A_1175 = tpu.memref_squeeze %dma_wait3A_1174 : memref<1x32x128xf32, #tpu.memory_space<vmem>> -> memref<32x128xf32, #tpu.memory_space<vmem>>
      %dma_wait3A_1176 = arith.constant 0 : i32
      %dma_wait3A_1177 = arith.constant 0 : i32
      %dma_wait3A_1178 = tpu.memref_slice %arg5[%dma_wait3A_1176, %dma_wait3A_1177] : memref<32x1000000xf32, #tpu.memory_space<hbm>> -> memref<32x128xf32, #tpu.memory_space<hbm>>
      %dma_wait3A_1179 = tpu.memref_slice %arg17[%dma_wait3A_1171] : memref<16x!tpu.dma_semaphore, #tpu.memory_space<semaphore_mem>> -> memref<1x!tpu.dma_semaphore, #tpu.memory_space<semaphore_mem>>
      %dma_wait3A_1180 = tpu.memref_squeeze %dma_wait3A_1179 : memref<1x!tpu.dma_semaphore, #tpu.memory_space<semaphore_mem>> -> memref<!tpu.dma_semaphore, #tpu.memory_space<semaphore_mem>>
      %dma_wait3A_1181 = arith.constant 0 : i32
      %dma_wait3A_1182 = arith.constant 0 : i32
      %dma_wait3A_1183 = tpu.memref_slice %arg11[%dma_wait3A_1170, %dma_wait3A_1181, %dma_wait3A_1182] : memref<16x32x128xf32, #tpu.memory_space<vmem>> -> memref<1x32x128xf32, #tpu.memory_space<vmem>>
      %dma_wait3A_1184 = tpu.memref_squeeze %dma_wait3A_1183 : memref<1x32x128xf32, #tpu.memory_space<vmem>> -> memref<32x128xf32, #tpu.memory_space<vmem>>
      %dma_wait3A_1185 = arith.constant 0 : i32
      %dma_wait3A_1186 = arith.constant 0 : i32
      %dma_wait3A_1187 = tpu.memref_slice %arg5[%dma_wait3A_1185, %dma_wait3A_1186] : memref<32x1000000xf32, #tpu.memory_space<hbm>> -> memref<32x128xf32, #tpu.memory_space<hbm>>
      tpu.wait_dma2 semaphore(%dma_wait3A_1180 : memref<!tpu.dma_semaphore, #tpu.memory_space<semaphore_mem>>) src(%dma_wait3A_1187 : memref<32x128xf32, #tpu.memory_space<hbm>>) dst(%dma_wait3A_1184 : memref<32x128xf32, #tpu.memory_space<vmem>>)
      %dma_wait3A_1188 = arith.constant 13 : i32
      %dma_wait3A_1189 = arith.constant 13 : i32
      %dma_wait3A_1190 = arith.constant 0 : i32
      %dma_wait3A_1191 = arith.constant 0 : i32
      %dma_wait3A_1192 = tpu.memref_slice %arg11[%dma_wait3A_1188, %dma_wait3A_1190, %dma_wait3A_1191] : memref<16x32x128xf32, #tpu.memory_space<vmem>> -> memref<1x32x128xf32, #tpu.memory_space<vmem>>
      %dma_wait3A_1193 = tpu.memref_squeeze %dma_wait3A_1192 : memref<1x32x128xf32, #tpu.memory_space<vmem>> -> memref<32x128xf32, #tpu.memory_space<vmem>>
      %dma_wait3A_1194 = arith.constant 0 : i32
      %dma_wait3A_1195 = arith.constant 0 : i32
      %dma_wait3A_1196 = tpu.memref_slice %arg5[%dma_wait3A_1194, %dma_wait3A_1195] : memref<32x1000000xf32, #tpu.memory_space<hbm>> -> memref<32x128xf32, #tpu.memory_space<hbm>>
      %dma_wait3A_1197 = tpu.memref_slice %arg17[%dma_wait3A_1189] : memref<16x!tpu.dma_semaphore, #tpu.memory_space<semaphore_mem>> -> memref<1x!tpu.dma_semaphore, #tpu.memory_space<semaphore_mem>>
      %dma_wait3A_1198 = tpu.memref_squeeze %dma_wait3A_1197 : memref<1x!tpu.dma_semaphore, #tpu.memory_space<semaphore_mem>> -> memref<!tpu.dma_semaphore, #tpu.memory_space<semaphore_mem>>
      %dma_wait3A_1199 = arith.constant 0 : i32
      %dma_wait3A_1200 = arith.constant 0 : i32
      %dma_wait3A_1201 = tpu.memref_slice %arg11[%dma_wait3A_1188, %dma_wait3A_1199, %dma_wait3A_1200] : memref<16x32x128xf32, #tpu.memory_space<vmem>> -> memref<1x32x128xf32, #tpu.memory_space<vmem>>
      %dma_wait3A_1202 = tpu.memref_squeeze %dma_wait3A_1201 : memref<1x32x128xf32, #tpu.memory_space<vmem>> -> memref<32x128xf32, #tpu.memory_space<vmem>>
      %dma_wait3A_1203 = arith.constant 0 : i32
      %dma_wait3A_1204 = arith.constant 0 : i32
      %dma_wait3A_1205 = tpu.memref_slice %arg5[%dma_wait3A_1203, %dma_wait3A_1204] : memref<32x1000000xf32, #tpu.memory_space<hbm>> -> memref<32x128xf32, #tpu.memory_space<hbm>>
      tpu.wait_dma2 semaphore(%dma_wait3A_1198 : memref<!tpu.dma_semaphore, #tpu.memory_space<semaphore_mem>>) src(%dma_wait3A_1205 : memref<32x128xf32, #tpu.memory_space<hbm>>) dst(%dma_wait3A_1202 : memref<32x128xf32, #tpu.memory_space<vmem>>)
      %dma_wait3A_1206 = arith.constant 14 : i32
      %dma_wait3A_1207 = arith.constant 14 : i32
      %dma_wait3A_1208 = arith.constant 0 : i32
      %dma_wait3A_1209 = arith.constant 0 : i32
      %dma_wait3A_1210 = tpu.memref_slice %arg11[%dma_wait3A_1206, %dma_wait3A_1208, %dma_wait3A_1209] : memref<16x32x128xf32, #tpu.memory_space<vmem>> -> memref<1x32x128xf32, #tpu.memory_space<vmem>>
      %dma_wait3A_1211 = tpu.memref_squeeze %dma_wait3A_1210 : memref<1x32x128xf32, #tpu.memory_space<vmem>> -> memref<32x128xf32, #tpu.memory_space<vmem>>
      %dma_wait3A_1212 = arith.constant 0 : i32
      %dma_wait3A_1213 = arith.constant 0 : i32
      %dma_wait3A_1214 = tpu.memref_slice %arg5[%dma_wait3A_1212, %dma_wait3A_1213] : memref<32x1000000xf32, #tpu.memory_space<hbm>> -> memref<32x128xf32, #tpu.memory_space<hbm>>
      %dma_wait3A_1215 = tpu.memref_slice %arg17[%dma_wait3A_1207] : memref<16x!tpu.dma_semaphore, #tpu.memory_space<semaphore_mem>> -> memref<1x!tpu.dma_semaphore, #tpu.memory_space<semaphore_mem>>
      %dma_wait3A_1216 = tpu.memref_squeeze %dma_wait3A_1215 : memref<1x!tpu.dma_semaphore, #tpu.memory_space<semaphore_mem>> -> memref<!tpu.dma_semaphore, #tpu.memory_space<semaphore_mem>>
      %dma_wait3A_1217 = arith.constant 0 : i32
      %dma_wait3A_1218 = arith.constant 0 : i32
      %dma_wait3A_1219 = tpu.memref_slice %arg11[%dma_wait3A_1206, %dma_wait3A_1217, %dma_wait3A_1218] : memref<16x32x128xf32, #tpu.memory_space<vmem>> -> memref<1x32x128xf32, #tpu.memory_space<vmem>>
      %dma_wait3A_1220 = tpu.memref_squeeze %dma_wait3A_1219 : memref<1x32x128xf32, #tpu.memory_space<vmem>> -> memref<32x128xf32, #tpu.memory_space<vmem>>
      %dma_wait3A_1221 = arith.constant 0 : i32
      %dma_wait3A_1222 = arith.constant 0 : i32
      %dma_wait3A_1223 = tpu.memref_slice %arg5[%dma_wait3A_1221, %dma_wait3A_1222] : memref<32x1000000xf32, #tpu.memory_space<hbm>> -> memref<32x128xf32, #tpu.memory_space<hbm>>
      tpu.wait_dma2 semaphore(%dma_wait3A_1216 : memref<!tpu.dma_semaphore, #tpu.memory_space<semaphore_mem>>) src(%dma_wait3A_1223 : memref<32x128xf32, #tpu.memory_space<hbm>>) dst(%dma_wait3A_1220 : memref<32x128xf32, #tpu.memory_space<vmem>>)
      %dma_wait3A_1224 = arith.constant 15 : i32
      %dma_wait3A_1225 = arith.constant 15 : i32
      %dma_wait3A_1226 = arith.constant 0 : i32
      %dma_wait3A_1227 = arith.constant 0 : i32
      %dma_wait3A_1228 = tpu.memref_slice %arg11[%dma_wait3A_1224, %dma_wait3A_1226, %dma_wait3A_1227] : memref<16x32x128xf32, #tpu.memory_space<vmem>> -> memref<1x32x128xf32, #tpu.memory_space<vmem>>
      %dma_wait3A_1229 = tpu.memref_squeeze %dma_wait3A_1228 : memref<1x32x128xf32, #tpu.memory_space<vmem>> -> memref<32x128xf32, #tpu.memory_space<vmem>>
      %dma_wait3A_1230 = arith.constant 0 : i32
      %dma_wait3A_1231 = arith.constant 0 : i32
      %dma_wait3A_1232 = tpu.memref_slice %arg5[%dma_wait3A_1230, %dma_wait3A_1231] : memref<32x1000000xf32, #tpu.memory_space<hbm>> -> memref<32x128xf32, #tpu.memory_space<hbm>>
      %dma_wait3A_1233 = tpu.memref_slice %arg17[%dma_wait3A_1225] : memref<16x!tpu.dma_semaphore, #tpu.memory_space<semaphore_mem>> -> memref<1x!tpu.dma_semaphore, #tpu.memory_space<semaphore_mem>>
      %dma_wait3A_1234 = tpu.memref_squeeze %dma_wait3A_1233 : memref<1x!tpu.dma_semaphore, #tpu.memory_space<semaphore_mem>> -> memref<!tpu.dma_semaphore, #tpu.memory_space<semaphore_mem>>
      %dma_wait3A_1235 = arith.constant 0 : i32
      %dma_wait3A_1236 = arith.constant 0 : i32
      %dma_wait3A_1237 = tpu.memref_slice %arg11[%dma_wait3A_1224, %dma_wait3A_1235, %dma_wait3A_1236] : memref<16x32x128xf32, #tpu.memory_space<vmem>> -> memref<1x32x128xf32, #tpu.memory_space<vmem>>
      %dma_wait3A_1238 = tpu.memref_squeeze %dma_wait3A_1237 : memref<1x32x128xf32, #tpu.memory_space<vmem>> -> memref<32x128xf32, #tpu.memory_space<vmem>>
      %dma_wait3A_1239 = arith.constant 0 : i32
      %dma_wait3A_1240 = arith.constant 0 : i32
      %dma_wait3A_1241 = tpu.memref_slice %arg5[%dma_wait3A_1239, %dma_wait3A_1240] : memref<32x1000000xf32, #tpu.memory_space<hbm>> -> memref<32x128xf32, #tpu.memory_space<hbm>>
      tpu.wait_dma2 semaphore(%dma_wait3A_1234 : memref<!tpu.dma_semaphore, #tpu.memory_space<semaphore_mem>>) src(%dma_wait3A_1241 : memref<32x128xf32, #tpu.memory_space<hbm>>) dst(%dma_wait3A_1238 : memref<32x128xf32, #tpu.memory_space<vmem>>)
      %mul3A_1242 = arith.constant 4 : i32
      %mul3A_1243 = arith.muli %add3A_1169, %mul3A_1242 : i32
      %get3A_1244 = arith.index_cast %mul3A_1243 : i32 to index
      %get3A_1245 = tpu.vector_load %arg10[%get3A_1244] {strides = array<i32>} : memref<528xi32, #tpu.memory_space<vmem>>, vector<16xi32>,
      %and3A_1246 = arith.constant 127 : i32
      %and3A_1247 = vector.broadcast %and3A_1246 : i32 to vector<16xi32>
      %and3A_1248 = arith.andi %get3A_1245, %and3A_1247 : vector<16xi32>
      %mul3A_1249 = arith.constant 4 : i32
      %mul3A_1250 = arith.muli %add3A_1169, %mul3A_1249 : i32
      %add3A_1251 = arith.constant 0 : i32
      %add3A_1252 = arith.addi %mul3A_1250, %add3A_1251 : i32
      %slice3A_1253 = vector.extract_strided_slice %and3A_1248 {offsets = [0], sizes = [1], strides = [1]} : vector<16xi32> to vector<1xi32>
      %squeeze3A_1254 = vector.extract %slice3A_1253[0] : i32 from vector<1xi32>
      %broadcast_in_dim3A_1255 = vector.broadcast %squeeze3A_1254 : i32 to vector<16xi32>
      %broadcast_in_dim3A_1256 = arith.constant 12 : i32
      %broadcast_in_dim3A_1257 = vector.broadcast %broadcast_in_dim3A_1256 : i32 to vector<16xi32>
      %broadcast_in_dim3A_1258 = vector.broadcast %add3A_1252 : i32 to vector<16xi32>
      %gather3A_1259 = tpu.vector_load_idx %arg11[%broadcast_in_dim3A_1257, %iota3A, %broadcast_in_dim3A_1255] : memref<16x32x128xf32, #tpu.memory_space<vmem>>[vector<16xi32>, vector<16xi32>, vector<16xi32>], vector<16xf32>,
      %add3A_1260 = arith.constant 16 : i32
      %add3A_1261 = vector.broadcast %add3A_1260 : i32 to vector<16xi32>
      %add3A_1262 = arith.addi %iota3A, %add3A_1261 : vector<16xi32>
      %gather3A_1263 = tpu.vector_load_idx %arg11[%broadcast_in_dim3A_1257, %add3A_1262, %broadcast_in_dim3A_1255] : memref<16x32x128xf32, #tpu.memory_space<vmem>>[vector<16xi32>, vector<16xi32>, vector<16xi32>], vector<16xf32>,
      tpu.vector_store_idx %arg13[%iota3A, %broadcast_in_dim3A_1258], %gather3A_1259 : memref<32x512xf32, #tpu.memory_space<vmem>>[vector<16xi32>, vector<16xi32>], vector<16xf32>,
      %add3A_1264 = arith.constant 16 : i32
      %add3A_1265 = vector.broadcast %add3A_1264 : i32 to vector<16xi32>
      %add3A_1266 = arith.addi %iota3A, %add3A_1265 : vector<16xi32>
      tpu.vector_store_idx %arg13[%add3A_1266, %broadcast_in_dim3A_1258], %gather3A_1263 : memref<32x512xf32, #tpu.memory_space<vmem>>[vector<16xi32>, vector<16xi32>], vector<16xf32>,
      %mul3A_1267 = arith.constant 4 : i32
      %mul3A_1268 = arith.muli %add3A_1169, %mul3A_1267 : i32
      %add3A_1269 = arith.constant 1 : i32
      %add3A_1270 = arith.addi %mul3A_1268, %add3A_1269 : i32
      %slice3A_1271 = vector.extract_strided_slice %and3A_1248 {offsets = [1], sizes = [1], strides = [1]} : vector<16xi32> to vector<1xi32>
      %squeeze3A_1272 = vector.extract %slice3A_1271[0] : i32 from vector<1xi32>
      %broadcast_in_dim3A_1273 = vector.broadcast %squeeze3A_1272 : i32 to vector<16xi32>
      %broadcast_in_dim3A_1274 = arith.constant 13 : i32
      %broadcast_in_dim3A_1275 = vector.broadcast %broadcast_in_dim3A_1274 : i32 to vector<16xi32>
      %broadcast_in_dim3A_1276 = vector.broadcast %add3A_1270 : i32 to vector<16xi32>
      %gather3A_1277 = tpu.vector_load_idx %arg11[%broadcast_in_dim3A_1275, %iota3A, %broadcast_in_dim3A_1273] : memref<16x32x128xf32, #tpu.memory_space<vmem>>[vector<16xi32>, vector<16xi32>, vector<16xi32>], vector<16xf32>,
      %add3A_1278 = arith.constant 16 : i32
      %add3A_1279 = vector.broadcast %add3A_1278 : i32 to vector<16xi32>
      %add3A_1280 = arith.addi %iota3A, %add3A_1279 : vector<16xi32>
      %gather3A_1281 = tpu.vector_load_idx %arg11[%broadcast_in_dim3A_1275, %add3A_1280, %broadcast_in_dim3A_1273] : memref<16x32x128xf32, #tpu.memory_space<vmem>>[vector<16xi32>, vector<16xi32>, vector<16xi32>], vector<16xf32>,
      tpu.vector_store_idx %arg13[%iota3A, %broadcast_in_dim3A_1276], %gather3A_1277 : memref<32x512xf32, #tpu.memory_space<vmem>>[vector<16xi32>, vector<16xi32>], vector<16xf32>,
      %add3A_1282 = arith.constant 16 : i32
      %add3A_1283 = vector.broadcast %add3A_1282 : i32 to vector<16xi32>
      %add3A_1284 = arith.addi %iota3A, %add3A_1283 : vector<16xi32>
      tpu.vector_store_idx %arg13[%add3A_1284, %broadcast_in_dim3A_1276], %gather3A_1281 : memref<32x512xf32, #tpu.memory_space<vmem>>[vector<16xi32>, vector<16xi32>], vector<16xf32>,
      %mul3A_1285 = arith.constant 4 : i32
      %mul3A_1286 = arith.muli %add3A_1169, %mul3A_1285 : i32
      %add3A_1287 = arith.constant 2 : i32
      %add3A_1288 = arith.addi %mul3A_1286, %add3A_1287 : i32
      %slice3A_1289 = vector.extract_strided_slice %and3A_1248 {offsets = [2], sizes = [1], strides = [1]} : vector<16xi32> to vector<1xi32>
      %squeeze3A_1290 = vector.extract %slice3A_1289[0] : i32 from vector<1xi32>
      %broadcast_in_dim3A_1291 = vector.broadcast %squeeze3A_1290 : i32 to vector<16xi32>
      %broadcast_in_dim3A_1292 = arith.constant 14 : i32
      %broadcast_in_dim3A_1293 = vector.broadcast %broadcast_in_dim3A_1292 : i32 to vector<16xi32>
      %broadcast_in_dim3A_1294 = vector.broadcast %add3A_1288 : i32 to vector<16xi32>
      %gather3A_1295 = tpu.vector_load_idx %arg11[%broadcast_in_dim3A_1293, %iota3A, %broadcast_in_dim3A_1291] : memref<16x32x128xf32, #tpu.memory_space<vmem>>[vector<16xi32>, vector<16xi32>, vector<16xi32>], vector<16xf32>,
      %add3A_1296 = arith.constant 16 : i32
      %add3A_1297 = vector.broadcast %add3A_1296 : i32 to vector<16xi32>
      %add3A_1298 = arith.addi %iota3A, %add3A_1297 : vector<16xi32>
      %gather3A_1299 = tpu.vector_load_idx %arg11[%broadcast_in_dim3A_1293, %add3A_1298, %broadcast_in_dim3A_1291] : memref<16x32x128xf32, #tpu.memory_space<vmem>>[vector<16xi32>, vector<16xi32>, vector<16xi32>], vector<16xf32>,
      tpu.vector_store_idx %arg13[%iota3A, %broadcast_in_dim3A_1294], %gather3A_1295 : memref<32x512xf32, #tpu.memory_space<vmem>>[vector<16xi32>, vector<16xi32>], vector<16xf32>,
      %add3A_1300 = arith.constant 16 : i32
      %add3A_1301 = vector.broadcast %add3A_1300 : i32 to vector<16xi32>
      %add3A_1302 = arith.addi %iota3A, %add3A_1301 : vector<16xi32>
      tpu.vector_store_idx %arg13[%add3A_1302, %broadcast_in_dim3A_1294], %gather3A_1299 : memref<32x512xf32, #tpu.memory_space<vmem>>[vector<16xi32>, vector<16xi32>], vector<16xf32>,
      %mul3A_1303 = arith.constant 4 : i32
      %mul3A_1304 = arith.muli %add3A_1169, %mul3A_1303 : i32
      %add3A_1305 = arith.constant 3 : i32
      %add3A_1306 = arith.addi %mul3A_1304, %add3A_1305 : i32
      %slice3A_1307 = vector.extract_strided_slice %and3A_1248 {offsets = [3], sizes = [1], strides = [1]} : vector<16xi32> to vector<1xi32>
      %squeeze3A_1308 = vector.extract %slice3A_1307[0] : i32 from vector<1xi32>
      %broadcast_in_dim3A_1309 = vector.broadcast %squeeze3A_1308 : i32 to vector<16xi32>
      %broadcast_in_dim3A_1310 = arith.constant 15 : i32
      %broadcast_in_dim3A_1311 = vector.broadcast %broadcast_in_dim3A_1310 : i32 to vector<16xi32>
      %broadcast_in_dim3A_1312 = vector.broadcast %add3A_1306 : i32 to vector<16xi32>
      %gather3A_1313 = tpu.vector_load_idx %arg11[%broadcast_in_dim3A_1311, %iota3A, %broadcast_in_dim3A_1309] : memref<16x32x128xf32, #tpu.memory_space<vmem>>[vector<16xi32>, vector<16xi32>, vector<16xi32>], vector<16xf32>,
      %add3A_1314 = arith.constant 16 : i32
      %add3A_1315 = vector.broadcast %add3A_1314 : i32 to vector<16xi32>
      %add3A_1316 = arith.addi %iota3A, %add3A_1315 : vector<16xi32>
      %gather3A_1317 = tpu.vector_load_idx %arg11[%broadcast_in_dim3A_1311, %add3A_1316, %broadcast_in_dim3A_1309] : memref<16x32x128xf32, #tpu.memory_space<vmem>>[vector<16xi32>, vector<16xi32>, vector<16xi32>], vector<16xf32>,
      tpu.vector_store_idx %arg13[%iota3A, %broadcast_in_dim3A_1312], %gather3A_1313 : memref<32x512xf32, #tpu.memory_space<vmem>>[vector<16xi32>, vector<16xi32>], vector<16xf32>,
      %add3A_1318 = arith.constant 16 : i32
      %add3A_1319 = vector.broadcast %add3A_1318 : i32 to vector<16xi32>
      %add3A_1320 = arith.addi %iota3A, %add3A_1319 : vector<16xi32>
      tpu.vector_store_idx %arg13[%add3A_1320, %broadcast_in_dim3A_1312], %gather3A_1317 : memref<32x512xf32, #tpu.memory_space<vmem>>[vector<16xi32>, vector<16xi32>], vector<16xf32>,
      %add3A_1321 = arith.constant 4 : i32
      %add3A_1322 = arith.addi %add3A_1169, %add3A_1321 : i32
      %lt3A_1323 = arith.constant 128 : i32
      %lt3A_1324 = arith.cmpi slt, %add3A_1322, %lt3A_1323 : i32
      %convert_element_type3A_1325 = arith.extui %lt3A_1324 : i1 to i32
      %cond3A_1326 = arith.constant 0 : i32
      %cond3A_1327 = arith.cmpi ne, %convert_element_type3A_1325, %cond3A_1326 : i32
      scf.if %cond3A_1327 {
        %add3A_1328 = arith.constant 4 : i32
        %add3A_1329 = arith.addi %add3A_1169, %add3A_1328 : i32
        %mul3A_1330 = arith.constant 4 : i32
        %mul3A_1331 = arith.muli %add3A_1329, %mul3A_1330 : i32
        %get3A_1332 = arith.index_cast %mul3A_1331 : i32 to index
        %get3A_1333 = tpu.vector_load %arg10[%get3A_1332] {strides = array<i32>} : memref<528xi32, #tpu.memory_space<vmem>>, vector<16xi32>,
        %shift_right_logical3A_1334 = arith.constant 7 : i32
        %shift_right_logical3A_1335 = vector.broadcast %shift_right_logical3A_1334 : i32 to vector<16xi32>
        %shift_right_logical3A_1336 = arith.shrui %get3A_1333, %shift_right_logical3A_1335 : vector<16xi32>
        %mul3A_1337 = arith.constant 128 : i32
        %mul3A_1338 = vector.broadcast %mul3A_1337 : i32 to vector<16xi32>
        %mul3A_1339 = arith.muli %shift_right_logical3A_1336, %mul3A_1338 : vector<16xi32>
        %slice3A_1340 = vector.extract_strided_slice %mul3A_1339 {offsets = [0], sizes = [1], strides = [1]} : vector<16xi32> to vector<1xi32>
        %squeeze3A_1341 = vector.extract %slice3A_1340[0] : i32 from vector<1xi32>
        %multiple_of3A_1342 = tpu.assume_multiple %squeeze3A_1341, 128 : i32
        %dma_start3A_1343 = arith.constant 12 : i32
        %dma_start3A_1344 = arith.constant 12 : i32
        %dma_start3A_1345 = arith.constant 0 : i32
        %dma_start3A_1346 = arith.constant 0 : i32
        %dma_start3A_1347 = tpu.memref_slice %arg11[%dma_start3A_1343, %dma_start3A_1345, %dma_start3A_1346] : memref<16x32x128xf32, #tpu.memory_space<vmem>> -> memref<1x32x128xf32, #tpu.memory_space<vmem>>
        %dma_start3A_1348 = tpu.memref_squeeze %dma_start3A_1347 : memref<1x32x128xf32, #tpu.memory_space<vmem>> -> memref<32x128xf32, #tpu.memory_space<vmem>>
        %dma_start3A_1349 = arith.constant 0 : i32
        %dma_start3A_1350 = tpu.memref_slice %arg5[%dma_start3A_1349, %multiple_of3A_1342] : memref<32x1000000xf32, #tpu.memory_space<hbm>> -> memref<32x128xf32, #tpu.memory_space<hbm>>
        %dma_start3A_1351 = tpu.memref_slice %arg17[%dma_start3A_1344] : memref<16x!tpu.dma_semaphore, #tpu.memory_space<semaphore_mem>> -> memref<1x!tpu.dma_semaphore, #tpu.memory_space<semaphore_mem>>
        %dma_start3A_1352 = tpu.memref_squeeze %dma_start3A_1351 : memref<1x!tpu.dma_semaphore, #tpu.memory_space<semaphore_mem>> -> memref<!tpu.dma_semaphore, #tpu.memory_space<semaphore_mem>>
        %dma_start3A_1353 = arith.constant 0 : i32
        %dma_start3A_1354 = arith.constant 0 : i32
        %dma_start3A_1355 = tpu.memref_slice %arg11[%dma_start3A_1343, %dma_start3A_1353, %dma_start3A_1354] : memref<16x32x128xf32, #tpu.memory_space<vmem>> -> memref<1x32x128xf32, #tpu.memory_space<vmem>>
        %dma_start3A_1356 = tpu.memref_squeeze %dma_start3A_1355 : memref<1x32x128xf32, #tpu.memory_space<vmem>> -> memref<32x128xf32, #tpu.memory_space<vmem>>
        %dma_start3A_1357 = arith.constant 0 : i32
        %dma_start3A_1358 = tpu.memref_slice %arg5[%dma_start3A_1357, %multiple_of3A_1342] : memref<32x1000000xf32, #tpu.memory_space<hbm>> -> memref<32x128xf32, #tpu.memory_space<hbm>>
        tpu.enqueue_dma source(%dma_start3A_1358 : memref<32x128xf32, #tpu.memory_space<hbm>>) target(%dma_start3A_1356 : memref<32x128xf32, #tpu.memory_space<vmem>>) target_semaphore(%dma_start3A_1352 : memref<!tpu.dma_semaphore, #tpu.memory_space<semaphore_mem>>)
        %slice3A_1359 = vector.extract_strided_slice %mul3A_1339 {offsets = [1], sizes = [1], strides = [1]} : vector<16xi32> to vector<1xi32>
        %squeeze3A_1360 = vector.extract %slice3A_1359[0] : i32 from vector<1xi32>
        %multiple_of3A_1361 = tpu.assume_multiple %squeeze3A_1360, 128 : i32
        %dma_start3A_1362 = arith.constant 13 : i32
        %dma_start3A_1363 = arith.constant 13 : i32
        %dma_start3A_1364 = arith.constant 0 : i32
        %dma_start3A_1365 = arith.constant 0 : i32
        %dma_start3A_1366 = tpu.memref_slice %arg11[%dma_start3A_1362, %dma_start3A_1364, %dma_start3A_1365] : memref<16x32x128xf32, #tpu.memory_space<vmem>> -> memref<1x32x128xf32, #tpu.memory_space<vmem>>
        %dma_start3A_1367 = tpu.memref_squeeze %dma_start3A_1366 : memref<1x32x128xf32, #tpu.memory_space<vmem>> -> memref<32x128xf32, #tpu.memory_space<vmem>>
        %dma_start3A_1368 = arith.constant 0 : i32
        %dma_start3A_1369 = tpu.memref_slice %arg5[%dma_start3A_1368, %multiple_of3A_1361] : memref<32x1000000xf32, #tpu.memory_space<hbm>> -> memref<32x128xf32, #tpu.memory_space<hbm>>
        %dma_start3A_1370 = tpu.memref_slice %arg17[%dma_start3A_1363] : memref<16x!tpu.dma_semaphore, #tpu.memory_space<semaphore_mem>> -> memref<1x!tpu.dma_semaphore, #tpu.memory_space<semaphore_mem>>
        %dma_start3A_1371 = tpu.memref_squeeze %dma_start3A_1370 : memref<1x!tpu.dma_semaphore, #tpu.memory_space<semaphore_mem>> -> memref<!tpu.dma_semaphore, #tpu.memory_space<semaphore_mem>>
        %dma_start3A_1372 = arith.constant 0 : i32
        %dma_start3A_1373 = arith.constant 0 : i32
        %dma_start3A_1374 = tpu.memref_slice %arg11[%dma_start3A_1362, %dma_start3A_1372, %dma_start3A_1373] : memref<16x32x128xf32, #tpu.memory_space<vmem>> -> memref<1x32x128xf32, #tpu.memory_space<vmem>>
        %dma_start3A_1375 = tpu.memref_squeeze %dma_start3A_1374 : memref<1x32x128xf32, #tpu.memory_space<vmem>> -> memref<32x128xf32, #tpu.memory_space<vmem>>
        %dma_start3A_1376 = arith.constant 0 : i32
        %dma_start3A_1377 = tpu.memref_slice %arg5[%dma_start3A_1376, %multiple_of3A_1361] : memref<32x1000000xf32, #tpu.memory_space<hbm>> -> memref<32x128xf32, #tpu.memory_space<hbm>>
        tpu.enqueue_dma source(%dma_start3A_1377 : memref<32x128xf32, #tpu.memory_space<hbm>>) target(%dma_start3A_1375 : memref<32x128xf32, #tpu.memory_space<vmem>>) target_semaphore(%dma_start3A_1371 : memref<!tpu.dma_semaphore, #tpu.memory_space<semaphore_mem>>)
        %slice3A_1378 = vector.extract_strided_slice %mul3A_1339 {offsets = [2], sizes = [1], strides = [1]} : vector<16xi32> to vector<1xi32>
        %squeeze3A_1379 = vector.extract %slice3A_1378[0] : i32 from vector<1xi32>
        %multiple_of3A_1380 = tpu.assume_multiple %squeeze3A_1379, 128 : i32
        %dma_start3A_1381 = arith.constant 14 : i32
        %dma_start3A_1382 = arith.constant 14 : i32
        %dma_start3A_1383 = arith.constant 0 : i32
        %dma_start3A_1384 = arith.constant 0 : i32
        %dma_start3A_1385 = tpu.memref_slice %arg11[%dma_start3A_1381, %dma_start3A_1383, %dma_start3A_1384] : memref<16x32x128xf32, #tpu.memory_space<vmem>> -> memref<1x32x128xf32, #tpu.memory_space<vmem>>
        %dma_start3A_1386 = tpu.memref_squeeze %dma_start3A_1385 : memref<1x32x128xf32, #tpu.memory_space<vmem>> -> memref<32x128xf32, #tpu.memory_space<vmem>>
        %dma_start3A_1387 = arith.constant 0 : i32
        %dma_start3A_1388 = tpu.memref_slice %arg5[%dma_start3A_1387, %multiple_of3A_1380] : memref<32x1000000xf32, #tpu.memory_space<hbm>> -> memref<32x128xf32, #tpu.memory_space<hbm>>
        %dma_start3A_1389 = tpu.memref_slice %arg17[%dma_start3A_1382] : memref<16x!tpu.dma_semaphore, #tpu.memory_space<semaphore_mem>> -> memref<1x!tpu.dma_semaphore, #tpu.memory_space<semaphore_mem>>
        %dma_start3A_1390 = tpu.memref_squeeze %dma_start3A_1389 : memref<1x!tpu.dma_semaphore, #tpu.memory_space<semaphore_mem>> -> memref<!tpu.dma_semaphore, #tpu.memory_space<semaphore_mem>>
        %dma_start3A_1391 = arith.constant 0 : i32
        %dma_start3A_1392 = arith.constant 0 : i32
        %dma_start3A_1393 = tpu.memref_slice %arg11[%dma_start3A_1381, %dma_start3A_1391, %dma_start3A_1392] : memref<16x32x128xf32, #tpu.memory_space<vmem>> -> memref<1x32x128xf32, #tpu.memory_space<vmem>>
        %dma_start3A_1394 = tpu.memref_squeeze %dma_start3A_1393 : memref<1x32x128xf32, #tpu.memory_space<vmem>> -> memref<32x128xf32, #tpu.memory_space<vmem>>
        %dma_start3A_1395 = arith.constant 0 : i32
        %dma_start3A_1396 = tpu.memref_slice %arg5[%dma_start3A_1395, %multiple_of3A_1380] : memref<32x1000000xf32, #tpu.memory_space<hbm>> -> memref<32x128xf32, #tpu.memory_space<hbm>>
        tpu.enqueue_dma source(%dma_start3A_1396 : memref<32x128xf32, #tpu.memory_space<hbm>>) target(%dma_start3A_1394 : memref<32x128xf32, #tpu.memory_space<vmem>>) target_semaphore(%dma_start3A_1390 : memref<!tpu.dma_semaphore, #tpu.memory_space<semaphore_mem>>)
        %slice3A_1397 = vector.extract_strided_slice %mul3A_1339 {offsets = [3], sizes = [1], strides = [1]} : vector<16xi32> to vector<1xi32>
        %squeeze3A_1398 = vector.extract %slice3A_1397[0] : i32 from vector<1xi32>
        %multiple_of3A_1399 = tpu.assume_multiple %squeeze3A_1398, 128 : i32
        %dma_start3A_1400 = arith.constant 15 : i32
        %dma_start3A_1401 = arith.constant 15 : i32
        %dma_start3A_1402 = arith.constant 0 : i32
        %dma_start3A_1403 = arith.constant 0 : i32
        %dma_start3A_1404 = tpu.memref_slice %arg11[%dma_start3A_1400, %dma_start3A_1402, %dma_start3A_1403] : memref<16x32x128xf32, #tpu.memory_space<vmem>> -> memref<1x32x128xf32, #tpu.memory_space<vmem>>
        %dma_start3A_1405 = tpu.memref_squeeze %dma_start3A_1404 : memref<1x32x128xf32, #tpu.memory_space<vmem>> -> memref<32x128xf32, #tpu.memory_space<vmem>>
        %dma_start3A_1406 = arith.constant 0 : i32
        %dma_start3A_1407 = tpu.memref_slice %arg5[%dma_start3A_1406, %multiple_of3A_1399] : memref<32x1000000xf32, #tpu.memory_space<hbm>> -> memref<32x128xf32, #tpu.memory_space<hbm>>
        %dma_start3A_1408 = tpu.memref_slice %arg17[%dma_start3A_1401] : memref<16x!tpu.dma_semaphore, #tpu.memory_space<semaphore_mem>> -> memref<1x!tpu.dma_semaphore, #tpu.memory_space<semaphore_mem>>
        %dma_start3A_1409 = tpu.memref_squeeze %dma_start3A_1408 : memref<1x!tpu.dma_semaphore, #tpu.memory_space<semaphore_mem>> -> memref<!tpu.dma_semaphore, #tpu.memory_space<semaphore_mem>>
        %dma_start3A_1410 = arith.constant 0 : i32
        %dma_start3A_1411 = arith.constant 0 : i32
        %dma_start3A_1412 = tpu.memref_slice %arg11[%dma_start3A_1400, %dma_start3A_1410, %dma_start3A_1411] : memref<16x32x128xf32, #tpu.memory_space<vmem>> -> memref<1x32x128xf32, #tpu.memory_space<vmem>>
        %dma_start3A_1413 = tpu.memref_squeeze %dma_start3A_1412 : memref<1x32x128xf32, #tpu.memory_space<vmem>> -> memref<32x128xf32, #tpu.memory_space<vmem>>
        %dma_start3A_1414 = arith.constant 0 : i32
        %dma_start3A_1415 = tpu.memref_slice %arg5[%dma_start3A_1414, %multiple_of3A_1399] : memref<32x1000000xf32, #tpu.memory_space<hbm>> -> memref<32x128xf32, #tpu.memory_space<hbm>>
        tpu.enqueue_dma source(%dma_start3A_1415 : memref<32x128xf32, #tpu.memory_space<hbm>>) target(%dma_start3A_1413 : memref<32x128xf32, #tpu.memory_space<vmem>>) target_semaphore(%dma_start3A_1409 : memref<!tpu.dma_semaphore, #tpu.memory_space<semaphore_mem>>)
      } else {
      }
    }
    %scan3A_685 = arith.constant 32 : i32
    %scan3A_686 = arith.constant 0 : i32
    %scan3A_687 = arith.constant 0 : i32
    %scan3A_688 = arith.constant 32 : i32
    %scan3A_689 = arith.addi %scan3A_687, %scan3A_688 : i32
    %scan3A_690 = arith.constant 1 : i32
    scf.for %scan3A_692 = %scan3A_687 to %scan3A_689 step %scan3A_690  : i32 {
      %mul3A_693 = arith.constant 16 : i32
      %mul3A_694 = arith.muli %scan3A_692, %mul3A_693 : i32
      %slice3A_695 = vector.extract_strided_slice %get3A_5 {offsets = [0], sizes = [1], strides = [1]} : vector<16xf32> to vector<1xf32>
      %squeeze3A_696 = vector.extract %slice3A_695[0] : f32 from vector<1xf32>
      %broadcast_in_dim3A = vector.broadcast %squeeze3A_696 : f32 to vector<16xf32>
      %get3A_697 = arith.constant 0 : i32
      %get3A_698 = arith.index_cast %get3A_697 : i32 to index
      %get3A_699 = arith.index_cast %mul3A_694 : i32 to index
      %get3A_700 = tpu.vector_load %arg12[%get3A_698, %get3A_699] {strides = array<i32>} : memref<32x512xf32, #tpu.memory_space<vmem>>, vector<16xf32>,
      %get3A_701 = arith.constant 0 : i32
      %get3A_702 = arith.index_cast %get3A_701 : i32 to index
      %get3A_703 = arith.index_cast %mul3A_694 : i32 to index
      %get3A_704 = tpu.vector_load %arg13[%get3A_702, %get3A_703] {strides = array<i32>} : memref<32x512xf32, #tpu.memory_space<vmem>>, vector<16xf32>,
      %mul3A_705 = arith.mulf %get3A_700, %get3A_704 : vector<16xf32>
      %mul3A_706 = arith.mulf %mul3A_705, %broadcast_in_dim3A : vector<16xf32>
      %add3A_707 = arith.addf %get3A_3, %mul3A_706 : vector<16xf32>
      %slice3A_708 = vector.extract_strided_slice %get3A_5 {offsets = [1], sizes = [1], strides = [1]} : vector<16xf32> to vector<1xf32>
      %squeeze3A_709 = vector.extract %slice3A_708[0] : f32 from vector<1xf32>
      %broadcast_in_dim3A_710 = vector.broadcast %squeeze3A_709 : f32 to vector<16xf32>
      %get3A_711 = arith.constant 1 : i32
      %get3A_712 = arith.index_cast %get3A_711 : i32 to index
      %get3A_713 = arith.index_cast %mul3A_694 : i32 to index
      %get3A_714 = tpu.vector_load %arg12[%get3A_712, %get3A_713] {strides = array<i32>} : memref<32x512xf32, #tpu.memory_space<vmem>>, vector<16xf32>,
      %get3A_715 = arith.constant 1 : i32
      %get3A_716 = arith.index_cast %get3A_715 : i32 to index
      %get3A_717 = arith.index_cast %mul3A_694 : i32 to index
      %get3A_718 = tpu.vector_load %arg13[%get3A_716, %get3A_717] {strides = array<i32>} : memref<32x512xf32, #tpu.memory_space<vmem>>, vector<16xf32>,
      %mul3A_719 = arith.mulf %get3A_714, %get3A_718 : vector<16xf32>
      %mul3A_720 = arith.mulf %mul3A_719, %broadcast_in_dim3A_710 : vector<16xf32>
      %add3A_721 = arith.addf %add3A_707, %mul3A_720 : vector<16xf32>
      %slice3A_722 = vector.extract_strided_slice %get3A_5 {offsets = [2], sizes = [1], strides = [1]} : vector<16xf32> to vector<1xf32>
      %squeeze3A_723 = vector.extract %slice3A_722[0] : f32 from vector<1xf32>
      %broadcast_in_dim3A_724 = vector.broadcast %squeeze3A_723 : f32 to vector<16xf32>
      %get3A_725 = arith.constant 2 : i32
      %get3A_726 = arith.index_cast %get3A_725 : i32 to index
      %get3A_727 = arith.index_cast %mul3A_694 : i32 to index
      %get3A_728 = tpu.vector_load %arg12[%get3A_726, %get3A_727] {strides = array<i32>} : memref<32x512xf32, #tpu.memory_space<vmem>>, vector<16xf32>,
      %get3A_729 = arith.constant 2 : i32
      %get3A_730 = arith.index_cast %get3A_729 : i32 to index
      %get3A_731 = arith.index_cast %mul3A_694 : i32 to index
      %get3A_732 = tpu.vector_load %arg13[%get3A_730, %get3A_731] {strides = array<i32>} : memref<32x512xf32, #tpu.memory_space<vmem>>, vector<16xf32>,
      %mul3A_733 = arith.mulf %get3A_728, %get3A_732 : vector<16xf32>
      %mul3A_734 = arith.mulf %mul3A_733, %broadcast_in_dim3A_724 : vector<16xf32>
      %add3A_735 = arith.addf %add3A_721, %mul3A_734 : vector<16xf32>
      %slice3A_736 = vector.extract_strided_slice %get3A_5 {offsets = [3], sizes = [1], strides = [1]} : vector<16xf32> to vector<1xf32>
      %squeeze3A_737 = vector.extract %slice3A_736[0] : f32 from vector<1xf32>
      %broadcast_in_dim3A_738 = vector.broadcast %squeeze3A_737 : f32 to vector<16xf32>
      %get3A_739 = arith.constant 3 : i32
      %get3A_740 = arith.index_cast %get3A_739 : i32 to index
      %get3A_741 = arith.index_cast %mul3A_694 : i32 to index
      %get3A_742 = tpu.vector_load %arg12[%get3A_740, %get3A_741] {strides = array<i32>} : memref<32x512xf32, #tpu.memory_space<vmem>>, vector<16xf32>,
      %get3A_743 = arith.constant 3 : i32
      %get3A_744 = arith.index_cast %get3A_743 : i32 to index
      %get3A_745 = arith.index_cast %mul3A_694 : i32 to index
      %get3A_746 = tpu.vector_load %arg13[%get3A_744, %get3A_745] {strides = array<i32>} : memref<32x512xf32, #tpu.memory_space<vmem>>, vector<16xf32>,
      %mul3A_747 = arith.mulf %get3A_742, %get3A_746 : vector<16xf32>
      %mul3A_748 = arith.mulf %mul3A_747, %broadcast_in_dim3A_738 : vector<16xf32>
      %add3A_749 = arith.addf %add3A_735, %mul3A_748 : vector<16xf32>
      %slice3A_750 = vector.extract_strided_slice %get3A_5 {offsets = [4], sizes = [1], strides = [1]} : vector<16xf32> to vector<1xf32>
      %squeeze3A_751 = vector.extract %slice3A_750[0] : f32 from vector<1xf32>
      %broadcast_in_dim3A_752 = vector.broadcast %squeeze3A_751 : f32 to vector<16xf32>
      %get3A_753 = arith.constant 4 : i32
      %get3A_754 = arith.index_cast %get3A_753 : i32 to index
      %get3A_755 = arith.index_cast %mul3A_694 : i32 to index
      %get3A_756 = tpu.vector_load %arg12[%get3A_754, %get3A_755] {strides = array<i32>} : memref<32x512xf32, #tpu.memory_space<vmem>>, vector<16xf32>,
      %get3A_757 = arith.constant 4 : i32
      %get3A_758 = arith.index_cast %get3A_757 : i32 to index
      %get3A_759 = arith.index_cast %mul3A_694 : i32 to index
      %get3A_760 = tpu.vector_load %arg13[%get3A_758, %get3A_759] {strides = array<i32>} : memref<32x512xf32, #tpu.memory_space<vmem>>, vector<16xf32>,
      %mul3A_761 = arith.mulf %get3A_756, %get3A_760 : vector<16xf32>
      %mul3A_762 = arith.mulf %mul3A_761, %broadcast_in_dim3A_752 : vector<16xf32>
      %add3A_763 = arith.addf %add3A_749, %mul3A_762 : vector<16xf32>
      %slice3A_764 = vector.extract_strided_slice %get3A_5 {offsets = [5], sizes = [1], strides = [1]} : vector<16xf32> to vector<1xf32>
      %squeeze3A_765 = vector.extract %slice3A_764[0] : f32 from vector<1xf32>
      %broadcast_in_dim3A_766 = vector.broadcast %squeeze3A_765 : f32 to vector<16xf32>
      %get3A_767 = arith.constant 5 : i32
      %get3A_768 = arith.index_cast %get3A_767 : i32 to index
      %get3A_769 = arith.index_cast %mul3A_694 : i32 to index
      %get3A_770 = tpu.vector_load %arg12[%get3A_768, %get3A_769] {strides = array<i32>} : memref<32x512xf32, #tpu.memory_space<vmem>>, vector<16xf32>,
      %get3A_771 = arith.constant 5 : i32
      %get3A_772 = arith.index_cast %get3A_771 : i32 to index
      %get3A_773 = arith.index_cast %mul3A_694 : i32 to index
      %get3A_774 = tpu.vector_load %arg13[%get3A_772, %get3A_773] {strides = array<i32>} : memref<32x512xf32, #tpu.memory_space<vmem>>, vector<16xf32>,
      %mul3A_775 = arith.mulf %get3A_770, %get3A_774 : vector<16xf32>
      %mul3A_776 = arith.mulf %mul3A_775, %broadcast_in_dim3A_766 : vector<16xf32>
      %add3A_777 = arith.addf %add3A_763, %mul3A_776 : vector<16xf32>
      %slice3A_778 = vector.extract_strided_slice %get3A_5 {offsets = [6], sizes = [1], strides = [1]} : vector<16xf32> to vector<1xf32>
      %squeeze3A_779 = vector.extract %slice3A_778[0] : f32 from vector<1xf32>
      %broadcast_in_dim3A_780 = vector.broadcast %squeeze3A_779 : f32 to vector<16xf32>
      %get3A_781 = arith.constant 6 : i32
      %get3A_782 = arith.index_cast %get3A_781 : i32 to index
      %get3A_783 = arith.index_cast %mul3A_694 : i32 to index
      %get3A_784 = tpu.vector_load %arg12[%get3A_782, %get3A_783] {strides = array<i32>} : memref<32x512xf32, #tpu.memory_space<vmem>>, vector<16xf32>,
      %get3A_785 = arith.constant 6 : i32
      %get3A_786 = arith.index_cast %get3A_785 : i32 to index
      %get3A_787 = arith.index_cast %mul3A_694 : i32 to index
      %get3A_788 = tpu.vector_load %arg13[%get3A_786, %get3A_787] {strides = array<i32>} : memref<32x512xf32, #tpu.memory_space<vmem>>, vector<16xf32>,
      %mul3A_789 = arith.mulf %get3A_784, %get3A_788 : vector<16xf32>
      %mul3A_790 = arith.mulf %mul3A_789, %broadcast_in_dim3A_780 : vector<16xf32>
      %add3A_791 = arith.addf %add3A_777, %mul3A_790 : vector<16xf32>
      %slice3A_792 = vector.extract_strided_slice %get3A_5 {offsets = [7], sizes = [1], strides = [1]} : vector<16xf32> to vector<1xf32>
      %squeeze3A_793 = vector.extract %slice3A_792[0] : f32 from vector<1xf32>
      %broadcast_in_dim3A_794 = vector.broadcast %squeeze3A_793 : f32 to vector<16xf32>
      %get3A_795 = arith.constant 7 : i32
      %get3A_796 = arith.index_cast %get3A_795 : i32 to index
      %get3A_797 = arith.index_cast %mul3A_694 : i32 to index
      %get3A_798 = tpu.vector_load %arg12[%get3A_796, %get3A_797] {strides = array<i32>} : memref<32x512xf32, #tpu.memory_space<vmem>>, vector<16xf32>,
      %get3A_799 = arith.constant 7 : i32
      %get3A_800 = arith.index_cast %get3A_799 : i32 to index
      %get3A_801 = arith.index_cast %mul3A_694 : i32 to index
      %get3A_802 = tpu.vector_load %arg13[%get3A_800, %get3A_801] {strides = array<i32>} : memref<32x512xf32, #tpu.memory_space<vmem>>, vector<16xf32>,
      %mul3A_803 = arith.mulf %get3A_798, %get3A_802 : vector<16xf32>
      %mul3A_804 = arith.mulf %mul3A_803, %broadcast_in_dim3A_794 : vector<16xf32>
      %add3A_805 = arith.addf %add3A_791, %mul3A_804 : vector<16xf32>
      %slice3A_806 = vector.extract_strided_slice %get3A_5 {offsets = [8], sizes = [1], strides = [1]} : vector<16xf32> to vector<1xf32>
      %squeeze3A_807 = vector.extract %slice3A_806[0] : f32 from vector<1xf32>
      %broadcast_in_dim3A_808 = vector.broadcast %squeeze3A_807 : f32 to vector<16xf32>
      %get3A_809 = arith.constant 8 : i32
      %get3A_810 = arith.index_cast %get3A_809 : i32 to index
      %get3A_811 = arith.index_cast %mul3A_694 : i32 to index
      %get3A_812 = tpu.vector_load %arg12[%get3A_810, %get3A_811] {strides = array<i32>} : memref<32x512xf32, #tpu.memory_space<vmem>>, vector<16xf32>,
      %get3A_813 = arith.constant 8 : i32
      %get3A_814 = arith.index_cast %get3A_813 : i32 to index
      %get3A_815 = arith.index_cast %mul3A_694 : i32 to index
      %get3A_816 = tpu.vector_load %arg13[%get3A_814, %get3A_815] {strides = array<i32>} : memref<32x512xf32, #tpu.memory_space<vmem>>, vector<16xf32>,
      %mul3A_817 = arith.mulf %get3A_812, %get3A_816 : vector<16xf32>
      %mul3A_818 = arith.mulf %mul3A_817, %broadcast_in_dim3A_808 : vector<16xf32>
      %add3A_819 = arith.addf %add3A_805, %mul3A_818 : vector<16xf32>
      %slice3A_820 = vector.extract_strided_slice %get3A_5 {offsets = [9], sizes = [1], strides = [1]} : vector<16xf32> to vector<1xf32>
      %squeeze3A_821 = vector.extract %slice3A_820[0] : f32 from vector<1xf32>
      %broadcast_in_dim3A_822 = vector.broadcast %squeeze3A_821 : f32 to vector<16xf32>
      %get3A_823 = arith.constant 9 : i32
      %get3A_824 = arith.index_cast %get3A_823 : i32 to index
      %get3A_825 = arith.index_cast %mul3A_694 : i32 to index
      %get3A_826 = tpu.vector_load %arg12[%get3A_824, %get3A_825] {strides = array<i32>} : memref<32x512xf32, #tpu.memory_space<vmem>>, vector<16xf32>,
      %get3A_827 = arith.constant 9 : i32
      %get3A_828 = arith.index_cast %get3A_827 : i32 to index
      %get3A_829 = arith.index_cast %mul3A_694 : i32 to index
      %get3A_830 = tpu.vector_load %arg13[%get3A_828, %get3A_829] {strides = array<i32>} : memref<32x512xf32, #tpu.memory_space<vmem>>, vector<16xf32>,
      %mul3A_831 = arith.mulf %get3A_826, %get3A_830 : vector<16xf32>
      %mul3A_832 = arith.mulf %mul3A_831, %broadcast_in_dim3A_822 : vector<16xf32>
      %add3A_833 = arith.addf %add3A_819, %mul3A_832 : vector<16xf32>
      %slice3A_834 = vector.extract_strided_slice %get3A_5 {offsets = [10], sizes = [1], strides = [1]} : vector<16xf32> to vector<1xf32>
      %squeeze3A_835 = vector.extract %slice3A_834[0] : f32 from vector<1xf32>
      %broadcast_in_dim3A_836 = vector.broadcast %squeeze3A_835 : f32 to vector<16xf32>
      %get3A_837 = arith.constant 10 : i32
      %get3A_838 = arith.index_cast %get3A_837 : i32 to index
      %get3A_839 = arith.index_cast %mul3A_694 : i32 to index
      %get3A_840 = tpu.vector_load %arg12[%get3A_838, %get3A_839] {strides = array<i32>} : memref<32x512xf32, #tpu.memory_space<vmem>>, vector<16xf32>,
      %get3A_841 = arith.constant 10 : i32
      %get3A_842 = arith.index_cast %get3A_841 : i32 to index
      %get3A_843 = arith.index_cast %mul3A_694 : i32 to index
      %get3A_844 = tpu.vector_load %arg13[%get3A_842, %get3A_843] {strides = array<i32>} : memref<32x512xf32, #tpu.memory_space<vmem>>, vector<16xf32>,
      %mul3A_845 = arith.mulf %get3A_840, %get3A_844 : vector<16xf32>
      %mul3A_846 = arith.mulf %mul3A_845, %broadcast_in_dim3A_836 : vector<16xf32>
      %add3A_847 = arith.addf %add3A_833, %mul3A_846 : vector<16xf32>
      %slice3A_848 = vector.extract_strided_slice %get3A_5 {offsets = [11], sizes = [1], strides = [1]} : vector<16xf32> to vector<1xf32>
      %squeeze3A_849 = vector.extract %slice3A_848[0] : f32 from vector<1xf32>
      %broadcast_in_dim3A_850 = vector.broadcast %squeeze3A_849 : f32 to vector<16xf32>
      %get3A_851 = arith.constant 11 : i32
      %get3A_852 = arith.index_cast %get3A_851 : i32 to index
      %get3A_853 = arith.index_cast %mul3A_694 : i32 to index
      %get3A_854 = tpu.vector_load %arg12[%get3A_852, %get3A_853] {strides = array<i32>} : memref<32x512xf32, #tpu.memory_space<vmem>>, vector<16xf32>,
      %get3A_855 = arith.constant 11 : i32
      %get3A_856 = arith.index_cast %get3A_855 : i32 to index
      %get3A_857 = arith.index_cast %mul3A_694 : i32 to index
      %get3A_858 = tpu.vector_load %arg13[%get3A_856, %get3A_857] {strides = array<i32>} : memref<32x512xf32, #tpu.memory_space<vmem>>, vector<16xf32>,
      %mul3A_859 = arith.mulf %get3A_854, %get3A_858 : vector<16xf32>
      %mul3A_860 = arith.mulf %mul3A_859, %broadcast_in_dim3A_850 : vector<16xf32>
      %add3A_861 = arith.addf %add3A_847, %mul3A_860 : vector<16xf32>
      %slice3A_862 = vector.extract_strided_slice %get3A_5 {offsets = [12], sizes = [1], strides = [1]} : vector<16xf32> to vector<1xf32>
      %squeeze3A_863 = vector.extract %slice3A_862[0] : f32 from vector<1xf32>
      %broadcast_in_dim3A_864 = vector.broadcast %squeeze3A_863 : f32 to vector<16xf32>
      %get3A_865 = arith.constant 12 : i32
      %get3A_866 = arith.index_cast %get3A_865 : i32 to index
      %get3A_867 = arith.index_cast %mul3A_694 : i32 to index
      %get3A_868 = tpu.vector_load %arg12[%get3A_866, %get3A_867] {strides = array<i32>} : memref<32x512xf32, #tpu.memory_space<vmem>>, vector<16xf32>,
      %get3A_869 = arith.constant 12 : i32
      %get3A_870 = arith.index_cast %get3A_869 : i32 to index
      %get3A_871 = arith.index_cast %mul3A_694 : i32 to index
      %get3A_872 = tpu.vector_load %arg13[%get3A_870, %get3A_871] {strides = array<i32>} : memref<32x512xf32, #tpu.memory_space<vmem>>, vector<16xf32>,
      %mul3A_873 = arith.mulf %get3A_868, %get3A_872 : vector<16xf32>
      %mul3A_874 = arith.mulf %mul3A_873, %broadcast_in_dim3A_864 : vector<16xf32>
      %add3A_875 = arith.addf %add3A_861, %mul3A_874 : vector<16xf32>
      %slice3A_876 = vector.extract_strided_slice %get3A_5 {offsets = [13], sizes = [1], strides = [1]} : vector<16xf32> to vector<1xf32>
      %squeeze3A_877 = vector.extract %slice3A_876[0] : f32 from vector<1xf32>
      %broadcast_in_dim3A_878 = vector.broadcast %squeeze3A_877 : f32 to vector<16xf32>
      %get3A_879 = arith.constant 13 : i32
      %get3A_880 = arith.index_cast %get3A_879 : i32 to index
      %get3A_881 = arith.index_cast %mul3A_694 : i32 to index
      %get3A_882 = tpu.vector_load %arg12[%get3A_880, %get3A_881] {strides = array<i32>} : memref<32x512xf32, #tpu.memory_space<vmem>>, vector<16xf32>,
      %get3A_883 = arith.constant 13 : i32
      %get3A_884 = arith.index_cast %get3A_883 : i32 to index
      %get3A_885 = arith.index_cast %mul3A_694 : i32 to index
      %get3A_886 = tpu.vector_load %arg13[%get3A_884, %get3A_885] {strides = array<i32>} : memref<32x512xf32, #tpu.memory_space<vmem>>, vector<16xf32>,
      %mul3A_887 = arith.mulf %get3A_882, %get3A_886 : vector<16xf32>
      %mul3A_888 = arith.mulf %mul3A_887, %broadcast_in_dim3A_878 : vector<16xf32>
      %add3A_889 = arith.addf %add3A_875, %mul3A_888 : vector<16xf32>
      %slice3A_890 = vector.extract_strided_slice %get3A_5 {offsets = [14], sizes = [1], strides = [1]} : vector<16xf32> to vector<1xf32>
      %squeeze3A_891 = vector.extract %slice3A_890[0] : f32 from vector<1xf32>
      %broadcast_in_dim3A_892 = vector.broadcast %squeeze3A_891 : f32 to vector<16xf32>
      %get3A_893 = arith.constant 14 : i32
      %get3A_894 = arith.index_cast %get3A_893 : i32 to index
      %get3A_895 = arith.index_cast %mul3A_694 : i32 to index
      %get3A_896 = tpu.vector_load %arg12[%get3A_894, %get3A_895] {strides = array<i32>} : memref<32x512xf32, #tpu.memory_space<vmem>>, vector<16xf32>,
      %get3A_897 = arith.constant 14 : i32
      %get3A_898 = arith.index_cast %get3A_897 : i32 to index
      %get3A_899 = arith.index_cast %mul3A_694 : i32 to index
      %get3A_900 = tpu.vector_load %arg13[%get3A_898, %get3A_899] {strides = array<i32>} : memref<32x512xf32, #tpu.memory_space<vmem>>, vector<16xf32>,
      %mul3A_901 = arith.mulf %get3A_896, %get3A_900 : vector<16xf32>
      %mul3A_902 = arith.mulf %mul3A_901, %broadcast_in_dim3A_892 : vector<16xf32>
      %add3A_903 = arith.addf %add3A_889, %mul3A_902 : vector<16xf32>
      %slice3A_904 = vector.extract_strided_slice %get3A_5 {offsets = [15], sizes = [1], strides = [1]} : vector<16xf32> to vector<1xf32>
      %squeeze3A_905 = vector.extract %slice3A_904[0] : f32 from vector<1xf32>
      %broadcast_in_dim3A_906 = vector.broadcast %squeeze3A_905 : f32 to vector<16xf32>
      %get3A_907 = arith.constant 15 : i32
      %get3A_908 = arith.index_cast %get3A_907 : i32 to index
      %get3A_909 = arith.index_cast %mul3A_694 : i32 to index
      %get3A_910 = tpu.vector_load %arg12[%get3A_908, %get3A_909] {strides = array<i32>} : memref<32x512xf32, #tpu.memory_space<vmem>>, vector<16xf32>,
      %get3A_911 = arith.constant 15 : i32
      %get3A_912 = arith.index_cast %get3A_911 : i32 to index
      %get3A_913 = arith.index_cast %mul3A_694 : i32 to index
      %get3A_914 = tpu.vector_load %arg13[%get3A_912, %get3A_913] {strides = array<i32>} : memref<32x512xf32, #tpu.memory_space<vmem>>, vector<16xf32>,
      %mul3A_915 = arith.mulf %get3A_910, %get3A_914 : vector<16xf32>
      %mul3A_916 = arith.mulf %mul3A_915, %broadcast_in_dim3A_906 : vector<16xf32>
      %add3A_917 = arith.addf %add3A_903, %mul3A_916 : vector<16xf32>
      %slice3A_918 = vector.extract_strided_slice %get3A_7 {offsets = [0], sizes = [1], strides = [1]} : vector<16xf32> to vector<1xf32>
      %squeeze3A_919 = vector.extract %slice3A_918[0] : f32 from vector<1xf32>
      %broadcast_in_dim3A_920 = vector.broadcast %squeeze3A_919 : f32 to vector<16xf32>
      %get3A_921 = arith.constant 16 : i32
      %get3A_922 = arith.index_cast %get3A_921 : i32 to index
      %get3A_923 = arith.index_cast %mul3A_694 : i32 to index
      %get3A_924 = tpu.vector_load %arg12[%get3A_922, %get3A_923] {strides = array<i32>} : memref<32x512xf32, #tpu.memory_space<vmem>>, vector<16xf32>,
      %get3A_925 = arith.constant 16 : i32
      %get3A_926 = arith.index_cast %get3A_925 : i32 to index
      %get3A_927 = arith.index_cast %mul3A_694 : i32 to index
      %get3A_928 = tpu.vector_load %arg13[%get3A_926, %get3A_927] {strides = array<i32>} : memref<32x512xf32, #tpu.memory_space<vmem>>, vector<16xf32>,
      %mul3A_929 = arith.mulf %get3A_924, %get3A_928 : vector<16xf32>
      %mul3A_930 = arith.mulf %mul3A_929, %broadcast_in_dim3A_920 : vector<16xf32>
      %add3A_931 = arith.addf %add3A_917, %mul3A_930 : vector<16xf32>
      %slice3A_932 = vector.extract_strided_slice %get3A_7 {offsets = [1], sizes = [1], strides = [1]} : vector<16xf32> to vector<1xf32>
      %squeeze3A_933 = vector.extract %slice3A_932[0] : f32 from vector<1xf32>
      %broadcast_in_dim3A_934 = vector.broadcast %squeeze3A_933 : f32 to vector<16xf32>
      %get3A_935 = arith.constant 17 : i32
      %get3A_936 = arith.index_cast %get3A_935 : i32 to index
      %get3A_937 = arith.index_cast %mul3A_694 : i32 to index
      %get3A_938 = tpu.vector_load %arg12[%get3A_936, %get3A_937] {strides = array<i32>} : memref<32x512xf32, #tpu.memory_space<vmem>>, vector<16xf32>,
      %get3A_939 = arith.constant 17 : i32
      %get3A_940 = arith.index_cast %get3A_939 : i32 to index
      %get3A_941 = arith.index_cast %mul3A_694 : i32 to index
      %get3A_942 = tpu.vector_load %arg13[%get3A_940, %get3A_941] {strides = array<i32>} : memref<32x512xf32, #tpu.memory_space<vmem>>, vector<16xf32>,
      %mul3A_943 = arith.mulf %get3A_938, %get3A_942 : vector<16xf32>
      %mul3A_944 = arith.mulf %mul3A_943, %broadcast_in_dim3A_934 : vector<16xf32>
      %add3A_945 = arith.addf %add3A_931, %mul3A_944 : vector<16xf32>
      %slice3A_946 = vector.extract_strided_slice %get3A_7 {offsets = [2], sizes = [1], strides = [1]} : vector<16xf32> to vector<1xf32>
      %squeeze3A_947 = vector.extract %slice3A_946[0] : f32 from vector<1xf32>
      %broadcast_in_dim3A_948 = vector.broadcast %squeeze3A_947 : f32 to vector<16xf32>
      %get3A_949 = arith.constant 18 : i32
      %get3A_950 = arith.index_cast %get3A_949 : i32 to index
      %get3A_951 = arith.index_cast %mul3A_694 : i32 to index
      %get3A_952 = tpu.vector_load %arg12[%get3A_950, %get3A_951] {strides = array<i32>} : memref<32x512xf32, #tpu.memory_space<vmem>>, vector<16xf32>,
      %get3A_953 = arith.constant 18 : i32
      %get3A_954 = arith.index_cast %get3A_953 : i32 to index
      %get3A_955 = arith.index_cast %mul3A_694 : i32 to index
      %get3A_956 = tpu.vector_load %arg13[%get3A_954, %get3A_955] {strides = array<i32>} : memref<32x512xf32, #tpu.memory_space<vmem>>, vector<16xf32>,
      %mul3A_957 = arith.mulf %get3A_952, %get3A_956 : vector<16xf32>
      %mul3A_958 = arith.mulf %mul3A_957, %broadcast_in_dim3A_948 : vector<16xf32>
      %add3A_959 = arith.addf %add3A_945, %mul3A_958 : vector<16xf32>
      %slice3A_960 = vector.extract_strided_slice %get3A_7 {offsets = [3], sizes = [1], strides = [1]} : vector<16xf32> to vector<1xf32>
      %squeeze3A_961 = vector.extract %slice3A_960[0] : f32 from vector<1xf32>
      %broadcast_in_dim3A_962 = vector.broadcast %squeeze3A_961 : f32 to vector<16xf32>
      %get3A_963 = arith.constant 19 : i32
      %get3A_964 = arith.index_cast %get3A_963 : i32 to index
      %get3A_965 = arith.index_cast %mul3A_694 : i32 to index
      %get3A_966 = tpu.vector_load %arg12[%get3A_964, %get3A_965] {strides = array<i32>} : memref<32x512xf32, #tpu.memory_space<vmem>>, vector<16xf32>,
      %get3A_967 = arith.constant 19 : i32
      %get3A_968 = arith.index_cast %get3A_967 : i32 to index
      %get3A_969 = arith.index_cast %mul3A_694 : i32 to index
      %get3A_970 = tpu.vector_load %arg13[%get3A_968, %get3A_969] {strides = array<i32>} : memref<32x512xf32, #tpu.memory_space<vmem>>, vector<16xf32>,
      %mul3A_971 = arith.mulf %get3A_966, %get3A_970 : vector<16xf32>
      %mul3A_972 = arith.mulf %mul3A_971, %broadcast_in_dim3A_962 : vector<16xf32>
      %add3A_973 = arith.addf %add3A_959, %mul3A_972 : vector<16xf32>
      %slice3A_974 = vector.extract_strided_slice %get3A_7 {offsets = [4], sizes = [1], strides = [1]} : vector<16xf32> to vector<1xf32>
      %squeeze3A_975 = vector.extract %slice3A_974[0] : f32 from vector<1xf32>
      %broadcast_in_dim3A_976 = vector.broadcast %squeeze3A_975 : f32 to vector<16xf32>
      %get3A_977 = arith.constant 20 : i32
      %get3A_978 = arith.index_cast %get3A_977 : i32 to index
      %get3A_979 = arith.index_cast %mul3A_694 : i32 to index
      %get3A_980 = tpu.vector_load %arg12[%get3A_978, %get3A_979] {strides = array<i32>} : memref<32x512xf32, #tpu.memory_space<vmem>>, vector<16xf32>,
      %get3A_981 = arith.constant 20 : i32
      %get3A_982 = arith.index_cast %get3A_981 : i32 to index
      %get3A_983 = arith.index_cast %mul3A_694 : i32 to index
      %get3A_984 = tpu.vector_load %arg13[%get3A_982, %get3A_983] {strides = array<i32>} : memref<32x512xf32, #tpu.memory_space<vmem>>, vector<16xf32>,
      %mul3A_985 = arith.mulf %get3A_980, %get3A_984 : vector<16xf32>
      %mul3A_986 = arith.mulf %mul3A_985, %broadcast_in_dim3A_976 : vector<16xf32>
      %add3A_987 = arith.addf %add3A_973, %mul3A_986 : vector<16xf32>
      %slice3A_988 = vector.extract_strided_slice %get3A_7 {offsets = [5], sizes = [1], strides = [1]} : vector<16xf32> to vector<1xf32>
      %squeeze3A_989 = vector.extract %slice3A_988[0] : f32 from vector<1xf32>
      %broadcast_in_dim3A_990 = vector.broadcast %squeeze3A_989 : f32 to vector<16xf32>
      %get3A_991 = arith.constant 21 : i32
      %get3A_992 = arith.index_cast %get3A_991 : i32 to index
      %get3A_993 = arith.index_cast %mul3A_694 : i32 to index
      %get3A_994 = tpu.vector_load %arg12[%get3A_992, %get3A_993] {strides = array<i32>} : memref<32x512xf32, #tpu.memory_space<vmem>>, vector<16xf32>,
      %get3A_995 = arith.constant 21 : i32
      %get3A_996 = arith.index_cast %get3A_995 : i32 to index
      %get3A_997 = arith.index_cast %mul3A_694 : i32 to index
      %get3A_998 = tpu.vector_load %arg13[%get3A_996, %get3A_997] {strides = array<i32>} : memref<32x512xf32, #tpu.memory_space<vmem>>, vector<16xf32>,
      %mul3A_999 = arith.mulf %get3A_994, %get3A_998 : vector<16xf32>
      %mul3A_1000 = arith.mulf %mul3A_999, %broadcast_in_dim3A_990 : vector<16xf32>
      %add3A_1001 = arith.addf %add3A_987, %mul3A_1000 : vector<16xf32>
      %slice3A_1002 = vector.extract_strided_slice %get3A_7 {offsets = [6], sizes = [1], strides = [1]} : vector<16xf32> to vector<1xf32>
      %squeeze3A_1003 = vector.extract %slice3A_1002[0] : f32 from vector<1xf32>
      %broadcast_in_dim3A_1004 = vector.broadcast %squeeze3A_1003 : f32 to vector<16xf32>
      %get3A_1005 = arith.constant 22 : i32
      %get3A_1006 = arith.index_cast %get3A_1005 : i32 to index
      %get3A_1007 = arith.index_cast %mul3A_694 : i32 to index
      %get3A_1008 = tpu.vector_load %arg12[%get3A_1006, %get3A_1007] {strides = array<i32>} : memref<32x512xf32, #tpu.memory_space<vmem>>, vector<16xf32>,
      %get3A_1009 = arith.constant 22 : i32
      %get3A_1010 = arith.index_cast %get3A_1009 : i32 to index
      %get3A_1011 = arith.index_cast %mul3A_694 : i32 to index
      %get3A_1012 = tpu.vector_load %arg13[%get3A_1010, %get3A_1011] {strides = array<i32>} : memref<32x512xf32, #tpu.memory_space<vmem>>, vector<16xf32>,
      %mul3A_1013 = arith.mulf %get3A_1008, %get3A_1012 : vector<16xf32>
      %mul3A_1014 = arith.mulf %mul3A_1013, %broadcast_in_dim3A_1004 : vector<16xf32>
      %add3A_1015 = arith.addf %add3A_1001, %mul3A_1014 : vector<16xf32>
      %slice3A_1016 = vector.extract_strided_slice %get3A_7 {offsets = [7], sizes = [1], strides = [1]} : vector<16xf32> to vector<1xf32>
      %squeeze3A_1017 = vector.extract %slice3A_1016[0] : f32 from vector<1xf32>
      %broadcast_in_dim3A_1018 = vector.broadcast %squeeze3A_1017 : f32 to vector<16xf32>
      %get3A_1019 = arith.constant 23 : i32
      %get3A_1020 = arith.index_cast %get3A_1019 : i32 to index
      %get3A_1021 = arith.index_cast %mul3A_694 : i32 to index
      %get3A_1022 = tpu.vector_load %arg12[%get3A_1020, %get3A_1021] {strides = array<i32>} : memref<32x512xf32, #tpu.memory_space<vmem>>, vector<16xf32>,
      %get3A_1023 = arith.constant 23 : i32
      %get3A_1024 = arith.index_cast %get3A_1023 : i32 to index
      %get3A_1025 = arith.index_cast %mul3A_694 : i32 to index
      %get3A_1026 = tpu.vector_load %arg13[%get3A_1024, %get3A_1025] {strides = array<i32>} : memref<32x512xf32, #tpu.memory_space<vmem>>, vector<16xf32>,
      %mul3A_1027 = arith.mulf %get3A_1022, %get3A_1026 : vector<16xf32>
      %mul3A_1028 = arith.mulf %mul3A_1027, %broadcast_in_dim3A_1018 : vector<16xf32>
      %add3A_1029 = arith.addf %add3A_1015, %mul3A_1028 : vector<16xf32>
      %slice3A_1030 = vector.extract_strided_slice %get3A_7 {offsets = [8], sizes = [1], strides = [1]} : vector<16xf32> to vector<1xf32>
      %squeeze3A_1031 = vector.extract %slice3A_1030[0] : f32 from vector<1xf32>
      %broadcast_in_dim3A_1032 = vector.broadcast %squeeze3A_1031 : f32 to vector<16xf32>
      %get3A_1033 = arith.constant 24 : i32
      %get3A_1034 = arith.index_cast %get3A_1033 : i32 to index
      %get3A_1035 = arith.index_cast %mul3A_694 : i32 to index
      %get3A_1036 = tpu.vector_load %arg12[%get3A_1034, %get3A_1035] {strides = array<i32>} : memref<32x512xf32, #tpu.memory_space<vmem>>, vector<16xf32>,
      %get3A_1037 = arith.constant 24 : i32
      %get3A_1038 = arith.index_cast %get3A_1037 : i32 to index
      %get3A_1039 = arith.index_cast %mul3A_694 : i32 to index
      %get3A_1040 = tpu.vector_load %arg13[%get3A_1038, %get3A_1039] {strides = array<i32>} : memref<32x512xf32, #tpu.memory_space<vmem>>, vector<16xf32>,
      %mul3A_1041 = arith.mulf %get3A_1036, %get3A_1040 : vector<16xf32>
      %mul3A_1042 = arith.mulf %mul3A_1041, %broadcast_in_dim3A_1032 : vector<16xf32>
      %add3A_1043 = arith.addf %add3A_1029, %mul3A_1042 : vector<16xf32>
      %slice3A_1044 = vector.extract_strided_slice %get3A_7 {offsets = [9], sizes = [1], strides = [1]} : vector<16xf32> to vector<1xf32>
      %squeeze3A_1045 = vector.extract %slice3A_1044[0] : f32 from vector<1xf32>
      %broadcast_in_dim3A_1046 = vector.broadcast %squeeze3A_1045 : f32 to vector<16xf32>
      %get3A_1047 = arith.constant 25 : i32
      %get3A_1048 = arith.index_cast %get3A_1047 : i32 to index
      %get3A_1049 = arith.index_cast %mul3A_694 : i32 to index
      %get3A_1050 = tpu.vector_load %arg12[%get3A_1048, %get3A_1049] {strides = array<i32>} : memref<32x512xf32, #tpu.memory_space<vmem>>, vector<16xf32>,
      %get3A_1051 = arith.constant 25 : i32
      %get3A_1052 = arith.index_cast %get3A_1051 : i32 to index
      %get3A_1053 = arith.index_cast %mul3A_694 : i32 to index
      %get3A_1054 = tpu.vector_load %arg13[%get3A_1052, %get3A_1053] {strides = array<i32>} : memref<32x512xf32, #tpu.memory_space<vmem>>, vector<16xf32>,
      %mul3A_1055 = arith.mulf %get3A_1050, %get3A_1054 : vector<16xf32>
      %mul3A_1056 = arith.mulf %mul3A_1055, %broadcast_in_dim3A_1046 : vector<16xf32>
      %add3A_1057 = arith.addf %add3A_1043, %mul3A_1056 : vector<16xf32>
      %slice3A_1058 = vector.extract_strided_slice %get3A_7 {offsets = [10], sizes = [1], strides = [1]} : vector<16xf32> to vector<1xf32>
      %squeeze3A_1059 = vector.extract %slice3A_1058[0] : f32 from vector<1xf32>
      %broadcast_in_dim3A_1060 = vector.broadcast %squeeze3A_1059 : f32 to vector<16xf32>
      %get3A_1061 = arith.constant 26 : i32
      %get3A_1062 = arith.index_cast %get3A_1061 : i32 to index
      %get3A_1063 = arith.index_cast %mul3A_694 : i32 to index
      %get3A_1064 = tpu.vector_load %arg12[%get3A_1062, %get3A_1063] {strides = array<i32>} : memref<32x512xf32, #tpu.memory_space<vmem>>, vector<16xf32>,
      %get3A_1065 = arith.constant 26 : i32
      %get3A_1066 = arith.index_cast %get3A_1065 : i32 to index
      %get3A_1067 = arith.index_cast %mul3A_694 : i32 to index
      %get3A_1068 = tpu.vector_load %arg13[%get3A_1066, %get3A_1067] {strides = array<i32>} : memref<32x512xf32, #tpu.memory_space<vmem>>, vector<16xf32>,
      %mul3A_1069 = arith.mulf %get3A_1064, %get3A_1068 : vector<16xf32>
      %mul3A_1070 = arith.mulf %mul3A_1069, %broadcast_in_dim3A_1060 : vector<16xf32>
      %add3A_1071 = arith.addf %add3A_1057, %mul3A_1070 : vector<16xf32>
      %slice3A_1072 = vector.extract_strided_slice %get3A_7 {offsets = [11], sizes = [1], strides = [1]} : vector<16xf32> to vector<1xf32>
      %squeeze3A_1073 = vector.extract %slice3A_1072[0] : f32 from vector<1xf32>
      %broadcast_in_dim3A_1074 = vector.broadcast %squeeze3A_1073 : f32 to vector<16xf32>
      %get3A_1075 = arith.constant 27 : i32
      %get3A_1076 = arith.index_cast %get3A_1075 : i32 to index
      %get3A_1077 = arith.index_cast %mul3A_694 : i32 to index
      %get3A_1078 = tpu.vector_load %arg12[%get3A_1076, %get3A_1077] {strides = array<i32>} : memref<32x512xf32, #tpu.memory_space<vmem>>, vector<16xf32>,
      %get3A_1079 = arith.constant 27 : i32
      %get3A_1080 = arith.index_cast %get3A_1079 : i32 to index
      %get3A_1081 = arith.index_cast %mul3A_694 : i32 to index
      %get3A_1082 = tpu.vector_load %arg13[%get3A_1080, %get3A_1081] {strides = array<i32>} : memref<32x512xf32, #tpu.memory_space<vmem>>, vector<16xf32>,
      %mul3A_1083 = arith.mulf %get3A_1078, %get3A_1082 : vector<16xf32>
      %mul3A_1084 = arith.mulf %mul3A_1083, %broadcast_in_dim3A_1074 : vector<16xf32>
      %add3A_1085 = arith.addf %add3A_1071, %mul3A_1084 : vector<16xf32>
      %slice3A_1086 = vector.extract_strided_slice %get3A_7 {offsets = [12], sizes = [1], strides = [1]} : vector<16xf32> to vector<1xf32>
      %squeeze3A_1087 = vector.extract %slice3A_1086[0] : f32 from vector<1xf32>
      %broadcast_in_dim3A_1088 = vector.broadcast %squeeze3A_1087 : f32 to vector<16xf32>
      %get3A_1089 = arith.constant 28 : i32
      %get3A_1090 = arith.index_cast %get3A_1089 : i32 to index
      %get3A_1091 = arith.index_cast %mul3A_694 : i32 to index
      %get3A_1092 = tpu.vector_load %arg12[%get3A_1090, %get3A_1091] {strides = array<i32>} : memref<32x512xf32, #tpu.memory_space<vmem>>, vector<16xf32>,
      %get3A_1093 = arith.constant 28 : i32
      %get3A_1094 = arith.index_cast %get3A_1093 : i32 to index
      %get3A_1095 = arith.index_cast %mul3A_694 : i32 to index
      %get3A_1096 = tpu.vector_load %arg13[%get3A_1094, %get3A_1095] {strides = array<i32>} : memref<32x512xf32, #tpu.memory_space<vmem>>, vector<16xf32>,
      %mul3A_1097 = arith.mulf %get3A_1092, %get3A_1096 : vector<16xf32>
      %mul3A_1098 = arith.mulf %mul3A_1097, %broadcast_in_dim3A_1088 : vector<16xf32>
      %add3A_1099 = arith.addf %add3A_1085, %mul3A_1098 : vector<16xf32>
      %slice3A_1100 = vector.extract_strided_slice %get3A_7 {offsets = [13], sizes = [1], strides = [1]} : vector<16xf32> to vector<1xf32>
      %squeeze3A_1101 = vector.extract %slice3A_1100[0] : f32 from vector<1xf32>
      %broadcast_in_dim3A_1102 = vector.broadcast %squeeze3A_1101 : f32 to vector<16xf32>
      %get3A_1103 = arith.constant 29 : i32
      %get3A_1104 = arith.index_cast %get3A_1103 : i32 to index
      %get3A_1105 = arith.index_cast %mul3A_694 : i32 to index
      %get3A_1106 = tpu.vector_load %arg12[%get3A_1104, %get3A_1105] {strides = array<i32>} : memref<32x512xf32, #tpu.memory_space<vmem>>, vector<16xf32>,
      %get3A_1107 = arith.constant 29 : i32
      %get3A_1108 = arith.index_cast %get3A_1107 : i32 to index
      %get3A_1109 = arith.index_cast %mul3A_694 : i32 to index
      %get3A_1110 = tpu.vector_load %arg13[%get3A_1108, %get3A_1109] {strides = array<i32>} : memref<32x512xf32, #tpu.memory_space<vmem>>, vector<16xf32>,
      %mul3A_1111 = arith.mulf %get3A_1106, %get3A_1110 : vector<16xf32>
      %mul3A_1112 = arith.mulf %mul3A_1111, %broadcast_in_dim3A_1102 : vector<16xf32>
      %add3A_1113 = arith.addf %add3A_1099, %mul3A_1112 : vector<16xf32>
      %slice3A_1114 = vector.extract_strided_slice %get3A_7 {offsets = [14], sizes = [1], strides = [1]} : vector<16xf32> to vector<1xf32>
      %squeeze3A_1115 = vector.extract %slice3A_1114[0] : f32 from vector<1xf32>
      %broadcast_in_dim3A_1116 = vector.broadcast %squeeze3A_1115 : f32 to vector<16xf32>
      %get3A_1117 = arith.constant 30 : i32
      %get3A_1118 = arith.index_cast %get3A_1117 : i32 to index
      %get3A_1119 = arith.index_cast %mul3A_694 : i32 to index
      %get3A_1120 = tpu.vector_load %arg12[%get3A_1118, %get3A_1119] {strides = array<i32>} : memref<32x512xf32, #tpu.memory_space<vmem>>, vector<16xf32>,
      %get3A_1121 = arith.constant 30 : i32
      %get3A_1122 = arith.index_cast %get3A_1121 : i32 to index
      %get3A_1123 = arith.index_cast %mul3A_694 : i32 to index
      %get3A_1124 = tpu.vector_load %arg13[%get3A_1122, %get3A_1123] {strides = array<i32>} : memref<32x512xf32, #tpu.memory_space<vmem>>, vector<16xf32>,
      %mul3A_1125 = arith.mulf %get3A_1120, %get3A_1124 : vector<16xf32>
      %mul3A_1126 = arith.mulf %mul3A_1125, %broadcast_in_dim3A_1116 : vector<16xf32>
      %add3A_1127 = arith.addf %add3A_1113, %mul3A_1126 : vector<16xf32>
      %slice3A_1128 = vector.extract_strided_slice %get3A_7 {offsets = [15], sizes = [1], strides = [1]} : vector<16xf32> to vector<1xf32>
      %squeeze3A_1129 = vector.extract %slice3A_1128[0] : f32 from vector<1xf32>
      %broadcast_in_dim3A_1130 = vector.broadcast %squeeze3A_1129 : f32 to vector<16xf32>
      %get3A_1131 = arith.constant 31 : i32
      %get3A_1132 = arith.index_cast %get3A_1131 : i32 to index
      %get3A_1133 = arith.index_cast %mul3A_694 : i32 to index
      %get3A_1134 = tpu.vector_load %arg12[%get3A_1132, %get3A_1133] {strides = array<i32>} : memref<32x512xf32, #tpu.memory_space<vmem>>, vector<16xf32>,
      %get3A_1135 = arith.constant 31 : i32
      %get3A_1136 = arith.index_cast %get3A_1135 : i32 to index
      %get3A_1137 = arith.index_cast %mul3A_694 : i32 to index
      %get3A_1138 = tpu.vector_load %arg13[%get3A_1136, %get3A_1137] {strides = array<i32>} : memref<32x512xf32, #tpu.memory_space<vmem>>, vector<16xf32>,
      %mul3A_1139 = arith.mulf %get3A_1134, %get3A_1138 : vector<16xf32>
      %mul3A_1140 = arith.mulf %mul3A_1139, %broadcast_in_dim3A_1130 : vector<16xf32>
      %add3A_1141 = arith.addf %add3A_1127, %mul3A_1140 : vector<16xf32>
      %swap3A = arith.index_cast %mul3A_694 : i32 to index
      %swap3A_1142 = tpu.vector_load %arg16[%swap3A] {strides = array<i32>} : memref<512xf32, #tpu.memory_space<vmem>>, vector<16xf32>,
      tpu.vector_store %arg16[%swap3A], %add3A_1141 {strides = array<i32>} : memref<512xf32, #tpu.memory_space<vmem>>, vector<16xf32>,
    }
    %scan3A_691 = arith.constant 32 : i32
    "tpu.region"() ({
      %run_scoped3A = tpu.sem_alloc : memref<!tpu.dma_semaphore, #tpu.memory_space<semaphore_mem>>
      %dma_start3A_692 = tpu.memref_slice %arg8[%mul3A_2] : memref<16384xf32, #tpu.memory_space<hbm>> -> memref<512xf32, #tpu.memory_space<hbm>>
      %dma_start3A_693 = tpu.memref_slice %arg8[%mul3A_2] : memref<16384xf32, #tpu.memory_space<hbm>> -> memref<512xf32, #tpu.memory_space<hbm>>
      tpu.enqueue_dma source(%arg16 : memref<512xf32, #tpu.memory_space<vmem>>) target(%dma_start3A_693 : memref<512xf32, #tpu.memory_space<hbm>>) target_semaphore(%run_scoped3A : memref<!tpu.dma_semaphore, #tpu.memory_space<semaphore_mem>>)
      %dma_wait3A = tpu.memref_slice %arg8[%mul3A_2] : memref<16384xf32, #tpu.memory_space<hbm>> -> memref<512xf32, #tpu.memory_space<hbm>>
      %dma_wait3A_694 = tpu.memref_slice %arg8[%mul3A_2] : memref<16384xf32, #tpu.memory_space<hbm>> -> memref<512xf32, #tpu.memory_space<hbm>>
      tpu.wait_dma2 semaphore(%run_scoped3A : memref<!tpu.dma_semaphore, #tpu.memory_space<semaphore_mem>>) src(%arg16 : memref<512xf32, #tpu.memory_space<vmem>>) dst(%dma_wait3A_694 : memref<512xf32, #tpu.memory_space<hbm>>)
      tpu.yield
    }) : () -> ()
    return
  }
}

</mosaic_0001>

<sc_bundles>
// kernel: kernel.3.cloned.1.call-start
scs
__scs_entry_jumppad:
0x0: {  	(pc) =	sbr.rel $0x88, $3  }
0x1: {  	(tag) =	ssettag $0x0;
	lr =	simm.s32 $0x1  }
0x2: {  	[smem:$0x3F9B] =	sst lr;
	_ =	strace $0xD0000000  }
0x3: {  	_ = 	snop  }
0x4: {  	_ = 	snop  }
0x5: {  	_ = 	snop  }
0x6: {  	_ = 	snop  }
0x7: {  	_ = 	snop  }
__scs_overlays_trampoline_lowered:
0x8: {  	[smem:$0x3FAA] =	sst s0  }
0x9: {  	[smem:$0x3FAB] =	sst s1  }
0xa: {  	[smem:$0x3FAC] =	sst s2  }
0xb: {  	[smem:$0x3FAD] =	sst s3  }
0xc: {  	[smem:$0x3FAE] =	sst s4  }
0xd: {  	[smem:$0x3FAF] =	sst s5  }
0xe: {  	[smem:$0x3FB0] =	sst s6  }
0xf: {  	[smem:$0x3FB1] =	sst s7  }
0x10: {  	[smem:$0x3FB2] =	sst s8  }
0x11: {  	[smem:$0x3FB3] =	sst s9;
	s0 =	simm.s32 @!p0 $0x0  }
0x12: {  	s1 =	sld [smem:$0x3F99];
	s0 =	simm.s32 @p0 $0x1  }
0x13: {  	[smem:$0x3FB4] =	sst s0;
	s0 =	simm.s32 @!p1 $0x0  }
0x14: {  	s2 =	sld [smem:$0x3F98];
	s0 =	simm.s32 @p1 $0x1  }
0x15: {  	[smem:$0x3FB5] =	sst s0;
	s0 =	simm.s32 @!p2 $0x0  }
0x16: {  	s3 =	sld [smem:$0x3FDB];
	s0 =	simm.s32 @p2 $0x1  }
0x17: {  	s4 =	simm.s32 $0x1BF5;
	[smem:$0x3FB7] =	sst s0  }
0x18: {  	s0 =	sld [smem:$0x3F9A];
	_ =	swait.ge [sflag:s4], $0x0  }
0x19: {  	s7 =	sld [smem:$0x3F9B]  }
0x1a: {  	s8 =	sadd.s32 $0xFFFFE003, lr  }
0x1b: {  	s9 =	sadd.s32 $0xFFFFFEF7, lr;
	s5 =	simm.s32 $0xFFFFFFFF;
	p2 =	slt.u32 s8, $0xFFFFF086  }
0x1c: {  	p1 =	slt.u32 s9, $0xF7A;
	s5 =	simm.s32 @!p2 $0x0  }
0x1d: {  	s5 =	simm.s32 @p1 $0x1;
	p0 =	seq.s32 s7, s2  }
0x1e: {  	s7 =	smul.u32 @!p0 $0xF7A, s2;
	p2 =	seq.s32 @!p0 s5, $0x0  }
0x1f: {  	s9 =	smul.u32 $0xF7A, s1;
	s8 =	simm.s32 @!p0 $0x1BF5;
	p2 =	por !p2, p0  }
0x20: {  	[sflag:s8] =	ssyncset.s32 @!p0 $0xFFFFF086;
	s6 =	sadd.s32 @!p0 s3, s7;
	s7 =	simm.s32 @!p0 $0x108  }
0x21: {  	s3 =	sadd.s32 s3, s9;
	s6 =	sadd.s32 @!p0 $0x88, s6;
	s7 =	simm.s32 @p2 $0x1082  }
0x22: {  	[simem:s7], [sflag:s8] =	dma.local @!p0 [hbm:s6], $0xF7A  }
0x23: {  	s9 =	sor.u32 $0xD0000000, s2;
	s6 =	simm.s32 $0x108;
	_ =	swait.ge @!p0 [sflag:s8], $0x0  }
0x24: {  	s3 =	sadd.s32 $0x88, s3;
	s6 =	simm.s32 @!p1 $0x1082;
	[sflag:s4] =	ssyncset.s32 $0xFFFFF086  }
0x25: {  	[simem:s6], [sflag:s4] =	dma.local [hbm:s3], $0xF7A  }
0x26: {  	[smem:$0x3F9B] =	sst s1;
	(tag) =	ssettag s2;
	_ =	strace s9  }
0x27: {  	s1 =	sld [smem:$0x3FAB]  }
0x28: {  	s2 =	sld [smem:$0x3FAC]  }
0x29: {  	s4 =	sld [smem:$0x3FAE]  }
0x2a: {  	p0 =	seq.s32 s5, $0x0;
	s5 =	sld [smem:$0x3FAF]  }
0x2b: {  	s6 =	sld [smem:$0x3FB0]  }
0x2c: {  	s7 =	sld [smem:$0x3FB1]  }
0x2d: {  	s3 =	simm.s32 $0x108;
	s8 =	sld [smem:$0x3FB2]  }
0x2e: {  	s3 =	simm.s32 @!p0 $0x1082;
	s9 =	sld [smem:$0x3FB3]  }
0x2f: {  	lr =	sadd.s32 s0, s3;
	s0 =	sld [smem:$0x3FAA]  }
0x30: {  	s3 =	sld [smem:$0x3FAD]  }
0x31: {  	[smem:$0x3FB6] =	sst s10  }
0x32: {  	s10 =	sld [smem:$0x3FB4];
	_ =	sdelay $0x3  }
0x33: {  	p0 =	seq.s32 s10, $0x1;
	s10 =	sld [smem:$0x3FB6];
	_ =	sdelay $0x3  }
0x34: {  	[smem:$0x3FB6] =	sst s10  }
0x35: {  	s10 =	sld [smem:$0x3FB5];
	_ =	sdelay $0x3  }
0x36: {  	p1 =	seq.s32 s10, $0x1;
	s10 =	sld [smem:$0x3FB6];
	_ =	sdelay $0x3  }
0x37: {  	[smem:$0x3FB6] =	sst s10  }
0x38: {  	s10 =	sld [smem:$0x3FB7]  }
0x39: {  	_ = 	snop;
	(pc) =	sbr.ind lr, $3  }
0x3a: {  	_ = 	snop  }
0x3b: {  	_ = 	snop  }
0x3c: {  	p2 =	seq.s32 s10, $0x1;
	s10 =	sld [smem:$0x3FB6]  }
0x3d: {  	_ =	shalt  }
0x3e: {  	_ =	shalt  }
0x3f: {  	_ =	shalt  }
0x40: {  	_ =	shalt  }
0x41: {  	_ =	shalt  }
0x42: {  	_ =	shalt  }
0x43: {  	_ =	shalt  }
0x44: {  	_ =	shalt  }
0x45: {  	_ =	shalt  }
0x46: {  	_ =	shalt  }
0x47: {  	_ =	shalt  }
0x48: {  	_ =	shalt  }
0x49: {  	_ =	shalt  }
0x4a: {  	_ =	shalt  }
0x4b: {  	_ =	shalt  }
0x4c: {  	_ =	shalt  }
0x4d: {  	_ =	shalt  }
0x4e: {  	_ =	shalt  }
0x4f: {  	_ =	shalt  }
0x50: {  	_ =	shalt  }
0x51: {  	_ =	shalt  }
0x52: {  	_ =	shalt  }
0x53: {  	_ =	shalt  }
0x54: {  	_ =	shalt  }
0x55: {  	_ =	shalt  }
0x56: {  	_ =	shalt  }
0x57: {  	_ =	shalt  }
0x58: {  	_ =	shalt  }
0x59: {  	_ =	shalt  }
0x5a: {  	_ =	shalt  }
0x5b: {  	_ =	shalt  }
0x5c: {  	_ =	shalt  }
0x5d: {  	_ =	shalt  }
0x5e: {  	_ =	shalt  }
0x5f: {  	_ =	shalt  }
0x60: {  	_ =	shalt  }
0x61: {  	_ =	shalt  }
0x62: {  	_ =	shalt  }
0x63: {  	_ =	shalt  }
0x64: {  	_ =	shalt  }
0x65: {  	_ =	shalt  }
0x66: {  	_ =	shalt  }
0x67: {  	_ =	shalt  }
0x68: {  	_ =	shalt  }
0x69: {  	_ =	shalt  }
0x6a: {  	_ =	shalt  }
0x6b: {  	_ =	shalt  }
0x6c: {  	_ =	shalt  }
0x6d: {  	_ =	shalt  }
0x6e: {  	_ =	shalt  }
0x6f: {  	_ =	shalt  }
0x70: {  	_ =	shalt  }
0x71: {  	_ =	shalt  }
0x72: {  	_ =	shalt  }
0x73: {  	_ =	shalt  }
0x74: {  	_ =	shalt  }
0x75: {  	_ =	shalt  }
0x76: {  	_ =	shalt  }
0x77: {  	_ =	shalt  }
0x78: {  	_ =	shalt  }
0x79: {  	_ =	shalt  }
0x7a: {  	_ =	shalt  }
0x7b: {  	_ =	shalt  }
0x7c: {  	_ =	shalt  }
0x7d: {  	_ =	shalt  }
0x7e: {  	_ =	shalt  }
0x7f: {  	_ =	shalt  }
0x80: {  	_ =	shalt  }
0x81: {  	_ =	shalt  }
0x82: {  	_ =	shalt  }
0x83: {  	_ =	shalt  }
0x84: {  	_ =	shalt  }
0x85: {  	_ =	shalt  }
0x86: {  	_ =	shalt  }
0x87: {  	_ =	shalt  }
.Lfunc_end0:
.L_simem_size_0:
called_computation_lowered:
.L_overlay_start_0:
0x88: {  	s2 =	sld [smem:$0x3FD9]  }
0x89: {  	s3 =	sld [smem:$0x3FFE];
	_ =	sdelay $0x1  }
0x8a: {  	s1 =	srdreg.scid  }
0x8b: {  	s0 =	sand.u32 $0x1, s1  }
0x8c: {  	s17 =	sshll.u32 s0, $0xA;
	s2 =	sadd.s32 s3, s2  }
0x8d: {  	s2 =	sadd.s32 s2, s17  }
0x8e: {  	[smem:$0x3FC2] =	sst s2  }
0x8f: {  	_ = 	snop  }
0x90: {  	s2 =	sld [smem:$0x3FC7]  }
0x91: {  	s18 =	sld [smem:$0x3FC6]  }
0x92: {  	s4 =	sld [smem:$0x3FC5]  }
0x93: {  	s5 =	sld [smem:$0x3FD0];
	(tm) =	ssettm $0x1  }
0x94: {  	s6 =	sld [smem:$0x3FFB];
	_ =	sdelay $0x3  }
0x95: {  	_ =	strace s6  }
0x96: {  	s6 =	sld [smem:$0x3FFC];
	_ =	sdelay $0x3  }
0x97: {  	_ =	strace s6  }
0x98: {  	s6 =	sld [smem:$0x3FFD];
	_ =	sdelay $0x3  }
0x99: {  	_ =	strace s6  }
0x9a: {  	_ =	strace $0x8FFFFFFF  }
0x9b: {  	s19 =	sld [smem:$0x3FDB];
	_ =	sdelay $0x1  }
0x9c: {  	s7 =	simm.s32 $_scs_section_size  }
0x9d: {  	s8 =	simm.s32 $_size__tile_overlayer_lowered;
	s9 =	simm.s32 $_tile_overlayer_lowered  }
0x9e: {  	s22 =	simm.s32 $0x1BFF;
	s21 =	sshll.u32 s9, $0x1;
	s6 =	sadd.s32 s7, s19  }
0x9f: {  	s10 =	simm.s32 $0x0;
	s20 =	sshll.u32 s8, $0x1;
	s8 =	sadd.s32 s21, s6  }
0xa0: {  	[timem:s10], [sflag:s22] =	dma.local [hbm:s8], s20  }
0xa1: {  	_ =	swait.ge [sflag:s22], s20  }
0xa2: {  	s7 =	ssub.s32 $0x0, s20;
	[sflag:s22] =	ssyncset.done $0x0  }
0xa3: {  	[sflag:s22] =	ssyncadd.s32 s7;
	_ =	sdelay $0x1  }
0xa4: {  	s23 =	simm.s32 $0x1B8B  }
0xa5: {  	_ =	swait.ge [sflag:s23], $0x1  }
0xa6: {  	[sflag:s23] =	ssyncset.done $0x0  }
0xa7: {  	s25 =	simm.s32 $0x1B8E;
	s24 =	sld [smem:$0x3FFE];
	[sflag:s23] =	ssyncadd.s32 $0xFFFFFFFF  }
0xa8: {  	s26 =	simm.s32 $execute0_lowered;
	[smem:$0x3FD2] =	sst s25  }
0xa9: {  	s8 =	sshll.u32 s26, $0x1;
	_ =	strace $0x80000046;
	[dreg:$0x1] =	wrdreg $0xFFFFFFFF  }
0xaa: {  	s28 =	simm.s32 $_size_execute0_lowered;
	s6 =	sadd.s32 s6, s8;
	[dreg:$0x0] =	wrdreg $0x0  }
0xab: {  	s8 =	sshll.u32 s28, $0x1;
	[dreg:$0x2] =	wrdreg s6  }
0xac: {  	[dreg:$0x3] =	wrdreg s8  }
0xad: {  	[dreg:$0x4] =	wrdreg $0xC0  }
0xae: {  	_ =	task [dreg:s10], $0x5FFFF  }
0xaf: {  	[dreg:$0x1] =	wrdreg $0xFFFFFFFF  }
0xb0: {  	[dreg:$0x0] =	wrdreg $0x60  }
0xb1: {  	[dreg:$0x2] =	wrdreg s24  }
0xb2: {  	[dreg:$0x3] =	wrdreg s2  }
0xb3: {  	[dreg:$0x4] =	wrdreg s18  }
0xb4: {  	[dreg:$0x5] =	wrdreg s4  }
0xb5: {  	[dreg:$0x6] =	wrdreg s5  }
0xb6: {  	[dreg:$0x7] =	wrdreg $0x9  }
0xb7: {  	_ =	task.clear_ibuf [dreg:s10], $0x8FFFF;
	_ =	strace $0x90000046  }
0xb8: {  	s29 =	simm.s32 $0x9;
	_ =	strace $0x80000048  }
0xb9: {  	_ =	swait.ge [sflag:s29], $0x1  }
0xba: {  	[sflag:s29] =	ssyncadd.s32 $0xFFFFFFFF  }
0xbb: {  	_ =	strace $0x90000048  }
0xbc: {  	_ =	sfence  }
0xbd: {  	s30 =	sld [smem:$0x0];
	_ =	sdelay $0x2  }
0xbe: {  	s31 =	sshll.u32 s1, $0xD;
	s1 =	sshrl.u32 s1, $0x2  }
0xbf: {  	s3 =	sand.u32 $0x4000, s31;
	s1 =	sadd.s32 s1, s30  }
0xc0: {  	s0 =	sor.u32 s3, s0;
	s1 =	sshll.u32 s1, $0x11  }
0xc1: {  	s0 =	sor.u32 s1, s0  }
0xc2: {  	s0 =	sadd.s32 $0x8F2B, s0  }
0xc3: {  	[sflag:s0] =	ssyncadd.remote.s32 $0x1  }
0xc4: {  	_ =	sfence.sel $0xFFFF  }
0xc5: {  	[dreg:$0x0] =	wrdreg $0xFFFFFFFF;
	(pc) =	sbr.abs _section_cstart, $3  }
0xc6: {  	[dreg:$0x1] =	wrdreg $0xFFFFFFFF  }
0xc7: {  	_ =	task.clear_ibuf [dreg:s10], $0x2FFFF;
	_ =	strace $0x9FFFFFFF  }
0xc8: {  	(tm) =	ssettm $0x7FFFFFFF  }
0xc9: {  	_ =	shalt  }
tec
execute0_lowered:
.L_overlay_start_1:
0x0: {  	(tag) =	ssettag $0x1  }
0x1: {  	v0 =	vlaneseq.u32;
	vm0 =	vcmask $0x300  }
0x2: {  	v1 =	vimm.s32 $0x3380;
	vm1 =	vcmask $0x704;
	vm15 =	vcmask $0xB08  }
0x3: {  	vm4 =	vcmask $0xF0C;
	vm5 =	vcmask $0x1310;
	vm6 =	vcmask $0x1714  }
0x4: {  	vm7 =	vcmask $0x1B18;
	vm8 =	vcmask $0x1F1C;
	vm9 =	vcmask $0x2320  }
0x5: {  	vm10 =	vcmask $0x2724;
	vm11 =	vcmask $0x2B28;
	vm12 =	vcmask $0x2F2C  }
0x6: {  	v5 =	vmul.u32 $0x80, v0;
	v0 =	vimm.s32 $0x1380;
	v1 =	vsel vm0, $0x2000, v1  }
0x7: {  	vm13 =	vcmask $0x3330;
	v0 =	vsel vm0, $0x0, v0;
	v1 =	vsel vm1, $0x2080, v1  }
0x8: {  	s2 =	rddreg [dreg:$0x0];
	vm14 =	vcmask $0x3734;
	v0 =	vsel vm1, $0x80, v0;
	v1 =	vsel vm15, $0x2100, v1  }
0x9: {  	s0 =	rddreg [dreg:$0x1];
	v6 =	vor.u32 $0x800, v5;
	v7 =	vor.u32 $0x1000, v5;
	v8 =	vor.u32 $0x1800, v5  }
0xa: {  	s1 =	rddreg [dreg:$0x2];
	s3 =	srdreg.scid;
	v9 =	vor.u32 $0x2000, v5;
	v10 =	vor.u32 $0x2800, v5;
	v11 =	vor.u32 $0x3000, v5  }
0xb: {  	s6 =	stileid.u32;
	s4 =	rddreg [dreg:$0x4];
	s11 =	simm.s32 $0x400;
	v12 =	vor.u32 $0x3800, v5;
	v13 =	vor.u32 $0x4000, v5;
	v43 =	vor.u32 $0x4800, v5  }
0xc: {  	s12 =	simm.s32 $0x0;
	s17 =	simm.s32 $0x7A1400;
	s18 =	simm.s32 $0x500;
	v44 =	vor.u32 $0x5000, v5;
	v45 =	vor.u32 $0x5800, v5;
	v14 =	vor.u32 $0x6000, v5  }
0xd: {  	s31 =	simm.s32 $0x1500;
	s13 =	simm.s32 $0x1;
	s14 =	simm.s32 $0x2;
	v15 =	vor.u32 $0x6800, v5;
	v16 =	vor.u32 $0x7000, v5;
	v17 =	vor.u32 $0x7800, v5  }
0xe: {  	s16 =	simm.s32 $0x3;
	s15 =	simm.s32 $0x4;
	s21 =	simm.s32 $0x9;
	v18 =	vor.u32 $0x8000, v5;
	v19 =	vor.u32 $0x8800, v5;
	v20 =	vor.u32 $0x9000, v5  }
0xf: {  	s22 =	simm.s32 $0xA;
	s9 =	simm.s32 $0xB;
	[smem:$0x7FF] =	sst s12;
	v21 =	vor.u32 $0x9800, v5;
	v22 =	vor.u32 $0xA000, v5;
	v0 =	vsel vm15, $0x100, v0  }
0x10: {  	s19 =	simm.s32 $0x5;
	s20 =	simm.s32 $0x7;
	_ =	strace $0x80000047;
	v23 =	vor.u32 $0xA800, v5;
	[tilespmem:$0x1FF40] =	vst v5;
	v1 =	vsel vm4, $0x2180, v1;
	v0 =	vsel vm4, $0x180, v0  }
0x11: {  	s8 =	simm.s32 $0x8;
	s23 =	simm.s32 $0xC;
	s10 =	simm.s32 $0xD;
	v24 =	vor.u32 $0xB000, v5;
	[tilespmem:$0x1FF50] =	vst v6;
	v1 =	vsel vm5, $0x2200, v1;
	v0 =	vsel vm5, $0x200, v0  }
0x12: {  	s28 =	simm.s32 $0x14500;
	s3 =	sand.u32 $0x1, s3;
	s5 =	sshll.u32 s6, $0x1;
	v25 =	vor.u32 $0xB800, v5;
	[tilespmem:$0x1FF60] =	vst v7;
	v1 =	vsel vm6, $0x2280, v1;
	v0 =	vsel vm6, $0x280, v0  }
0x13: {  	s6 =	sshll.u32 s6, $0x7;
	s5 =	sor.u32 s3, s5;
	s3 =	ssub.s32 $0x2, s3;
	v26 =	vor.u32 $0xC000, v5;
	[tilespmem:$0x1FF70] =	vst v8;
	v1 =	vsel vm7, $0x2300, v1;
	v0 =	vsel vm7, $0x300, v0  }
0x14: {  	s7 =	sshll.u32 s5, $0x4;
	s24 =	sshrl.u32 s3, $0x1;
	s30 =	sshll.u32 s5, $0x6;
	v27 =	vor.u32 $0xC800, v5;
	[tilespmem:$0x1FF80] =	vst v9;
	v1 =	vsel vm8, $0x2380, v1;
	v0 =	vsel vm8, $0x380, v0  }
0x15: {  	v28 =	vor.u32 $0xD000, v5;
	s6 =	sor.u32 s6, s7;
	s25 =	ssub.s32 s3, s24;
	s3 =	sadd.s32 s4, s30;
	[tilespmem:$0x1FF90] =	vst v10;
	v1 =	vsel vm9, $0x3000, v1;
	v0 =	vsel vm9, $0x1000, v0  }
0x16: {  	v29 =	vor.u32 $0xD800, v5;
	s7 =	simm.s32 $0x6;
	s24 =	simm.s32 $0xE;
	[tilespmem:$0x1FFA0] =	vst v11;
	s6 =	sand.u32 $0x670, s6;
	v1 =	vsel vm10, $0x3080, v1;
	v0 =	vsel vm10, $0x1080, v0  }
0x17: {  	v30 =	vor.u32 $0xE000, v5;
	[tilespmem:$0x1FFB0] =	vst v12;
	[dreg:$0x9] =	wrdreg s3;
	s6 =	sadd.s32 s6, s2;
	s2 =	sadd.s32 $0x1400, s2;
	v1 =	vsel vm11, $0x3100, v1;
	v0 =	vsel vm11, $0x1100, v0  }
0x18: {  	v31 =	vor.u32 $0xE800, v5;
	s4 =	simm.s32 $0x0;
	[tilespmem:$0x1FFC0] =	vst v13;
	[dreg:$0x6] =	wrdreg s2;
	s26 =	sadd.s32 $0x400, s6;
	v1 =	vsel vm12, $0x3180, v1;
	v0 =	vsel vm12, $0x1180, v0  }
0x19: {  	v32 =	vor.u32 $0xF000, v5;
	[tilespmem:$0x1FFD0] =	vst v43;
	s3 =	simm.s32 $0x11;
	s29 =	sadd.s32 $0xC00, s6;
	[dreg:$0x7] =	wrdreg s26;
	v1 =	vsel vm13, $0x3200, v1;
	v0 =	vsel vm13, $0x1200, v0  }
0x1a: {  	vm15 =	vcmask $0x3B38;
	[tilespmem:$0x1FFE0] =	vst v44;
	s2 =	smax.u32 s25, $0x1;
	s6 =	simm.s32 $0x10500;
	[dreg:$0x8] =	wrdreg s29;
	v1 =	vsel vm14, $0x3280, v1;
	v0 =	vsel vm14, $0x1280, v0  }
0x1b: {  	v33 =	vor.u32 $0xF800, v5;
	[tilespmem:$0x1FFF0] =	vst v45;
	s25 =	simm.s32 $0xF;
	[dreg:$0xa] =	wrdreg s2;
	s26 =	simm.s32 $0x10;
	v3 =	vsel vm15, $0x3300, v1;
	v2 =	vsel vm15, $0x1300, v0  }
.LBB2_1:
0x1c: {  	[dreg:$0xb] =	wrdreg s4  }
0x1d: {  	s2 =	rddreg [dreg:$0x7];
	s5 =	simm.s32 $0x80  }
0x1e: {  	[tilespmem:s12], [sflag:$0x11] =	stream.strided.gather [hbm4b:s2+s5], $0x200, s11, s5, $0x38;
	[tilespmem:$0x18800] =	vst v63  }
0x1f: {  	_ =	swait.ge [sflag:s3], $0x200  }
0x20: {  	[sflag:s3] =	ssyncset.done $0x0  }
0x21: {  	s29 =	simm.s32 $0x280;
	s4 =	rddreg [dreg:$0x8];
	[sflag:s3] =	ssyncadd.s32 $0xFFFFFE00  }
0x22: {  	[tilespmem:s29], [sflag:$0x11] =	stream.strided.gather [hbm4b:s4+s5], $0x200, s11, s5, $0x38;
	[tilespmem:$0x18800] =	vst v63  }
0x23: {  	_ =	swait.ge [sflag:s3], $0x200  }
0x24: {  	[sflag:s3] =	ssyncset.done $0x0  }
0x25: {  	[sflag:s3] =	ssyncadd.s32 $0xFFFFFE00  }
0x26: {  	s29 =	simm.s32 $0x18500;
	s5 =	rddreg [dreg:$0x3]  }
0x27: {  	[tilespmem:s29], [sflag:$0x11] =	stream.linear.gather [hbm4b:s5+s12], $0x80, $0x38;
	[tilespmem:$0x18800] =	vst v63  }
0x28: {  	_ =	swait.ge [sflag:s3], $0x80  }
0x29: {  	[sflag:s3] =	ssyncset.done $0x0  }
0x2a: {  	s29 =	simm.s32 $0x18580;
	s5 =	rddreg [dreg:$0x6];
	[sflag:s3] =	ssyncadd.s32 $0xFFFFFF80  }
0x2b: {  	[tilespmem:s29], [sflag:$0x11] =	stream.linear.gather [hbm4b:s5+s12], $0x80, $0x38;
	[tilespmem:$0x18800] =	vst v63  }
0x2c: {  	_ =	swait.ge [sflag:s3], $0x80  }
0x2d: {  	[sflag:s3] =	ssyncset.done $0x0  }
0x2e: {  	[sflag:s3] =	ssyncadd.s32 $0xFFFFFF80  }
0x2f: {  	v0 =	vld [tilespmem:$0x0];
	_ =	sdelay $0x4  }
0x30: {  	v0 =	vand.u32 $0xFFFFFF80, v0  }
0x31: {  	v0 =	vadd.s32 s0, v0  }
0x32: {  	(v2sf) =	vpush v0, $0x0;
	_ =	sdelay $0x1  }
0x33: {  	(v2sf) =	vpush v0, $0x1;
	_ =	sdelay $0x1  }
0x34: {  	(v2sf) =	vpush v0, $0x2;
	_ =	sdelay $0x1  }
0x35: {  	(v2sf) =	vpush v0, $0x3;
	_ =	sdelay $0x7  }
0x36: {  	v34 =	vld [tilespmem:$0x18580]  }
0x37: {  	v36 =	vld [tilespmem:$0x18500];
	s4 =	spop (v2sf)  }
0x38: {  	v35 =	vld [tilespmem:$0x18510];
	[tilespmem:s18], [sflag:$0x1] =	stream.strided.gather [hbm4b:s4+s11], $0x1000, s17, s11, $0x38  }
0x39: {  	s5 =	spop (v2sf)  }
0x3a: {  	[tilespmem:s31], [sflag:$0x2] =	stream.strided.gather [hbm4b:s5+s11], $0x1000, s17, s11, $0x38;
	[tilespmem:$0x18800] =	vst v63  }
0x3b: {  	s29 =	simm.s32 $0x2500;
	s12 =	spop (v2sf)  }
0x3c: {  	[tilespmem:s29], [sflag:$0x3] =	stream.strided.gather [hbm4b:s12+s11], $0x1000, s17, s11, $0x38;
	[tilespmem:$0x18800] =	vst v63  }
0x3d: {  	s4 =	spop (v2sf);
	s5 =	simm.s32 $0x3500  }
0x3e: {  	[tilespmem:s5], [sflag:$0x4] =	stream.strided.gather [hbm4b:s4+s11], $0x1000, s17, s11, $0x38;
	[tilespmem:$0x18800] =	vst v63  }
0x3f: {  	v0 =	vld [tilespmem:$0x4];
	_ =	sdelay $0x4  }
0x40: {  	v0 =	vand.u32 $0xFFFFFF80, v0  }
0x41: {  	v0 =	vadd.s32 s0, v0  }
0x42: {  	(v2sf) =	vpush v0, $0x0;
	_ =	sdelay $0x1  }
0x43: {  	(v2sf) =	vpush v0, $0x1;
	_ =	sdelay $0x1  }
0x44: {  	(v2sf) =	vpush v0, $0x2;
	_ =	sdelay $0x1  }
0x45: {  	(v2sf) =	vpush v0, $0x3;
	_ =	sdelay $0x8  }
0x46: {  	s29 =	simm.s32 $0x4500;
	s12 =	spop (v2sf)  }
0x47: {  	[tilespmem:s29], [sflag:$0x5] =	stream.strided.gather [hbm4b:s12+s11], $0x1000, s17, s11, $0x38;
	[tilespmem:$0x18800] =	vst v63  }
0x48: {  	s5 =	simm.s32 $0x5500;
	s4 =	spop (v2sf)  }
0x49: {  	[tilespmem:s5], [sflag:$0x6] =	stream.strided.gather [hbm4b:s4+s11], $0x1000, s17, s11, $0x38;
	[tilespmem:$0x18800] =	vst v63  }
0x4a: {  	s29 =	simm.s32 $0x6500;
	s12 =	spop (v2sf)  }
0x4b: {  	[tilespmem:s29], [sflag:$0x7] =	stream.strided.gather [hbm4b:s12+s11], $0x1000, s17, s11, $0x38;
	[tilespmem:$0x18800] =	vst v63  }
0x4c: {  	s4 =	spop (v2sf);
	s5 =	simm.s32 $0x7500  }
0x4d: {  	[tilespmem:s5], [sflag:$0x8] =	stream.strided.gather [hbm4b:s4+s11], $0x1000, s17, s11, $0x38;
	[tilespmem:$0x18800] =	vst v63  }
0x4e: {  	v0 =	vld [tilespmem:$0x8];
	_ =	sdelay $0x4  }
0x4f: {  	v0 =	vand.u32 $0xFFFFFF80, v0  }
0x50: {  	v0 =	vadd.s32 s0, v0  }
0x51: {  	(v2sf) =	vpush v0, $0x0;
	_ =	sdelay $0x1  }
0x52: {  	(v2sf) =	vpush v0, $0x1;
	_ =	sdelay $0x1  }
0x53: {  	(v2sf) =	vpush v0, $0x2;
	_ =	sdelay $0x1  }
0x54: {  	(v2sf) =	vpush v0, $0x3;
	_ =	sdelay $0x8  }
0x55: {  	s29 =	simm.s32 $0x8500;
	s12 =	spop (v2sf)  }
0x56: {  	[tilespmem:s29], [sflag:$0x9] =	stream.strided.gather [hbm4b:s12+s11], $0x1000, s17, s11, $0x38;
	[tilespmem:$0x18800] =	vst v63  }
0x57: {  	s5 =	simm.s32 $0x9500;
	s4 =	spop (v2sf)  }
0x58: {  	[tilespmem:s5], [sflag:$0xA] =	stream.strided.gather [hbm4b:s4+s11], $0x1000, s17, s11, $0x38;
	[tilespmem:$0x18800] =	vst v63  }
0x59: {  	s29 =	simm.s32 $0xA500;
	s12 =	spop (v2sf)  }
0x5a: {  	[tilespmem:s29], [sflag:$0xB] =	stream.strided.gather [hbm4b:s12+s11], $0x1000, s17, s11, $0x38;
	[tilespmem:$0x18800] =	vst v63  }
0x5b: {  	s2 =	spop (v2sf);
	s4 =	simm.s32 $0xB500  }
0x5c: {  	[tilespmem:s4], [sflag:$0xC] =	stream.strided.gather [hbm4b:s2+s11], $0x1000, s17, s11, $0x38;
	[tilespmem:$0x18800] =	vst v63  }
0x5d: {  	v0 =	vld [tilespmem:$0xC];
	_ =	sdelay $0x4  }
0x5e: {  	v0 =	vand.u32 $0xFFFFFF80, v0  }
0x5f: {  	v0 =	vadd.s32 s0, v0  }
0x60: {  	(v2sf) =	vpush v0, $0x0;
	_ =	sdelay $0x1  }
0x61: {  	(v2sf) =	vpush v0, $0x1;
	_ =	sdelay $0x1  }
0x62: {  	(v2sf) =	vpush v0, $0x2;
	_ =	sdelay $0x1  }
0x63: {  	(v2sf) =	vpush v0, $0x3;
	_ =	sdelay $0x8  }
0x64: {  	s2 =	simm.s32 $0xC500;
	s5 =	spop (v2sf)  }
0x65: {  	[tilespmem:s2], [sflag:$0xD] =	stream.strided.gather [hbm4b:s5+s11], $0x1000, s17, s11, $0x38;
	[tilespmem:$0x18800] =	vst v63  }
0x66: {  	s29 =	simm.s32 $0xD500;
	s12 =	spop (v2sf)  }
0x67: {  	[tilespmem:s29], [sflag:$0xE] =	stream.strided.gather [hbm4b:s12+s11], $0x1000, s17, s11, $0x38;
	[tilespmem:$0x18800] =	vst v63  }
0x68: {  	s30 =	simm.s32 $0x10;
	s5 =	simm.s32 $0xE500;
	s4 =	spop (v2sf)  }
0x69: {  	[tilespmem:s5], [sflag:$0xF] =	stream.strided.gather [hbm4b:s4+s11], $0x1000, s17, s11, $0x38;
	[tilespmem:$0x18800] =	vst v63  }
0x6a: {  	s12 =	spop (v2sf);
	s29 =	simm.s32 $0xF500;
	s5 =	simm.s32 $0xF  }
0x6b: {  	[tilespmem:s29], [sflag:$0x10] =	stream.strided.gather [hbm4b:s12+s11], $0x1000, s17, s11, $0x38;
	[tilespmem:$0x18800] =	vst v63  }
.LBB2_2:
0x6c: {  	_ =	swait.ge [sflag:s13], $0x1000  }
0x6d: {  	[sflag:s13] =	ssyncset.done $0x0  }
0x6e: {  	[sflag:s13] =	ssyncadd.s32 $0xFFFFF000  }
0x6f: {  	_ =	swait.ge [sflag:s14], $0x1000  }
0x70: {  	[sflag:s14] =	ssyncset.done $0x0  }
0x71: {  	[sflag:s14] =	ssyncadd.s32 $0xFFFFF000  }
0x72: {  	_ =	swait.ge [sflag:s16], $0x1000  }
0x73: {  	[sflag:s16] =	ssyncset.done $0x0  }
0x74: {  	[sflag:s16] =	ssyncadd.s32 $0xFFFFF000  }
0x75: {  	_ =	swait.ge [sflag:s15], $0x1000  }
0x76: {  	[sflag:s15] =	ssyncset.done $0x0  }
0x77: {  	[sflag:s15] =	ssyncadd.s32 $0xFFFFF000  }
0x78: {  	v0 =	vld [tilespmem:s30+$0xFFFFFFF0];
	_ =	sdelay $0x4  }
0x79: {  	v0 =	vand.u32 $0x7F, v0  }
0x7a: {  	v1 =	vbroadcast v0, $0x0;
	_ =	sdelay $0x1  }
0x7b: {  	s3 =	sadd.s32 $0xFFFFFFF1, s5;
	v4 =	vor.u32 v5, v1  }
0x7c: {  	v37 =	vmov s3;
	v1 =	vor.u32 v6, v1  }
0x7d: {  	v38 =	vshll.u32 v37, $0x3  }
0x7e: {  	v37 =	vand.u32 $0x70, v37;
	v38 =	vand.u32 $0xC00, v38  }
0x7f: {  	v37 =	vor.u32 v37, v38  }
0x80: {  	v38 =	vor.u32 v2, v37;
	v39 =	vbroadcast v0, $0x1;
	v4 =	vld.idx.msk [tilespmem:v4+s18+$0x0], $0xffff  }
0x81: {  	v37 =	vor.u32 v3, v37;
	v1 =	vld.idx.msk [tilespmem:v1+s18+$0x0], $0xffff  }
0x82: {  	s4 =	sadd.s32 $0xFFFFFFF2, s5;
	v40 =	vor.u32 v7, v39  }
0x83: {  	v41 =	vmov s4;
	v39 =	vor.u32 v8, v39  }
0x84: {  	v42 =	vshll.u32 v41, $0x3  }
0x85: {  	v56 =	vand.u32 $0xC00, v42;
	[tilespmem:v38+s6+$0x0] =	vst.idx.msk $0xffff, v4;
	v4 =	vand.u32 $0x71, v41  }
0x86: {  	[tilespmem:v37+s6+$0x0] =	vst.idx.msk $0xffff, v1;
	v1 =	vor.u32 v4, v56  }
0x87: {  	v58 =	vbroadcast v0, $0x2;
	v4 =	vld.idx.msk [tilespmem:v40+s18+$0x0], $0xffff;
	v57 =	vor.u32 v2, v1  }
0x88: {  	v39 =	vld.idx.msk [tilespmem:v39+s18+$0x0], $0xffff;
	v1 =	vor.u32 v3, v1  }
0x89: {  	s12 =	sadd.s32 $0xFFFFFFF3, s5;
	v59 =	vor.u32 v9, v58  }
0x8a: {  	v60 =	vmov s12;
	v38 =	vor.u32 v10, v58  }
0x8b: {  	v61 =	vshll.u32 v60, $0x3  }
0x8c: {  	v62 =	vand.u32 $0xC00, v61;
	[tilespmem:v57+s6+$0x0] =	vst.idx.msk $0xffff, v4;
	v4 =	vand.u32 $0x72, v60  }
0x8d: {  	[tilespmem:v1+s6+$0x0] =	vst.idx.msk $0xffff, v39;
	v1 =	vor.u32 v4, v62  }
0x8e: {  	v0 =	vbroadcast v0, $0x3;
	v4 =	vld.idx.msk [tilespmem:v59+s18+$0x0], $0xffff;
	v37 =	vor.u32 v2, v1  }
0x8f: {  	v38 =	vld.idx.msk [tilespmem:v38+s18+$0x0], $0xffff;
	v1 =	vor.u32 v3, v1  }
0x90: {  	s29 =	sadd.s32 $0xFFFFFFF4, s5;
	v63 =	vor.u32 v11, v0  }
0x91: {  	v46 =	vmov s29;
	v0 =	vor.u32 v12, v0  }
0x92: {  	v47 =	vshll.u32 v46, $0x3  }
0x93: {  	v48 =	vand.u32 $0xC00, v47;
	[tilespmem:v37+s6+$0x0] =	vst.idx.msk $0xffff, v4;
	v4 =	vand.u32 $0x73, v46  }
0x94: {  	[tilespmem:v1+s6+$0x0] =	vst.idx.msk $0xffff, v38;
	v1 =	vor.u32 v4, v48  }
0x95: {  	v4 =	vld.idx.msk [tilespmem:v63+s18+$0x0], $0xffff;
	v37 =	vor.u32 v2, v1  }
0x96: {  	v0 =	vld.idx.msk [tilespmem:v0+s18+$0x0], $0xffff;
	v1 =	vor.u32 v3, v1;
	_ =	sdelay $0x3  }
0x97: {  	[tilespmem:v37+s6+$0x0] =	vst.idx.msk $0xffff, v4  }
0x98: {  	p0 =	seq.s32 s5, $0x1FF;
	[tilespmem:v1+s6+$0x0] =	vst.idx.msk $0xffff, v0  }
0x99: {  	v0 =	vld @!p0 [tilespmem:s30+$0x0];
	_ =	sdelay $0x4  }
0x9a: {  	v0 =	vand.u32 @!p0 $0xFFFFFF80, v0  }
0x9b: {  	v0 =	vadd.s32 @!p0 s0, v0  }
0x9c: {  	(v2sf) =	vpush @!p0 v0, $0x0;
	_ =	sdelay $0x1  }
0x9d: {  	(v2sf) =	vpush @!p0 v0, $0x1;
	_ =	sdelay $0x1  }
0x9e: {  	(v2sf) =	vpush @!p0 v0, $0x2;
	_ =	sdelay $0x1  }
0x9f: {  	(v2sf) =	vpush @!p0 v0, $0x3;
	_ =	sdelay $0x7  }
0xa0: {  	s12 =	simm.s32 @!p0 $0x400  }
0xa1: {  	s29 =	simm.s32 @!p0 $0x7A1400;
	s4 =	simm.s32 @!p0 $0x500;
	s3 =	spop @!p0 (v2sf)  }
0xa2: {  	[tilespmem:s4], [sflag:$0x1] =	stream.strided.gather @!p0 [hbm4b:s3+s12], $0x1000, s29, s12, $0x38;
	[tilespmem:$0x18800] =	vst v63  }
0xa3: {  	s3 =	spop @!p0 (v2sf);
	s4 =	simm.s32 @!p0 $0x1500  }
0xa4: {  	[tilespmem:s4], [sflag:$0x2] =	stream.strided.gather @!p0 [hbm4b:s3+s12], $0x1000, s29, s12, $0x38;
	[tilespmem:$0x18800] =	vst v63  }
0xa5: {  	s3 =	spop @!p0 (v2sf);
	s4 =	simm.s32 @!p0 $0x2500  }
0xa6: {  	[tilespmem:s4], [sflag:$0x3] =	stream.strided.gather @!p0 [hbm4b:s3+s12], $0x1000, s29, s12, $0x38;
	[tilespmem:$0x18800] =	vst v63  }
0xa7: {  	s3 =	spop @!p0 (v2sf);
	s4 =	simm.s32 @!p0 $0x3500  }
0xa8: {  	[tilespmem:s4], [sflag:$0x4] =	stream.strided.gather @!p0 [hbm4b:s3+s12], $0x1000, s29, s12, $0x38;
	[tilespmem:$0x18800] =	vst v63  }
0xa9: {  	_ =	swait.ge [sflag:s19], $0x1000  }
0xaa: {  	[sflag:s19] =	ssyncset.done $0x0  }
0xab: {  	[sflag:s19] =	ssyncadd.s32 $0xFFFFF000  }
0xac: {  	_ =	swait.ge [sflag:s7], $0x1000  }
0xad: {  	[sflag:s7] =	ssyncset.done $0x0  }
0xae: {  	[sflag:s7] =	ssyncadd.s32 $0xFFFFF000  }
0xaf: {  	_ =	swait.ge [sflag:s20], $0x1000  }
0xb0: {  	[sflag:s20] =	ssyncset.done $0x0  }
0xb1: {  	[sflag:s20] =	ssyncadd.s32 $0xFFFFF000  }
0xb2: {  	_ =	swait.ge [sflag:s8], $0x1000  }
0xb3: {  	[sflag:s8] =	ssyncset.done $0x0  }
0xb4: {  	[sflag:s8] =	ssyncadd.s32 $0xFFFFF000  }
0xb5: {  	v0 =	vld [tilespmem:s30+$0xFFFFFFF4];
	_ =	sdelay $0x4  }
0xb6: {  	v0 =	vand.u32 $0x7F, v0  }
0xb7: {  	v1 =	vbroadcast v0, $0x0;
	_ =	sdelay $0x1  }
0xb8: {  	s4 =	sadd.s32 $0xFFFFFFF5, s5;
	v4 =	vor.u32 v13, v1  }
0xb9: {  	v49 =	vmov s4;
	v1 =	vor.u32 v43, v1  }
0xba: {  	v50 =	vshll.u32 v49, $0x3  }
0xbb: {  	v37 =	vand.u32 $0x74, v49;
	v38 =	vand.u32 $0xC00, v50  }
0xbc: {  	v37 =	vor.u32 v37, v38  }
0xbd: {  	v38 =	vor.u32 v2, v37;
	v51 =	vbroadcast v0, $0x1;
	v4 =	vld.idx.msk [tilespmem:v4+s18+$0x0], $0xffff  }
0xbe: {  	v37 =	vor.u32 v3, v37;
	v1 =	vld.idx.msk [tilespmem:v1+s18+$0x0], $0xffff  }
0xbf: {  	s4 =	sadd.s32 $0xFFFFFFF6, s5;
	v52 =	vor.u32 v44, v51  }
0xc0: {  	v53 =	vmov s4;
	v39 =	vor.u32 v45, v51  }
0xc1: {  	v54 =	vshll.u32 v53, $0x3  }
0xc2: {  	v55 =	vand.u32 $0xC00, v54;
	[tilespmem:v38+s6+$0x0] =	vst.idx.msk $0xffff, v4;
	v4 =	vand.u32 $0x75, v53  }
0xc3: {  	[tilespmem:v37+s6+$0x0] =	vst.idx.msk $0xffff, v1;
	v1 =	vor.u32 v4, v55  }
0xc4: {  	v57 =	vbroadcast v0, $0x2;
	v4 =	vld.idx.msk [tilespmem:v52+s18+$0x0], $0xffff;
	v56 =	vor.u32 v2, v1  }
0xc5: {  	v39 =	vld.idx.msk [tilespmem:v39+s18+$0x0], $0xffff;
	v1 =	vor.u32 v3, v1  }
0xc6: {  	s4 =	sadd.s32 $0xFFFFFFF7, s5;
	v58 =	vor.u32 v14, v57  }
0xc7: {  	v59 =	vmov s4;
	v38 =	vor.u32 v15, v57  }
0xc8: {  	v60 =	vshll.u32 v59, $0x3  }
0xc9: {  	v61 =	vand.u32 $0xC00, v60;
	[tilespmem:v56+s6+$0x0] =	vst.idx.msk $0xffff, v4;
	v4 =	vand.u32 $0x76, v59  }
0xca: {  	[tilespmem:v1+s6+$0x0] =	vst.idx.msk $0xffff, v39;
	v1 =	vor.u32 v4, v61  }
0xcb: {  	v0 =	vbroadcast v0, $0x3;
	v4 =	vld.idx.msk [tilespmem:v58+s18+$0x0], $0xffff;
	v37 =	vor.u32 v2, v1  }
0xcc: {  	v38 =	vld.idx.msk [tilespmem:v38+s18+$0x0], $0xffff;
	v1 =	vor.u32 v3, v1  }
0xcd: {  	s4 =	sadd.s32 $0xFFFFFFF8, s5;
	v62 =	vor.u32 v16, v0  }
0xce: {  	v63 =	vmov s4;
	v0 =	vor.u32 v17, v0  }
0xcf: {  	v46 =	vshll.u32 v63, $0x3  }
0xd0: {  	v47 =	vand.u32 $0xC00, v46;
	[tilespmem:v37+s6+$0x0] =	vst.idx.msk $0xffff, v4;
	v4 =	vand.u32 $0x77, v63  }
0xd1: {  	[tilespmem:v1+s6+$0x0] =	vst.idx.msk $0xffff, v38;
	v1 =	vor.u32 v4, v47  }
0xd2: {  	v4 =	vld.idx.msk [tilespmem:v62+s18+$0x0], $0xffff;
	v37 =	vor.u32 v2, v1  }
0xd3: {  	v0 =	vld.idx.msk [tilespmem:v0+s18+$0x0], $0xffff;
	v1 =	vor.u32 v3, v1;
	_ =	sdelay $0x3  }
0xd4: {  	[tilespmem:v37+s6+$0x0] =	vst.idx.msk $0xffff, v4  }
0xd5: {  	[tilespmem:v1+s6+$0x0] =	vst.idx.msk $0xffff, v0  }
0xd6: {  	v0 =	vld @!p0 [tilespmem:s30+$0x4];
	_ =	sdelay $0x4  }
0xd7: {  	v0 =	vand.u32 @!p0 $0xFFFFFF80, v0  }
0xd8: {  	v0 =	vadd.s32 @!p0 s0, v0  }
0xd9: {  	(v2sf) =	vpush @!p0 v0, $0x0;
	_ =	sdelay $0x1  }
0xda: {  	(v2sf) =	vpush @!p0 v0, $0x1;
	_ =	sdelay $0x1  }
0xdb: {  	(v2sf) =	vpush @!p0 v0, $0x2;
	_ =	sdelay $0x1  }
0xdc: {  	(v2sf) =	vpush @!p0 v0, $0x3;
	_ =	sdelay $0x8  }
0xdd: {  	s4 =	simm.s32 @!p0 $0x4500;
	s3 =	spop @!p0 (v2sf)  }
0xde: {  	[tilespmem:s4], [sflag:$0x5] =	stream.strided.gather @!p0 [hbm4b:s3+s12], $0x1000, s29, s12, $0x38;
	[tilespmem:$0x18800] =	vst v63  }
0xdf: {  	s3 =	spop @!p0 (v2sf);
	s4 =	simm.s32 @!p0 $0x5500  }
0xe0: {  	[tilespmem:s4], [sflag:$0x6] =	stream.strided.gather @!p0 [hbm4b:s3+s12], $0x1000, s29, s12, $0x38;
	[tilespmem:$0x18800] =	vst v63  }
0xe1: {  	s3 =	spop @!p0 (v2sf);
	s4 =	simm.s32 @!p0 $0x6500  }
0xe2: {  	[tilespmem:s4], [sflag:$0x7] =	stream.strided.gather @!p0 [hbm4b:s3+s12], $0x1000, s29, s12, $0x38;
	[tilespmem:$0x18800] =	vst v63  }
0xe3: {  	s3 =	spop @!p0 (v2sf);
	s4 =	simm.s32 @!p0 $0x7500  }
0xe4: {  	[tilespmem:s4], [sflag:$0x8] =	stream.strided.gather @!p0 [hbm4b:s3+s12], $0x1000, s29, s12, $0x38;
	[tilespmem:$0x18800] =	vst v63  }
0xe5: {  	_ =	swait.ge [sflag:s21], $0x1000  }
0xe6: {  	[sflag:s21] =	ssyncset.done $0x0  }
0xe7: {  	[sflag:s21] =	ssyncadd.s32 $0xFFFFF000  }
0xe8: {  	_ =	swait.ge [sflag:s22], $0x1000  }
0xe9: {  	[sflag:s22] =	ssyncset.done $0x0  }
0xea: {  	[sflag:s22] =	ssyncadd.s32 $0xFFFFF000  }
0xeb: {  	_ =	swait.ge [sflag:s9], $0x1000  }
0xec: {  	[sflag:s9] =	ssyncset.done $0x0  }
0xed: {  	[sflag:s9] =	ssyncadd.s32 $0xFFFFF000  }
0xee: {  	_ =	swait.ge [sflag:s23], $0x1000  }
0xef: {  	[sflag:s23] =	ssyncset.done $0x0  }
0xf0: {  	[sflag:s23] =	ssyncadd.s32 $0xFFFFF000  }
0xf1: {  	v0 =	vld [tilespmem:s30+$0xFFFFFFF8];
	_ =	sdelay $0x4  }
0xf2: {  	v0 =	vand.u32 $0x7F, v0  }
0xf3: {  	v1 =	vbroadcast v0, $0x0;
	_ =	sdelay $0x1  }
0xf4: {  	s4 =	sadd.s32 $0xFFFFFFF9, s5;
	v4 =	vor.u32 v18, v1  }
0xf5: {  	v48 =	vmov s4;
	v1 =	vor.u32 v19, v1  }
0xf6: {  	v49 =	vshll.u32 v48, $0x3  }
0xf7: {  	v37 =	vand.u32 $0x78, v48;
	v38 =	vand.u32 $0xC00, v49  }
0xf8: {  	v37 =	vor.u32 v37, v38  }
0xf9: {  	v38 =	vor.u32 v2, v37;
	v50 =	vbroadcast v0, $0x1;
	v4 =	vld.idx.msk [tilespmem:v4+s18+$0x0], $0xffff  }
0xfa: {  	v37 =	vor.u32 v3, v37;
	v1 =	vld.idx.msk [tilespmem:v1+s18+$0x0], $0xffff  }
0xfb: {  	s4 =	sadd.s32 $0xFFFFFFFA, s5;
	v51 =	vor.u32 v20, v50  }
0xfc: {  	v52 =	vmov s4;
	v39 =	vor.u32 v21, v50  }
0xfd: {  	v53 =	vshll.u32 v52, $0x3  }
0xfe: {  	v54 =	vand.u32 $0xC00, v53;
	[tilespmem:v38+s6+$0x0] =	vst.idx.msk $0xffff, v4;
	v4 =	vand.u32 $0x79, v52  }
0xff: {  	[tilespmem:v37+s6+$0x0] =	vst.idx.msk $0xffff, v1;
	v1 =	vor.u32 v4, v54  }
0x100: {  	v56 =	vbroadcast v0, $0x2;
	v4 =	vld.idx.msk [tilespmem:v51+s18+$0x0], $0xffff;
	v55 =	vor.u32 v2, v1  }
0x101: {  	v39 =	vld.idx.msk [tilespmem:v39+s18+$0x0], $0xffff;
	v1 =	vor.u32 v3, v1  }
0x102: {  	s4 =	sadd.s32 $0xFFFFFFFB, s5;
	v57 =	vor.u32 v22, v56  }
0x103: {  	v58 =	vmov s4;
	v38 =	vor.u32 v23, v56  }
0x104: {  	v59 =	vshll.u32 v58, $0x3  }
0x105: {  	v60 =	vand.u32 $0xC00, v59;
	[tilespmem:v55+s6+$0x0] =	vst.idx.msk $0xffff, v4;
	v4 =	vand.u32 $0x7A, v58  }
0x106: {  	[tilespmem:v1+s6+$0x0] =	vst.idx.msk $0xffff, v39;
	v1 =	vor.u32 v4, v60  }
0x107: {  	v0 =	vbroadcast v0, $0x3;
	v4 =	vld.idx.msk [tilespmem:v57+s18+$0x0], $0xffff;
	v37 =	vor.u32 v2, v1  }
0x108: {  	v38 =	vld.idx.msk [tilespmem:v38+s18+$0x0], $0xffff;
	v1 =	vor.u32 v3, v1  }
0x109: {  	s4 =	sadd.s32 $0xFFFFFFFC, s5;
	v61 =	vor.u32 v24, v0  }
0x10a: {  	v62 =	vmov s4;
	v0 =	vor.u32 v25, v0  }
0x10b: {  	v63 =	vshll.u32 v62, $0x3  }
0x10c: {  	v46 =	vand.u32 $0xC00, v63;
	[tilespmem:v37+s6+$0x0] =	vst.idx.msk $0xffff, v4;
	v4 =	vand.u32 $0x7B, v62  }
0x10d: {  	[tilespmem:v1+s6+$0x0] =	vst.idx.msk $0xffff, v38;
	v1 =	vor.u32 v4, v46  }
0x10e: {  	v4 =	vld.idx.msk [tilespmem:v61+s18+$0x0], $0xffff;
	v37 =	vor.u32 v2, v1  }
0x10f: {  	v0 =	vld.idx.msk [tilespmem:v0+s18+$0x0], $0xffff;
	v1 =	vor.u32 v3, v1;
	_ =	sdelay $0x3  }
0x110: {  	[tilespmem:v37+s6+$0x0] =	vst.idx.msk $0xffff, v4  }
0x111: {  	[tilespmem:v1+s6+$0x0] =	vst.idx.msk $0xffff, v0  }
0x112: {  	v0 =	vld @!p0 [tilespmem:s30+$0x8];
	_ =	sdelay $0x4  }
0x113: {  	v0 =	vand.u32 @!p0 $0xFFFFFF80, v0  }
0x114: {  	v0 =	vadd.s32 @!p0 s0, v0  }
0x115: {  	(v2sf) =	vpush @!p0 v0, $0x0;
	_ =	sdelay $0x1  }
0x116: {  	(v2sf) =	vpush @!p0 v0, $0x1;
	_ =	sdelay $0x1  }
0x117: {  	(v2sf) =	vpush @!p0 v0, $0x2;
	_ =	sdelay $0x1  }
0x118: {  	(v2sf) =	vpush @!p0 v0, $0x3;
	_ =	sdelay $0x8  }
0x119: {  	s4 =	simm.s32 @!p0 $0x8500;
	s3 =	spop @!p0 (v2sf)  }
0x11a: {  	[tilespmem:s4], [sflag:$0x9] =	stream.strided.gather @!p0 [hbm4b:s3+s12], $0x1000, s29, s12, $0x38;
	[tilespmem:$0x18800] =	vst v63  }
0x11b: {  	s3 =	spop @!p0 (v2sf);
	s4 =	simm.s32 @!p0 $0x9500  }
0x11c: {  	[tilespmem:s4], [sflag:$0xA] =	stream.strided.gather @!p0 [hbm4b:s3+s12], $0x1000, s29, s12, $0x38;
	[tilespmem:$0x18800] =	vst v63  }
0x11d: {  	s3 =	spop @!p0 (v2sf);
	s4 =	simm.s32 @!p0 $0xA500  }
0x11e: {  	[tilespmem:s4], [sflag:$0xB] =	stream.strided.gather @!p0 [hbm4b:s3+s12], $0x1000, s29, s12, $0x38;
	[tilespmem:$0x18800] =	vst v63  }
0x11f: {  	s3 =	spop @!p0 (v2sf);
	s4 =	simm.s32 @!p0 $0xB500  }
0x120: {  	[tilespmem:s4], [sflag:$0xC] =	stream.strided.gather @!p0 [hbm4b:s3+s12], $0x1000, s29, s12, $0x38;
	[tilespmem:$0x18800] =	vst v63  }
0x121: {  	_ =	swait.ge [sflag:s10], $0x1000  }
0x122: {  	[sflag:s10] =	ssyncset.done $0x0  }
0x123: {  	[sflag:s10] =	ssyncadd.s32 $0xFFFFF000  }
0x124: {  	_ =	swait.ge [sflag:s24], $0x1000  }
0x125: {  	[sflag:s24] =	ssyncset.done $0x0  }
0x126: {  	[sflag:s24] =	ssyncadd.s32 $0xFFFFF000  }
0x127: {  	_ =	swait.ge [sflag:s25], $0x1000  }
0x128: {  	[sflag:s25] =	ssyncset.done $0x0  }
0x129: {  	[sflag:s25] =	ssyncadd.s32 $0xFFFFF000  }
0x12a: {  	_ =	swait.ge [sflag:s26], $0x1000  }
0x12b: {  	[sflag:s26] =	ssyncset.done $0x0  }
0x12c: {  	[sflag:s26] =	ssyncadd.s32 $0xFFFFF000  }
0x12d: {  	v0 =	vld [tilespmem:s30+$0xFFFFFFFC];
	_ =	sdelay $0x4  }
0x12e: {  	v0 =	vand.u32 $0x7F, v0  }
0x12f: {  	v1 =	vbroadcast v0, $0x0;
	_ =	sdelay $0x1  }
0x130: {  	s4 =	sadd.s32 $0xFFFFFFFD, s5;
	v4 =	vor.u32 v26, v1  }
0x131: {  	v47 =	vmov s4;
	v1 =	vor.u32 v27, v1  }
0x132: {  	v48 =	vshll.u32 v47, $0x3  }
0x133: {  	v37 =	vand.u32 $0x7C, v47;
	v38 =	vand.u32 $0xC00, v48  }
0x134: {  	v37 =	vor.u32 v37, v38  }
0x135: {  	v38 =	vor.u32 v2, v37;
	v49 =	vbroadcast v0, $0x1;
	v4 =	vld.idx.msk [tilespmem:v4+s18+$0x0], $0xffff  }
0x136: {  	v37 =	vor.u32 v3, v37;
	v1 =	vld.idx.msk [tilespmem:v1+s18+$0x0], $0xffff  }
0x137: {  	s12 =	sadd.s32 $0xFFFFFFFE, s5;
	v50 =	vor.u32 v28, v49  }
0x138: {  	v51 =	vmov s12;
	v39 =	vor.u32 v29, v49  }
0x139: {  	v52 =	vshll.u32 v51, $0x3  }
0x13a: {  	v53 =	vand.u32 $0xC00, v52;
	[tilespmem:v38+s6+$0x0] =	vst.idx.msk $0xffff, v4;
	v4 =	vand.u32 $0x7D, v51  }
0x13b: {  	[tilespmem:v37+s6+$0x0] =	vst.idx.msk $0xffff, v1;
	v1 =	vor.u32 v4, v53  }
0x13c: {  	v55 =	vbroadcast v0, $0x2;
	v4 =	vld.idx.msk [tilespmem:v50+s18+$0x0], $0xffff;
	v54 =	vor.u32 v2, v1  }
0x13d: {  	v39 =	vld.idx.msk [tilespmem:v39+s18+$0x0], $0xffff;
	v1 =	vor.u32 v3, v1  }
0x13e: {  	s29 =	sadd.s32 $0xFFFFFFFF, s5;
	v56 =	vor.u32 v30, v55  }
0x13f: {  	v57 =	vmov s29;
	v38 =	vor.u32 v31, v55  }
0x140: {  	v58 =	vshll.u32 v57, $0x3  }
0x141: {  	v59 =	vand.u32 $0xC00, v58;
	[tilespmem:v54+s6+$0x0] =	vst.idx.msk $0xffff, v4;
	v4 =	vand.u32 $0x7E, v57  }
0x142: {  	[tilespmem:v1+s6+$0x0] =	vst.idx.msk $0xffff, v39;
	v1 =	vor.u32 v4, v59  }
0x143: {  	v0 =	vbroadcast v0, $0x3;
	v4 =	vld.idx.msk [tilespmem:v56+s18+$0x0], $0xffff;
	v37 =	vor.u32 v2, v1  }
0x144: {  	v38 =	vld.idx.msk [tilespmem:v38+s18+$0x0], $0xffff;
	v1 =	vor.u32 v3, v1  }
0x145: {  	v60 =	vor.u32 v32, v0  }
0x146: {  	v61 =	vmov s5;
	v0 =	vor.u32 v33, v0  }
0x147: {  	v62 =	vshll.u32 v61, $0x3  }
0x148: {  	v63 =	vand.u32 $0xC00, v62;
	[tilespmem:v37+s6+$0x0] =	vst.idx.msk $0xffff, v4;
	v4 =	vand.u32 $0x7F, v61  }
0x149: {  	[tilespmem:v1+s6+$0x0] =	vst.idx.msk $0xffff, v38;
	v1 =	vor.u32 v4, v63  }
0x14a: {  	v4 =	vld.idx.msk [tilespmem:v60+s18+$0x0], $0xffff;
	v37 =	vor.u32 v2, v1  }
0x14b: {  	v0 =	vld.idx.msk [tilespmem:v0+s18+$0x0], $0xffff;
	v1 =	vor.u32 v3, v1  }
.Ltmp0:
0x14c: {  	_ = 	snop;
	(pc) =	sbr.rel @p0 .LBB2_4-.Ltmp0, $3  }
0x14d: {  	_ =	sdelay $0x1  }
0x14e: {  	[tilespmem:v37+s6+$0x0] =	vst.idx.msk $0xffff, v4  }
0x14f: {  	[tilespmem:v1+s6+$0x0] =	vst.idx.msk $0xffff, v0  }
0x150: {  	v0 =	vld [tilespmem:s30+$0xC];
	_ =	sdelay $0x4  }
0x151: {  	v0 =	vand.u32 $0xFFFFFF80, v0  }
0x152: {  	v0 =	vadd.s32 s0, v0  }
0x153: {  	(v2sf) =	vpush v0, $0x0;
	_ =	sdelay $0x1  }
0x154: {  	(v2sf) =	vpush v0, $0x1;
	_ =	sdelay $0x2  }
0x155: {  	(v2sf) =	vpush v0, $0x2;
	_ =	sdelay $0x1  }
0x156: {  	(v2sf) =	vpush v0, $0x3;
	_ =	sdelay $0x7  }
0x157: {  	s3 =	spop (v2sf)  }
0x158: {  	[tilespmem:s2], [sflag:$0xD] =	stream.strided.gather [hbm4b:s3+s11], $0x1000, s17, s11, $0x38;
	[tilespmem:$0x18800] =	vst v63  }
0x159: {  	s4 =	simm.s32 $0xD500;
	s29 =	spop (v2sf)  }
0x15a: {  	[tilespmem:s4], [sflag:$0xE] =	stream.strided.gather [hbm4b:s29+s11], $0x1000, s17, s11, $0x38;
	[tilespmem:$0x18800] =	vst v63  }
.Ltmp1:
0x15b: {  	_ = 	snop;
	(pc) =	sbr.rel .LBB2_2-.Ltmp1, $4  }
0x15c: {  	s5 =	sadd.s32 $0x10, s5;
	s12 =	spop (v2sf);
	s29 =	simm.s32 $0xE500  }
0x15d: {  	[tilespmem:s29], [sflag:$0xF] =	stream.strided.gather [hbm4b:s12+s11], $0x1000, s17, s11, $0x38;
	[tilespmem:$0x18800] =	vst v63  }
0x15e: {  	s30 =	sadd.s32 $0x10, s30;
	s12 =	spop (v2sf);
	s29 =	simm.s32 $0xF500  }
0x15f: {  	[tilespmem:s29], [sflag:$0x10] =	stream.strided.gather [hbm4b:s12+s11], $0x1000, s17, s11, $0x38;
	[tilespmem:$0x18800] =	vst v63  }
.LBB2_4:
0x160: {  	v0 =	vld [tilespmem:$0x280];
	_ =	sdelay $0x4  }
0x161: {  	v0 =	vand.u32 $0xFFFFFF80, v0  }
0x162: {  	v0 =	vadd.s32 s1, v0  }
0x163: {  	(v2sf) =	vpush v0, $0x0;
	_ =	sdelay $0x1  }
0x164: {  	(v2sf) =	vpush v0, $0x1;
	_ =	sdelay $0x1  }
0x165: {  	(v2sf) =	vpush v0, $0x2;
	_ =	sdelay $0x1  }
0x166: {  	(v2sf) =	vpush v0, $0x3;
	_ =	sdelay $0x8  }
0x167: {  	s3 =	spop (v2sf)  }
0x168: {  	[tilespmem:s18], [sflag:$0x1] =	stream.strided.gather [hbm4b:s3+s11], $0x1000, s17, s11, $0x38;
	[tilespmem:$0x18800] =	vst v63  }
0x169: {  	s5 =	spop (v2sf)  }
0x16a: {  	[tilespmem:s31], [sflag:$0x2] =	stream.strided.gather [hbm4b:s5+s11], $0x1000, s17, s11, $0x38;
	[tilespmem:$0x18800] =	vst v63  }
0x16b: {  	s2 =	simm.s32 $0x2500;
	s12 =	spop (v2sf)  }
0x16c: {  	[tilespmem:s2], [sflag:$0x3] =	stream.strided.gather [hbm4b:s12+s11], $0x1000, s17, s11, $0x38;
	[tilespmem:$0x18800] =	vst v63  }
0x16d: {  	s29 =	spop (v2sf);
	s31 =	simm.s32 $0x3500  }
0x16e: {  	[tilespmem:s31], [sflag:$0x4] =	stream.strided.gather [hbm4b:s29+s11], $0x1000, s17, s11, $0x38;
	[tilespmem:$0x18800] =	vst v63  }
0x16f: {  	v0 =	vld [tilespmem:$0x284];
	_ =	sdelay $0x4  }
0x170: {  	v0 =	vand.u32 $0xFFFFFF80, v0  }
0x171: {  	v0 =	vadd.s32 s1, v0  }
0x172: {  	(v2sf) =	vpush v0, $0x0;
	_ =	sdelay $0x1  }
0x173: {  	(v2sf) =	vpush v0, $0x1;
	_ =	sdelay $0x1  }
0x174: {  	(v2sf) =	vpush v0, $0x2;
	_ =	sdelay $0x1  }
0x175: {  	(v2sf) =	vpush v0, $0x3;
	_ =	sdelay $0x8  }
0x176: {  	s4 =	simm.s32 $0x4500;
	s2 =	spop (v2sf)  }
0x177: {  	[tilespmem:s4], [sflag:$0x5] =	stream.strided.gather [hbm4b:s2+s11], $0x1000, s17, s11, $0x38;
	[tilespmem:$0x18800] =	vst v63  }
0x178: {  	s12 =	simm.s32 $0x5500;
	s5 =	spop (v2sf)  }
0x179: {  	[tilespmem:s12], [sflag:$0x6] =	stream.strided.gather [hbm4b:s5+s11], $0x1000, s17, s11, $0x38;
	[tilespmem:$0x18800] =	vst v63  }
0x17a: {  	s31 =	simm.s32 $0x6500;
	s29 =	spop (v2sf)  }
0x17b: {  	[tilespmem:s31], [sflag:$0x7] =	stream.strided.gather [hbm4b:s29+s11], $0x1000, s17, s11, $0x38;
	[tilespmem:$0x18800] =	vst v63  }
0x17c: {  	s4 =	simm.s32 $0x7500;
	s2 =	spop (v2sf)  }
0x17d: {  	[tilespmem:s4], [sflag:$0x8] =	stream.strided.gather [hbm4b:s2+s11], $0x1000, s17, s11, $0x38;
	[tilespmem:$0x18800] =	vst v63  }
0x17e: {  	v0 =	vld [tilespmem:$0x288];
	_ =	sdelay $0x4  }
0x17f: {  	v0 =	vand.u32 $0xFFFFFF80, v0  }
0x180: {  	v0 =	vadd.s32 s1, v0  }
0x181: {  	(v2sf) =	vpush v0, $0x0;
	_ =	sdelay $0x1  }
0x182: {  	(v2sf) =	vpush v0, $0x1;
	_ =	sdelay $0x1  }
0x183: {  	(v2sf) =	vpush v0, $0x2;
	_ =	sdelay $0x1  }
0x184: {  	(v2sf) =	vpush v0, $0x3;
	_ =	sdelay $0x8  }
0x185: {  	s12 =	simm.s32 $0x8500;
	s5 =	spop (v2sf)  }
0x186: {  	[tilespmem:s12], [sflag:$0x9] =	stream.strided.gather [hbm4b:s5+s11], $0x1000, s17, s11, $0x38;
	[tilespmem:$0x18800] =	vst v63  }
0x187: {  	s31 =	simm.s32 $0x9500;
	s29 =	spop (v2sf)  }
0x188: {  	[tilespmem:s31], [sflag:$0xA] =	stream.strided.gather [hbm4b:s29+s11], $0x1000, s17, s11, $0x38;
	[tilespmem:$0x18800] =	vst v63  }
0x189: {  	s4 =	simm.s32 $0xA500;
	s2 =	spop (v2sf)  }
0x18a: {  	[tilespmem:s4], [sflag:$0xB] =	stream.strided.gather [hbm4b:s2+s11], $0x1000, s17, s11, $0x38;
	[tilespmem:$0x18800] =	vst v63  }
0x18b: {  	s12 =	simm.s32 $0xB500;
	s5 =	spop (v2sf)  }
0x18c: {  	[tilespmem:s12], [sflag:$0xC] =	stream.strided.gather [hbm4b:s5+s11], $0x1000, s17, s11, $0x38;
	[tilespmem:$0x18800] =	vst v63  }
0x18d: {  	v0 =	vld [tilespmem:$0x28C];
	_ =	sdelay $0x4  }
0x18e: {  	v0 =	vand.u32 $0xFFFFFF80, v0  }
0x18f: {  	v0 =	vadd.s32 s1, v0  }
0x190: {  	(v2sf) =	vpush v0, $0x0;
	_ =	sdelay $0x1  }
0x191: {  	(v2sf) =	vpush v0, $0x1;
	_ =	sdelay $0x1  }
0x192: {  	(v2sf) =	vpush v0, $0x2;
	_ =	sdelay $0x1  }
0x193: {  	(v2sf) =	vpush v0, $0x3;
	_ =	sdelay $0x8  }
0x194: {  	s2 =	simm.s32 $0xC500;
	s29 =	spop (v2sf)  }
0x195: {  	[tilespmem:s2], [sflag:$0xD] =	stream.strided.gather [hbm4b:s29+s11], $0x1000, s17, s11, $0x38;
	[tilespmem:$0x18800] =	vst v63  }
0x196: {  	s4 =	simm.s32 $0xD500;
	s31 =	spop (v2sf)  }
0x197: {  	[tilespmem:s4], [sflag:$0xE] =	stream.strided.gather [hbm4b:s31+s11], $0x1000, s17, s11, $0x38;
	[tilespmem:$0x18800] =	vst v63  }
0x198: {  	s30 =	simm.s32 $0xF;
	s12 =	simm.s32 $0xE500;
	s5 =	spop (v2sf)  }
0x199: {  	[tilespmem:s12], [sflag:$0xF] =	stream.strided.gather [hbm4b:s5+s11], $0x1000, s17, s11, $0x38;
	[tilespmem:$0x18800] =	vst v63  }
0x19a: {  	s29 =	spop (v2sf);
	s31 =	simm.s32 $0xF500;
	s5 =	simm.s32 $0x290  }
0x19b: {  	[tilespmem:s31], [sflag:$0x10] =	stream.strided.gather [hbm4b:s29+s11], $0x1000, s17, s11, $0x38;
	[tilespmem:$0x18800] =	vst v63  }
.LBB2_5:
0x19c: {  	_ =	swait.ge [sflag:s13], $0x1000  }
0x19d: {  	[sflag:s13] =	ssyncset.done $0x0  }
0x19e: {  	[sflag:s13] =	ssyncadd.s32 $0xFFFFF000  }
0x19f: {  	_ =	swait.ge [sflag:s14], $0x1000  }
0x1a0: {  	[sflag:s14] =	ssyncset.done $0x0  }
0x1a1: {  	[sflag:s14] =	ssyncadd.s32 $0xFFFFF000  }
0x1a2: {  	_ =	swait.ge [sflag:s16], $0x1000  }
0x1a3: {  	[sflag:s16] =	ssyncset.done $0x0  }
0x1a4: {  	[sflag:s16] =	ssyncadd.s32 $0xFFFFF000  }
0x1a5: {  	_ =	swait.ge [sflag:s15], $0x1000  }
0x1a6: {  	[sflag:s15] =	ssyncset.done $0x0  }
0x1a7: {  	[sflag:s15] =	ssyncadd.s32 $0xFFFFF000  }
0x1a8: {  	v0 =	vld [tilespmem:s5+$0xFFFFFFF0];
	_ =	sdelay $0x4  }
0x1a9: {  	v0 =	vand.u32 $0x7F, v0  }
0x1aa: {  	v1 =	vbroadcast v0, $0x0;
	_ =	sdelay $0x1  }
0x1ab: {  	s3 =	sadd.s32 $0xFFFFFFF1, s30;
	v4 =	vor.u32 v5, v1  }
0x1ac: {  	v37 =	vmov s3;
	v1 =	vor.u32 v6, v1  }
0x1ad: {  	v38 =	vshll.u32 v37, $0x3  }
0x1ae: {  	v37 =	vand.u32 $0x70, v37;
	v38 =	vand.u32 $0xC00, v38  }
0x1af: {  	v37 =	vor.u32 v37, v38  }
0x1b0: {  	v38 =	vor.u32 v2, v37;
	v39 =	vbroadcast v0, $0x1;
	v4 =	vld.idx.msk [tilespmem:v4+s18+$0x0], $0xffff  }
0x1b1: {  	v37 =	vor.u32 v3, v37;
	v1 =	vld.idx.msk [tilespmem:v1+s18+$0x0], $0xffff  }
0x1b2: {  	s4 =	sadd.s32 $0xFFFFFFF2, s30;
	v40 =	vor.u32 v7, v39  }
0x1b3: {  	v41 =	vmov s4;
	v39 =	vor.u32 v8, v39  }
0x1b4: {  	v42 =	vshll.u32 v41, $0x3  }
0x1b5: {  	v56 =	vand.u32 $0xC00, v42;
	[tilespmem:v38+s28+$0x0] =	vst.idx.msk $0xffff, v4;
	v4 =	vand.u32 $0x71, v41  }
0x1b6: {  	[tilespmem:v37+s28+$0x0] =	vst.idx.msk $0xffff, v1;
	v1 =	vor.u32 v4, v56  }
0x1b7: {  	v58 =	vbroadcast v0, $0x2;
	v4 =	vld.idx.msk [tilespmem:v40+s18+$0x0], $0xffff;
	v57 =	vor.u32 v2, v1  }
0x1b8: {  	v39 =	vld.idx.msk [tilespmem:v39+s18+$0x0], $0xffff;
	v1 =	vor.u32 v3, v1  }
0x1b9: {  	s12 =	sadd.s32 $0xFFFFFFF3, s30;
	v59 =	vor.u32 v9, v58  }
0x1ba: {  	v60 =	vmov s12;
	v38 =	vor.u32 v10, v58  }
0x1bb: {  	v61 =	vshll.u32 v60, $0x3  }
0x1bc: {  	v62 =	vand.u32 $0xC00, v61;
	[tilespmem:v57+s28+$0x0] =	vst.idx.msk $0xffff, v4;
	v4 =	vand.u32 $0x72, v60  }
0x1bd: {  	[tilespmem:v1+s28+$0x0] =	vst.idx.msk $0xffff, v39;
	v1 =	vor.u32 v4, v62  }
0x1be: {  	v0 =	vbroadcast v0, $0x3;
	v4 =	vld.idx.msk [tilespmem:v59+s18+$0x0], $0xffff;
	v37 =	vor.u32 v2, v1  }
0x1bf: {  	v38 =	vld.idx.msk [tilespmem:v38+s18+$0x0], $0xffff;
	v1 =	vor.u32 v3, v1  }
0x1c0: {  	s29 =	sadd.s32 $0xFFFFFFF4, s30;
	v63 =	vor.u32 v11, v0  }
0x1c1: {  	v46 =	vmov s29;
	v0 =	vor.u32 v12, v0  }
0x1c2: {  	v47 =	vshll.u32 v46, $0x3  }
0x1c3: {  	v48 =	vand.u32 $0xC00, v47;
	[tilespmem:v37+s28+$0x0] =	vst.idx.msk $0xffff, v4;
	v4 =	vand.u32 $0x73, v46  }
0x1c4: {  	[tilespmem:v1+s28+$0x0] =	vst.idx.msk $0xffff, v38;
	v1 =	vor.u32 v4, v48  }
0x1c5: {  	v4 =	vld.idx.msk [tilespmem:v63+s18+$0x0], $0xffff;
	v37 =	vor.u32 v2, v1  }
0x1c6: {  	v0 =	vld.idx.msk [tilespmem:v0+s18+$0x0], $0xffff;
	v1 =	vor.u32 v3, v1;
	_ =	sdelay $0x3  }
0x1c7: {  	[tilespmem:v37+s28+$0x0] =	vst.idx.msk $0xffff, v4  }
0x1c8: {  	p0 =	seq.s32 s30, $0x1FF;
	[tilespmem:v1+s28+$0x0] =	vst.idx.msk $0xffff, v0  }
0x1c9: {  	v0 =	vld @!p0 [tilespmem:s5+$0x0];
	_ =	sdelay $0x4  }
0x1ca: {  	v0 =	vand.u32 @!p0 $0xFFFFFF80, v0  }
0x1cb: {  	v0 =	vadd.s32 @!p0 s1, v0  }
0x1cc: {  	(v2sf) =	vpush @!p0 v0, $0x0;
	_ =	sdelay $0x1  }
0x1cd: {  	(v2sf) =	vpush @!p0 v0, $0x1;
	_ =	sdelay $0x1  }
0x1ce: {  	(v2sf) =	vpush @!p0 v0, $0x2;
	_ =	sdelay $0x1  }
0x1cf: {  	(v2sf) =	vpush @!p0 v0, $0x3;
	_ =	sdelay $0x7  }
0x1d0: {  	s12 =	simm.s32 @!p0 $0x400  }
0x1d1: {  	s29 =	simm.s32 @!p0 $0x7A1400;
	s4 =	simm.s32 @!p0 $0x500;
	s3 =	spop @!p0 (v2sf)  }
0x1d2: {  	[tilespmem:s4], [sflag:$0x1] =	stream.strided.gather @!p0 [hbm4b:s3+s12], $0x1000, s29, s12, $0x38;
	[tilespmem:$0x18800] =	vst v63  }
0x1d3: {  	s3 =	spop @!p0 (v2sf);
	s4 =	simm.s32 @!p0 $0x1500  }
0x1d4: {  	[tilespmem:s4], [sflag:$0x2] =	stream.strided.gather @!p0 [hbm4b:s3+s12], $0x1000, s29, s12, $0x38;
	[tilespmem:$0x18800] =	vst v63  }
0x1d5: {  	s3 =	spop @!p0 (v2sf);
	s4 =	simm.s32 @!p0 $0x2500  }
0x1d6: {  	[tilespmem:s4], [sflag:$0x3] =	stream.strided.gather @!p0 [hbm4b:s3+s12], $0x1000, s29, s12, $0x38;
	[tilespmem:$0x18800] =	vst v63  }
0x1d7: {  	s3 =	spop @!p0 (v2sf);
	s4 =	simm.s32 @!p0 $0x3500  }
0x1d8: {  	[tilespmem:s4], [sflag:$0x4] =	stream.strided.gather @!p0 [hbm4b:s3+s12], $0x1000, s29, s12, $0x38;
	[tilespmem:$0x18800] =	vst v63  }
0x1d9: {  	_ =	swait.ge [sflag:s19], $0x1000  }
0x1da: {  	[sflag:s19] =	ssyncset.done $0x0  }
0x1db: {  	[sflag:s19] =	ssyncadd.s32 $0xFFFFF000  }
0x1dc: {  	_ =	swait.ge [sflag:s7], $0x1000  }
0x1dd: {  	[sflag:s7] =	ssyncset.done $0x0  }
0x1de: {  	[sflag:s7] =	ssyncadd.s32 $0xFFFFF000  }
0x1df: {  	_ =	swait.ge [sflag:s20], $0x1000  }
0x1e0: {  	[sflag:s20] =	ssyncset.done $0x0  }
0x1e1: {  	[sflag:s20] =	ssyncadd.s32 $0xFFFFF000  }
0x1e2: {  	_ =	swait.ge [sflag:s8], $0x1000  }
0x1e3: {  	[sflag:s8] =	ssyncset.done $0x0  }
0x1e4: {  	[sflag:s8] =	ssyncadd.s32 $0xFFFFF000  }
0x1e5: {  	v0 =	vld [tilespmem:s5+$0xFFFFFFF4];
	_ =	sdelay $0x4  }
0x1e6: {  	v0 =	vand.u32 $0x7F, v0  }
0x1e7: {  	v1 =	vbroadcast v0, $0x0;
	_ =	sdelay $0x1  }
0x1e8: {  	s31 =	sadd.s32 $0xFFFFFFF5, s30;
	v4 =	vor.u32 v13, v1  }
0x1e9: {  	v49 =	vmov s31;
	v1 =	vor.u32 v43, v1  }
0x1ea: {  	v50 =	vshll.u32 v49, $0x3  }
0x1eb: {  	v38 =	vand.u32 $0xC00, v50;
	v37 =	vand.u32 $0x74, v49  }
0x1ec: {  	v37 =	vor.u32 v37, v38  }
0x1ed: {  	v38 =	vor.u32 v2, v37;
	v51 =	vbroadcast v0, $0x1;
	v4 =	vld.idx.msk [tilespmem:v4+s18+$0x0], $0xffff  }
0x1ee: {  	v37 =	vor.u32 v3, v37;
	v1 =	vld.idx.msk [tilespmem:v1+s18+$0x0], $0xffff  }
0x1ef: {  	s4 =	sadd.s32 $0xFFFFFFF6, s30;
	v52 =	vor.u32 v44, v51  }
0x1f0: {  	v53 =	vmov s4;
	v39 =	vor.u32 v45, v51  }
0x1f1: {  	v54 =	vshll.u32 v53, $0x3  }
0x1f2: {  	v55 =	vand.u32 $0xC00, v54;
	[tilespmem:v38+s28+$0x0] =	vst.idx.msk $0xffff, v4;
	v4 =	vand.u32 $0x75, v53  }
0x1f3: {  	[tilespmem:v37+s28+$0x0] =	vst.idx.msk $0xffff, v1;
	v1 =	vor.u32 v4, v55  }
0x1f4: {  	v57 =	vbroadcast v0, $0x2;
	v4 =	vld.idx.msk [tilespmem:v52+s18+$0x0], $0xffff;
	v56 =	vor.u32 v2, v1  }
0x1f5: {  	v39 =	vld.idx.msk [tilespmem:v39+s18+$0x0], $0xffff;
	v1 =	vor.u32 v3, v1  }
0x1f6: {  	s31 =	sadd.s32 $0xFFFFFFF7, s30;
	v58 =	vor.u32 v14, v57  }
0x1f7: {  	v59 =	vmov s31;
	v38 =	vor.u32 v15, v57  }
0x1f8: {  	v60 =	vshll.u32 v59, $0x3  }
0x1f9: {  	v61 =	vand.u32 $0xC00, v60;
	[tilespmem:v56+s28+$0x0] =	vst.idx.msk $0xffff, v4;
	v4 =	vand.u32 $0x76, v59  }
0x1fa: {  	[tilespmem:v1+s28+$0x0] =	vst.idx.msk $0xffff, v39;
	v1 =	vor.u32 v4, v61  }
0x1fb: {  	v0 =	vbroadcast v0, $0x3;
	v4 =	vld.idx.msk [tilespmem:v58+s18+$0x0], $0xffff;
	v37 =	vor.u32 v2, v1  }
0x1fc: {  	v38 =	vld.idx.msk [tilespmem:v38+s18+$0x0], $0xffff;
	v1 =	vor.u32 v3, v1  }
0x1fd: {  	s4 =	sadd.s32 $0xFFFFFFF8, s30;
	v62 =	vor.u32 v16, v0  }
0x1fe: {  	v63 =	vmov s4;
	v0 =	vor.u32 v17, v0  }
0x1ff: {  	v46 =	vshll.u32 v63, $0x3  }
0x200: {  	v47 =	vand.u32 $0xC00, v46;
	[tilespmem:v37+s28+$0x0] =	vst.idx.msk $0xffff, v4;
	v4 =	vand.u32 $0x77, v63  }
0x201: {  	[tilespmem:v1+s28+$0x0] =	vst.idx.msk $0xffff, v38;
	v1 =	vor.u32 v4, v47  }
0x202: {  	v4 =	vld.idx.msk [tilespmem:v62+s18+$0x0], $0xffff;
	v37 =	vor.u32 v2, v1  }
0x203: {  	v0 =	vld.idx.msk [tilespmem:v0+s18+$0x0], $0xffff;
	v1 =	vor.u32 v3, v1;
	_ =	sdelay $0x3  }
0x204: {  	[tilespmem:v37+s28+$0x0] =	vst.idx.msk $0xffff, v4  }
0x205: {  	[tilespmem:v1+s28+$0x0] =	vst.idx.msk $0xffff, v0  }
0x206: {  	v0 =	vld @!p0 [tilespmem:s5+$0x4];
	_ =	sdelay $0x4  }
0x207: {  	v0 =	vand.u32 @!p0 $0xFFFFFF80, v0  }
0x208: {  	v0 =	vadd.s32 @!p0 s1, v0  }
0x209: {  	(v2sf) =	vpush @!p0 v0, $0x0;
	_ =	sdelay $0x1  }
0x20a: {  	(v2sf) =	vpush @!p0 v0, $0x1;
	_ =	sdelay $0x1  }
0x20b: {  	(v2sf) =	vpush @!p0 v0, $0x2;
	_ =	sdelay $0x1  }
0x20c: {  	(v2sf) =	vpush @!p0 v0, $0x3;
	_ =	sdelay $0x8  }
0x20d: {  	s4 =	simm.s32 @!p0 $0x4500;
	s3 =	spop @!p0 (v2sf)  }
0x20e: {  	[tilespmem:s4], [sflag:$0x5] =	stream.strided.gather @!p0 [hbm4b:s3+s12], $0x1000, s29, s12, $0x38;
	[tilespmem:$0x18800] =	vst v63  }
0x20f: {  	s3 =	spop @!p0 (v2sf);
	s4 =	simm.s32 @!p0 $0x5500  }
0x210: {  	[tilespmem:s4], [sflag:$0x6] =	stream.strided.gather @!p0 [hbm4b:s3+s12], $0x1000, s29, s12, $0x38;
	[tilespmem:$0x18800] =	vst v63  }
0x211: {  	s3 =	spop @!p0 (v2sf);
	s4 =	simm.s32 @!p0 $0x6500  }
0x212: {  	[tilespmem:s4], [sflag:$0x7] =	stream.strided.gather @!p0 [hbm4b:s3+s12], $0x1000, s29, s12, $0x38;
	[tilespmem:$0x18800] =	vst v63  }
0x213: {  	s3 =	spop @!p0 (v2sf);
	s4 =	simm.s32 @!p0 $0x7500  }
0x214: {  	[tilespmem:s4], [sflag:$0x8] =	stream.strided.gather @!p0 [hbm4b:s3+s12], $0x1000, s29, s12, $0x38;
	[tilespmem:$0x18800] =	vst v63  }
0x215: {  	_ =	swait.ge [sflag:s21], $0x1000  }
0x216: {  	[sflag:s21] =	ssyncset.done $0x0  }
0x217: {  	[sflag:s21] =	ssyncadd.s32 $0xFFFFF000  }
0x218: {  	_ =	swait.ge [sflag:s22], $0x1000  }
0x219: {  	[sflag:s22] =	ssyncset.done $0x0  }
0x21a: {  	[sflag:s22] =	ssyncadd.s32 $0xFFFFF000  }
0x21b: {  	_ =	swait.ge [sflag:s9], $0x1000  }
0x21c: {  	[sflag:s9] =	ssyncset.done $0x0  }
0x21d: {  	[sflag:s9] =	ssyncadd.s32 $0xFFFFF000  }
0x21e: {  	_ =	swait.ge [sflag:s23], $0x1000  }
0x21f: {  	[sflag:s23] =	ssyncset.done $0x0  }
0x220: {  	[sflag:s23] =	ssyncadd.s32 $0xFFFFF000  }
0x221: {  	v0 =	vld [tilespmem:s5+$0xFFFFFFF8];
	_ =	sdelay $0x4  }
0x222: {  	v0 =	vand.u32 $0x7F, v0  }
0x223: {  	v1 =	vbroadcast v0, $0x0;
	_ =	sdelay $0x1  }
0x224: {  	s31 =	sadd.s32 $0xFFFFFFF9, s30;
	v4 =	vor.u32 v18, v1  }
0x225: {  	v48 =	vmov s31;
	v1 =	vor.u32 v19, v1  }
0x226: {  	v49 =	vshll.u32 v48, $0x3  }
0x227: {  	v38 =	vand.u32 $0xC00, v49;
	v37 =	vand.u32 $0x78, v48  }
0x228: {  	v37 =	vor.u32 v37, v38  }
0x229: {  	v38 =	vor.u32 v2, v37;
	v50 =	vbroadcast v0, $0x1;
	v4 =	vld.idx.msk [tilespmem:v4+s18+$0x0], $0xffff  }
0x22a: {  	v37 =	vor.u32 v3, v37;
	v1 =	vld.idx.msk [tilespmem:v1+s18+$0x0], $0xffff  }
0x22b: {  	s4 =	sadd.s32 $0xFFFFFFFA, s30;
	v51 =	vor.u32 v20, v50  }
0x22c: {  	v52 =	vmov s4;
	v39 =	vor.u32 v21, v50  }
0x22d: {  	v53 =	vshll.u32 v52, $0x3  }
0x22e: {  	v54 =	vand.u32 $0xC00, v53;
	[tilespmem:v38+s28+$0x0] =	vst.idx.msk $0xffff, v4;
	v4 =	vand.u32 $0x79, v52  }
0x22f: {  	[tilespmem:v37+s28+$0x0] =	vst.idx.msk $0xffff, v1;
	v1 =	vor.u32 v4, v54  }
0x230: {  	v56 =	vbroadcast v0, $0x2;
	v4 =	vld.idx.msk [tilespmem:v51+s18+$0x0], $0xffff;
	v55 =	vor.u32 v2, v1  }
0x231: {  	v39 =	vld.idx.msk [tilespmem:v39+s18+$0x0], $0xffff;
	v1 =	vor.u32 v3, v1  }
0x232: {  	s31 =	sadd.s32 $0xFFFFFFFB, s30;
	v57 =	vor.u32 v22, v56  }
0x233: {  	v58 =	vmov s31;
	v38 =	vor.u32 v23, v56  }
0x234: {  	v59 =	vshll.u32 v58, $0x3  }
0x235: {  	v60 =	vand.u32 $0xC00, v59;
	[tilespmem:v55+s28+$0x0] =	vst.idx.msk $0xffff, v4;
	v4 =	vand.u32 $0x7A, v58  }
0x236: {  	[tilespmem:v1+s28+$0x0] =	vst.idx.msk $0xffff, v39;
	v1 =	vor.u32 v4, v60  }
0x237: {  	v0 =	vbroadcast v0, $0x3;
	v4 =	vld.idx.msk [tilespmem:v57+s18+$0x0], $0xffff;
	v37 =	vor.u32 v2, v1  }
0x238: {  	v38 =	vld.idx.msk [tilespmem:v38+s18+$0x0], $0xffff;
	v1 =	vor.u32 v3, v1  }
0x239: {  	s4 =	sadd.s32 $0xFFFFFFFC, s30;
	v61 =	vor.u32 v24, v0  }
0x23a: {  	v62 =	vmov s4;
	v0 =	vor.u32 v25, v0  }
0x23b: {  	v63 =	vshll.u32 v62, $0x3  }
0x23c: {  	v46 =	vand.u32 $0xC00, v63;
	[tilespmem:v37+s28+$0x0] =	vst.idx.msk $0xffff, v4;
	v4 =	vand.u32 $0x7B, v62  }
0x23d: {  	[tilespmem:v1+s28+$0x0] =	vst.idx.msk $0xffff, v38;
	v1 =	vor.u32 v4, v46  }
0x23e: {  	v4 =	vld.idx.msk [tilespmem:v61+s18+$0x0], $0xffff;
	v37 =	vor.u32 v2, v1  }
0x23f: {  	v0 =	vld.idx.msk [tilespmem:v0+s18+$0x0], $0xffff;
	v1 =	vor.u32 v3, v1;
	_ =	sdelay $0x3  }
0x240: {  	[tilespmem:v37+s28+$0x0] =	vst.idx.msk $0xffff, v4  }
0x241: {  	[tilespmem:v1+s28+$0x0] =	vst.idx.msk $0xffff, v0  }
0x242: {  	v0 =	vld @!p0 [tilespmem:s5+$0x8];
	_ =	sdelay $0x4  }
0x243: {  	v0 =	vand.u32 @!p0 $0xFFFFFF80, v0  }
0x244: {  	v0 =	vadd.s32 @!p0 s1, v0  }
0x245: {  	(v2sf) =	vpush @!p0 v0, $0x0;
	_ =	sdelay $0x1  }
0x246: {  	(v2sf) =	vpush @!p0 v0, $0x1;
	_ =	sdelay $0x1  }
0x247: {  	(v2sf) =	vpush @!p0 v0, $0x2;
	_ =	sdelay $0x1  }
0x248: {  	(v2sf) =	vpush @!p0 v0, $0x3;
	_ =	sdelay $0x8  }
0x249: {  	s4 =	simm.s32 @!p0 $0x8500;
	s3 =	spop @!p0 (v2sf)  }
0x24a: {  	[tilespmem:s4], [sflag:$0x9] =	stream.strided.gather @!p0 [hbm4b:s3+s12], $0x1000, s29, s12, $0x38;
	[tilespmem:$0x18800] =	vst v63  }
0x24b: {  	s3 =	spop @!p0 (v2sf);
	s4 =	simm.s32 @!p0 $0x9500  }
0x24c: {  	[tilespmem:s4], [sflag:$0xA] =	stream.strided.gather @!p0 [hbm4b:s3+s12], $0x1000, s29, s12, $0x38;
	[tilespmem:$0x18800] =	vst v63  }
0x24d: {  	s3 =	spop @!p0 (v2sf);
	s4 =	simm.s32 @!p0 $0xA500  }
0x24e: {  	[tilespmem:s4], [sflag:$0xB] =	stream.strided.gather @!p0 [hbm4b:s3+s12], $0x1000, s29, s12, $0x38;
	[tilespmem:$0x18800] =	vst v63  }
0x24f: {  	s3 =	spop @!p0 (v2sf);
	s4 =	simm.s32 @!p0 $0xB500  }
0x250: {  	[tilespmem:s4], [sflag:$0xC] =	stream.strided.gather @!p0 [hbm4b:s3+s12], $0x1000, s29, s12, $0x38;
	[tilespmem:$0x18800] =	vst v63  }
0x251: {  	_ =	swait.ge [sflag:s10], $0x1000  }
0x252: {  	[sflag:s10] =	ssyncset.done $0x0  }
0x253: {  	[sflag:s10] =	ssyncadd.s32 $0xFFFFF000  }
0x254: {  	_ =	swait.ge [sflag:s24], $0x1000  }
0x255: {  	[sflag:s24] =	ssyncset.done $0x0  }
0x256: {  	[sflag:s24] =	ssyncadd.s32 $0xFFFFF000  }
0x257: {  	_ =	swait.ge [sflag:s25], $0x1000  }
0x258: {  	[sflag:s25] =	ssyncset.done $0x0  }
0x259: {  	[sflag:s25] =	ssyncadd.s32 $0xFFFFF000  }
0x25a: {  	_ =	swait.ge [sflag:s26], $0x1000  }
0x25b: {  	[sflag:s26] =	ssyncset.done $0x0  }
0x25c: {  	[sflag:s26] =	ssyncadd.s32 $0xFFFFF000  }
0x25d: {  	v0 =	vld [tilespmem:s5+$0xFFFFFFFC];
	_ =	sdelay $0x4  }
0x25e: {  	v0 =	vand.u32 $0x7F, v0  }
0x25f: {  	v1 =	vbroadcast v0, $0x0;
	_ =	sdelay $0x1  }
0x260: {  	s12 =	sadd.s32 $0xFFFFFFFD, s30;
	v4 =	vor.u32 v26, v1  }
0x261: {  	v47 =	vmov s12;
	v1 =	vor.u32 v27, v1  }
0x262: {  	v48 =	vshll.u32 v47, $0x3  }
0x263: {  	v37 =	vand.u32 $0x7C, v47;
	v38 =	vand.u32 $0xC00, v48  }
0x264: {  	v37 =	vor.u32 v37, v38  }
0x265: {  	v38 =	vor.u32 v2, v37;
	v49 =	vbroadcast v0, $0x1;
	v4 =	vld.idx.msk [tilespmem:v4+s18+$0x0], $0xffff  }
0x266: {  	v37 =	vor.u32 v3, v37;
	v1 =	vld.idx.msk [tilespmem:v1+s18+$0x0], $0xffff  }
0x267: {  	s29 =	sadd.s32 $0xFFFFFFFE, s30;
	v50 =	vor.u32 v28, v49  }
0x268: {  	v51 =	vmov s29;
	v39 =	vor.u32 v29, v49  }
0x269: {  	v52 =	vshll.u32 v51, $0x3  }
0x26a: {  	v53 =	vand.u32 $0xC00, v52;
	[tilespmem:v38+s28+$0x0] =	vst.idx.msk $0xffff, v4;
	v4 =	vand.u32 $0x7D, v51  }
0x26b: {  	[tilespmem:v37+s28+$0x0] =	vst.idx.msk $0xffff, v1;
	v1 =	vor.u32 v4, v53  }
0x26c: {  	v55 =	vbroadcast v0, $0x2;
	v4 =	vld.idx.msk [tilespmem:v50+s18+$0x0], $0xffff;
	v54 =	vor.u32 v2, v1  }
0x26d: {  	v39 =	vld.idx.msk [tilespmem:v39+s18+$0x0], $0xffff;
	v1 =	vor.u32 v3, v1  }
0x26e: {  	s31 =	sadd.s32 $0xFFFFFFFF, s30;
	v56 =	vor.u32 v30, v55  }
0x26f: {  	v57 =	vmov s31;
	v38 =	vor.u32 v31, v55  }
0x270: {  	v58 =	vshll.u32 v57, $0x3  }
0x271: {  	v59 =	vand.u32 $0xC00, v58;
	[tilespmem:v54+s28+$0x0] =	vst.idx.msk $0xffff, v4;
	v4 =	vand.u32 $0x7E, v57  }
0x272: {  	[tilespmem:v1+s28+$0x0] =	vst.idx.msk $0xffff, v39;
	v1 =	vor.u32 v4, v59  }
0x273: {  	v0 =	vbroadcast v0, $0x3;
	v4 =	vld.idx.msk [tilespmem:v56+s18+$0x0], $0xffff;
	v37 =	vor.u32 v2, v1  }
0x274: {  	v38 =	vld.idx.msk [tilespmem:v38+s18+$0x0], $0xffff;
	v1 =	vor.u32 v3, v1  }
0x275: {  	v60 =	vor.u32 v32, v0  }
0x276: {  	v61 =	vmov s30;
	v0 =	vor.u32 v33, v0  }
0x277: {  	v62 =	vshll.u32 v61, $0x3  }
0x278: {  	v63 =	vand.u32 $0xC00, v62;
	[tilespmem:v37+s28+$0x0] =	vst.idx.msk $0xffff, v4;
	v4 =	vand.u32 $0x7F, v61  }
0x279: {  	[tilespmem:v1+s28+$0x0] =	vst.idx.msk $0xffff, v38;
	v1 =	vor.u32 v4, v63  }
0x27a: {  	v4 =	vld.idx.msk [tilespmem:v60+s18+$0x0], $0xffff;
	v37 =	vor.u32 v2, v1  }
0x27b: {  	v0 =	vld.idx.msk [tilespmem:v0+s18+$0x0], $0xffff;
	v1 =	vor.u32 v3, v1  }
.Ltmp2:
0x27c: {  	_ = 	snop;
	(pc) =	sbr.rel @p0 .LBB2_7-.Ltmp2, $3  }
0x27d: {  	_ =	sdelay $0x1  }
0x27e: {  	[tilespmem:v37+s28+$0x0] =	vst.idx.msk $0xffff, v4  }
0x27f: {  	[tilespmem:v1+s28+$0x0] =	vst.idx.msk $0xffff, v0  }
0x280: {  	v0 =	vld [tilespmem:s5+$0xC];
	_ =	sdelay $0x4  }
0x281: {  	v0 =	vand.u32 $0xFFFFFF80, v0  }
0x282: {  	v0 =	vadd.s32 s1, v0  }
0x283: {  	(v2sf) =	vpush v0, $0x0;
	_ =	sdelay $0x1  }
0x284: {  	(v2sf) =	vpush v0, $0x1;
	_ =	sdelay $0x2  }
0x285: {  	(v2sf) =	vpush v0, $0x2;
	_ =	sdelay $0x1  }
0x286: {  	(v2sf) =	vpush v0, $0x3;
	_ =	sdelay $0x7  }
0x287: {  	s3 =	spop (v2sf)  }
0x288: {  	[tilespmem:s2], [sflag:$0xD] =	stream.strided.gather [hbm4b:s3+s11], $0x1000, s17, s11, $0x38;
	[tilespmem:$0x18800] =	vst v63  }
0x289: {  	s4 =	simm.s32 $0xD500;
	s31 =	spop (v2sf)  }
0x28a: {  	[tilespmem:s4], [sflag:$0xE] =	stream.strided.gather [hbm4b:s31+s11], $0x1000, s17, s11, $0x38;
	[tilespmem:$0x18800] =	vst v63  }
.Ltmp3:
0x28b: {  	_ = 	snop;
	(pc) =	sbr.rel .LBB2_5-.Ltmp3, $4  }
0x28c: {  	s12 =	simm.s32 $0xE500;
	s30 =	sadd.s32 $0x10, s30;
	s4 =	spop (v2sf)  }
0x28d: {  	[tilespmem:s12], [sflag:$0xF] =	stream.strided.gather [hbm4b:s4+s11], $0x1000, s17, s11, $0x38;
	[tilespmem:$0x18800] =	vst v63  }
0x28e: {  	s5 =	sadd.s32 $0x10, s5;
	s31 =	simm.s32 $0xF500;
	s29 =	spop (v2sf)  }
0x28f: {  	[tilespmem:s31], [sflag:$0x10] =	stream.strided.gather [hbm4b:s29+s11], $0x1000, s17, s11, $0x38;
	[tilespmem:$0x18800] =	vst v63  }
.LBB2_7:
0x290: {  	s4 =	simm.s32 $0x0  }
0x291: {  	s3 =	sand.u32 $0x70, s4;
	s5 =	sand.u32 $0xC00, s4  }
0x292: {  	s3 =	sor.u32 s3, s5  }
0x293: {  	v5 =	vld [tilespmem:s3+$0x14500]  }
0x294: {  	v6 =	vld [tilespmem:s3+$0x10500]  }
0x295: {  	v7 =	vld [tilespmem:s3+$0x10580]  }
0x296: {  	s12 =	sand.u32 $0xFFFFFC00, s4;
	v8 =	vld [tilespmem:s3+$0x14580]  }
0x297: {  	s5 =	sadd.s32 $0x0, s12;
	v9 =	vld [tilespmem:s3+$0x10600]  }
0x298: {  	v10 =	vld [tilespmem:s3+$0x14600];
	s12 =	sor.u32 $0x180, s5  }
0x299: {  	v4 =	vbroadcast v36, $0x0;
	v11 =	vld [tilespmem:s12+$0x14500];
	v5 =	vmul.f32 v5, v6  }
0x29a: {  	v1 =	vbroadcast v36, $0x1;
	v6 =	vld [tilespmem:s12+$0x10500]  }
0x29b: {  	v12 =	vld [tilespmem:s3+$0x14700];
	v7 =	vmul.f32 v8, v7;
	v5 =	vmul.f32 v5, v4  }
0x29c: {  	v0 =	vbroadcast v36, $0x2;
	v8 =	vld [tilespmem:s3+$0x10700]  }
0x29d: {  	v13 =	vld [tilespmem:s3+$0x14780];
	v9 =	vmul.f32 v10, v9;
	v7 =	vmul.f32 v7, v1;
	v5 =	vadd.f32 v5, v34  }
0x29e: {  	v63 =	vbroadcast v36, $0x3;
	v10 =	vld [tilespmem:s3+$0x10780]  }
0x29f: {  	s4 =	sor.u32 s4, s4;
	v6 =	vmul.f32 v11, v6;
	v11 =	vld [tilespmem:s3+$0x14800];
	v5 =	vadd.f32 v7, v5;
	v7 =	vmul.f32 v9, v0  }
0x2a0: {  	v62 =	vbroadcast v36, $0x4;
	s2 =	sor.u32 $0x380, s4;
	v9 =	vld [tilespmem:s3+$0x10800]  }
0x2a1: {  	v6 =	vmul.f32 v6, v63;
	v5 =	vadd.f32 v7, v5;
	v7 =	vmul.f32 v12, v8;
	v8 =	vld [tilespmem:s2+$0x10500]  }
0x2a2: {  	v61 =	vbroadcast v36, $0x5;
	v12 =	vld [tilespmem:s2+$0x14500]  }
0x2a3: {  	v5 =	vadd.f32 v6, v5;
	v6 =	vmul.f32 v7, v62;
	v7 =	vmul.f32 v13, v10;
	v10 =	vld [tilespmem:s3+$0x11500]  }
0x2a4: {  	v60 =	vbroadcast v36, $0x6;
	v13 =	vld [tilespmem:s3+$0x15500]  }
0x2a5: {  	v5 =	vadd.f32 v6, v5;
	v6 =	vmul.f32 v7, v61;
	v7 =	vmul.f32 v11, v9;
	v9 =	vld [tilespmem:s3+$0x11580]  }
0x2a6: {  	v59 =	vbroadcast v36, $0x7;
	v11 =	vld [tilespmem:s3+$0x15580]  }
0x2a7: {  	v5 =	vadd.f32 v6, v5;
	v6 =	vmul.f32 v7, v60;
	v7 =	vmul.f32 v12, v8;
	v8 =	vld [tilespmem:s3+$0x11600]  }
0x2a8: {  	v58 =	vbroadcast v36, $0x8;
	s2 =	sor.u32 $0x1180, s5;
	v12 =	vld [tilespmem:s3+$0x15600]  }
0x2a9: {  	v5 =	vadd.f32 v6, v5;
	v6 =	vmul.f32 v7, v59;
	v7 =	vmul.f32 v13, v10;
	v10 =	vld [tilespmem:s2+$0x10500]  }
0x2aa: {  	v57 =	vbroadcast v36, $0x9;
	v13 =	vld [tilespmem:s2+$0x14500]  }
0x2ab: {  	v5 =	vadd.f32 v6, v5;
	v6 =	vmul.f32 v7, v58;
	v7 =	vmul.f32 v11, v9;
	v9 =	vld [tilespmem:s3+$0x11700]  }
0x2ac: {  	v56 =	vbroadcast v36, $0xA;
	v11 =	vld [tilespmem:s3+$0x15700]  }
0x2ad: {  	v5 =	vadd.f32 v6, v5;
	v6 =	vmul.f32 v7, v57;
	v7 =	vmul.f32 v12, v8;
	v8 =	vld [tilespmem:s3+$0x11780]  }
0x2ae: {  	v55 =	vbroadcast v36, $0xB;
	v12 =	vld [tilespmem:s3+$0x15780]  }
0x2af: {  	v5 =	vadd.f32 v6, v5;
	v6 =	vmul.f32 v7, v56;
	v7 =	vmul.f32 v13, v10;
	v10 =	vld [tilespmem:s3+$0x11800]  }
0x2b0: {  	v54 =	vbroadcast v36, $0xC;
	s2 =	sor.u32 $0x1380, s4;
	v13 =	vld [tilespmem:s3+$0x15800]  }
0x2b1: {  	v5 =	vadd.f32 v6, v5;
	v6 =	vmul.f32 v7, v55;
	v7 =	vmul.f32 v11, v9;
	v9 =	vld [tilespmem:s2+$0x10500]  }
0x2b2: {  	v53 =	vbroadcast v36, $0xD;
	v11 =	vld [tilespmem:s2+$0x14500]  }
0x2b3: {  	v5 =	vadd.f32 v6, v5;
	v6 =	vmul.f32 v7, v54;
	v7 =	vmul.f32 v12, v8;
	v8 =	vld [tilespmem:s3+$0x12500]  }
0x2b4: {  	v52 =	vbroadcast v36, $0xE;
	v12 =	vld [tilespmem:s3+$0x16500]  }
0x2b5: {  	v5 =	vadd.f32 v6, v5;
	v6 =	vmul.f32 v7, v53;
	v7 =	vmul.f32 v13, v10;
	v10 =	vld [tilespmem:s3+$0x12580]  }
0x2b6: {  	v51 =	vbroadcast v36, $0xF;
	v13 =	vld [tilespmem:s3+$0x16580]  }
0x2b7: {  	v5 =	vadd.f32 v6, v5;
	v6 =	vmul.f32 v7, v52;
	v7 =	vmul.f32 v11, v9;
	v9 =	vld [tilespmem:s3+$0x12600]  }
0x2b8: {  	v50 =	vbroadcast v35, $0x0;
	s2 =	sor.u32 $0x2180, s5;
	v11 =	vld [tilespmem:s3+$0x16600]  }
0x2b9: {  	v5 =	vadd.f32 v6, v5;
	v6 =	vmul.f32 v7, v51;
	v7 =	vmul.f32 v12, v8;
	v8 =	vld [tilespmem:s2+$0x10500]  }
0x2ba: {  	v49 =	vbroadcast v35, $0x1;
	v12 =	vld [tilespmem:s2+$0x14500]  }
0x2bb: {  	v5 =	vadd.f32 v6, v5;
	v6 =	vmul.f32 v7, v50;
	v7 =	vmul.f32 v13, v10;
	v10 =	vld [tilespmem:s3+$0x12700]  }
0x2bc: {  	v48 =	vbroadcast v35, $0x2;
	v13 =	vld [tilespmem:s3+$0x16700]  }
0x2bd: {  	v5 =	vadd.f32 v6, v5;
	v6 =	vmul.f32 v7, v49;
	v7 =	vmul.f32 v11, v9;
	v9 =	vld [tilespmem:s3+$0x12780]  }
0x2be: {  	v47 =	vbroadcast v35, $0x3;
	v11 =	vld [tilespmem:s3+$0x16780]  }
0x2bf: {  	v5 =	vadd.f32 v6, v5;
	v6 =	vmul.f32 v7, v48;
	v7 =	vmul.f32 v12, v8;
	v8 =	vld [tilespmem:s3+$0x12800]  }
0x2c0: {  	v46 =	vbroadcast v35, $0x4;
	s2 =	sor.u32 $0x2380, s4;
	v12 =	vld [tilespmem:s3+$0x16800]  }
0x2c1: {  	v5 =	vadd.f32 v6, v5;
	v6 =	vmul.f32 v7, v47;
	v7 =	vmul.f32 v13, v10;
	v10 =	vld [tilespmem:s2+$0x10500]  }
0x2c2: {  	v45 =	vbroadcast v35, $0x5;
	v13 =	vld [tilespmem:s2+$0x14500]  }
0x2c3: {  	v5 =	vadd.f32 v6, v5;
	v6 =	vmul.f32 v7, v46;
	v7 =	vmul.f32 v11, v9;
	v9 =	vld [tilespmem:s3+$0x13500]  }
0x2c4: {  	v44 =	vbroadcast v35, $0x6;
	v11 =	vld [tilespmem:s3+$0x17500]  }
0x2c5: {  	v5 =	vadd.f32 v6, v5;
	v6 =	vmul.f32 v7, v45;
	v7 =	vmul.f32 v12, v8;
	v8 =	vld [tilespmem:s3+$0x13580]  }
0x2c6: {  	v43 =	vbroadcast v35, $0x7;
	v12 =	vld [tilespmem:s3+$0x17580]  }
0x2c7: {  	v5 =	vadd.f32 v6, v5;
	v6 =	vmul.f32 v7, v44;
	v7 =	vmul.f32 v13, v10;
	v10 =	vld [tilespmem:s3+$0x13600]  }
0x2c8: {  	v42 =	vbroadcast v35, $0x8;
	s5 =	sor.u32 $0x3180, s5;
	v13 =	vld [tilespmem:s3+$0x17600]  }
0x2c9: {  	v5 =	vadd.f32 v6, v5;
	v6 =	vmul.f32 v7, v43;
	v7 =	vmul.f32 v11, v9;
	v9 =	vld [tilespmem:s5+$0x10500]  }
0x2ca: {  	v41 =	vbroadcast v35, $0x9;
	v11 =	vld [tilespmem:s5+$0x14500]  }
0x2cb: {  	v5 =	vadd.f32 v6, v5;
	v6 =	vmul.f32 v7, v42;
	v7 =	vmul.f32 v12, v8;
	v8 =	vld [tilespmem:s3+$0x13700]  }
0x2cc: {  	v40 =	vbroadcast v35, $0xA;
	v12 =	vld [tilespmem:s3+$0x17700]  }
0x2cd: {  	v5 =	vadd.f32 v6, v5;
	v6 =	vmul.f32 v7, v41;
	v7 =	vmul.f32 v13, v10;
	v10 =	vld [tilespmem:s3+$0x13780]  }
0x2ce: {  	v39 =	vbroadcast v35, $0xB;
	v13 =	vld [tilespmem:s3+$0x17780]  }
0x2cf: {  	v5 =	vadd.f32 v6, v5;
	v6 =	vmul.f32 v7, v40;
	v7 =	vmul.f32 v11, v9;
	v9 =	vld [tilespmem:s3+$0x13800]  }
0x2d0: {  	v38 =	vbroadcast v35, $0xC;
	s2 =	sor.u32 $0x3380, s4;
	v11 =	vld [tilespmem:s3+$0x17800]  }
0x2d1: {  	v5 =	vadd.f32 v6, v5;
	v6 =	vmul.f32 v7, v39;
	v7 =	vmul.f32 v12, v8;
	v8 =	vld [tilespmem:s2+$0x10500]  }
0x2d2: {  	v37 =	vbroadcast v35, $0xD;
	v12 =	vld [tilespmem:s2+$0x14500]  }
0x2d3: {  	v5 =	vadd.f32 v6, v5;
	v6 =	vmul.f32 v7, v38;
	v7 =	vmul.f32 v13, v10  }
0x2d4: {  	v36 =	vbroadcast v35, $0xE  }
0x2d5: {  	v5 =	vadd.f32 v6, v5;
	v6 =	vmul.f32 v7, v37;
	v7 =	vmul.f32 v11, v9  }
0x2d6: {  	v35 =	vbroadcast v35, $0xF  }
0x2d7: {  	v5 =	vadd.f32 v6, v5;
	v6 =	vmul.f32 v7, v36;
	v7 =	vmul.f32 v12, v8;
	_ =	sdelay $0x1  }
0x2d8: {  	v5 =	vadd.f32 v6, v5;
	v6 =	vmul.f32 v7, v35;
	_ =	sdelay $0x1  }
0x2d9: {  	s29 =	simm.s32 $0x10;
	s12 =	simm.s32 $0x80;
	v5 =	vadd.f32 v6, v5  }
0x2da: {  	s30 =	simm.s32 $0x18600;
	s4 =	sand.u32 $0x70, s29;
	s5 =	sand.u32 $0xC00, s12  }
0x2db: {  	s31 =	simm.s32 $0x20;
	s5 =	sor.u32 s4, s5;
	[tilespmem:s30+$0x0] =	vst v5  }
.LBB2_8:
0x2dc: {  	p0 =	sne.s32 s31, $0x1F0;
	v5 =	vld [tilespmem:s5+$0x14500]  }
0x2dd: {  	v6 =	vld [tilespmem:s5+$0x10500]  }
0x2de: {  	v7 =	vld [tilespmem:s5+$0x10580]  }
0x2df: {  	s3 =	sand.u32 $0xFFFFFC00, s12;
	v8 =	vld [tilespmem:s5+$0x14580]  }
0x2e0: {  	s3 =	sadd.s32 s3, s29;
	v9 =	vld [tilespmem:s5+$0x10600]  }
0x2e1: {  	s4 =	sor.u32 $0x180, s3;
	v10 =	vld [tilespmem:s5+$0x14600]  }
0x2e2: {  	v5 =	vmul.f32 v5, v6;
	v6 =	vld [tilespmem:s4+$0x10500]  }
0x2e3: {  	v11 =	vld [tilespmem:s4+$0x14500]  }
0x2e4: {  	v5 =	vmul.f32 v5, v4;
	v7 =	vmul.f32 v8, v7;
	v8 =	vld [tilespmem:s5+$0x10700]  }
0x2e5: {  	v12 =	vld [tilespmem:s5+$0x14700]  }
0x2e6: {  	v5 =	vadd.f32 v5, v34;
	v7 =	vmul.f32 v7, v1;
	v9 =	vmul.f32 v10, v9;
	v10 =	vld [tilespmem:s5+$0x10780]  }
0x2e7: {  	v13 =	vld [tilespmem:s5+$0x14780]  }
0x2e8: {  	s4 =	sor.u32 s29, s12;
	s29 =	smov.u32 s31;
	v5 =	vadd.f32 v7, v5;
	v7 =	vmul.f32 v9, v0;
	v6 =	vmul.f32 v11, v6;
	v9 =	vld [tilespmem:s5+$0x10800]  }
0x2e9: {  	s2 =	sor.u32 $0x380, s4;
	v11 =	vld [tilespmem:s5+$0x14800]  }
0x2ea: {  	v5 =	vadd.f32 v7, v5;
	v6 =	vmul.f32 v6, v63;
	v7 =	vmul.f32 v12, v8;
	v8 =	vld [tilespmem:s2+$0x10500]  }
0x2eb: {  	v12 =	vld [tilespmem:s2+$0x14500]  }
0x2ec: {  	v5 =	vadd.f32 v6, v5;
	v6 =	vmul.f32 v7, v62;
	v7 =	vmul.f32 v13, v10;
	v10 =	vld [tilespmem:s5+$0x11500]  }
0x2ed: {  	v13 =	vld [tilespmem:s5+$0x15500]  }
0x2ee: {  	v5 =	vadd.f32 v6, v5;
	v6 =	vmul.f32 v7, v61;
	v7 =	vmul.f32 v11, v9;
	v9 =	vld [tilespmem:s5+$0x11580]  }
0x2ef: {  	v11 =	vld [tilespmem:s5+$0x15580]  }
0x2f0: {  	v5 =	vadd.f32 v6, v5;
	v6 =	vmul.f32 v7, v60;
	v7 =	vmul.f32 v12, v8;
	v8 =	vld [tilespmem:s5+$0x11600]  }
0x2f1: {  	s2 =	sor.u32 $0x1180, s3;
	v12 =	vld [tilespmem:s5+$0x15600]  }
0x2f2: {  	v5 =	vadd.f32 v6, v5;
	v6 =	vmul.f32 v7, v59;
	v7 =	vmul.f32 v13, v10;
	v10 =	vld [tilespmem:s2+$0x10500]  }
0x2f3: {  	v13 =	vld [tilespmem:s2+$0x14500]  }
0x2f4: {  	v5 =	vadd.f32 v6, v5;
	v6 =	vmul.f32 v7, v58;
	v7 =	vmul.f32 v11, v9;
	v9 =	vld [tilespmem:s5+$0x11700]  }
0x2f5: {  	v11 =	vld [tilespmem:s5+$0x15700]  }
0x2f6: {  	v5 =	vadd.f32 v6, v5;
	v6 =	vmul.f32 v7, v57;
	v7 =	vmul.f32 v12, v8;
	v8 =	vld [tilespmem:s5+$0x11780]  }
0x2f7: {  	v12 =	vld [tilespmem:s5+$0x15780]  }
0x2f8: {  	v5 =	vadd.f32 v6, v5;
	v6 =	vmul.f32 v7, v56;
	v7 =	vmul.f32 v13, v10;
	v10 =	vld [tilespmem:s5+$0x11800]  }
0x2f9: {  	s2 =	sor.u32 $0x1380, s4;
	v13 =	vld [tilespmem:s5+$0x15800]  }
0x2fa: {  	v5 =	vadd.f32 v6, v5;
	v6 =	vmul.f32 v7, v55;
	v7 =	vmul.f32 v11, v9;
	v9 =	vld [tilespmem:s2+$0x10500]  }
0x2fb: {  	v11 =	vld [tilespmem:s2+$0x14500]  }
0x2fc: {  	v5 =	vadd.f32 v6, v5;
	v6 =	vmul.f32 v7, v54;
	v7 =	vmul.f32 v12, v8;
	v8 =	vld [tilespmem:s5+$0x12500]  }
0x2fd: {  	v12 =	vld [tilespmem:s5+$0x16500]  }
0x2fe: {  	v5 =	vadd.f32 v6, v5;
	v6 =	vmul.f32 v7, v53;
	v7 =	vmul.f32 v13, v10;
	v10 =	vld [tilespmem:s5+$0x12580]  }
0x2ff: {  	v13 =	vld [tilespmem:s5+$0x16580]  }
0x300: {  	v5 =	vadd.f32 v6, v5;
	v6 =	vmul.f32 v7, v52;
	v7 =	vmul.f32 v11, v9;
	v9 =	vld [tilespmem:s5+$0x12600]  }
0x301: {  	s2 =	sor.u32 $0x2180, s3;
	v11 =	vld [tilespmem:s5+$0x16600]  }
0x302: {  	v5 =	vadd.f32 v6, v5;
	v6 =	vmul.f32 v7, v51;
	v7 =	vmul.f32 v12, v8;
	v8 =	vld [tilespmem:s2+$0x10500]  }
0x303: {  	v12 =	vld [tilespmem:s2+$0x14500]  }
0x304: {  	v5 =	vadd.f32 v6, v5;
	v6 =	vmul.f32 v7, v50;
	v7 =	vmul.f32 v13, v10;
	v10 =	vld [tilespmem:s5+$0x12700]  }
0x305: {  	v13 =	vld [tilespmem:s5+$0x16700]  }
0x306: {  	v5 =	vadd.f32 v6, v5;
	v6 =	vmul.f32 v7, v49;
	v7 =	vmul.f32 v11, v9;
	v9 =	vld [tilespmem:s5+$0x12780]  }
0x307: {  	v11 =	vld [tilespmem:s5+$0x16780]  }
0x308: {  	v5 =	vadd.f32 v6, v5;
	v6 =	vmul.f32 v7, v48;
	v7 =	vmul.f32 v12, v8;
	v8 =	vld [tilespmem:s5+$0x12800]  }
0x309: {  	s2 =	sor.u32 $0x2380, s4;
	v12 =	vld [tilespmem:s5+$0x16800]  }
0x30a: {  	v5 =	vadd.f32 v6, v5;
	v6 =	vmul.f32 v7, v47;
	v7 =	vmul.f32 v13, v10;
	v10 =	vld [tilespmem:s2+$0x10500]  }
0x30b: {  	v13 =	vld [tilespmem:s2+$0x14500]  }
0x30c: {  	v5 =	vadd.f32 v6, v5;
	v6 =	vmul.f32 v7, v46;
	v7 =	vmul.f32 v11, v9;
	v9 =	vld [tilespmem:s5+$0x13500]  }
0x30d: {  	v11 =	vld [tilespmem:s5+$0x17500]  }
0x30e: {  	v5 =	vadd.f32 v6, v5;
	v6 =	vmul.f32 v7, v45;
	v7 =	vmul.f32 v12, v8;
	v8 =	vld [tilespmem:s5+$0x13580]  }
0x30f: {  	v12 =	vld [tilespmem:s5+$0x17580]  }
0x310: {  	v5 =	vadd.f32 v6, v5;
	v6 =	vmul.f32 v7, v44;
	v7 =	vmul.f32 v13, v10;
	v10 =	vld [tilespmem:s5+$0x13600]  }
0x311: {  	s2 =	sor.u32 $0x3180, s3;
	v13 =	vld [tilespmem:s5+$0x17600]  }
0x312: {  	v5 =	vadd.f32 v6, v5;
	v6 =	vmul.f32 v7, v43;
	v7 =	vmul.f32 v11, v9;
	v9 =	vld [tilespmem:s2+$0x10500]  }
0x313: {  	v11 =	vld [tilespmem:s2+$0x14500]  }
0x314: {  	v5 =	vadd.f32 v6, v5;
	v6 =	vmul.f32 v7, v42;
	v7 =	vmul.f32 v12, v8;
	v8 =	vld [tilespmem:s5+$0x13700]  }
0x315: {  	v12 =	vld [tilespmem:s5+$0x17700]  }
0x316: {  	v5 =	vadd.f32 v6, v5;
	v6 =	vmul.f32 v7, v41;
	v7 =	vmul.f32 v13, v10;
	v10 =	vld [tilespmem:s5+$0x13780]  }
0x317: {  	v13 =	vld [tilespmem:s5+$0x17780]  }
0x318: {  	v5 =	vadd.f32 v6, v5;
	v6 =	vmul.f32 v7, v40;
	v7 =	vmul.f32 v11, v9;
	v9 =	vld [tilespmem:s5+$0x13800]  }
0x319: {  	s2 =	sor.u32 $0x3380, s4;
	v11 =	vld [tilespmem:s5+$0x17800]  }
0x31a: {  	v5 =	vadd.f32 v6, v5;
	v6 =	vmul.f32 v7, v39;
	v7 =	vmul.f32 v12, v8;
	v8 =	vld [tilespmem:s2+$0x10500]  }
0x31b: {  	v12 =	vld [tilespmem:s2+$0x14500]  }
0x31c: {  	v5 =	vadd.f32 v6, v5;
	v6 =	vmul.f32 v7, v38;
	v7 =	vmul.f32 v13, v10;
	_ =	sdelay $0x1  }
0x31d: {  	v5 =	vadd.f32 v6, v5;
	v6 =	vmul.f32 v7, v37;
	v7 =	vmul.f32 v11, v9;
	_ =	sdelay $0x1  }
0x31e: {  	v5 =	vadd.f32 v6, v5;
	v6 =	vmul.f32 v7, v36;
	v7 =	vmul.f32 v12, v8;
	_ =	sdelay $0x1  }
.Ltmp4:
0x31f: {  	v5 =	vadd.f32 v6, v5;
	v6 =	vmul.f32 v7, v35;
	(pc) =	sbr.rel @p0 .LBB2_8-.Ltmp4, $4  }
0x320: {  	_ = 	snop  }
0x321: {  	s12 =	sadd.s32 $0x80, s12;
	v5 =	vadd.f32 v6, v5  }
0x322: {  	s30 =	sadd.s32 $0x10, s30;
	s3 =	sand.u32 $0xC00, s12;
	s2 =	sand.u32 $0x70, s31  }
0x323: {  	s31 =	sadd.s32 $0x10, s31;
	s5 =	sor.u32 s2, s3;
	[tilespmem:s30+$0x0] =	vst v5  }
0x324: {  	v5 =	vld [tilespmem:s5+$0x14500]  }
0x325: {  	v6 =	vld [tilespmem:s5+$0x10500]  }
0x326: {  	v7 =	vld [tilespmem:s5+$0x10580]  }
0x327: {  	s2 =	sand.u32 $0xFFFFFC00, s12;
	v8 =	vld [tilespmem:s5+$0x14580]  }
0x328: {  	v9 =	vld [tilespmem:s5+$0x10600];
	s4 =	sadd.s32 s2, s29  }
0x329: {  	v10 =	vld [tilespmem:s5+$0x14600];
	s2 =	sor.u32 $0x180, s4  }
0x32a: {  	v11 =	vld [tilespmem:s2+$0x14500];
	v5 =	vmul.f32 v5, v6  }
0x32b: {  	v6 =	vld [tilespmem:s2+$0x10500]  }
0x32c: {  	v4 =	vmul.f32 v5, v4;
	v5 =	vmul.f32 v8, v7;
	v7 =	vld [tilespmem:s5+$0x10700]  }
0x32d: {  	v8 =	vld [tilespmem:s5+$0x14700]  }
0x32e: {  	v4 =	vadd.f32 v4, v34;
	v1 =	vmul.f32 v5, v1;
	v5 =	vmul.f32 v10, v9;
	v9 =	vld [tilespmem:s5+$0x10780]  }
0x32f: {  	v10 =	vld [tilespmem:s5+$0x14780]  }
0x330: {  	s3 =	sor.u32 s29, s12;
	v1 =	vadd.f32 v1, v4;
	v0 =	vmul.f32 v5, v0;
	v4 =	vmul.f32 v11, v6;
	v5 =	vld [tilespmem:s5+$0x10800]  }
0x331: {  	s29 =	sor.u32 $0x380, s3;
	v6 =	vld [tilespmem:s5+$0x14800]  }
0x332: {  	v0 =	vadd.f32 v0, v1;
	v1 =	vmul.f32 v4, v63;
	v4 =	vmul.f32 v8, v7;
	v7 =	vld [tilespmem:s29+$0x10500]  }
0x333: {  	v8 =	vld [tilespmem:s29+$0x14500]  }
0x334: {  	v0 =	vadd.f32 v1, v0;
	v1 =	vmul.f32 v4, v62;
	v4 =	vmul.f32 v10, v9;
	v9 =	vld [tilespmem:s5+$0x11500]  }
0x335: {  	v10 =	vld [tilespmem:s5+$0x15500]  }
0x336: {  	v0 =	vadd.f32 v1, v0;
	v1 =	vmul.f32 v4, v61;
	v4 =	vmul.f32 v6, v5;
	v5 =	vld [tilespmem:s5+$0x11580]  }
0x337: {  	v6 =	vld [tilespmem:s5+$0x15580]  }
0x338: {  	v0 =	vadd.f32 v1, v0;
	v1 =	vmul.f32 v4, v60;
	v4 =	vmul.f32 v8, v7;
	v7 =	vld [tilespmem:s5+$0x11600]  }
0x339: {  	s12 =	sor.u32 $0x1180, s4;
	v8 =	vld [tilespmem:s5+$0x15600]  }
0x33a: {  	v0 =	vadd.f32 v1, v0;
	v1 =	vmul.f32 v4, v59;
	v4 =	vmul.f32 v10, v9;
	v9 =	vld [tilespmem:s12+$0x10500]  }
0x33b: {  	v10 =	vld [tilespmem:s12+$0x14500]  }
0x33c: {  	v0 =	vadd.f32 v1, v0;
	v1 =	vmul.f32 v4, v58;
	v4 =	vmul.f32 v6, v5;
	v5 =	vld [tilespmem:s5+$0x11700]  }
0x33d: {  	v6 =	vld [tilespmem:s5+$0x15700]  }
0x33e: {  	v0 =	vadd.f32 v1, v0;
	v1 =	vmul.f32 v4, v57;
	v4 =	vmul.f32 v8, v7;
	v7 =	vld [tilespmem:s5+$0x11780]  }
0x33f: {  	v8 =	vld [tilespmem:s5+$0x15780]  }
0x340: {  	v0 =	vadd.f32 v1, v0;
	v1 =	vmul.f32 v4, v56;
	v4 =	vmul.f32 v10, v9;
	v9 =	vld [tilespmem:s5+$0x11800]  }
0x341: {  	s29 =	sor.u32 $0x1380, s3;
	v10 =	vld [tilespmem:s5+$0x15800]  }
0x342: {  	v0 =	vadd.f32 v1, v0;
	v1 =	vmul.f32 v4, v55;
	v4 =	vmul.f32 v6, v5;
	v5 =	vld [tilespmem:s29+$0x10500]  }
0x343: {  	v6 =	vld [tilespmem:s29+$0x14500]  }
0x344: {  	v0 =	vadd.f32 v1, v0;
	v1 =	vmul.f32 v4, v54;
	v4 =	vmul.f32 v8, v7;
	v7 =	vld [tilespmem:s5+$0x12500]  }
0x345: {  	v8 =	vld [tilespmem:s5+$0x16500]  }
0x346: {  	v0 =	vadd.f32 v1, v0;
	v1 =	vmul.f32 v4, v53;
	v4 =	vmul.f32 v10, v9;
	v9 =	vld [tilespmem:s5+$0x12580]  }
0x347: {  	v10 =	vld [tilespmem:s5+$0x16580]  }
0x348: {  	v0 =	vadd.f32 v1, v0;
	v1 =	vmul.f32 v4, v52;
	v4 =	vmul.f32 v6, v5;
	v5 =	vld [tilespmem:s5+$0x12600]  }
0x349: {  	s12 =	sor.u32 $0x2180, s4;
	v6 =	vld [tilespmem:s5+$0x16600]  }
0x34a: {  	v0 =	vadd.f32 v1, v0;
	v1 =	vmul.f32 v4, v51;
	v4 =	vmul.f32 v8, v7;
	v7 =	vld [tilespmem:s12+$0x10500]  }
0x34b: {  	v8 =	vld [tilespmem:s12+$0x14500]  }
0x34c: {  	v0 =	vadd.f32 v1, v0;
	v1 =	vmul.f32 v4, v50;
	v4 =	vmul.f32 v10, v9;
	v9 =	vld [tilespmem:s5+$0x12700]  }
0x34d: {  	v10 =	vld [tilespmem:s5+$0x16700]  }
0x34e: {  	v0 =	vadd.f32 v1, v0;
	v1 =	vmul.f32 v4, v49;
	v4 =	vmul.f32 v6, v5;
	v5 =	vld [tilespmem:s5+$0x12780]  }
0x34f: {  	v6 =	vld [tilespmem:s5+$0x16780]  }
0x350: {  	v0 =	vadd.f32 v1, v0;
	v1 =	vmul.f32 v4, v48;
	v4 =	vmul.f32 v8, v7;
	v7 =	vld [tilespmem:s5+$0x12800]  }
0x351: {  	s29 =	sor.u32 $0x2380, s3;
	v8 =	vld [tilespmem:s5+$0x16800]  }
0x352: {  	v0 =	vadd.f32 v1, v0;
	v1 =	vmul.f32 v4, v47;
	v4 =	vmul.f32 v10, v9;
	v9 =	vld [tilespmem:s29+$0x10500]  }
0x353: {  	v10 =	vld [tilespmem:s29+$0x14500]  }
0x354: {  	v0 =	vadd.f32 v1, v0;
	v1 =	vmul.f32 v4, v46;
	v4 =	vmul.f32 v6, v5;
	v5 =	vld [tilespmem:s5+$0x13500]  }
0x355: {  	v6 =	vld [tilespmem:s5+$0x17500]  }
0x356: {  	v0 =	vadd.f32 v1, v0;
	v1 =	vmul.f32 v4, v45;
	v4 =	vmul.f32 v8, v7;
	v7 =	vld [tilespmem:s5+$0x13580]  }
0x357: {  	v8 =	vld [tilespmem:s5+$0x17580]  }
0x358: {  	v0 =	vadd.f32 v1, v0;
	v1 =	vmul.f32 v4, v44;
	v4 =	vmul.f32 v10, v9;
	v9 =	vld [tilespmem:s5+$0x13600]  }
0x359: {  	s12 =	sor.u32 $0x3180, s4;
	v10 =	vld [tilespmem:s5+$0x17600]  }
0x35a: {  	v0 =	vadd.f32 v1, v0;
	v1 =	vmul.f32 v4, v43;
	v4 =	vmul.f32 v6, v5;
	v5 =	vld [tilespmem:s12+$0x10500]  }
0x35b: {  	v6 =	vld [tilespmem:s12+$0x14500]  }
0x35c: {  	v0 =	vadd.f32 v1, v0;
	v1 =	vmul.f32 v4, v42;
	v4 =	vmul.f32 v8, v7;
	v7 =	vld [tilespmem:s5+$0x13700]  }
0x35d: {  	v8 =	vld [tilespmem:s5+$0x17700]  }
0x35e: {  	v0 =	vadd.f32 v1, v0;
	v1 =	vmul.f32 v4, v41;
	v4 =	vmul.f32 v10, v9;
	v9 =	vld [tilespmem:s5+$0x13780]  }
0x35f: {  	v10 =	vld [tilespmem:s5+$0x17780]  }
0x360: {  	v0 =	vadd.f32 v1, v0;
	v1 =	vmul.f32 v4, v40;
	v4 =	vmul.f32 v6, v5;
	v5 =	vld [tilespmem:s5+$0x13800]  }
0x361: {  	s29 =	sor.u32 $0x3380, s3;
	v6 =	vld [tilespmem:s5+$0x17800]  }
0x362: {  	v0 =	vadd.f32 v1, v0;
	v1 =	vmul.f32 v4, v39;
	v4 =	vmul.f32 v8, v7;
	v7 =	vld [tilespmem:s29+$0x10500]  }
0x363: {  	v8 =	vld [tilespmem:s29+$0x14500]  }
0x364: {  	v0 =	vadd.f32 v1, v0;
	v1 =	vmul.f32 v4, v38;
	v4 =	vmul.f32 v10, v9;
	_ =	sdelay $0x1  }
0x365: {  	v0 =	vadd.f32 v1, v0;
	v1 =	vmul.f32 v4, v37;
	v4 =	vmul.f32 v6, v5;
	_ =	sdelay $0x1  }
0x366: {  	v0 =	vadd.f32 v1, v0;
	v1 =	vmul.f32 v4, v36;
	v4 =	vmul.f32 v8, v7;
	_ =	sdelay $0x1  }
0x367: {  	v0 =	vadd.f32 v1, v0;
	v1 =	vmul.f32 v4, v35;
	_ =	sdelay $0x1  }
0x368: {  	v0 =	vadd.f32 v1, v0  }
0x369: {  	s4 =	rddreg [dreg:$0x9];
	s3 =	sadd.s32 $0x10, s30  }
0x36a: {  	s12 =	simm.s32 $0x0;
	s5 =	simm.s32 $0x18600;
	[tilespmem:s3+$0x0] =	vst v0;
	s3 =	simm.s32 $0x11  }
0x36b: {  	[hbm4b:s4+s12] =	stream.linear.scatter [tilespmem:s5], [sflag:$0x11], $0x200, $0x38;
	[tilespmem:$0x18800] =	vst v63  }
0x36c: {  	_ =	swait.ge [sflag:s3], $0x200  }
0x36d: {  	v5 =	vld [tilespmem:$0x1FF40]  }
0x36e: {  	v6 =	vld [tilespmem:$0x1FF50]  }
0x36f: {  	v7 =	vld [tilespmem:$0x1FF60]  }
0x370: {  	v8 =	vld [tilespmem:$0x1FF70]  }
0x371: {  	s29 =	rddreg [dreg:$0xb];
	v9 =	vld [tilespmem:$0x1FF80]  }
0x372: {  	s30 =	rddreg [dreg:$0xa];
	v10 =	vld [tilespmem:$0x1FF90];
	s4 =	sadd.s32 $0x1, s29  }
0x373: {  	v11 =	vld [tilespmem:$0x1FFA0];
	p0 =	sne.s32 s4, s30  }
.Ltmp5:
0x374: {  	v12 =	vld [tilespmem:$0x1FFB0];
	(pc) =	sbr.rel @p0 .LBB2_1-.Ltmp5, $4  }
0x375: {  	v13 =	vld [tilespmem:$0x1FFC0]  }
0x376: {  	v43 =	vld [tilespmem:$0x1FFD0]  }
0x377: {  	[sflag:s3] =	ssyncset.done $0x0;
	v44 =	vld [tilespmem:$0x1FFE0]  }
0x378: {  	s31 =	simm.s32 $0x1500;
	v45 =	vld [tilespmem:$0x1FFF0];
	[sflag:s3] =	ssyncadd.s32 $0xFFFFFE00  }
0x379: {  	_ =	sfence.sel $0x180000  }
0x37a: {  	[bflag:$0x0] =	sbarrier.arrive $0xFFFF  }
0x37b: {  	_ =	strace $0x90000047  }
0x37c: {  	s0 =	stileid.u32;
	[bflag:$0x2] =	sbarrier.arrive $0xFFFF  }
0x37d: {  	p0 =	sne.s32 s0, $0x0;
	s0 =	rddreg [dreg:$0x5]  }
0x37e: {  	s0 =	sadd.s32 @!p0 $0x100000, s0  }
0x37f: {  	[sflag:s0] =	ssyncadd.tile.s32 @!p0 $0x1;
	_ =	shalt  }
.Lfunc_end2:
_tile_overlayer_lowered:
.L_overlay_start_2:
0x380: {  	(tag) =	ssettag $0x2  }
0x381: {  	s0 =	rddreg [dreg:$0x0];
	s2 =	stileid.u32  }
0x382: {  	s1 =	rddreg [dreg:$0x1];
	p0 =	sne.s32 s2, $0x0  }
0x383: {  	s3 =	rddreg [dreg:$0x2];
	[bflag:$0x3] =	sbarrier.arrive $0xFFFF;
	s2 =	simm.s32 @!p0 $0x1C11  }
0x384: {  	[timem:s3], [sflag:s2] =	dma.local @!p0 [hbm:s0], s1  }
0x385: {  	s0 =	simm.s32 @!p0 $0x11  }
0x386: {  	_ =	swait.ge @!p0 [sflag:s0], s1  }
0x387: {  	s1 =	ssub.s32 @!p0 $0x0, s1;
	[sflag:s0] =	ssyncset.done @!p0 $0x0  }
0x388: {  	[sflag:s0] =	ssyncadd.s32 @!p0 s1  }
0x389: {  	[bflag:$0x3] =	sbarrier.arrive $0xFFFF  }
0x38a: {  	_ =	shalt  }

</sc_bundles>
